<compile_context>
chip_gen: v7x
topology: tpu7x:2x2x1
jax: 0.10.2.dev20260603
libtpu: 0.0.44.dev20260713+nightly
codegen_flags: <defaults>
</compile_context>

<pallas_src>
import functools

import jax
import jax.numpy as jnp
from jax import lax
from jax.experimental import pallas as pl
from jax.experimental.pallas import tpu as pltpu
from jax.experimental.pallas import tpu_sc as plsc

N_CORES = 2
N_SUBCORES = 16
LANES = 16
CHUNK = 128
PIPE = 3


@functools.lru_cache(maxsize=None)
def _make_spmm(n_pad, d_blk, e_pad):
    ept = e_pad // N_SUBCORES
    nch = ept // CHUNK
    rpt = n_pad // N_SUBCORES
    n_sub = d_blk // LANES

    mesh = plsc.VectorSubcoreMesh(
        core_axis_name="c", subcore_axis_name="s",
        num_cores=N_CORES, num_subcores=N_SUBCORES)

    NB = PIPE
    assert nch % NB == 0

    @functools.partial(
        pl.kernel,
        out_type=jax.ShapeDtypeStruct((N_CORES * n_pad, d_blk), jnp.float32),
        mesh=mesh,
        compiler_params=pltpu.CompilerParams(use_tc_tiling_on_sc=False),
        scratch_types=[
            pltpu.VMEM((ept,), jnp.int32),
            pltpu.VMEM((ept,), jnp.int32),
            pltpu.VMEM((ept,), jnp.float32),
            [pltpu.VMEM((CHUNK,), jnp.int32)] * NB,
            [pltpu.VMEM((CHUNK,), jnp.int32)] * NB,
            [pltpu.VMEM((CHUNK, d_blk), jnp.float32)] * NB,
            [pltpu.SemaphoreType.DMA] * NB,
            [pltpu.SemaphoreType.DMA] * NB,
            [pltpu.SemaphoreType.DMA] * 3,
            pltpu.VMEM_SHARED((n_pad, d_blk), jnp.float32),
        ],
    )
    def spmm(h, dstp, srcp, wp, out, dstv, srcv, wv,
             srcc, dstc, rowb, gsem, ssem, esem, hacc):
        c = lax.axis_index("c")
        s = lax.axis_index("s")
        t0 = s * ept

        pltpu.async_copy(dstp.at[pl.ds(t0, ept)], dstv, esem[0])
        pltpu.async_copy(srcp.at[pl.ds(t0, ept)], srcv, esem[1])
        pltpu.async_copy(wp.at[pl.ds(t0, ept)], wv, esem[2])

        zeros16 = jnp.zeros((LANES,), jnp.float32)

        def zrow(i, carry):
            for j in range(n_sub):
                rowb[0][i, pl.ds(j * LANES, LANES)] = zeros16
            return carry

        lax.fori_loop(0, CHUNK, zrow, 0)
        r0 = s * rpt
        full, rem = divmod(rpt, CHUNK)
        for q in range(full):
            pltpu.sync_copy(rowb[0], hacc.at[pl.ds(r0 + q * CHUNK, CHUNK)])
        if rem:
            pltpu.sync_copy(rowb[0].at[pl.ds(0, rem)],
                            hacc.at[pl.ds(r0 + full * CHUNK, rem)])
        pltpu.make_async_copy(dstp.at[pl.ds(t0, ept)], dstv, esem[0]).wait()
        pltpu.make_async_copy(srcp.at[pl.ds(t0, ept)], srcv, esem[1]).wait()
        pltpu.make_async_copy(wp.at[pl.ds(t0, ept)], wv, esem[2]).wait()
        plsc.subcore_barrier()

        cbase = c * n_pad

        def stage(loc, srcc, dstc):
            for j in range(CHUNK // LANES):
                sl = pl.ds(j * LANES, LANES)
                slv = pl.ds(loc + j * LANES, LANES)
                srcc[sl] = srcv[slv] + cbase
                dstc[sl] = dstv[slv]

        def mul(loc, rowb):
            def body(g, carry):
                gbase = g * LANES
                wvec = wv[pl.ds(loc + gbase, LANES)]
                for l in range(LANES):
                    wb = wvec[l]
                    for j in range(n_sub):
                        sl2 = pl.ds(j * LANES, LANES)
                        rowb[gbase + l, sl2] = rowb[gbase + l, sl2] * wb
                return carry

            lax.fori_loop(0, CHUNK // LANES, body, 0)

        for b in range(NB - 1):
            stage(b * CHUNK, srcc[b], dstc[b])
            pltpu.async_copy(h.at[srcc[b]], rowb[b], gsem[b])

        def outer(kq, carry):
            for b in range(NB):
                k = kq * NB + b
                bp = (b + NB - 1) % NB
                pltpu.make_async_copy(h.at[srcc[b]], rowb[b], gsem[b]).wait()
                mul(k * CHUNK, rowb[b])

                def refill():
                    stage((k + NB - 1) * CHUNK, srcc[bp], dstc[bp])
                    pltpu.async_copy(h.at[srcc[bp]], rowb[bp], gsem[bp])

                if b == 0:
                    @pl.when(kq > 0)
                    def _():
                        pltpu.make_async_copy(
                            rowb[bp], hacc.at[dstc[bp]], ssem[bp]).wait()

                    refill()
                else:
                    @pl.when(k + NB - 1 < nch)
                    def _():
                        pltpu.make_async_copy(
                            rowb[bp], hacc.at[dstc[bp]], ssem[bp]).wait()
                        refill()

                pltpu.async_copy(rowb[b], hacc.at[dstc[b]], ssem[b], add=True)
            return carry

        lax.fori_loop(0, nch // NB, outer, 0)
        for b in range(NB):
            pltpu.make_async_copy(rowb[b], hacc.at[dstc[b]], ssem[b]).wait()
        plsc.subcore_barrier()

        pltpu.sync_copy(hacc.at[pl.ds(r0, rpt)],
                        out.at[pl.ds(cbase + r0, rpt)])

    return spmm


def kernel(x, edge_index, edge_weight, n_layers):
    n, d = x.shape
    e = edge_index.shape[1]
    d_blk = d // N_CORES
    rpt = -(-n // N_SUBCORES)
    rpt = ((rpt + 7) // 8) * 8
    n_pad = rpt * N_SUBCORES

    grp = N_SUBCORES * CHUNK * PIPE
    e_pad = ((e + grp - 1) // grp) * grp
    dst = edge_index[0].astype(jnp.int32)
    src = edge_index[1].astype(jnp.int32)
    w = edge_weight.astype(jnp.float32)
    if e_pad != e:
        pad = e_pad - e
        dst = jnp.pad(dst, (0, pad))
        src = jnp.pad(src, (0, pad))
        w = jnp.pad(w, (0, pad))

    h0 = jnp.concatenate(
        [jnp.pad(x[:, i * d_blk:(i + 1) * d_blk], ((0, n_pad - n), (0, 0)))
         for i in range(N_CORES)], axis=0)

    spmm = _make_spmm(n_pad, d_blk, e_pad)

    def body(_, h):
        return spmm(h, dst, src, w)

    hout = lax.fori_loop(0, n_layers, body, h0)
    return jnp.concatenate([hout[i * n_pad:i * n_pad + n]
                            for i in range(N_CORES)], axis=1)

# --- scband reference (transcript-rebuilt; emitter-appended) ---
"""Pipeline reference for scband-sgcpre-85650237816958 (READ-ONLY COPY).

The authoritative reference and input builder live on the scoring server;
editing this copy changes nothing except your own understanding.
"""

import jax, jax.numpy as jnp
import numpy as np

N_NODES = 10000
N_EDGES = 320000
D_FEAT = 128


def setup_inputs(seed: int = 0) -> dict:
    key = jax.random.key(seed)
    k1, k2, k3 = jax.random.split(key, 3)
    x = jax.random.normal(k1, (N_NODES, D_FEAT), dtype=jnp.float32)
    edge_index = jax.random.randint(k2, (2, N_EDGES), 0, N_NODES, dtype=jnp.int64)
    edge_weight = jax.random.uniform(k3, (N_EDGES,), dtype=jnp.float32)
    return {"x": x, "edge_index": edge_index, "edge_weight": edge_weight, "n_layers": 2}


def _spmm(edge_index, edge_weight, x, n_nodes):
    # y = A @ x with A given in COO form: A[dst, src] = w
    dst = edge_index[0]
    src = edge_index[1]
    msgs = jnp.take(x, src, axis=0) * edge_weight[:, None]
    return jax.ops.segment_sum(msgs, dst, num_segments=n_nodes)


def reference(x, edge_index, edge_weight, n_layers):
    # SGCPre.process(): x = adj @ x, repeated n_layers times (SGC precomputation)
    def body(_, h):
        return _spmm(edge_index, edge_weight, h, N_NODES)

    return jax.lax.fori_loop(0, n_layers, body, x)

if __name__ == "__main__":
    import jax
    _d = setup_inputs()
    print(jax.jit(kernel)(*tuple(_d.values())))

</pallas_src>

<mosaic_0001>
#map = affine_map<(d0, d1) -> (0, 0)>
#map1 = affine_map<(d0, d1) -> (0)>
module attributes {stable_mosaic.version = 14 : i64} {
  func.func @spmm(%arg0: i32, %arg1: i32, %arg2: memref<20224x64xf32, #tpu.memory_space<hbm>>, %arg3: memref<325632xi32, #tpu.memory_space<hbm>>, %arg4: memref<325632xi32, #tpu.memory_space<hbm>>, %arg5: memref<325632xf32, #tpu.memory_space<hbm>>, %arg6: memref<20224x64xf32, #tpu.memory_space<hbm>>, %arg7: memref<20352xi32, #tpu.memory_space<vmem>>, %arg8: memref<20352xi32, #tpu.memory_space<vmem>>, %arg9: memref<20352xf32, #tpu.memory_space<vmem>>, %arg10: memref<128xi32, #tpu.memory_space<vmem>>, %arg11: memref<128xi32, #tpu.memory_space<vmem>>, %arg12: memref<128xi32, #tpu.memory_space<vmem>>, %arg13: memref<128xi32, #tpu.memory_space<vmem>>, %arg14: memref<128xi32, #tpu.memory_space<vmem>>, %arg15: memref<128xi32, #tpu.memory_space<vmem>>, %arg16: memref<128x64xf32, #tpu.memory_space<vmem>>, %arg17: memref<128x64xf32, #tpu.memory_space<vmem>>, %arg18: memref<128x64xf32, #tpu.memory_space<vmem>>, %arg19: memref<!tpu.dma_semaphore, #tpu.memory_space<semaphore_mem>>, %arg20: memref<!tpu.dma_semaphore, #tpu.memory_space<semaphore_mem>>, %arg21: memref<!tpu.dma_semaphore, #tpu.memory_space<semaphore_mem>>, %arg22: memref<!tpu.dma_semaphore, #tpu.memory_space<semaphore_mem>>, %arg23: memref<!tpu.dma_semaphore, #tpu.memory_space<semaphore_mem>>, %arg24: memref<!tpu.dma_semaphore, #tpu.memory_space<semaphore_mem>>, %arg25: memref<!tpu.dma_semaphore, #tpu.memory_space<semaphore_mem>>, %arg26: memref<!tpu.dma_semaphore, #tpu.memory_space<semaphore_mem>>, %arg27: memref<!tpu.dma_semaphore, #tpu.memory_space<semaphore_mem>>, %arg28: memref<10112x64xf32, #tpu.memory_space<vmem_shared>>) attributes {dimension_semantics = [#tpu.dimension_semantics<core_parallel>, #tpu.dimension_semantics<subcore_parallel>], iteration_bounds = array<i64: 2, 16>, scalar_prefetch = 0 : i64, scratch_operands = 22 : i64, tpu.core_type = #tpu.core_type<sc_vector_subcore>, window_params = [{transform_indices = #map}, {transform_indices = #map1}, {transform_indices = #map1}, {transform_indices = #map1}, {transform_indices = #map}]} {
    %mul3A = arith.constant 20352 : i32
    %mul3A_0 = arith.muli %arg1, %mul3A : i32
    %dma_start3A = tpu.memref_slice %arg3[%mul3A_0] : memref<325632xi32, #tpu.memory_space<hbm>> -> memref<20352xi32, #tpu.memory_space<hbm>>
    %dma_start3A_1 = tpu.memref_slice %arg3[%mul3A_0] : memref<325632xi32, #tpu.memory_space<hbm>> -> memref<20352xi32, #tpu.memory_space<hbm>>
    tpu.enqueue_dma source(%dma_start3A_1 : memref<20352xi32, #tpu.memory_space<hbm>>) target(%arg7 : memref<20352xi32, #tpu.memory_space<vmem>>) target_semaphore(%arg25 : memref<!tpu.dma_semaphore, #tpu.memory_space<semaphore_mem>>)
    %dma_start3A_2 = tpu.memref_slice %arg4[%mul3A_0] : memref<325632xi32, #tpu.memory_space<hbm>> -> memref<20352xi32, #tpu.memory_space<hbm>>
    %dma_start3A_3 = tpu.memref_slice %arg4[%mul3A_0] : memref<325632xi32, #tpu.memory_space<hbm>> -> memref<20352xi32, #tpu.memory_space<hbm>>
    tpu.enqueue_dma source(%dma_start3A_3 : memref<20352xi32, #tpu.memory_space<hbm>>) target(%arg8 : memref<20352xi32, #tpu.memory_space<vmem>>) target_semaphore(%arg26 : memref<!tpu.dma_semaphore, #tpu.memory_space<semaphore_mem>>)
    %dma_start3A_4 = tpu.memref_slice %arg5[%mul3A_0] : memref<325632xf32, #tpu.memory_space<hbm>> -> memref<20352xf32, #tpu.memory_space<hbm>>
    %dma_start3A_5 = tpu.memref_slice %arg5[%mul3A_0] : memref<325632xf32, #tpu.memory_space<hbm>> -> memref<20352xf32, #tpu.memory_space<hbm>>
    tpu.enqueue_dma source(%dma_start3A_5 : memref<20352xf32, #tpu.memory_space<hbm>>) target(%arg9 : memref<20352xf32, #tpu.memory_space<vmem>>) target_semaphore(%arg27 : memref<!tpu.dma_semaphore, #tpu.memory_space<semaphore_mem>>)
    %broadcast_in_dim3A = arith.constant 0.000000e+00 : f32
    %broadcast_in_dim3A_6 = vector.broadcast %broadcast_in_dim3A : f32 to vector<16xf32>
    %scan3A = arith.constant 0 : i32
    %scan3A_7 = arith.constant 0 : i32
    %scan3A_8 = arith.constant 128 : i32
    %scan3A_9 = arith.addi %scan3A_7, %scan3A_8 : i32
    %scan3A_10 = arith.constant 1 : i32
    scf.for %scan3A_307 = %scan3A_7 to %scan3A_9 step %scan3A_10  : i32 {
      %swap3A_308 = arith.index_cast %scan3A_307 : i32 to index
      %swap3A_309 = arith.constant 0 : index
      %swap3A_310 = tpu.vector_load %arg16[%swap3A_308, %swap3A_309] {strides = array<i32>} : memref<128x64xf32, #tpu.memory_space<vmem>>, vector<1x16xf32>,
      %swap3A_311 = vector.shape_cast %swap3A_310 : vector<1x16xf32> to vector<16xf32>
      %swap3A_312 = vector.shape_cast %broadcast_in_dim3A_6 : vector<16xf32> to vector<1x16xf32>
      tpu.vector_store %arg16[%swap3A_308, %swap3A_309], %swap3A_312 {strides = array<i32>} : memref<128x64xf32, #tpu.memory_space<vmem>>, vector<1x16xf32>,
      %swap3A_313 = arith.index_cast %scan3A_307 : i32 to index
      %swap3A_314 = arith.constant 16 : index
      %swap3A_315 = tpu.vector_load %arg16[%swap3A_313, %swap3A_314] {strides = array<i32>} : memref<128x64xf32, #tpu.memory_space<vmem>>, vector<1x16xf32>,
      %swap3A_316 = vector.shape_cast %swap3A_315 : vector<1x16xf32> to vector<16xf32>
      %swap3A_317 = vector.shape_cast %broadcast_in_dim3A_6 : vector<16xf32> to vector<1x16xf32>
      tpu.vector_store %arg16[%swap3A_313, %swap3A_314], %swap3A_317 {strides = array<i32>} : memref<128x64xf32, #tpu.memory_space<vmem>>, vector<1x16xf32>,
      %swap3A_318 = arith.index_cast %scan3A_307 : i32 to index
      %swap3A_319 = arith.constant 32 : index
      %swap3A_320 = tpu.vector_load %arg16[%swap3A_318, %swap3A_319] {strides = array<i32>} : memref<128x64xf32, #tpu.memory_space<vmem>>, vector<1x16xf32>,
      %swap3A_321 = vector.shape_cast %swap3A_320 : vector<1x16xf32> to vector<16xf32>
      %swap3A_322 = vector.shape_cast %broadcast_in_dim3A_6 : vector<16xf32> to vector<1x16xf32>
      tpu.vector_store %arg16[%swap3A_318, %swap3A_319], %swap3A_322 {strides = array<i32>} : memref<128x64xf32, #tpu.memory_space<vmem>>, vector<1x16xf32>,
      %swap3A_323 = arith.index_cast %scan3A_307 : i32 to index
      %swap3A_324 = arith.constant 48 : index
      %swap3A_325 = tpu.vector_load %arg16[%swap3A_323, %swap3A_324] {strides = array<i32>} : memref<128x64xf32, #tpu.memory_space<vmem>>, vector<1x16xf32>,
      %swap3A_326 = vector.shape_cast %swap3A_325 : vector<1x16xf32> to vector<16xf32>
      %swap3A_327 = vector.shape_cast %broadcast_in_dim3A_6 : vector<16xf32> to vector<1x16xf32>
      tpu.vector_store %arg16[%swap3A_323, %swap3A_324], %swap3A_327 {strides = array<i32>} : memref<128x64xf32, #tpu.memory_space<vmem>>, vector<1x16xf32>,
    }
    %scan3A_11 = arith.constant 128 : i32
    %mul3A_12 = arith.constant 632 : i32
    %mul3A_13 = arith.muli %arg1, %mul3A_12 : i32
    %add3A = arith.constant 0 : i32
    %add3A_14 = arith.addi %mul3A_13, %add3A : i32
    "tpu.region"() ({
      %run_scoped3A = tpu.sem_alloc : memref<!tpu.dma_semaphore, #tpu.memory_space<semaphore_mem>>
      %dma_start3A_307 = arith.constant 0 : i32
      %dma_start3A_308 = tpu.memref_slice %arg28[%add3A_14, %dma_start3A_307] : memref<10112x64xf32, #tpu.memory_space<vmem_shared>> -> memref<128x64xf32, #tpu.memory_space<vmem_shared>>
      %dma_start3A_309 = arith.constant 0 : i32
      %dma_start3A_310 = tpu.memref_slice %arg28[%add3A_14, %dma_start3A_309] : memref<10112x64xf32, #tpu.memory_space<vmem_shared>> -> memref<128x64xf32, #tpu.memory_space<vmem_shared>>
      tpu.enqueue_dma source(%arg16 : memref<128x64xf32, #tpu.memory_space<vmem>>) target(%dma_start3A_310 : memref<128x64xf32, #tpu.memory_space<vmem_shared>>) target_semaphore(%run_scoped3A : memref<!tpu.dma_semaphore, #tpu.memory_space<semaphore_mem>>)
      %dma_wait3A_311 = arith.constant 0 : i32
      %dma_wait3A_312 = tpu.memref_slice %arg28[%add3A_14, %dma_wait3A_311] : memref<10112x64xf32, #tpu.memory_space<vmem_shared>> -> memref<128x64xf32, #tpu.memory_space<vmem_shared>>
      %dma_wait3A_313 = arith.constant 0 : i32
      %dma_wait3A_314 = tpu.memref_slice %arg28[%add3A_14, %dma_wait3A_313] : memref<10112x64xf32, #tpu.memory_space<vmem_shared>> -> memref<128x64xf32, #tpu.memory_space<vmem_shared>>
      tpu.wait_dma2 semaphore(%run_scoped3A : memref<!tpu.dma_semaphore, #tpu.memory_space<semaphore_mem>>) src(%arg16 : memref<128x64xf32, #tpu.memory_space<vmem>>) dst(%dma_wait3A_314 : memref<128x64xf32, #tpu.memory_space<vmem_shared>>)
      tpu.yield
    }) : () -> ()
    %add3A_15 = arith.constant 128 : i32
    %add3A_16 = arith.addi %mul3A_13, %add3A_15 : i32
    "tpu.region"() ({
      %run_scoped3A = tpu.sem_alloc : memref<!tpu.dma_semaphore, #tpu.memory_space<semaphore_mem>>
      %dma_start3A_307 = arith.constant 0 : i32
      %dma_start3A_308 = tpu.memref_slice %arg28[%add3A_16, %dma_start3A_307] : memref<10112x64xf32, #tpu.memory_space<vmem_shared>> -> memref<128x64xf32, #tpu.memory_space<vmem_shared>>
      %dma_start3A_309 = arith.constant 0 : i32
      %dma_start3A_310 = tpu.memref_slice %arg28[%add3A_16, %dma_start3A_309] : memref<10112x64xf32, #tpu.memory_space<vmem_shared>> -> memref<128x64xf32, #tpu.memory_space<vmem_shared>>
      tpu.enqueue_dma source(%arg16 : memref<128x64xf32, #tpu.memory_space<vmem>>) target(%dma_start3A_310 : memref<128x64xf32, #tpu.memory_space<vmem_shared>>) target_semaphore(%run_scoped3A : memref<!tpu.dma_semaphore, #tpu.memory_space<semaphore_mem>>)
      %dma_wait3A_311 = arith.constant 0 : i32
      %dma_wait3A_312 = tpu.memref_slice %arg28[%add3A_16, %dma_wait3A_311] : memref<10112x64xf32, #tpu.memory_space<vmem_shared>> -> memref<128x64xf32, #tpu.memory_space<vmem_shared>>
      %dma_wait3A_313 = arith.constant 0 : i32
      %dma_wait3A_314 = tpu.memref_slice %arg28[%add3A_16, %dma_wait3A_313] : memref<10112x64xf32, #tpu.memory_space<vmem_shared>> -> memref<128x64xf32, #tpu.memory_space<vmem_shared>>
      tpu.wait_dma2 semaphore(%run_scoped3A : memref<!tpu.dma_semaphore, #tpu.memory_space<semaphore_mem>>) src(%arg16 : memref<128x64xf32, #tpu.memory_space<vmem>>) dst(%dma_wait3A_314 : memref<128x64xf32, #tpu.memory_space<vmem_shared>>)
      tpu.yield
    }) : () -> ()
    %add3A_17 = arith.constant 256 : i32
    %add3A_18 = arith.addi %mul3A_13, %add3A_17 : i32
    "tpu.region"() ({
      %run_scoped3A = tpu.sem_alloc : memref<!tpu.dma_semaphore, #tpu.memory_space<semaphore_mem>>
      %dma_start3A_307 = arith.constant 0 : i32
      %dma_start3A_308 = tpu.memref_slice %arg28[%add3A_18, %dma_start3A_307] : memref<10112x64xf32, #tpu.memory_space<vmem_shared>> -> memref<128x64xf32, #tpu.memory_space<vmem_shared>>
      %dma_start3A_309 = arith.constant 0 : i32
      %dma_start3A_310 = tpu.memref_slice %arg28[%add3A_18, %dma_start3A_309] : memref<10112x64xf32, #tpu.memory_space<vmem_shared>> -> memref<128x64xf32, #tpu.memory_space<vmem_shared>>
      tpu.enqueue_dma source(%arg16 : memref<128x64xf32, #tpu.memory_space<vmem>>) target(%dma_start3A_310 : memref<128x64xf32, #tpu.memory_space<vmem_shared>>) target_semaphore(%run_scoped3A : memref<!tpu.dma_semaphore, #tpu.memory_space<semaphore_mem>>)
      %dma_wait3A_311 = arith.constant 0 : i32
      %dma_wait3A_312 = tpu.memref_slice %arg28[%add3A_18, %dma_wait3A_311] : memref<10112x64xf32, #tpu.memory_space<vmem_shared>> -> memref<128x64xf32, #tpu.memory_space<vmem_shared>>
      %dma_wait3A_313 = arith.constant 0 : i32
      %dma_wait3A_314 = tpu.memref_slice %arg28[%add3A_18, %dma_wait3A_313] : memref<10112x64xf32, #tpu.memory_space<vmem_shared>> -> memref<128x64xf32, #tpu.memory_space<vmem_shared>>
      tpu.wait_dma2 semaphore(%run_scoped3A : memref<!tpu.dma_semaphore, #tpu.memory_space<semaphore_mem>>) src(%arg16 : memref<128x64xf32, #tpu.memory_space<vmem>>) dst(%dma_wait3A_314 : memref<128x64xf32, #tpu.memory_space<vmem_shared>>)
      tpu.yield
    }) : () -> ()
    %add3A_19 = arith.constant 384 : i32
    %add3A_20 = arith.addi %mul3A_13, %add3A_19 : i32
    "tpu.region"() ({
      %run_scoped3A = tpu.sem_alloc : memref<!tpu.dma_semaphore, #tpu.memory_space<semaphore_mem>>
      %dma_start3A_307 = arith.constant 0 : i32
      %dma_start3A_308 = tpu.memref_slice %arg28[%add3A_20, %dma_start3A_307] : memref<10112x64xf32, #tpu.memory_space<vmem_shared>> -> memref<128x64xf32, #tpu.memory_space<vmem_shared>>
      %dma_start3A_309 = arith.constant 0 : i32
      %dma_start3A_310 = tpu.memref_slice %arg28[%add3A_20, %dma_start3A_309] : memref<10112x64xf32, #tpu.memory_space<vmem_shared>> -> memref<128x64xf32, #tpu.memory_space<vmem_shared>>
      tpu.enqueue_dma source(%arg16 : memref<128x64xf32, #tpu.memory_space<vmem>>) target(%dma_start3A_310 : memref<128x64xf32, #tpu.memory_space<vmem_shared>>) target_semaphore(%run_scoped3A : memref<!tpu.dma_semaphore, #tpu.memory_space<semaphore_mem>>)
      %dma_wait3A_311 = arith.constant 0 : i32
      %dma_wait3A_312 = tpu.memref_slice %arg28[%add3A_20, %dma_wait3A_311] : memref<10112x64xf32, #tpu.memory_space<vmem_shared>> -> memref<128x64xf32, #tpu.memory_space<vmem_shared>>
      %dma_wait3A_313 = arith.constant 0 : i32
      %dma_wait3A_314 = tpu.memref_slice %arg28[%add3A_20, %dma_wait3A_313] : memref<10112x64xf32, #tpu.memory_space<vmem_shared>> -> memref<128x64xf32, #tpu.memory_space<vmem_shared>>
      tpu.wait_dma2 semaphore(%run_scoped3A : memref<!tpu.dma_semaphore, #tpu.memory_space<semaphore_mem>>) src(%arg16 : memref<128x64xf32, #tpu.memory_space<vmem>>) dst(%dma_wait3A_314 : memref<128x64xf32, #tpu.memory_space<vmem_shared>>)
      tpu.yield
    }) : () -> ()
    %add3A_21 = arith.constant 512 : i32
    %add3A_22 = arith.addi %mul3A_13, %add3A_21 : i32
    "tpu.region"() ({
      %run_scoped3A = tpu.sem_alloc : memref<!tpu.dma_semaphore, #tpu.memory_space<semaphore_mem>>
      %dma_start3A_307 = arith.constant 0 : i32
      %dma_start3A_308 = arith.constant 0 : i32
      %dma_start3A_309 = tpu.memref_slice %arg16[%dma_start3A_307, %dma_start3A_308] : memref<128x64xf32, #tpu.memory_space<vmem>> -> memref<120x64xf32, #tpu.memory_space<vmem>>
      %dma_start3A_310 = arith.constant 0 : i32
      %dma_start3A_311 = tpu.memref_slice %arg28[%add3A_22, %dma_start3A_310] : memref<10112x64xf32, #tpu.memory_space<vmem_shared>> -> memref<120x64xf32, #tpu.memory_space<vmem_shared>>
      %dma_start3A_312 = arith.constant 0 : i32
      %dma_start3A_313 = tpu.memref_slice %arg28[%add3A_22, %dma_start3A_312] : memref<10112x64xf32, #tpu.memory_space<vmem_shared>> -> memref<120x64xf32, #tpu.memory_space<vmem_shared>>
      %dma_start3A_314 = arith.constant 0 : i32
      %dma_start3A_315 = arith.constant 0 : i32
      %dma_start3A_316 = tpu.memref_slice %arg16[%dma_start3A_314, %dma_start3A_315] : memref<128x64xf32, #tpu.memory_space<vmem>> -> memref<120x64xf32, #tpu.memory_space<vmem>>
      tpu.enqueue_dma source(%dma_start3A_316 : memref<120x64xf32, #tpu.memory_space<vmem>>) target(%dma_start3A_313 : memref<120x64xf32, #tpu.memory_space<vmem_shared>>) target_semaphore(%run_scoped3A : memref<!tpu.dma_semaphore, #tpu.memory_space<semaphore_mem>>)
      %dma_wait3A_317 = arith.constant 0 : i32
      %dma_wait3A_318 = arith.constant 0 : i32
      %dma_wait3A_319 = tpu.memref_slice %arg16[%dma_wait3A_317, %dma_wait3A_318] : memref<128x64xf32, #tpu.memory_space<vmem>> -> memref<120x64xf32, #tpu.memory_space<vmem>>
      %dma_wait3A_320 = arith.constant 0 : i32
      %dma_wait3A_321 = tpu.memref_slice %arg28[%add3A_22, %dma_wait3A_320] : memref<10112x64xf32, #tpu.memory_space<vmem_shared>> -> memref<120x64xf32, #tpu.memory_space<vmem_shared>>
      %dma_wait3A_322 = arith.constant 0 : i32
      %dma_wait3A_323 = tpu.memref_slice %arg28[%add3A_22, %dma_wait3A_322] : memref<10112x64xf32, #tpu.memory_space<vmem_shared>> -> memref<120x64xf32, #tpu.memory_space<vmem_shared>>
      %dma_wait3A_324 = arith.constant 0 : i32
      %dma_wait3A_325 = arith.constant 0 : i32
      %dma_wait3A_326 = tpu.memref_slice %arg16[%dma_wait3A_324, %dma_wait3A_325] : memref<128x64xf32, #tpu.memory_space<vmem>> -> memref<120x64xf32, #tpu.memory_space<vmem>>
      tpu.wait_dma2 semaphore(%run_scoped3A : memref<!tpu.dma_semaphore, #tpu.memory_space<semaphore_mem>>) src(%dma_wait3A_326 : memref<120x64xf32, #tpu.memory_space<vmem>>) dst(%dma_wait3A_323 : memref<120x64xf32, #tpu.memory_space<vmem_shared>>)
      tpu.yield
    }) : () -> ()
    %dma_wait3A = tpu.memref_slice %arg3[%mul3A_0] : memref<325632xi32, #tpu.memory_space<hbm>> -> memref<20352xi32, #tpu.memory_space<hbm>>
    %dma_wait3A_23 = tpu.memref_slice %arg3[%mul3A_0] : memref<325632xi32, #tpu.memory_space<hbm>> -> memref<20352xi32, #tpu.memory_space<hbm>>
    tpu.wait_dma2 semaphore(%arg25 : memref<!tpu.dma_semaphore, #tpu.memory_space<semaphore_mem>>) src(%dma_wait3A_23 : memref<20352xi32, #tpu.memory_space<hbm>>) dst(%arg7 : memref<20352xi32, #tpu.memory_space<vmem>>)
    %dma_wait3A_24 = tpu.memref_slice %arg4[%mul3A_0] : memref<325632xi32, #tpu.memory_space<hbm>> -> memref<20352xi32, #tpu.memory_space<hbm>>
    %dma_wait3A_25 = tpu.memref_slice %arg4[%mul3A_0] : memref<325632xi32, #tpu.memory_space<hbm>> -> memref<20352xi32, #tpu.memory_space<hbm>>
    tpu.wait_dma2 semaphore(%arg26 : memref<!tpu.dma_semaphore, #tpu.memory_space<semaphore_mem>>) src(%dma_wait3A_25 : memref<20352xi32, #tpu.memory_space<hbm>>) dst(%arg8 : memref<20352xi32, #tpu.memory_space<vmem>>)
    %dma_wait3A_26 = tpu.memref_slice %arg5[%mul3A_0] : memref<325632xf32, #tpu.memory_space<hbm>> -> memref<20352xf32, #tpu.memory_space<hbm>>
    %dma_wait3A_27 = tpu.memref_slice %arg5[%mul3A_0] : memref<325632xf32, #tpu.memory_space<hbm>> -> memref<20352xf32, #tpu.memory_space<hbm>>
    tpu.wait_dma2 semaphore(%arg27 : memref<!tpu.dma_semaphore, #tpu.memory_space<semaphore_mem>>) src(%dma_wait3A_27 : memref<20352xf32, #tpu.memory_space<hbm>>) dst(%arg9 : memref<20352xf32, #tpu.memory_space<vmem>>)
    %barrier3A = arith.constant 0 : index
    tpu.barrier barrier_id(%barrier3A)
    %mul3A_28 = arith.constant 10112 : i32
    %mul3A_29 = arith.muli %arg0, %mul3A_28 : i32
    %get3A = arith.constant 0 : index
    %get3A_30 = tpu.vector_load %arg8[%get3A] {strides = array<i32>} : memref<20352xi32, #tpu.memory_space<vmem>>, vector<16xi32>,
    %get3A_31 = vector.shape_cast %get3A_30 : vector<16xi32> to vector<16xi32>
    %add3A_32 = vector.broadcast %mul3A_29 : i32 to vector<16xi32>
    %add3A_33 = arith.addi %get3A_31, %add3A_32 : vector<16xi32>
    %swap3A = arith.constant 0 : index
    %swap3A_34 = tpu.vector_load %arg10[%swap3A] {strides = array<i32>} : memref<128xi32, #tpu.memory_space<vmem>>, vector<16xi32>,
    %swap3A_35 = vector.shape_cast %swap3A_34 : vector<16xi32> to vector<16xi32>
    %swap3A_36 = vector.shape_cast %add3A_33 : vector<16xi32> to vector<16xi32>
    tpu.vector_store %arg10[%swap3A], %swap3A_36 {strides = array<i32>} : memref<128xi32, #tpu.memory_space<vmem>>, vector<16xi32>,
    %get3A_37 = arith.constant 0 : index
    %get3A_38 = tpu.vector_load %arg7[%get3A_37] {strides = array<i32>} : memref<20352xi32, #tpu.memory_space<vmem>>, vector<16xi32>,
    %get3A_39 = vector.shape_cast %get3A_38 : vector<16xi32> to vector<16xi32>
    %swap3A_40 = arith.constant 0 : index
    %swap3A_41 = tpu.vector_load %arg13[%swap3A_40] {strides = array<i32>} : memref<128xi32, #tpu.memory_space<vmem>>, vector<16xi32>,
    %swap3A_42 = vector.shape_cast %swap3A_41 : vector<16xi32> to vector<16xi32>
    %swap3A_43 = vector.shape_cast %get3A_39 : vector<16xi32> to vector<16xi32>
    tpu.vector_store %arg13[%swap3A_40], %swap3A_43 {strides = array<i32>} : memref<128xi32, #tpu.memory_space<vmem>>, vector<16xi32>,
    %get3A_44 = arith.constant 16 : index
    %get3A_45 = tpu.vector_load %arg8[%get3A_44] {strides = array<i32>} : memref<20352xi32, #tpu.memory_space<vmem>>, vector<16xi32>,
    %get3A_46 = vector.shape_cast %get3A_45 : vector<16xi32> to vector<16xi32>
    %add3A_47 = vector.broadcast %mul3A_29 : i32 to vector<16xi32>
    %add3A_48 = arith.addi %get3A_46, %add3A_47 : vector<16xi32>
    %swap3A_49 = arith.constant 16 : index
    %swap3A_50 = tpu.vector_load %arg10[%swap3A_49] {strides = array<i32>} : memref<128xi32, #tpu.memory_space<vmem>>, vector<16xi32>,
    %swap3A_51 = vector.shape_cast %swap3A_50 : vector<16xi32> to vector<16xi32>
    %swap3A_52 = vector.shape_cast %add3A_48 : vector<16xi32> to vector<16xi32>
    tpu.vector_store %arg10[%swap3A_49], %swap3A_52 {strides = array<i32>} : memref<128xi32, #tpu.memory_space<vmem>>, vector<16xi32>,
    %get3A_53 = arith.constant 16 : index
    %get3A_54 = tpu.vector_load %arg7[%get3A_53] {strides = array<i32>} : memref<20352xi32, #tpu.memory_space<vmem>>, vector<16xi32>,
    %get3A_55 = vector.shape_cast %get3A_54 : vector<16xi32> to vector<16xi32>
    %swap3A_56 = arith.constant 16 : index
    %swap3A_57 = tpu.vector_load %arg13[%swap3A_56] {strides = array<i32>} : memref<128xi32, #tpu.memory_space<vmem>>, vector<16xi32>,
    %swap3A_58 = vector.shape_cast %swap3A_57 : vector<16xi32> to vector<16xi32>
    %swap3A_59 = vector.shape_cast %get3A_55 : vector<16xi32> to vector<16xi32>
    tpu.vector_store %arg13[%swap3A_56], %swap3A_59 {strides = array<i32>} : memref<128xi32, #tpu.memory_space<vmem>>, vector<16xi32>,
    %get3A_60 = arith.constant 32 : index
    %get3A_61 = tpu.vector_load %arg8[%get3A_60] {strides = array<i32>} : memref<20352xi32, #tpu.memory_space<vmem>>, vector<16xi32>,
    %get3A_62 = vector.shape_cast %get3A_61 : vector<16xi32> to vector<16xi32>
    %add3A_63 = vector.broadcast %mul3A_29 : i32 to vector<16xi32>
    %add3A_64 = arith.addi %get3A_62, %add3A_63 : vector<16xi32>
    %swap3A_65 = arith.constant 32 : index
    %swap3A_66 = tpu.vector_load %arg10[%swap3A_65] {strides = array<i32>} : memref<128xi32, #tpu.memory_space<vmem>>, vector<16xi32>,
    %swap3A_67 = vector.shape_cast %swap3A_66 : vector<16xi32> to vector<16xi32>
    %swap3A_68 = vector.shape_cast %add3A_64 : vector<16xi32> to vector<16xi32>
    tpu.vector_store %arg10[%swap3A_65], %swap3A_68 {strides = array<i32>} : memref<128xi32, #tpu.memory_space<vmem>>, vector<16xi32>,
    %get3A_69 = arith.constant 32 : index
    %get3A_70 = tpu.vector_load %arg7[%get3A_69] {strides = array<i32>} : memref<20352xi32, #tpu.memory_space<vmem>>, vector<16xi32>,
    %get3A_71 = vector.shape_cast %get3A_70 : vector<16xi32> to vector<16xi32>
    %swap3A_72 = arith.constant 32 : index
    %swap3A_73 = tpu.vector_load %arg13[%swap3A_72] {strides = array<i32>} : memref<128xi32, #tpu.memory_space<vmem>>, vector<16xi32>,
    %swap3A_74 = vector.shape_cast %swap3A_73 : vector<16xi32> to vector<16xi32>
    %swap3A_75 = vector.shape_cast %get3A_71 : vector<16xi32> to vector<16xi32>
    tpu.vector_store %arg13[%swap3A_72], %swap3A_75 {strides = array<i32>} : memref<128xi32, #tpu.memory_space<vmem>>, vector<16xi32>,
    %get3A_76 = arith.constant 48 : index
    %get3A_77 = tpu.vector_load %arg8[%get3A_76] {strides = array<i32>} : memref<20352xi32, #tpu.memory_space<vmem>>, vector<16xi32>,
    %get3A_78 = vector.shape_cast %get3A_77 : vector<16xi32> to vector<16xi32>
    %add3A_79 = vector.broadcast %mul3A_29 : i32 to vector<16xi32>
    %add3A_80 = arith.addi %get3A_78, %add3A_79 : vector<16xi32>
    %swap3A_81 = arith.constant 48 : index
    %swap3A_82 = tpu.vector_load %arg10[%swap3A_81] {strides = array<i32>} : memref<128xi32, #tpu.memory_space<vmem>>, vector<16xi32>,
    %swap3A_83 = vector.shape_cast %swap3A_82 : vector<16xi32> to vector<16xi32>
    %swap3A_84 = vector.shape_cast %add3A_80 : vector<16xi32> to vector<16xi32>
    tpu.vector_store %arg10[%swap3A_81], %swap3A_84 {strides = array<i32>} : memref<128xi32, #tpu.memory_space<vmem>>, vector<16xi32>,
    %get3A_85 = arith.constant 48 : index
    %get3A_86 = tpu.vector_load %arg7[%get3A_85] {strides = array<i32>} : memref<20352xi32, #tpu.memory_space<vmem>>, vector<16xi32>,
    %get3A_87 = vector.shape_cast %get3A_86 : vector<16xi32> to vector<16xi32>
    %swap3A_88 = arith.constant 48 : index
    %swap3A_89 = tpu.vector_load %arg13[%swap3A_88] {strides = array<i32>} : memref<128xi32, #tpu.memory_space<vmem>>, vector<16xi32>,
    %swap3A_90 = vector.shape_cast %swap3A_89 : vector<16xi32> to vector<16xi32>
    %swap3A_91 = vector.shape_cast %get3A_87 : vector<16xi32> to vector<16xi32>
    tpu.vector_store %arg13[%swap3A_88], %swap3A_91 {strides = array<i32>} : memref<128xi32, #tpu.memory_space<vmem>>, vector<16xi32>,
    %get3A_92 = arith.constant 64 : index
    %get3A_93 = tpu.vector_load %arg8[%get3A_92] {strides = array<i32>} : memref<20352xi32, #tpu.memory_space<vmem>>, vector<16xi32>,
    %get3A_94 = vector.shape_cast %get3A_93 : vector<16xi32> to vector<16xi32>
    %add3A_95 = vector.broadcast %mul3A_29 : i32 to vector<16xi32>
    %add3A_96 = arith.addi %get3A_94, %add3A_95 : vector<16xi32>
    %swap3A_97 = arith.constant 64 : index
    %swap3A_98 = tpu.vector_load %arg10[%swap3A_97] {strides = array<i32>} : memref<128xi32, #tpu.memory_space<vmem>>, vector<16xi32>,
    %swap3A_99 = vector.shape_cast %swap3A_98 : vector<16xi32> to vector<16xi32>
    %swap3A_100 = vector.shape_cast %add3A_96 : vector<16xi32> to vector<16xi32>
    tpu.vector_store %arg10[%swap3A_97], %swap3A_100 {strides = array<i32>} : memref<128xi32, #tpu.memory_space<vmem>>, vector<16xi32>,
    %get3A_101 = arith.constant 64 : index
    %get3A_102 = tpu.vector_load %arg7[%get3A_101] {strides = array<i32>} : memref<20352xi32, #tpu.memory_space<vmem>>, vector<16xi32>,
    %get3A_103 = vector.shape_cast %get3A_102 : vector<16xi32> to vector<16xi32>
    %swap3A_104 = arith.constant 64 : index
    %swap3A_105 = tpu.vector_load %arg13[%swap3A_104] {strides = array<i32>} : memref<128xi32, #tpu.memory_space<vmem>>, vector<16xi32>,
    %swap3A_106 = vector.shape_cast %swap3A_105 : vector<16xi32> to vector<16xi32>
    %swap3A_107 = vector.shape_cast %get3A_103 : vector<16xi32> to vector<16xi32>
    tpu.vector_store %arg13[%swap3A_104], %swap3A_107 {strides = array<i32>} : memref<128xi32, #tpu.memory_space<vmem>>, vector<16xi32>,
    %get3A_108 = arith.constant 80 : index
    %get3A_109 = tpu.vector_load %arg8[%get3A_108] {strides = array<i32>} : memref<20352xi32, #tpu.memory_space<vmem>>, vector<16xi32>,
    %get3A_110 = vector.shape_cast %get3A_109 : vector<16xi32> to vector<16xi32>
    %add3A_111 = vector.broadcast %mul3A_29 : i32 to vector<16xi32>
    %add3A_112 = arith.addi %get3A_110, %add3A_111 : vector<16xi32>
    %swap3A_113 = arith.constant 80 : index
    %swap3A_114 = tpu.vector_load %arg10[%swap3A_113] {strides = array<i32>} : memref<128xi32, #tpu.memory_space<vmem>>, vector<16xi32>,
    %swap3A_115 = vector.shape_cast %swap3A_114 : vector<16xi32> to vector<16xi32>
    %swap3A_116 = vector.shape_cast %add3A_112 : vector<16xi32> to vector<16xi32>
    tpu.vector_store %arg10[%swap3A_113], %swap3A_116 {strides = array<i32>} : memref<128xi32, #tpu.memory_space<vmem>>, vector<16xi32>,
    %get3A_117 = arith.constant 80 : index
    %get3A_118 = tpu.vector_load %arg7[%get3A_117] {strides = array<i32>} : memref<20352xi32, #tpu.memory_space<vmem>>, vector<16xi32>,
    %get3A_119 = vector.shape_cast %get3A_118 : vector<16xi32> to vector<16xi32>
    %swap3A_120 = arith.constant 80 : index
    %swap3A_121 = tpu.vector_load %arg13[%swap3A_120] {strides = array<i32>} : memref<128xi32, #tpu.memory_space<vmem>>, vector<16xi32>,
    %swap3A_122 = vector.shape_cast %swap3A_121 : vector<16xi32> to vector<16xi32>
    %swap3A_123 = vector.shape_cast %get3A_119 : vector<16xi32> to vector<16xi32>
    tpu.vector_store %arg13[%swap3A_120], %swap3A_123 {strides = array<i32>} : memref<128xi32, #tpu.memory_space<vmem>>, vector<16xi32>,
    %get3A_124 = arith.constant 96 : index
    %get3A_125 = tpu.vector_load %arg8[%get3A_124] {strides = array<i32>} : memref<20352xi32, #tpu.memory_space<vmem>>, vector<16xi32>,
    %get3A_126 = vector.shape_cast %get3A_125 : vector<16xi32> to vector<16xi32>
    %add3A_127 = vector.broadcast %mul3A_29 : i32 to vector<16xi32>
    %add3A_128 = arith.addi %get3A_126, %add3A_127 : vector<16xi32>
    %swap3A_129 = arith.constant 96 : index
    %swap3A_130 = tpu.vector_load %arg10[%swap3A_129] {strides = array<i32>} : memref<128xi32, #tpu.memory_space<vmem>>, vector<16xi32>,
    %swap3A_131 = vector.shape_cast %swap3A_130 : vector<16xi32> to vector<16xi32>
    %swap3A_132 = vector.shape_cast %add3A_128 : vector<16xi32> to vector<16xi32>
    tpu.vector_store %arg10[%swap3A_129], %swap3A_132 {strides = array<i32>} : memref<128xi32, #tpu.memory_space<vmem>>, vector<16xi32>,
    %get3A_133 = arith.constant 96 : index
    %get3A_134 = tpu.vector_load %arg7[%get3A_133] {strides = array<i32>} : memref<20352xi32, #tpu.memory_space<vmem>>, vector<16xi32>,
    %get3A_135 = vector.shape_cast %get3A_134 : vector<16xi32> to vector<16xi32>
    %swap3A_136 = arith.constant 96 : index
    %swap3A_137 = tpu.vector_load %arg13[%swap3A_136] {strides = array<i32>} : memref<128xi32, #tpu.memory_space<vmem>>, vector<16xi32>,
    %swap3A_138 = vector.shape_cast %swap3A_137 : vector<16xi32> to vector<16xi32>
    %swap3A_139 = vector.shape_cast %get3A_135 : vector<16xi32> to vector<16xi32>
    tpu.vector_store %arg13[%swap3A_136], %swap3A_139 {strides = array<i32>} : memref<128xi32, #tpu.memory_space<vmem>>, vector<16xi32>,
    %get3A_140 = arith.constant 112 : index
    %get3A_141 = tpu.vector_load %arg8[%get3A_140] {strides = array<i32>} : memref<20352xi32, #tpu.memory_space<vmem>>, vector<16xi32>,
    %get3A_142 = vector.shape_cast %get3A_141 : vector<16xi32> to vector<16xi32>
    %add3A_143 = vector.broadcast %mul3A_29 : i32 to vector<16xi32>
    %add3A_144 = arith.addi %get3A_142, %add3A_143 : vector<16xi32>
    %swap3A_145 = arith.constant 112 : index
    %swap3A_146 = tpu.vector_load %arg10[%swap3A_145] {strides = array<i32>} : memref<128xi32, #tpu.memory_space<vmem>>, vector<16xi32>,
    %swap3A_147 = vector.shape_cast %swap3A_146 : vector<16xi32> to vector<16xi32>
    %swap3A_148 = vector.shape_cast %add3A_144 : vector<16xi32> to vector<16xi32>
    tpu.vector_store %arg10[%swap3A_145], %swap3A_148 {strides = array<i32>} : memref<128xi32, #tpu.memory_space<vmem>>, vector<16xi32>,
    %get3A_149 = arith.constant 112 : index
    %get3A_150 = tpu.vector_load %arg7[%get3A_149] {strides = array<i32>} : memref<20352xi32, #tpu.memory_space<vmem>>, vector<16xi32>,
    %get3A_151 = vector.shape_cast %get3A_150 : vector<16xi32> to vector<16xi32>
    %swap3A_152 = arith.constant 112 : index
    %swap3A_153 = tpu.vector_load %arg13[%swap3A_152] {strides = array<i32>} : memref<128xi32, #tpu.memory_space<vmem>>, vector<16xi32>,
    %swap3A_154 = vector.shape_cast %swap3A_153 : vector<16xi32> to vector<16xi32>
    %swap3A_155 = vector.shape_cast %get3A_151 : vector<16xi32> to vector<16xi32>
    tpu.vector_store %arg13[%swap3A_152], %swap3A_155 {strides = array<i32>} : memref<128xi32, #tpu.memory_space<vmem>>, vector<16xi32>,
    %dma_start3A_156 = arith.constant 0 : i32
    %dma_start3A_157 = arith.constant 0 : i32
    %dma_start3A_158 = tpu.memref_slice %arg2[%dma_start3A_156, %dma_start3A_157] : memref<20224x64xf32, #tpu.memory_space<hbm>> -> memref<20224x64xf32, #tpu.memory_space<hbm>>
    tpu.enqueue_indirect_dma source(%dma_start3A_158 : memref<20224x64xf32, #tpu.memory_space<hbm>>) target(%arg16 : memref<128x64xf32, #tpu.memory_space<vmem>>) offsets(%arg10 : memref<128xi32, #tpu.memory_space<vmem>>) semaphore(%arg19 : memref<!tpu.dma_semaphore, #tpu.memory_space<semaphore_mem>>)
    %get3A_159 = arith.constant 128 : index
    %get3A_160 = tpu.vector_load %arg8[%get3A_159] {strides = array<i32>} : memref<20352xi32, #tpu.memory_space<vmem>>, vector<16xi32>,
    %get3A_161 = vector.shape_cast %get3A_160 : vector<16xi32> to vector<16xi32>
    %add3A_162 = vector.broadcast %mul3A_29 : i32 to vector<16xi32>
    %add3A_163 = arith.addi %get3A_161, %add3A_162 : vector<16xi32>
    %swap3A_164 = arith.constant 0 : index
    %swap3A_165 = tpu.vector_load %arg11[%swap3A_164] {strides = array<i32>} : memref<128xi32, #tpu.memory_space<vmem>>, vector<16xi32>,
    %swap3A_166 = vector.shape_cast %swap3A_165 : vector<16xi32> to vector<16xi32>
    %swap3A_167 = vector.shape_cast %add3A_163 : vector<16xi32> to vector<16xi32>
    tpu.vector_store %arg11[%swap3A_164], %swap3A_167 {strides = array<i32>} : memref<128xi32, #tpu.memory_space<vmem>>, vector<16xi32>,
    %get3A_168 = arith.constant 128 : index
    %get3A_169 = tpu.vector_load %arg7[%get3A_168] {strides = array<i32>} : memref<20352xi32, #tpu.memory_space<vmem>>, vector<16xi32>,
    %get3A_170 = vector.shape_cast %get3A_169 : vector<16xi32> to vector<16xi32>
    %swap3A_171 = arith.constant 0 : index
    %swap3A_172 = tpu.vector_load %arg14[%swap3A_171] {strides = array<i32>} : memref<128xi32, #tpu.memory_space<vmem>>, vector<16xi32>,
    %swap3A_173 = vector.shape_cast %swap3A_172 : vector<16xi32> to vector<16xi32>
    %swap3A_174 = vector.shape_cast %get3A_170 : vector<16xi32> to vector<16xi32>
    tpu.vector_store %arg14[%swap3A_171], %swap3A_174 {strides = array<i32>} : memref<128xi32, #tpu.memory_space<vmem>>, vector<16xi32>,
    %get3A_175 = arith.constant 144 : index
    %get3A_176 = tpu.vector_load %arg8[%get3A_175] {strides = array<i32>} : memref<20352xi32, #tpu.memory_space<vmem>>, vector<16xi32>,
    %get3A_177 = vector.shape_cast %get3A_176 : vector<16xi32> to vector<16xi32>
    %add3A_178 = vector.broadcast %mul3A_29 : i32 to vector<16xi32>
    %add3A_179 = arith.addi %get3A_177, %add3A_178 : vector<16xi32>
    %swap3A_180 = arith.constant 16 : index
    %swap3A_181 = tpu.vector_load %arg11[%swap3A_180] {strides = array<i32>} : memref<128xi32, #tpu.memory_space<vmem>>, vector<16xi32>,
    %swap3A_182 = vector.shape_cast %swap3A_181 : vector<16xi32> to vector<16xi32>
    %swap3A_183 = vector.shape_cast %add3A_179 : vector<16xi32> to vector<16xi32>
    tpu.vector_store %arg11[%swap3A_180], %swap3A_183 {strides = array<i32>} : memref<128xi32, #tpu.memory_space<vmem>>, vector<16xi32>,
    %get3A_184 = arith.constant 144 : index
    %get3A_185 = tpu.vector_load %arg7[%get3A_184] {strides = array<i32>} : memref<20352xi32, #tpu.memory_space<vmem>>, vector<16xi32>,
    %get3A_186 = vector.shape_cast %get3A_185 : vector<16xi32> to vector<16xi32>
    %swap3A_187 = arith.constant 16 : index
    %swap3A_188 = tpu.vector_load %arg14[%swap3A_187] {strides = array<i32>} : memref<128xi32, #tpu.memory_space<vmem>>, vector<16xi32>,
    %swap3A_189 = vector.shape_cast %swap3A_188 : vector<16xi32> to vector<16xi32>
    %swap3A_190 = vector.shape_cast %get3A_186 : vector<16xi32> to vector<16xi32>
    tpu.vector_store %arg14[%swap3A_187], %swap3A_190 {strides = array<i32>} : memref<128xi32, #tpu.memory_space<vmem>>, vector<16xi32>,
    %get3A_191 = arith.constant 160 : index
    %get3A_192 = tpu.vector_load %arg8[%get3A_191] {strides = array<i32>} : memref<20352xi32, #tpu.memory_space<vmem>>, vector<16xi32>,
    %get3A_193 = vector.shape_cast %get3A_192 : vector<16xi32> to vector<16xi32>
    %add3A_194 = vector.broadcast %mul3A_29 : i32 to vector<16xi32>
    %add3A_195 = arith.addi %get3A_193, %add3A_194 : vector<16xi32>
    %swap3A_196 = arith.constant 32 : index
    %swap3A_197 = tpu.vector_load %arg11[%swap3A_196] {strides = array<i32>} : memref<128xi32, #tpu.memory_space<vmem>>, vector<16xi32>,
    %swap3A_198 = vector.shape_cast %swap3A_197 : vector<16xi32> to vector<16xi32>
    %swap3A_199 = vector.shape_cast %add3A_195 : vector<16xi32> to vector<16xi32>
    tpu.vector_store %arg11[%swap3A_196], %swap3A_199 {strides = array<i32>} : memref<128xi32, #tpu.memory_space<vmem>>, vector<16xi32>,
    %get3A_200 = arith.constant 160 : index
    %get3A_201 = tpu.vector_load %arg7[%get3A_200] {strides = array<i32>} : memref<20352xi32, #tpu.memory_space<vmem>>, vector<16xi32>,
    %get3A_202 = vector.shape_cast %get3A_201 : vector<16xi32> to vector<16xi32>
    %swap3A_203 = arith.constant 32 : index
    %swap3A_204 = tpu.vector_load %arg14[%swap3A_203] {strides = array<i32>} : memref<128xi32, #tpu.memory_space<vmem>>, vector<16xi32>,
    %swap3A_205 = vector.shape_cast %swap3A_204 : vector<16xi32> to vector<16xi32>
    %swap3A_206 = vector.shape_cast %get3A_202 : vector<16xi32> to vector<16xi32>
    tpu.vector_store %arg14[%swap3A_203], %swap3A_206 {strides = array<i32>} : memref<128xi32, #tpu.memory_space<vmem>>, vector<16xi32>,
    %get3A_207 = arith.constant 176 : index
    %get3A_208 = tpu.vector_load %arg8[%get3A_207] {strides = array<i32>} : memref<20352xi32, #tpu.memory_space<vmem>>, vector<16xi32>,
    %get3A_209 = vector.shape_cast %get3A_208 : vector<16xi32> to vector<16xi32>
    %add3A_210 = vector.broadcast %mul3A_29 : i32 to vector<16xi32>
    %add3A_211 = arith.addi %get3A_209, %add3A_210 : vector<16xi32>
    %swap3A_212 = arith.constant 48 : index
    %swap3A_213 = tpu.vector_load %arg11[%swap3A_212] {strides = array<i32>} : memref<128xi32, #tpu.memory_space<vmem>>, vector<16xi32>,
    %swap3A_214 = vector.shape_cast %swap3A_213 : vector<16xi32> to vector<16xi32>
    %swap3A_215 = vector.shape_cast %add3A_211 : vector<16xi32> to vector<16xi32>
    tpu.vector_store %arg11[%swap3A_212], %swap3A_215 {strides = array<i32>} : memref<128xi32, #tpu.memory_space<vmem>>, vector<16xi32>,
    %get3A_216 = arith.constant 176 : index
    %get3A_217 = tpu.vector_load %arg7[%get3A_216] {strides = array<i32>} : memref<20352xi32, #tpu.memory_space<vmem>>, vector<16xi32>,
    %get3A_218 = vector.shape_cast %get3A_217 : vector<16xi32> to vector<16xi32>
    %swap3A_219 = arith.constant 48 : index
    %swap3A_220 = tpu.vector_load %arg14[%swap3A_219] {strides = array<i32>} : memref<128xi32, #tpu.memory_space<vmem>>, vector<16xi32>,
    %swap3A_221 = vector.shape_cast %swap3A_220 : vector<16xi32> to vector<16xi32>
    %swap3A_222 = vector.shape_cast %get3A_218 : vector<16xi32> to vector<16xi32>
    tpu.vector_store %arg14[%swap3A_219], %swap3A_222 {strides = array<i32>} : memref<128xi32, #tpu.memory_space<vmem>>, vector<16xi32>,
    %get3A_223 = arith.constant 192 : index
    %get3A_224 = tpu.vector_load %arg8[%get3A_223] {strides = array<i32>} : memref<20352xi32, #tpu.memory_space<vmem>>, vector<16xi32>,
    %get3A_225 = vector.shape_cast %get3A_224 : vector<16xi32> to vector<16xi32>
    %add3A_226 = vector.broadcast %mul3A_29 : i32 to vector<16xi32>
    %add3A_227 = arith.addi %get3A_225, %add3A_226 : vector<16xi32>
    %swap3A_228 = arith.constant 64 : index
    %swap3A_229 = tpu.vector_load %arg11[%swap3A_228] {strides = array<i32>} : memref<128xi32, #tpu.memory_space<vmem>>, vector<16xi32>,
    %swap3A_230 = vector.shape_cast %swap3A_229 : vector<16xi32> to vector<16xi32>
    %swap3A_231 = vector.shape_cast %add3A_227 : vector<16xi32> to vector<16xi32>
    tpu.vector_store %arg11[%swap3A_228], %swap3A_231 {strides = array<i32>} : memref<128xi32, #tpu.memory_space<vmem>>, vector<16xi32>,
    %get3A_232 = arith.constant 192 : index
    %get3A_233 = tpu.vector_load %arg7[%get3A_232] {strides = array<i32>} : memref<20352xi32, #tpu.memory_space<vmem>>, vector<16xi32>,
    %get3A_234 = vector.shape_cast %get3A_233 : vector<16xi32> to vector<16xi32>
    %swap3A_235 = arith.constant 64 : index
    %swap3A_236 = tpu.vector_load %arg14[%swap3A_235] {strides = array<i32>} : memref<128xi32, #tpu.memory_space<vmem>>, vector<16xi32>,
    %swap3A_237 = vector.shape_cast %swap3A_236 : vector<16xi32> to vector<16xi32>
    %swap3A_238 = vector.shape_cast %get3A_234 : vector<16xi32> to vector<16xi32>
    tpu.vector_store %arg14[%swap3A_235], %swap3A_238 {strides = array<i32>} : memref<128xi32, #tpu.memory_space<vmem>>, vector<16xi32>,
    %get3A_239 = arith.constant 208 : index
    %get3A_240 = tpu.vector_load %arg8[%get3A_239] {strides = array<i32>} : memref<20352xi32, #tpu.memory_space<vmem>>, vector<16xi32>,
    %get3A_241 = vector.shape_cast %get3A_240 : vector<16xi32> to vector<16xi32>
    %add3A_242 = vector.broadcast %mul3A_29 : i32 to vector<16xi32>
    %add3A_243 = arith.addi %get3A_241, %add3A_242 : vector<16xi32>
    %swap3A_244 = arith.constant 80 : index
    %swap3A_245 = tpu.vector_load %arg11[%swap3A_244] {strides = array<i32>} : memref<128xi32, #tpu.memory_space<vmem>>, vector<16xi32>,
    %swap3A_246 = vector.shape_cast %swap3A_245 : vector<16xi32> to vector<16xi32>
    %swap3A_247 = vector.shape_cast %add3A_243 : vector<16xi32> to vector<16xi32>
    tpu.vector_store %arg11[%swap3A_244], %swap3A_247 {strides = array<i32>} : memref<128xi32, #tpu.memory_space<vmem>>, vector<16xi32>,
    %get3A_248 = arith.constant 208 : index
    %get3A_249 = tpu.vector_load %arg7[%get3A_248] {strides = array<i32>} : memref<20352xi32, #tpu.memory_space<vmem>>, vector<16xi32>,
    %get3A_250 = vector.shape_cast %get3A_249 : vector<16xi32> to vector<16xi32>
    %swap3A_251 = arith.constant 80 : index
    %swap3A_252 = tpu.vector_load %arg14[%swap3A_251] {strides = array<i32>} : memref<128xi32, #tpu.memory_space<vmem>>, vector<16xi32>,
    %swap3A_253 = vector.shape_cast %swap3A_252 : vector<16xi32> to vector<16xi32>
    %swap3A_254 = vector.shape_cast %get3A_250 : vector<16xi32> to vector<16xi32>
    tpu.vector_store %arg14[%swap3A_251], %swap3A_254 {strides = array<i32>} : memref<128xi32, #tpu.memory_space<vmem>>, vector<16xi32>,
    %get3A_255 = arith.constant 224 : index
    %get3A_256 = tpu.vector_load %arg8[%get3A_255] {strides = array<i32>} : memref<20352xi32, #tpu.memory_space<vmem>>, vector<16xi32>,
    %get3A_257 = vector.shape_cast %get3A_256 : vector<16xi32> to vector<16xi32>
    %add3A_258 = vector.broadcast %mul3A_29 : i32 to vector<16xi32>
    %add3A_259 = arith.addi %get3A_257, %add3A_258 : vector<16xi32>
    %swap3A_260 = arith.constant 96 : index
    %swap3A_261 = tpu.vector_load %arg11[%swap3A_260] {strides = array<i32>} : memref<128xi32, #tpu.memory_space<vmem>>, vector<16xi32>,
    %swap3A_262 = vector.shape_cast %swap3A_261 : vector<16xi32> to vector<16xi32>
    %swap3A_263 = vector.shape_cast %add3A_259 : vector<16xi32> to vector<16xi32>
    tpu.vector_store %arg11[%swap3A_260], %swap3A_263 {strides = array<i32>} : memref<128xi32, #tpu.memory_space<vmem>>, vector<16xi32>,
    %get3A_264 = arith.constant 224 : index
    %get3A_265 = tpu.vector_load %arg7[%get3A_264] {strides = array<i32>} : memref<20352xi32, #tpu.memory_space<vmem>>, vector<16xi32>,
    %get3A_266 = vector.shape_cast %get3A_265 : vector<16xi32> to vector<16xi32>
    %swap3A_267 = arith.constant 96 : index
    %swap3A_268 = tpu.vector_load %arg14[%swap3A_267] {strides = array<i32>} : memref<128xi32, #tpu.memory_space<vmem>>, vector<16xi32>,
    %swap3A_269 = vector.shape_cast %swap3A_268 : vector<16xi32> to vector<16xi32>
    %swap3A_270 = vector.shape_cast %get3A_266 : vector<16xi32> to vector<16xi32>
    tpu.vector_store %arg14[%swap3A_267], %swap3A_270 {strides = array<i32>} : memref<128xi32, #tpu.memory_space<vmem>>, vector<16xi32>,
    %get3A_271 = arith.constant 240 : index
    %get3A_272 = tpu.vector_load %arg8[%get3A_271] {strides = array<i32>} : memref<20352xi32, #tpu.memory_space<vmem>>, vector<16xi32>,
    %get3A_273 = vector.shape_cast %get3A_272 : vector<16xi32> to vector<16xi32>
    %add3A_274 = vector.broadcast %mul3A_29 : i32 to vector<16xi32>
    %add3A_275 = arith.addi %get3A_273, %add3A_274 : vector<16xi32>
    %swap3A_276 = arith.constant 112 : index
    %swap3A_277 = tpu.vector_load %arg11[%swap3A_276] {strides = array<i32>} : memref<128xi32, #tpu.memory_space<vmem>>, vector<16xi32>,
    %swap3A_278 = vector.shape_cast %swap3A_277 : vector<16xi32> to vector<16xi32>
    %swap3A_279 = vector.shape_cast %add3A_275 : vector<16xi32> to vector<16xi32>
    tpu.vector_store %arg11[%swap3A_276], %swap3A_279 {strides = array<i32>} : memref<128xi32, #tpu.memory_space<vmem>>, vector<16xi32>,
    %get3A_280 = arith.constant 240 : index
    %get3A_281 = tpu.vector_load %arg7[%get3A_280] {strides = array<i32>} : memref<20352xi32, #tpu.memory_space<vmem>>, vector<16xi32>,
    %get3A_282 = vector.shape_cast %get3A_281 : vector<16xi32> to vector<16xi32>
    %swap3A_283 = arith.constant 112 : index
    %swap3A_284 = tpu.vector_load %arg14[%swap3A_283] {strides = array<i32>} : memref<128xi32, #tpu.memory_space<vmem>>, vector<16xi32>,
    %swap3A_285 = vector.shape_cast %swap3A_284 : vector<16xi32> to vector<16xi32>
    %swap3A_286 = vector.shape_cast %get3A_282 : vector<16xi32> to vector<16xi32>
    tpu.vector_store %arg14[%swap3A_283], %swap3A_286 {strides = array<i32>} : memref<128xi32, #tpu.memory_space<vmem>>, vector<16xi32>,
    %dma_start3A_287 = arith.constant 0 : i32
    %dma_start3A_288 = arith.constant 0 : i32
    %dma_start3A_289 = tpu.memref_slice %arg2[%dma_start3A_287, %dma_start3A_288] : memref<20224x64xf32, #tpu.memory_space<hbm>> -> memref<20224x64xf32, #tpu.memory_space<hbm>>
    tpu.enqueue_indirect_dma source(%dma_start3A_289 : memref<20224x64xf32, #tpu.memory_space<hbm>>) target(%arg17 : memref<128x64xf32, #tpu.memory_space<vmem>>) offsets(%arg11 : memref<128xi32, #tpu.memory_space<vmem>>) semaphore(%arg20 : memref<!tpu.dma_semaphore, #tpu.memory_space<semaphore_mem>>)
    %scan3A_290 = arith.constant 0 : i32
    %scan3A_291 = arith.constant 0 : i32
    %scan3A_292 = arith.constant 53 : i32
    %scan3A_293 = arith.addi %scan3A_291, %scan3A_292 : i32
    %scan3A_294 = arith.constant 1 : i32
    scf.for %scan3A_307 = %scan3A_291 to %scan3A_293 step %scan3A_294  : i32 {
      %mul3A_308 = arith.constant 3 : i32
      %mul3A_309 = arith.muli %scan3A_307, %mul3A_308 : i32
      %add3A_310 = arith.constant 0 : i32
      %add3A_311 = arith.addi %mul3A_309, %add3A_310 : i32
      %dma_wait3A_312 = arith.constant 0 : i32
      %dma_wait3A_313 = arith.constant 0 : i32
      %dma_wait3A_314 = tpu.memref_slice %arg2[%dma_wait3A_312, %dma_wait3A_313] : memref<20224x64xf32, #tpu.memory_space<hbm>> -> memref<20224x64xf32, #tpu.memory_space<hbm>>
      tpu.wait_indirect_dma semaphore(%arg19 : memref<!tpu.dma_semaphore, #tpu.memory_space<semaphore_mem>>) src(%dma_wait3A_314 : memref<20224x64xf32, #tpu.memory_space<hbm>>) dst(%arg16 : memref<128x64xf32, #tpu.memory_space<vmem>>)
      %mul3A_315 = arith.constant 128 : i32
      %mul3A_316 = arith.muli %add3A_311, %mul3A_315 : i32
      %scan3A_317 = arith.constant 0 : i32
      %scan3A_318 = arith.constant 0 : i32
      %scan3A_319 = arith.constant 8 : i32
      %scan3A_320 = arith.addi %scan3A_318, %scan3A_319 : i32
      %scan3A_321 = arith.constant 1 : i32
      scf.for %scan3A_533 = %scan3A_318 to %scan3A_320 step %scan3A_321  : i32 {
        %mul3A_534 = arith.constant 16 : i32
        %mul3A_535 = arith.muli %scan3A_533, %mul3A_534 : i32
        %add3A_536 = arith.addi %mul3A_316, %mul3A_535 : i32
        %get3A_537 = arith.index_cast %add3A_536 : i32 to index
        %get3A_538 = tpu.vector_load %arg9[%get3A_537] {strides = array<i32>} : memref<20352xf32, #tpu.memory_space<vmem>>, vector<16xf32>,
        %get3A_539 = vector.shape_cast %get3A_538 : vector<16xf32> to vector<16xf32>
        %slice3A = vector.extract_strided_slice %get3A_539 {offsets = [0], sizes = [1], strides = [1]} : vector<16xf32> to vector<1xf32>
        %squeeze3A = vector.extract %slice3A[0] : f32 from vector<1xf32>
        %add3A_540 = arith.constant 0 : i32
        %add3A_541 = arith.addi %mul3A_535, %add3A_540 : i32
        %get3A_542 = arith.index_cast %add3A_541 : i32 to index
        %get3A_543 = arith.constant 0 : index
        %get3A_544 = tpu.vector_load %arg16[%get3A_542, %get3A_543] {strides = array<i32>} : memref<128x64xf32, #tpu.memory_space<vmem>>, vector<1x16xf32>,
        %get3A_545 = vector.shape_cast %get3A_544 : vector<1x16xf32> to vector<16xf32>
        %mul3A_546 = vector.broadcast %squeeze3A : f32 to vector<16xf32>
        %mul3A_547 = arith.mulf %get3A_545, %mul3A_546 : vector<16xf32>
        %add3A_548 = arith.constant 0 : i32
        %add3A_549 = arith.addi %mul3A_535, %add3A_548 : i32
        %swap3A_550 = arith.index_cast %add3A_549 : i32 to index
        %swap3A_551 = arith.constant 0 : index
        %swap3A_552 = tpu.vector_load %arg16[%swap3A_550, %swap3A_551] {strides = array<i32>} : memref<128x64xf32, #tpu.memory_space<vmem>>, vector<1x16xf32>,
        %swap3A_553 = vector.shape_cast %swap3A_552 : vector<1x16xf32> to vector<16xf32>
        %swap3A_554 = vector.shape_cast %mul3A_547 : vector<16xf32> to vector<1x16xf32>
        tpu.vector_store %arg16[%swap3A_550, %swap3A_551], %swap3A_554 {strides = array<i32>} : memref<128x64xf32, #tpu.memory_space<vmem>>, vector<1x16xf32>,
        %add3A_555 = arith.constant 0 : i32
        %add3A_556 = arith.addi %mul3A_535, %add3A_555 : i32
        %get3A_557 = arith.index_cast %add3A_556 : i32 to index
        %get3A_558 = arith.constant 16 : index
        %get3A_559 = tpu.vector_load %arg16[%get3A_557, %get3A_558] {strides = array<i32>} : memref<128x64xf32, #tpu.memory_space<vmem>>, vector<1x16xf32>,
        %get3A_560 = vector.shape_cast %get3A_559 : vector<1x16xf32> to vector<16xf32>
        %mul3A_561 = vector.broadcast %squeeze3A : f32 to vector<16xf32>
        %mul3A_562 = arith.mulf %get3A_560, %mul3A_561 : vector<16xf32>
        %add3A_563 = arith.constant 0 : i32
        %add3A_564 = arith.addi %mul3A_535, %add3A_563 : i32
        %swap3A_565 = arith.index_cast %add3A_564 : i32 to index
        %swap3A_566 = arith.constant 16 : index
        %swap3A_567 = tpu.vector_load %arg16[%swap3A_565, %swap3A_566] {strides = array<i32>} : memref<128x64xf32, #tpu.memory_space<vmem>>, vector<1x16xf32>,
        %swap3A_568 = vector.shape_cast %swap3A_567 : vector<1x16xf32> to vector<16xf32>
        %swap3A_569 = vector.shape_cast %mul3A_562 : vector<16xf32> to vector<1x16xf32>
        tpu.vector_store %arg16[%swap3A_565, %swap3A_566], %swap3A_569 {strides = array<i32>} : memref<128x64xf32, #tpu.memory_space<vmem>>, vector<1x16xf32>,
        %add3A_570 = arith.constant 0 : i32
        %add3A_571 = arith.addi %mul3A_535, %add3A_570 : i32
        %get3A_572 = arith.index_cast %add3A_571 : i32 to index
        %get3A_573 = arith.constant 32 : index
        %get3A_574 = tpu.vector_load %arg16[%get3A_572, %get3A_573] {strides = array<i32>} : memref<128x64xf32, #tpu.memory_space<vmem>>, vector<1x16xf32>,
        %get3A_575 = vector.shape_cast %get3A_574 : vector<1x16xf32> to vector<16xf32>
        %mul3A_576 = vector.broadcast %squeeze3A : f32 to vector<16xf32>
        %mul3A_577 = arith.mulf %get3A_575, %mul3A_576 : vector<16xf32>
        %add3A_578 = arith.constant 0 : i32
        %add3A_579 = arith.addi %mul3A_535, %add3A_578 : i32
        %swap3A_580 = arith.index_cast %add3A_579 : i32 to index
        %swap3A_581 = arith.constant 32 : index
        %swap3A_582 = tpu.vector_load %arg16[%swap3A_580, %swap3A_581] {strides = array<i32>} : memref<128x64xf32, #tpu.memory_space<vmem>>, vector<1x16xf32>,
        %swap3A_583 = vector.shape_cast %swap3A_582 : vector<1x16xf32> to vector<16xf32>
        %swap3A_584 = vector.shape_cast %mul3A_577 : vector<16xf32> to vector<1x16xf32>
        tpu.vector_store %arg16[%swap3A_580, %swap3A_581], %swap3A_584 {strides = array<i32>} : memref<128x64xf32, #tpu.memory_space<vmem>>, vector<1x16xf32>,
        %add3A_585 = arith.constant 0 : i32
        %add3A_586 = arith.addi %mul3A_535, %add3A_585 : i32
        %get3A_587 = arith.index_cast %add3A_586 : i32 to index
        %get3A_588 = arith.constant 48 : index
        %get3A_589 = tpu.vector_load %arg16[%get3A_587, %get3A_588] {strides = array<i32>} : memref<128x64xf32, #tpu.memory_space<vmem>>, vector<1x16xf32>,
        %get3A_590 = vector.shape_cast %get3A_589 : vector<1x16xf32> to vector<16xf32>
        %mul3A_591 = vector.broadcast %squeeze3A : f32 to vector<16xf32>
        %mul3A_592 = arith.mulf %get3A_590, %mul3A_591 : vector<16xf32>
        %add3A_593 = arith.constant 0 : i32
        %add3A_594 = arith.addi %mul3A_535, %add3A_593 : i32
        %swap3A_595 = arith.index_cast %add3A_594 : i32 to index
        %swap3A_596 = arith.constant 48 : index
        %swap3A_597 = tpu.vector_load %arg16[%swap3A_595, %swap3A_596] {strides = array<i32>} : memref<128x64xf32, #tpu.memory_space<vmem>>, vector<1x16xf32>,
        %swap3A_598 = vector.shape_cast %swap3A_597 : vector<1x16xf32> to vector<16xf32>
        %swap3A_599 = vector.shape_cast %mul3A_592 : vector<16xf32> to vector<1x16xf32>
        tpu.vector_store %arg16[%swap3A_595, %swap3A_596], %swap3A_599 {strides = array<i32>} : memref<128x64xf32, #tpu.memory_space<vmem>>, vector<1x16xf32>,
        %slice3A_600 = vector.extract_strided_slice %get3A_539 {offsets = [1], sizes = [1], strides = [1]} : vector<16xf32> to vector<1xf32>
        %squeeze3A_601 = vector.extract %slice3A_600[0] : f32 from vector<1xf32>
        %add3A_602 = arith.constant 1 : i32
        %add3A_603 = arith.addi %mul3A_535, %add3A_602 : i32
        %get3A_604 = arith.index_cast %add3A_603 : i32 to index
        %get3A_605 = arith.constant 0 : index
        %get3A_606 = tpu.vector_load %arg16[%get3A_604, %get3A_605] {strides = array<i32>} : memref<128x64xf32, #tpu.memory_space<vmem>>, vector<1x16xf32>,
        %get3A_607 = vector.shape_cast %get3A_606 : vector<1x16xf32> to vector<16xf32>
        %mul3A_608 = vector.broadcast %squeeze3A_601 : f32 to vector<16xf32>
        %mul3A_609 = arith.mulf %get3A_607, %mul3A_608 : vector<16xf32>
        %add3A_610 = arith.constant 1 : i32
        %add3A_611 = arith.addi %mul3A_535, %add3A_610 : i32
        %swap3A_612 = arith.index_cast %add3A_611 : i32 to index
        %swap3A_613 = arith.constant 0 : index
        %swap3A_614 = tpu.vector_load %arg16[%swap3A_612, %swap3A_613] {strides = array<i32>} : memref<128x64xf32, #tpu.memory_space<vmem>>, vector<1x16xf32>,
        %swap3A_615 = vector.shape_cast %swap3A_614 : vector<1x16xf32> to vector<16xf32>
        %swap3A_616 = vector.shape_cast %mul3A_609 : vector<16xf32> to vector<1x16xf32>
        tpu.vector_store %arg16[%swap3A_612, %swap3A_613], %swap3A_616 {strides = array<i32>} : memref<128x64xf32, #tpu.memory_space<vmem>>, vector<1x16xf32>,
        %add3A_617 = arith.constant 1 : i32
        %add3A_618 = arith.addi %mul3A_535, %add3A_617 : i32
        %get3A_619 = arith.index_cast %add3A_618 : i32 to index
        %get3A_620 = arith.constant 16 : index
        %get3A_621 = tpu.vector_load %arg16[%get3A_619, %get3A_620] {strides = array<i32>} : memref<128x64xf32, #tpu.memory_space<vmem>>, vector<1x16xf32>,
        %get3A_622 = vector.shape_cast %get3A_621 : vector<1x16xf32> to vector<16xf32>
        %mul3A_623 = vector.broadcast %squeeze3A_601 : f32 to vector<16xf32>
        %mul3A_624 = arith.mulf %get3A_622, %mul3A_623 : vector<16xf32>
        %add3A_625 = arith.constant 1 : i32
        %add3A_626 = arith.addi %mul3A_535, %add3A_625 : i32
        %swap3A_627 = arith.index_cast %add3A_626 : i32 to index
        %swap3A_628 = arith.constant 16 : index
        %swap3A_629 = tpu.vector_load %arg16[%swap3A_627, %swap3A_628] {strides = array<i32>} : memref<128x64xf32, #tpu.memory_space<vmem>>, vector<1x16xf32>,
        %swap3A_630 = vector.shape_cast %swap3A_629 : vector<1x16xf32> to vector<16xf32>
        %swap3A_631 = vector.shape_cast %mul3A_624 : vector<16xf32> to vector<1x16xf32>
        tpu.vector_store %arg16[%swap3A_627, %swap3A_628], %swap3A_631 {strides = array<i32>} : memref<128x64xf32, #tpu.memory_space<vmem>>, vector<1x16xf32>,
        %add3A_632 = arith.constant 1 : i32
        %add3A_633 = arith.addi %mul3A_535, %add3A_632 : i32
        %get3A_634 = arith.index_cast %add3A_633 : i32 to index
        %get3A_635 = arith.constant 32 : index
        %get3A_636 = tpu.vector_load %arg16[%get3A_634, %get3A_635] {strides = array<i32>} : memref<128x64xf32, #tpu.memory_space<vmem>>, vector<1x16xf32>,
        %get3A_637 = vector.shape_cast %get3A_636 : vector<1x16xf32> to vector<16xf32>
        %mul3A_638 = vector.broadcast %squeeze3A_601 : f32 to vector<16xf32>
        %mul3A_639 = arith.mulf %get3A_637, %mul3A_638 : vector<16xf32>
        %add3A_640 = arith.constant 1 : i32
        %add3A_641 = arith.addi %mul3A_535, %add3A_640 : i32
        %swap3A_642 = arith.index_cast %add3A_641 : i32 to index
        %swap3A_643 = arith.constant 32 : index
        %swap3A_644 = tpu.vector_load %arg16[%swap3A_642, %swap3A_643] {strides = array<i32>} : memref<128x64xf32, #tpu.memory_space<vmem>>, vector<1x16xf32>,
        %swap3A_645 = vector.shape_cast %swap3A_644 : vector<1x16xf32> to vector<16xf32>
        %swap3A_646 = vector.shape_cast %mul3A_639 : vector<16xf32> to vector<1x16xf32>
        tpu.vector_store %arg16[%swap3A_642, %swap3A_643], %swap3A_646 {strides = array<i32>} : memref<128x64xf32, #tpu.memory_space<vmem>>, vector<1x16xf32>,
        %add3A_647 = arith.constant 1 : i32
        %add3A_648 = arith.addi %mul3A_535, %add3A_647 : i32
        %get3A_649 = arith.index_cast %add3A_648 : i32 to index
        %get3A_650 = arith.constant 48 : index
        %get3A_651 = tpu.vector_load %arg16[%get3A_649, %get3A_650] {strides = array<i32>} : memref<128x64xf32, #tpu.memory_space<vmem>>, vector<1x16xf32>,
        %get3A_652 = vector.shape_cast %get3A_651 : vector<1x16xf32> to vector<16xf32>
        %mul3A_653 = vector.broadcast %squeeze3A_601 : f32 to vector<16xf32>
        %mul3A_654 = arith.mulf %get3A_652, %mul3A_653 : vector<16xf32>
        %add3A_655 = arith.constant 1 : i32
        %add3A_656 = arith.addi %mul3A_535, %add3A_655 : i32
        %swap3A_657 = arith.index_cast %add3A_656 : i32 to index
        %swap3A_658 = arith.constant 48 : index
        %swap3A_659 = tpu.vector_load %arg16[%swap3A_657, %swap3A_658] {strides = array<i32>} : memref<128x64xf32, #tpu.memory_space<vmem>>, vector<1x16xf32>,
        %swap3A_660 = vector.shape_cast %swap3A_659 : vector<1x16xf32> to vector<16xf32>
        %swap3A_661 = vector.shape_cast %mul3A_654 : vector<16xf32> to vector<1x16xf32>
        tpu.vector_store %arg16[%swap3A_657, %swap3A_658], %swap3A_661 {strides = array<i32>} : memref<128x64xf32, #tpu.memory_space<vmem>>, vector<1x16xf32>,
        %slice3A_662 = vector.extract_strided_slice %get3A_539 {offsets = [2], sizes = [1], strides = [1]} : vector<16xf32> to vector<1xf32>
        %squeeze3A_663 = vector.extract %slice3A_662[0] : f32 from vector<1xf32>
        %add3A_664 = arith.constant 2 : i32
        %add3A_665 = arith.addi %mul3A_535, %add3A_664 : i32
        %get3A_666 = arith.index_cast %add3A_665 : i32 to index
        %get3A_667 = arith.constant 0 : index
        %get3A_668 = tpu.vector_load %arg16[%get3A_666, %get3A_667] {strides = array<i32>} : memref<128x64xf32, #tpu.memory_space<vmem>>, vector<1x16xf32>,
        %get3A_669 = vector.shape_cast %get3A_668 : vector<1x16xf32> to vector<16xf32>
        %mul3A_670 = vector.broadcast %squeeze3A_663 : f32 to vector<16xf32>
        %mul3A_671 = arith.mulf %get3A_669, %mul3A_670 : vector<16xf32>
        %add3A_672 = arith.constant 2 : i32
        %add3A_673 = arith.addi %mul3A_535, %add3A_672 : i32
        %swap3A_674 = arith.index_cast %add3A_673 : i32 to index
        %swap3A_675 = arith.constant 0 : index
        %swap3A_676 = tpu.vector_load %arg16[%swap3A_674, %swap3A_675] {strides = array<i32>} : memref<128x64xf32, #tpu.memory_space<vmem>>, vector<1x16xf32>,
        %swap3A_677 = vector.shape_cast %swap3A_676 : vector<1x16xf32> to vector<16xf32>
        %swap3A_678 = vector.shape_cast %mul3A_671 : vector<16xf32> to vector<1x16xf32>
        tpu.vector_store %arg16[%swap3A_674, %swap3A_675], %swap3A_678 {strides = array<i32>} : memref<128x64xf32, #tpu.memory_space<vmem>>, vector<1x16xf32>,
        %add3A_679 = arith.constant 2 : i32
        %add3A_680 = arith.addi %mul3A_535, %add3A_679 : i32
        %get3A_681 = arith.index_cast %add3A_680 : i32 to index
        %get3A_682 = arith.constant 16 : index
        %get3A_683 = tpu.vector_load %arg16[%get3A_681, %get3A_682] {strides = array<i32>} : memref<128x64xf32, #tpu.memory_space<vmem>>, vector<1x16xf32>,
        %get3A_684 = vector.shape_cast %get3A_683 : vector<1x16xf32> to vector<16xf32>
        %mul3A_685 = vector.broadcast %squeeze3A_663 : f32 to vector<16xf32>
        %mul3A_686 = arith.mulf %get3A_684, %mul3A_685 : vector<16xf32>
        %add3A_687 = arith.constant 2 : i32
        %add3A_688 = arith.addi %mul3A_535, %add3A_687 : i32
        %swap3A_689 = arith.index_cast %add3A_688 : i32 to index
        %swap3A_690 = arith.constant 16 : index
        %swap3A_691 = tpu.vector_load %arg16[%swap3A_689, %swap3A_690] {strides = array<i32>} : memref<128x64xf32, #tpu.memory_space<vmem>>, vector<1x16xf32>,
        %swap3A_692 = vector.shape_cast %swap3A_691 : vector<1x16xf32> to vector<16xf32>
        %swap3A_693 = vector.shape_cast %mul3A_686 : vector<16xf32> to vector<1x16xf32>
        tpu.vector_store %arg16[%swap3A_689, %swap3A_690], %swap3A_693 {strides = array<i32>} : memref<128x64xf32, #tpu.memory_space<vmem>>, vector<1x16xf32>,
        %add3A_694 = arith.constant 2 : i32
        %add3A_695 = arith.addi %mul3A_535, %add3A_694 : i32
        %get3A_696 = arith.index_cast %add3A_695 : i32 to index
        %get3A_697 = arith.constant 32 : index
        %get3A_698 = tpu.vector_load %arg16[%get3A_696, %get3A_697] {strides = array<i32>} : memref<128x64xf32, #tpu.memory_space<vmem>>, vector<1x16xf32>,
        %get3A_699 = vector.shape_cast %get3A_698 : vector<1x16xf32> to vector<16xf32>
        %mul3A_700 = vector.broadcast %squeeze3A_663 : f32 to vector<16xf32>
        %mul3A_701 = arith.mulf %get3A_699, %mul3A_700 : vector<16xf32>
        %add3A_702 = arith.constant 2 : i32
        %add3A_703 = arith.addi %mul3A_535, %add3A_702 : i32
        %swap3A_704 = arith.index_cast %add3A_703 : i32 to index
        %swap3A_705 = arith.constant 32 : index
        %swap3A_706 = tpu.vector_load %arg16[%swap3A_704, %swap3A_705] {strides = array<i32>} : memref<128x64xf32, #tpu.memory_space<vmem>>, vector<1x16xf32>,
        %swap3A_707 = vector.shape_cast %swap3A_706 : vector<1x16xf32> to vector<16xf32>
        %swap3A_708 = vector.shape_cast %mul3A_701 : vector<16xf32> to vector<1x16xf32>
        tpu.vector_store %arg16[%swap3A_704, %swap3A_705], %swap3A_708 {strides = array<i32>} : memref<128x64xf32, #tpu.memory_space<vmem>>, vector<1x16xf32>,
        %add3A_709 = arith.constant 2 : i32
        %add3A_710 = arith.addi %mul3A_535, %add3A_709 : i32
        %get3A_711 = arith.index_cast %add3A_710 : i32 to index
        %get3A_712 = arith.constant 48 : index
        %get3A_713 = tpu.vector_load %arg16[%get3A_711, %get3A_712] {strides = array<i32>} : memref<128x64xf32, #tpu.memory_space<vmem>>, vector<1x16xf32>,
        %get3A_714 = vector.shape_cast %get3A_713 : vector<1x16xf32> to vector<16xf32>
        %mul3A_715 = vector.broadcast %squeeze3A_663 : f32 to vector<16xf32>
        %mul3A_716 = arith.mulf %get3A_714, %mul3A_715 : vector<16xf32>
        %add3A_717 = arith.constant 2 : i32
        %add3A_718 = arith.addi %mul3A_535, %add3A_717 : i32
        %swap3A_719 = arith.index_cast %add3A_718 : i32 to index
        %swap3A_720 = arith.constant 48 : index
        %swap3A_721 = tpu.vector_load %arg16[%swap3A_719, %swap3A_720] {strides = array<i32>} : memref<128x64xf32, #tpu.memory_space<vmem>>, vector<1x16xf32>,
        %swap3A_722 = vector.shape_cast %swap3A_721 : vector<1x16xf32> to vector<16xf32>
        %swap3A_723 = vector.shape_cast %mul3A_716 : vector<16xf32> to vector<1x16xf32>
        tpu.vector_store %arg16[%swap3A_719, %swap3A_720], %swap3A_723 {strides = array<i32>} : memref<128x64xf32, #tpu.memory_space<vmem>>, vector<1x16xf32>,
        %slice3A_724 = vector.extract_strided_slice %get3A_539 {offsets = [3], sizes = [1], strides = [1]} : vector<16xf32> to vector<1xf32>
        %squeeze3A_725 = vector.extract %slice3A_724[0] : f32 from vector<1xf32>
        %add3A_726 = arith.constant 3 : i32
        %add3A_727 = arith.addi %mul3A_535, %add3A_726 : i32
        %get3A_728 = arith.index_cast %add3A_727 : i32 to index
        %get3A_729 = arith.constant 0 : index
        %get3A_730 = tpu.vector_load %arg16[%get3A_728, %get3A_729] {strides = array<i32>} : memref<128x64xf32, #tpu.memory_space<vmem>>, vector<1x16xf32>,
        %get3A_731 = vector.shape_cast %get3A_730 : vector<1x16xf32> to vector<16xf32>
        %mul3A_732 = vector.broadcast %squeeze3A_725 : f32 to vector<16xf32>
        %mul3A_733 = arith.mulf %get3A_731, %mul3A_732 : vector<16xf32>
        %add3A_734 = arith.constant 3 : i32
        %add3A_735 = arith.addi %mul3A_535, %add3A_734 : i32
        %swap3A_736 = arith.index_cast %add3A_735 : i32 to index
        %swap3A_737 = arith.constant 0 : index
        %swap3A_738 = tpu.vector_load %arg16[%swap3A_736, %swap3A_737] {strides = array<i32>} : memref<128x64xf32, #tpu.memory_space<vmem>>, vector<1x16xf32>,
        %swap3A_739 = vector.shape_cast %swap3A_738 : vector<1x16xf32> to vector<16xf32>
        %swap3A_740 = vector.shape_cast %mul3A_733 : vector<16xf32> to vector<1x16xf32>
        tpu.vector_store %arg16[%swap3A_736, %swap3A_737], %swap3A_740 {strides = array<i32>} : memref<128x64xf32, #tpu.memory_space<vmem>>, vector<1x16xf32>,
        %add3A_741 = arith.constant 3 : i32
        %add3A_742 = arith.addi %mul3A_535, %add3A_741 : i32
        %get3A_743 = arith.index_cast %add3A_742 : i32 to index
        %get3A_744 = arith.constant 16 : index
        %get3A_745 = tpu.vector_load %arg16[%get3A_743, %get3A_744] {strides = array<i32>} : memref<128x64xf32, #tpu.memory_space<vmem>>, vector<1x16xf32>,
        %get3A_746 = vector.shape_cast %get3A_745 : vector<1x16xf32> to vector<16xf32>
        %mul3A_747 = vector.broadcast %squeeze3A_725 : f32 to vector<16xf32>
        %mul3A_748 = arith.mulf %get3A_746, %mul3A_747 : vector<16xf32>
        %add3A_749 = arith.constant 3 : i32
        %add3A_750 = arith.addi %mul3A_535, %add3A_749 : i32
        %swap3A_751 = arith.index_cast %add3A_750 : i32 to index
        %swap3A_752 = arith.constant 16 : index
        %swap3A_753 = tpu.vector_load %arg16[%swap3A_751, %swap3A_752] {strides = array<i32>} : memref<128x64xf32, #tpu.memory_space<vmem>>, vector<1x16xf32>,
        %swap3A_754 = vector.shape_cast %swap3A_753 : vector<1x16xf32> to vector<16xf32>
        %swap3A_755 = vector.shape_cast %mul3A_748 : vector<16xf32> to vector<1x16xf32>
        tpu.vector_store %arg16[%swap3A_751, %swap3A_752], %swap3A_755 {strides = array<i32>} : memref<128x64xf32, #tpu.memory_space<vmem>>, vector<1x16xf32>,
        %add3A_756 = arith.constant 3 : i32
        %add3A_757 = arith.addi %mul3A_535, %add3A_756 : i32
        %get3A_758 = arith.index_cast %add3A_757 : i32 to index
        %get3A_759 = arith.constant 32 : index
        %get3A_760 = tpu.vector_load %arg16[%get3A_758, %get3A_759] {strides = array<i32>} : memref<128x64xf32, #tpu.memory_space<vmem>>, vector<1x16xf32>,
        %get3A_761 = vector.shape_cast %get3A_760 : vector<1x16xf32> to vector<16xf32>
        %mul3A_762 = vector.broadcast %squeeze3A_725 : f32 to vector<16xf32>
        %mul3A_763 = arith.mulf %get3A_761, %mul3A_762 : vector<16xf32>
        %add3A_764 = arith.constant 3 : i32
        %add3A_765 = arith.addi %mul3A_535, %add3A_764 : i32
        %swap3A_766 = arith.index_cast %add3A_765 : i32 to index
        %swap3A_767 = arith.constant 32 : index
        %swap3A_768 = tpu.vector_load %arg16[%swap3A_766, %swap3A_767] {strides = array<i32>} : memref<128x64xf32, #tpu.memory_space<vmem>>, vector<1x16xf32>,
        %swap3A_769 = vector.shape_cast %swap3A_768 : vector<1x16xf32> to vector<16xf32>
        %swap3A_770 = vector.shape_cast %mul3A_763 : vector<16xf32> to vector<1x16xf32>
        tpu.vector_store %arg16[%swap3A_766, %swap3A_767], %swap3A_770 {strides = array<i32>} : memref<128x64xf32, #tpu.memory_space<vmem>>, vector<1x16xf32>,
        %add3A_771 = arith.constant 3 : i32
        %add3A_772 = arith.addi %mul3A_535, %add3A_771 : i32
        %get3A_773 = arith.index_cast %add3A_772 : i32 to index
        %get3A_774 = arith.constant 48 : index
        %get3A_775 = tpu.vector_load %arg16[%get3A_773, %get3A_774] {strides = array<i32>} : memref<128x64xf32, #tpu.memory_space<vmem>>, vector<1x16xf32>,
        %get3A_776 = vector.shape_cast %get3A_775 : vector<1x16xf32> to vector<16xf32>
        %mul3A_777 = vector.broadcast %squeeze3A_725 : f32 to vector<16xf32>
        %mul3A_778 = arith.mulf %get3A_776, %mul3A_777 : vector<16xf32>
        %add3A_779 = arith.constant 3 : i32
        %add3A_780 = arith.addi %mul3A_535, %add3A_779 : i32
        %swap3A_781 = arith.index_cast %add3A_780 : i32 to index
        %swap3A_782 = arith.constant 48 : index
        %swap3A_783 = tpu.vector_load %arg16[%swap3A_781, %swap3A_782] {strides = array<i32>} : memref<128x64xf32, #tpu.memory_space<vmem>>, vector<1x16xf32>,
        %swap3A_784 = vector.shape_cast %swap3A_783 : vector<1x16xf32> to vector<16xf32>
        %swap3A_785 = vector.shape_cast %mul3A_778 : vector<16xf32> to vector<1x16xf32>
        tpu.vector_store %arg16[%swap3A_781, %swap3A_782], %swap3A_785 {strides = array<i32>} : memref<128x64xf32, #tpu.memory_space<vmem>>, vector<1x16xf32>,
        %slice3A_786 = vector.extract_strided_slice %get3A_539 {offsets = [4], sizes = [1], strides = [1]} : vector<16xf32> to vector<1xf32>
        %squeeze3A_787 = vector.extract %slice3A_786[0] : f32 from vector<1xf32>
        %add3A_788 = arith.constant 4 : i32
        %add3A_789 = arith.addi %mul3A_535, %add3A_788 : i32
        %get3A_790 = arith.index_cast %add3A_789 : i32 to index
        %get3A_791 = arith.constant 0 : index
        %get3A_792 = tpu.vector_load %arg16[%get3A_790, %get3A_791] {strides = array<i32>} : memref<128x64xf32, #tpu.memory_space<vmem>>, vector<1x16xf32>,
        %get3A_793 = vector.shape_cast %get3A_792 : vector<1x16xf32> to vector<16xf32>
        %mul3A_794 = vector.broadcast %squeeze3A_787 : f32 to vector<16xf32>
        %mul3A_795 = arith.mulf %get3A_793, %mul3A_794 : vector<16xf32>
        %add3A_796 = arith.constant 4 : i32
        %add3A_797 = arith.addi %mul3A_535, %add3A_796 : i32
        %swap3A_798 = arith.index_cast %add3A_797 : i32 to index
        %swap3A_799 = arith.constant 0 : index
        %swap3A_800 = tpu.vector_load %arg16[%swap3A_798, %swap3A_799] {strides = array<i32>} : memref<128x64xf32, #tpu.memory_space<vmem>>, vector<1x16xf32>,
        %swap3A_801 = vector.shape_cast %swap3A_800 : vector<1x16xf32> to vector<16xf32>
        %swap3A_802 = vector.shape_cast %mul3A_795 : vector<16xf32> to vector<1x16xf32>
        tpu.vector_store %arg16[%swap3A_798, %swap3A_799], %swap3A_802 {strides = array<i32>} : memref<128x64xf32, #tpu.memory_space<vmem>>, vector<1x16xf32>,
        %add3A_803 = arith.constant 4 : i32
        %add3A_804 = arith.addi %mul3A_535, %add3A_803 : i32
        %get3A_805 = arith.index_cast %add3A_804 : i32 to index
        %get3A_806 = arith.constant 16 : index
        %get3A_807 = tpu.vector_load %arg16[%get3A_805, %get3A_806] {strides = array<i32>} : memref<128x64xf32, #tpu.memory_space<vmem>>, vector<1x16xf32>,
        %get3A_808 = vector.shape_cast %get3A_807 : vector<1x16xf32> to vector<16xf32>
        %mul3A_809 = vector.broadcast %squeeze3A_787 : f32 to vector<16xf32>
        %mul3A_810 = arith.mulf %get3A_808, %mul3A_809 : vector<16xf32>
        %add3A_811 = arith.constant 4 : i32
        %add3A_812 = arith.addi %mul3A_535, %add3A_811 : i32
        %swap3A_813 = arith.index_cast %add3A_812 : i32 to index
        %swap3A_814 = arith.constant 16 : index
        %swap3A_815 = tpu.vector_load %arg16[%swap3A_813, %swap3A_814] {strides = array<i32>} : memref<128x64xf32, #tpu.memory_space<vmem>>, vector<1x16xf32>,
        %swap3A_816 = vector.shape_cast %swap3A_815 : vector<1x16xf32> to vector<16xf32>
        %swap3A_817 = vector.shape_cast %mul3A_810 : vector<16xf32> to vector<1x16xf32>
        tpu.vector_store %arg16[%swap3A_813, %swap3A_814], %swap3A_817 {strides = array<i32>} : memref<128x64xf32, #tpu.memory_space<vmem>>, vector<1x16xf32>,
        %add3A_818 = arith.constant 4 : i32
        %add3A_819 = arith.addi %mul3A_535, %add3A_818 : i32
        %get3A_820 = arith.index_cast %add3A_819 : i32 to index
        %get3A_821 = arith.constant 32 : index
        %get3A_822 = tpu.vector_load %arg16[%get3A_820, %get3A_821] {strides = array<i32>} : memref<128x64xf32, #tpu.memory_space<vmem>>, vector<1x16xf32>,
        %get3A_823 = vector.shape_cast %get3A_822 : vector<1x16xf32> to vector<16xf32>
        %mul3A_824 = vector.broadcast %squeeze3A_787 : f32 to vector<16xf32>
        %mul3A_825 = arith.mulf %get3A_823, %mul3A_824 : vector<16xf32>
        %add3A_826 = arith.constant 4 : i32
        %add3A_827 = arith.addi %mul3A_535, %add3A_826 : i32
        %swap3A_828 = arith.index_cast %add3A_827 : i32 to index
        %swap3A_829 = arith.constant 32 : index
        %swap3A_830 = tpu.vector_load %arg16[%swap3A_828, %swap3A_829] {strides = array<i32>} : memref<128x64xf32, #tpu.memory_space<vmem>>, vector<1x16xf32>,
        %swap3A_831 = vector.shape_cast %swap3A_830 : vector<1x16xf32> to vector<16xf32>
        %swap3A_832 = vector.shape_cast %mul3A_825 : vector<16xf32> to vector<1x16xf32>
        tpu.vector_store %arg16[%swap3A_828, %swap3A_829], %swap3A_832 {strides = array<i32>} : memref<128x64xf32, #tpu.memory_space<vmem>>, vector<1x16xf32>,
        %add3A_833 = arith.constant 4 : i32
        %add3A_834 = arith.addi %mul3A_535, %add3A_833 : i32
        %get3A_835 = arith.index_cast %add3A_834 : i32 to index
        %get3A_836 = arith.constant 48 : index
        %get3A_837 = tpu.vector_load %arg16[%get3A_835, %get3A_836] {strides = array<i32>} : memref<128x64xf32, #tpu.memory_space<vmem>>, vector<1x16xf32>,
        %get3A_838 = vector.shape_cast %get3A_837 : vector<1x16xf32> to vector<16xf32>
        %mul3A_839 = vector.broadcast %squeeze3A_787 : f32 to vector<16xf32>
        %mul3A_840 = arith.mulf %get3A_838, %mul3A_839 : vector<16xf32>
        %add3A_841 = arith.constant 4 : i32
        %add3A_842 = arith.addi %mul3A_535, %add3A_841 : i32
        %swap3A_843 = arith.index_cast %add3A_842 : i32 to index
        %swap3A_844 = arith.constant 48 : index
        %swap3A_845 = tpu.vector_load %arg16[%swap3A_843, %swap3A_844] {strides = array<i32>} : memref<128x64xf32, #tpu.memory_space<vmem>>, vector<1x16xf32>,
        %swap3A_846 = vector.shape_cast %swap3A_845 : vector<1x16xf32> to vector<16xf32>
        %swap3A_847 = vector.shape_cast %mul3A_840 : vector<16xf32> to vector<1x16xf32>
        tpu.vector_store %arg16[%swap3A_843, %swap3A_844], %swap3A_847 {strides = array<i32>} : memref<128x64xf32, #tpu.memory_space<vmem>>, vector<1x16xf32>,
        %slice3A_848 = vector.extract_strided_slice %get3A_539 {offsets = [5], sizes = [1], strides = [1]} : vector<16xf32> to vector<1xf32>
        %squeeze3A_849 = vector.extract %slice3A_848[0] : f32 from vector<1xf32>
        %add3A_850 = arith.constant 5 : i32
        %add3A_851 = arith.addi %mul3A_535, %add3A_850 : i32
        %get3A_852 = arith.index_cast %add3A_851 : i32 to index
        %get3A_853 = arith.constant 0 : index
        %get3A_854 = tpu.vector_load %arg16[%get3A_852, %get3A_853] {strides = array<i32>} : memref<128x64xf32, #tpu.memory_space<vmem>>, vector<1x16xf32>,
        %get3A_855 = vector.shape_cast %get3A_854 : vector<1x16xf32> to vector<16xf32>
        %mul3A_856 = vector.broadcast %squeeze3A_849 : f32 to vector<16xf32>
        %mul3A_857 = arith.mulf %get3A_855, %mul3A_856 : vector<16xf32>
        %add3A_858 = arith.constant 5 : i32
        %add3A_859 = arith.addi %mul3A_535, %add3A_858 : i32
        %swap3A_860 = arith.index_cast %add3A_859 : i32 to index
        %swap3A_861 = arith.constant 0 : index
        %swap3A_862 = tpu.vector_load %arg16[%swap3A_860, %swap3A_861] {strides = array<i32>} : memref<128x64xf32, #tpu.memory_space<vmem>>, vector<1x16xf32>,
        %swap3A_863 = vector.shape_cast %swap3A_862 : vector<1x16xf32> to vector<16xf32>
        %swap3A_864 = vector.shape_cast %mul3A_857 : vector<16xf32> to vector<1x16xf32>
        tpu.vector_store %arg16[%swap3A_860, %swap3A_861], %swap3A_864 {strides = array<i32>} : memref<128x64xf32, #tpu.memory_space<vmem>>, vector<1x16xf32>,
        %add3A_865 = arith.constant 5 : i32
        %add3A_866 = arith.addi %mul3A_535, %add3A_865 : i32
        %get3A_867 = arith.index_cast %add3A_866 : i32 to index
        %get3A_868 = arith.constant 16 : index
        %get3A_869 = tpu.vector_load %arg16[%get3A_867, %get3A_868] {strides = array<i32>} : memref<128x64xf32, #tpu.memory_space<vmem>>, vector<1x16xf32>,
        %get3A_870 = vector.shape_cast %get3A_869 : vector<1x16xf32> to vector<16xf32>
        %mul3A_871 = vector.broadcast %squeeze3A_849 : f32 to vector<16xf32>
        %mul3A_872 = arith.mulf %get3A_870, %mul3A_871 : vector<16xf32>
        %add3A_873 = arith.constant 5 : i32
        %add3A_874 = arith.addi %mul3A_535, %add3A_873 : i32
        %swap3A_875 = arith.index_cast %add3A_874 : i32 to index
        %swap3A_876 = arith.constant 16 : index
        %swap3A_877 = tpu.vector_load %arg16[%swap3A_875, %swap3A_876] {strides = array<i32>} : memref<128x64xf32, #tpu.memory_space<vmem>>, vector<1x16xf32>,
        %swap3A_878 = vector.shape_cast %swap3A_877 : vector<1x16xf32> to vector<16xf32>
        %swap3A_879 = vector.shape_cast %mul3A_872 : vector<16xf32> to vector<1x16xf32>
        tpu.vector_store %arg16[%swap3A_875, %swap3A_876], %swap3A_879 {strides = array<i32>} : memref<128x64xf32, #tpu.memory_space<vmem>>, vector<1x16xf32>,
        %add3A_880 = arith.constant 5 : i32
        %add3A_881 = arith.addi %mul3A_535, %add3A_880 : i32
        %get3A_882 = arith.index_cast %add3A_881 : i32 to index
        %get3A_883 = arith.constant 32 : index
        %get3A_884 = tpu.vector_load %arg16[%get3A_882, %get3A_883] {strides = array<i32>} : memref<128x64xf32, #tpu.memory_space<vmem>>, vector<1x16xf32>,
        %get3A_885 = vector.shape_cast %get3A_884 : vector<1x16xf32> to vector<16xf32>
        %mul3A_886 = vector.broadcast %squeeze3A_849 : f32 to vector<16xf32>
        %mul3A_887 = arith.mulf %get3A_885, %mul3A_886 : vector<16xf32>
        %add3A_888 = arith.constant 5 : i32
        %add3A_889 = arith.addi %mul3A_535, %add3A_888 : i32
        %swap3A_890 = arith.index_cast %add3A_889 : i32 to index
        %swap3A_891 = arith.constant 32 : index
        %swap3A_892 = tpu.vector_load %arg16[%swap3A_890, %swap3A_891] {strides = array<i32>} : memref<128x64xf32, #tpu.memory_space<vmem>>, vector<1x16xf32>,
        %swap3A_893 = vector.shape_cast %swap3A_892 : vector<1x16xf32> to vector<16xf32>
        %swap3A_894 = vector.shape_cast %mul3A_887 : vector<16xf32> to vector<1x16xf32>
        tpu.vector_store %arg16[%swap3A_890, %swap3A_891], %swap3A_894 {strides = array<i32>} : memref<128x64xf32, #tpu.memory_space<vmem>>, vector<1x16xf32>,
        %add3A_895 = arith.constant 5 : i32
        %add3A_896 = arith.addi %mul3A_535, %add3A_895 : i32
        %get3A_897 = arith.index_cast %add3A_896 : i32 to index
        %get3A_898 = arith.constant 48 : index
        %get3A_899 = tpu.vector_load %arg16[%get3A_897, %get3A_898] {strides = array<i32>} : memref<128x64xf32, #tpu.memory_space<vmem>>, vector<1x16xf32>,
        %get3A_900 = vector.shape_cast %get3A_899 : vector<1x16xf32> to vector<16xf32>
        %mul3A_901 = vector.broadcast %squeeze3A_849 : f32 to vector<16xf32>
        %mul3A_902 = arith.mulf %get3A_900, %mul3A_901 : vector<16xf32>
        %add3A_903 = arith.constant 5 : i32
        %add3A_904 = arith.addi %mul3A_535, %add3A_903 : i32
        %swap3A_905 = arith.index_cast %add3A_904 : i32 to index
        %swap3A_906 = arith.constant 48 : index
        %swap3A_907 = tpu.vector_load %arg16[%swap3A_905, %swap3A_906] {strides = array<i32>} : memref<128x64xf32, #tpu.memory_space<vmem>>, vector<1x16xf32>,
        %swap3A_908 = vector.shape_cast %swap3A_907 : vector<1x16xf32> to vector<16xf32>
        %swap3A_909 = vector.shape_cast %mul3A_902 : vector<16xf32> to vector<1x16xf32>
        tpu.vector_store %arg16[%swap3A_905, %swap3A_906], %swap3A_909 {strides = array<i32>} : memref<128x64xf32, #tpu.memory_space<vmem>>, vector<1x16xf32>,
        %slice3A_910 = vector.extract_strided_slice %get3A_539 {offsets = [6], sizes = [1], strides = [1]} : vector<16xf32> to vector<1xf32>
        %squeeze3A_911 = vector.extract %slice3A_910[0] : f32 from vector<1xf32>
        %add3A_912 = arith.constant 6 : i32
        %add3A_913 = arith.addi %mul3A_535, %add3A_912 : i32
        %get3A_914 = arith.index_cast %add3A_913 : i32 to index
        %get3A_915 = arith.constant 0 : index
        %get3A_916 = tpu.vector_load %arg16[%get3A_914, %get3A_915] {strides = array<i32>} : memref<128x64xf32, #tpu.memory_space<vmem>>, vector<1x16xf32>,
        %get3A_917 = vector.shape_cast %get3A_916 : vector<1x16xf32> to vector<16xf32>
        %mul3A_918 = vector.broadcast %squeeze3A_911 : f32 to vector<16xf32>
        %mul3A_919 = arith.mulf %get3A_917, %mul3A_918 : vector<16xf32>
        %add3A_920 = arith.constant 6 : i32
        %add3A_921 = arith.addi %mul3A_535, %add3A_920 : i32
        %swap3A_922 = arith.index_cast %add3A_921 : i32 to index
        %swap3A_923 = arith.constant 0 : index
        %swap3A_924 = tpu.vector_load %arg16[%swap3A_922, %swap3A_923] {strides = array<i32>} : memref<128x64xf32, #tpu.memory_space<vmem>>, vector<1x16xf32>,
        %swap3A_925 = vector.shape_cast %swap3A_924 : vector<1x16xf32> to vector<16xf32>
        %swap3A_926 = vector.shape_cast %mul3A_919 : vector<16xf32> to vector<1x16xf32>
        tpu.vector_store %arg16[%swap3A_922, %swap3A_923], %swap3A_926 {strides = array<i32>} : memref<128x64xf32, #tpu.memory_space<vmem>>, vector<1x16xf32>,
        %add3A_927 = arith.constant 6 : i32
        %add3A_928 = arith.addi %mul3A_535, %add3A_927 : i32
        %get3A_929 = arith.index_cast %add3A_928 : i32 to index
        %get3A_930 = arith.constant 16 : index
        %get3A_931 = tpu.vector_load %arg16[%get3A_929, %get3A_930] {strides = array<i32>} : memref<128x64xf32, #tpu.memory_space<vmem>>, vector<1x16xf32>,
        %get3A_932 = vector.shape_cast %get3A_931 : vector<1x16xf32> to vector<16xf32>
        %mul3A_933 = vector.broadcast %squeeze3A_911 : f32 to vector<16xf32>
        %mul3A_934 = arith.mulf %get3A_932, %mul3A_933 : vector<16xf32>
        %add3A_935 = arith.constant 6 : i32
        %add3A_936 = arith.addi %mul3A_535, %add3A_935 : i32
        %swap3A_937 = arith.index_cast %add3A_936 : i32 to index
        %swap3A_938 = arith.constant 16 : index
        %swap3A_939 = tpu.vector_load %arg16[%swap3A_937, %swap3A_938] {strides = array<i32>} : memref<128x64xf32, #tpu.memory_space<vmem>>, vector<1x16xf32>,
        %swap3A_940 = vector.shape_cast %swap3A_939 : vector<1x16xf32> to vector<16xf32>
        %swap3A_941 = vector.shape_cast %mul3A_934 : vector<16xf32> to vector<1x16xf32>
        tpu.vector_store %arg16[%swap3A_937, %swap3A_938], %swap3A_941 {strides = array<i32>} : memref<128x64xf32, #tpu.memory_space<vmem>>, vector<1x16xf32>,
        %add3A_942 = arith.constant 6 : i32
        %add3A_943 = arith.addi %mul3A_535, %add3A_942 : i32
        %get3A_944 = arith.index_cast %add3A_943 : i32 to index
        %get3A_945 = arith.constant 32 : index
        %get3A_946 = tpu.vector_load %arg16[%get3A_944, %get3A_945] {strides = array<i32>} : memref<128x64xf32, #tpu.memory_space<vmem>>, vector<1x16xf32>,
        %get3A_947 = vector.shape_cast %get3A_946 : vector<1x16xf32> to vector<16xf32>
        %mul3A_948 = vector.broadcast %squeeze3A_911 : f32 to vector<16xf32>
        %mul3A_949 = arith.mulf %get3A_947, %mul3A_948 : vector<16xf32>
        %add3A_950 = arith.constant 6 : i32
        %add3A_951 = arith.addi %mul3A_535, %add3A_950 : i32
        %swap3A_952 = arith.index_cast %add3A_951 : i32 to index
        %swap3A_953 = arith.constant 32 : index
        %swap3A_954 = tpu.vector_load %arg16[%swap3A_952, %swap3A_953] {strides = array<i32>} : memref<128x64xf32, #tpu.memory_space<vmem>>, vector<1x16xf32>,
        %swap3A_955 = vector.shape_cast %swap3A_954 : vector<1x16xf32> to vector<16xf32>
        %swap3A_956 = vector.shape_cast %mul3A_949 : vector<16xf32> to vector<1x16xf32>
        tpu.vector_store %arg16[%swap3A_952, %swap3A_953], %swap3A_956 {strides = array<i32>} : memref<128x64xf32, #tpu.memory_space<vmem>>, vector<1x16xf32>,
        %add3A_957 = arith.constant 6 : i32
        %add3A_958 = arith.addi %mul3A_535, %add3A_957 : i32
        %get3A_959 = arith.index_cast %add3A_958 : i32 to index
        %get3A_960 = arith.constant 48 : index
        %get3A_961 = tpu.vector_load %arg16[%get3A_959, %get3A_960] {strides = array<i32>} : memref<128x64xf32, #tpu.memory_space<vmem>>, vector<1x16xf32>,
        %get3A_962 = vector.shape_cast %get3A_961 : vector<1x16xf32> to vector<16xf32>
        %mul3A_963 = vector.broadcast %squeeze3A_911 : f32 to vector<16xf32>
        %mul3A_964 = arith.mulf %get3A_962, %mul3A_963 : vector<16xf32>
        %add3A_965 = arith.constant 6 : i32
        %add3A_966 = arith.addi %mul3A_535, %add3A_965 : i32
        %swap3A_967 = arith.index_cast %add3A_966 : i32 to index
        %swap3A_968 = arith.constant 48 : index
        %swap3A_969 = tpu.vector_load %arg16[%swap3A_967, %swap3A_968] {strides = array<i32>} : memref<128x64xf32, #tpu.memory_space<vmem>>, vector<1x16xf32>,
        %swap3A_970 = vector.shape_cast %swap3A_969 : vector<1x16xf32> to vector<16xf32>
        %swap3A_971 = vector.shape_cast %mul3A_964 : vector<16xf32> to vector<1x16xf32>
        tpu.vector_store %arg16[%swap3A_967, %swap3A_968], %swap3A_971 {strides = array<i32>} : memref<128x64xf32, #tpu.memory_space<vmem>>, vector<1x16xf32>,
        %slice3A_972 = vector.extract_strided_slice %get3A_539 {offsets = [7], sizes = [1], strides = [1]} : vector<16xf32> to vector<1xf32>
        %squeeze3A_973 = vector.extract %slice3A_972[0] : f32 from vector<1xf32>
        %add3A_974 = arith.constant 7 : i32
        %add3A_975 = arith.addi %mul3A_535, %add3A_974 : i32
        %get3A_976 = arith.index_cast %add3A_975 : i32 to index
        %get3A_977 = arith.constant 0 : index
        %get3A_978 = tpu.vector_load %arg16[%get3A_976, %get3A_977] {strides = array<i32>} : memref<128x64xf32, #tpu.memory_space<vmem>>, vector<1x16xf32>,
        %get3A_979 = vector.shape_cast %get3A_978 : vector<1x16xf32> to vector<16xf32>
        %mul3A_980 = vector.broadcast %squeeze3A_973 : f32 to vector<16xf32>
        %mul3A_981 = arith.mulf %get3A_979, %mul3A_980 : vector<16xf32>
        %add3A_982 = arith.constant 7 : i32
        %add3A_983 = arith.addi %mul3A_535, %add3A_982 : i32
        %swap3A_984 = arith.index_cast %add3A_983 : i32 to index
        %swap3A_985 = arith.constant 0 : index
        %swap3A_986 = tpu.vector_load %arg16[%swap3A_984, %swap3A_985] {strides = array<i32>} : memref<128x64xf32, #tpu.memory_space<vmem>>, vector<1x16xf32>,
        %swap3A_987 = vector.shape_cast %swap3A_986 : vector<1x16xf32> to vector<16xf32>
        %swap3A_988 = vector.shape_cast %mul3A_981 : vector<16xf32> to vector<1x16xf32>
        tpu.vector_store %arg16[%swap3A_984, %swap3A_985], %swap3A_988 {strides = array<i32>} : memref<128x64xf32, #tpu.memory_space<vmem>>, vector<1x16xf32>,
        %add3A_989 = arith.constant 7 : i32
        %add3A_990 = arith.addi %mul3A_535, %add3A_989 : i32
        %get3A_991 = arith.index_cast %add3A_990 : i32 to index
        %get3A_992 = arith.constant 16 : index
        %get3A_993 = tpu.vector_load %arg16[%get3A_991, %get3A_992] {strides = array<i32>} : memref<128x64xf32, #tpu.memory_space<vmem>>, vector<1x16xf32>,
        %get3A_994 = vector.shape_cast %get3A_993 : vector<1x16xf32> to vector<16xf32>
        %mul3A_995 = vector.broadcast %squeeze3A_973 : f32 to vector<16xf32>
        %mul3A_996 = arith.mulf %get3A_994, %mul3A_995 : vector<16xf32>
        %add3A_997 = arith.constant 7 : i32
        %add3A_998 = arith.addi %mul3A_535, %add3A_997 : i32
        %swap3A_999 = arith.index_cast %add3A_998 : i32 to index
        %swap3A_1000 = arith.constant 16 : index
        %swap3A_1001 = tpu.vector_load %arg16[%swap3A_999, %swap3A_1000] {strides = array<i32>} : memref<128x64xf32, #tpu.memory_space<vmem>>, vector<1x16xf32>,
        %swap3A_1002 = vector.shape_cast %swap3A_1001 : vector<1x16xf32> to vector<16xf32>
        %swap3A_1003 = vector.shape_cast %mul3A_996 : vector<16xf32> to vector<1x16xf32>
        tpu.vector_store %arg16[%swap3A_999, %swap3A_1000], %swap3A_1003 {strides = array<i32>} : memref<128x64xf32, #tpu.memory_space<vmem>>, vector<1x16xf32>,
        %add3A_1004 = arith.constant 7 : i32
        %add3A_1005 = arith.addi %mul3A_535, %add3A_1004 : i32
        %get3A_1006 = arith.index_cast %add3A_1005 : i32 to index
        %get3A_1007 = arith.constant 32 : index
        %get3A_1008 = tpu.vector_load %arg16[%get3A_1006, %get3A_1007] {strides = array<i32>} : memref<128x64xf32, #tpu.memory_space<vmem>>, vector<1x16xf32>,
        %get3A_1009 = vector.shape_cast %get3A_1008 : vector<1x16xf32> to vector<16xf32>
        %mul3A_1010 = vector.broadcast %squeeze3A_973 : f32 to vector<16xf32>
        %mul3A_1011 = arith.mulf %get3A_1009, %mul3A_1010 : vector<16xf32>
        %add3A_1012 = arith.constant 7 : i32
        %add3A_1013 = arith.addi %mul3A_535, %add3A_1012 : i32
        %swap3A_1014 = arith.index_cast %add3A_1013 : i32 to index
        %swap3A_1015 = arith.constant 32 : index
        %swap3A_1016 = tpu.vector_load %arg16[%swap3A_1014, %swap3A_1015] {strides = array<i32>} : memref<128x64xf32, #tpu.memory_space<vmem>>, vector<1x16xf32>,
        %swap3A_1017 = vector.shape_cast %swap3A_1016 : vector<1x16xf32> to vector<16xf32>
        %swap3A_1018 = vector.shape_cast %mul3A_1011 : vector<16xf32> to vector<1x16xf32>
        tpu.vector_store %arg16[%swap3A_1014, %swap3A_1015], %swap3A_1018 {strides = array<i32>} : memref<128x64xf32, #tpu.memory_space<vmem>>, vector<1x16xf32>,
        %add3A_1019 = arith.constant 7 : i32
        %add3A_1020 = arith.addi %mul3A_535, %add3A_1019 : i32
        %get3A_1021 = arith.index_cast %add3A_1020 : i32 to index
        %get3A_1022 = arith.constant 48 : index
        %get3A_1023 = tpu.vector_load %arg16[%get3A_1021, %get3A_1022] {strides = array<i32>} : memref<128x64xf32, #tpu.memory_space<vmem>>, vector<1x16xf32>,
        %get3A_1024 = vector.shape_cast %get3A_1023 : vector<1x16xf32> to vector<16xf32>
        %mul3A_1025 = vector.broadcast %squeeze3A_973 : f32 to vector<16xf32>
        %mul3A_1026 = arith.mulf %get3A_1024, %mul3A_1025 : vector<16xf32>
        %add3A_1027 = arith.constant 7 : i32
        %add3A_1028 = arith.addi %mul3A_535, %add3A_1027 : i32
        %swap3A_1029 = arith.index_cast %add3A_1028 : i32 to index
        %swap3A_1030 = arith.constant 48 : index
        %swap3A_1031 = tpu.vector_load %arg16[%swap3A_1029, %swap3A_1030] {strides = array<i32>} : memref<128x64xf32, #tpu.memory_space<vmem>>, vector<1x16xf32>,
        %swap3A_1032 = vector.shape_cast %swap3A_1031 : vector<1x16xf32> to vector<16xf32>
        %swap3A_1033 = vector.shape_cast %mul3A_1026 : vector<16xf32> to vector<1x16xf32>
        tpu.vector_store %arg16[%swap3A_1029, %swap3A_1030], %swap3A_1033 {strides = array<i32>} : memref<128x64xf32, #tpu.memory_space<vmem>>, vector<1x16xf32>,
        %slice3A_1034 = vector.extract_strided_slice %get3A_539 {offsets = [8], sizes = [1], strides = [1]} : vector<16xf32> to vector<1xf32>
        %squeeze3A_1035 = vector.extract %slice3A_1034[0] : f32 from vector<1xf32>
        %add3A_1036 = arith.constant 8 : i32
        %add3A_1037 = arith.addi %mul3A_535, %add3A_1036 : i32
        %get3A_1038 = arith.index_cast %add3A_1037 : i32 to index
        %get3A_1039 = arith.constant 0 : index
        %get3A_1040 = tpu.vector_load %arg16[%get3A_1038, %get3A_1039] {strides = array<i32>} : memref<128x64xf32, #tpu.memory_space<vmem>>, vector<1x16xf32>,
        %get3A_1041 = vector.shape_cast %get3A_1040 : vector<1x16xf32> to vector<16xf32>
        %mul3A_1042 = vector.broadcast %squeeze3A_1035 : f32 to vector<16xf32>
        %mul3A_1043 = arith.mulf %get3A_1041, %mul3A_1042 : vector<16xf32>
        %add3A_1044 = arith.constant 8 : i32
        %add3A_1045 = arith.addi %mul3A_535, %add3A_1044 : i32
        %swap3A_1046 = arith.index_cast %add3A_1045 : i32 to index
        %swap3A_1047 = arith.constant 0 : index
        %swap3A_1048 = tpu.vector_load %arg16[%swap3A_1046, %swap3A_1047] {strides = array<i32>} : memref<128x64xf32, #tpu.memory_space<vmem>>, vector<1x16xf32>,
        %swap3A_1049 = vector.shape_cast %swap3A_1048 : vector<1x16xf32> to vector<16xf32>
        %swap3A_1050 = vector.shape_cast %mul3A_1043 : vector<16xf32> to vector<1x16xf32>
        tpu.vector_store %arg16[%swap3A_1046, %swap3A_1047], %swap3A_1050 {strides = array<i32>} : memref<128x64xf32, #tpu.memory_space<vmem>>, vector<1x16xf32>,
        %add3A_1051 = arith.constant 8 : i32
        %add3A_1052 = arith.addi %mul3A_535, %add3A_1051 : i32
        %get3A_1053 = arith.index_cast %add3A_1052 : i32 to index
        %get3A_1054 = arith.constant 16 : index
        %get3A_1055 = tpu.vector_load %arg16[%get3A_1053, %get3A_1054] {strides = array<i32>} : memref<128x64xf32, #tpu.memory_space<vmem>>, vector<1x16xf32>,
        %get3A_1056 = vector.shape_cast %get3A_1055 : vector<1x16xf32> to vector<16xf32>
        %mul3A_1057 = vector.broadcast %squeeze3A_1035 : f32 to vector<16xf32>
        %mul3A_1058 = arith.mulf %get3A_1056, %mul3A_1057 : vector<16xf32>
        %add3A_1059 = arith.constant 8 : i32
        %add3A_1060 = arith.addi %mul3A_535, %add3A_1059 : i32
        %swap3A_1061 = arith.index_cast %add3A_1060 : i32 to index
        %swap3A_1062 = arith.constant 16 : index
        %swap3A_1063 = tpu.vector_load %arg16[%swap3A_1061, %swap3A_1062] {strides = array<i32>} : memref<128x64xf32, #tpu.memory_space<vmem>>, vector<1x16xf32>,
        %swap3A_1064 = vector.shape_cast %swap3A_1063 : vector<1x16xf32> to vector<16xf32>
        %swap3A_1065 = vector.shape_cast %mul3A_1058 : vector<16xf32> to vector<1x16xf32>
        tpu.vector_store %arg16[%swap3A_1061, %swap3A_1062], %swap3A_1065 {strides = array<i32>} : memref<128x64xf32, #tpu.memory_space<vmem>>, vector<1x16xf32>,
        %add3A_1066 = arith.constant 8 : i32
        %add3A_1067 = arith.addi %mul3A_535, %add3A_1066 : i32
        %get3A_1068 = arith.index_cast %add3A_1067 : i32 to index
        %get3A_1069 = arith.constant 32 : index
        %get3A_1070 = tpu.vector_load %arg16[%get3A_1068, %get3A_1069] {strides = array<i32>} : memref<128x64xf32, #tpu.memory_space<vmem>>, vector<1x16xf32>,
        %get3A_1071 = vector.shape_cast %get3A_1070 : vector<1x16xf32> to vector<16xf32>
        %mul3A_1072 = vector.broadcast %squeeze3A_1035 : f32 to vector<16xf32>
        %mul3A_1073 = arith.mulf %get3A_1071, %mul3A_1072 : vector<16xf32>
        %add3A_1074 = arith.constant 8 : i32
        %add3A_1075 = arith.addi %mul3A_535, %add3A_1074 : i32
        %swap3A_1076 = arith.index_cast %add3A_1075 : i32 to index
        %swap3A_1077 = arith.constant 32 : index
        %swap3A_1078 = tpu.vector_load %arg16[%swap3A_1076, %swap3A_1077] {strides = array<i32>} : memref<128x64xf32, #tpu.memory_space<vmem>>, vector<1x16xf32>,
        %swap3A_1079 = vector.shape_cast %swap3A_1078 : vector<1x16xf32> to vector<16xf32>
        %swap3A_1080 = vector.shape_cast %mul3A_1073 : vector<16xf32> to vector<1x16xf32>
        tpu.vector_store %arg16[%swap3A_1076, %swap3A_1077], %swap3A_1080 {strides = array<i32>} : memref<128x64xf32, #tpu.memory_space<vmem>>, vector<1x16xf32>,
        %add3A_1081 = arith.constant 8 : i32
        %add3A_1082 = arith.addi %mul3A_535, %add3A_1081 : i32
        %get3A_1083 = arith.index_cast %add3A_1082 : i32 to index
        %get3A_1084 = arith.constant 48 : index
        %get3A_1085 = tpu.vector_load %arg16[%get3A_1083, %get3A_1084] {strides = array<i32>} : memref<128x64xf32, #tpu.memory_space<vmem>>, vector<1x16xf32>,
        %get3A_1086 = vector.shape_cast %get3A_1085 : vector<1x16xf32> to vector<16xf32>
        %mul3A_1087 = vector.broadcast %squeeze3A_1035 : f32 to vector<16xf32>
        %mul3A_1088 = arith.mulf %get3A_1086, %mul3A_1087 : vector<16xf32>
        %add3A_1089 = arith.constant 8 : i32
        %add3A_1090 = arith.addi %mul3A_535, %add3A_1089 : i32
        %swap3A_1091 = arith.index_cast %add3A_1090 : i32 to index
        %swap3A_1092 = arith.constant 48 : index
        %swap3A_1093 = tpu.vector_load %arg16[%swap3A_1091, %swap3A_1092] {strides = array<i32>} : memref<128x64xf32, #tpu.memory_space<vmem>>, vector<1x16xf32>,
        %swap3A_1094 = vector.shape_cast %swap3A_1093 : vector<1x16xf32> to vector<16xf32>
        %swap3A_1095 = vector.shape_cast %mul3A_1088 : vector<16xf32> to vector<1x16xf32>
        tpu.vector_store %arg16[%swap3A_1091, %swap3A_1092], %swap3A_1095 {strides = array<i32>} : memref<128x64xf32, #tpu.memory_space<vmem>>, vector<1x16xf32>,
        %slice3A_1096 = vector.extract_strided_slice %get3A_539 {offsets = [9], sizes = [1], strides = [1]} : vector<16xf32> to vector<1xf32>
        %squeeze3A_1097 = vector.extract %slice3A_1096[0] : f32 from vector<1xf32>
        %add3A_1098 = arith.constant 9 : i32
        %add3A_1099 = arith.addi %mul3A_535, %add3A_1098 : i32
        %get3A_1100 = arith.index_cast %add3A_1099 : i32 to index
        %get3A_1101 = arith.constant 0 : index
        %get3A_1102 = tpu.vector_load %arg16[%get3A_1100, %get3A_1101] {strides = array<i32>} : memref<128x64xf32, #tpu.memory_space<vmem>>, vector<1x16xf32>,
        %get3A_1103 = vector.shape_cast %get3A_1102 : vector<1x16xf32> to vector<16xf32>
        %mul3A_1104 = vector.broadcast %squeeze3A_1097 : f32 to vector<16xf32>
        %mul3A_1105 = arith.mulf %get3A_1103, %mul3A_1104 : vector<16xf32>
        %add3A_1106 = arith.constant 9 : i32
        %add3A_1107 = arith.addi %mul3A_535, %add3A_1106 : i32
        %swap3A_1108 = arith.index_cast %add3A_1107 : i32 to index
        %swap3A_1109 = arith.constant 0 : index
        %swap3A_1110 = tpu.vector_load %arg16[%swap3A_1108, %swap3A_1109] {strides = array<i32>} : memref<128x64xf32, #tpu.memory_space<vmem>>, vector<1x16xf32>,
        %swap3A_1111 = vector.shape_cast %swap3A_1110 : vector<1x16xf32> to vector<16xf32>
        %swap3A_1112 = vector.shape_cast %mul3A_1105 : vector<16xf32> to vector<1x16xf32>
        tpu.vector_store %arg16[%swap3A_1108, %swap3A_1109], %swap3A_1112 {strides = array<i32>} : memref<128x64xf32, #tpu.memory_space<vmem>>, vector<1x16xf32>,
        %add3A_1113 = arith.constant 9 : i32
        %add3A_1114 = arith.addi %mul3A_535, %add3A_1113 : i32
        %get3A_1115 = arith.index_cast %add3A_1114 : i32 to index
        %get3A_1116 = arith.constant 16 : index
        %get3A_1117 = tpu.vector_load %arg16[%get3A_1115, %get3A_1116] {strides = array<i32>} : memref<128x64xf32, #tpu.memory_space<vmem>>, vector<1x16xf32>,
        %get3A_1118 = vector.shape_cast %get3A_1117 : vector<1x16xf32> to vector<16xf32>
        %mul3A_1119 = vector.broadcast %squeeze3A_1097 : f32 to vector<16xf32>
        %mul3A_1120 = arith.mulf %get3A_1118, %mul3A_1119 : vector<16xf32>
        %add3A_1121 = arith.constant 9 : i32
        %add3A_1122 = arith.addi %mul3A_535, %add3A_1121 : i32
        %swap3A_1123 = arith.index_cast %add3A_1122 : i32 to index
        %swap3A_1124 = arith.constant 16 : index
        %swap3A_1125 = tpu.vector_load %arg16[%swap3A_1123, %swap3A_1124] {strides = array<i32>} : memref<128x64xf32, #tpu.memory_space<vmem>>, vector<1x16xf32>,
        %swap3A_1126 = vector.shape_cast %swap3A_1125 : vector<1x16xf32> to vector<16xf32>
        %swap3A_1127 = vector.shape_cast %mul3A_1120 : vector<16xf32> to vector<1x16xf32>
        tpu.vector_store %arg16[%swap3A_1123, %swap3A_1124], %swap3A_1127 {strides = array<i32>} : memref<128x64xf32, #tpu.memory_space<vmem>>, vector<1x16xf32>,
        %add3A_1128 = arith.constant 9 : i32
        %add3A_1129 = arith.addi %mul3A_535, %add3A_1128 : i32
        %get3A_1130 = arith.index_cast %add3A_1129 : i32 to index
        %get3A_1131 = arith.constant 32 : index
        %get3A_1132 = tpu.vector_load %arg16[%get3A_1130, %get3A_1131] {strides = array<i32>} : memref<128x64xf32, #tpu.memory_space<vmem>>, vector<1x16xf32>,
        %get3A_1133 = vector.shape_cast %get3A_1132 : vector<1x16xf32> to vector<16xf32>
        %mul3A_1134 = vector.broadcast %squeeze3A_1097 : f32 to vector<16xf32>
        %mul3A_1135 = arith.mulf %get3A_1133, %mul3A_1134 : vector<16xf32>
        %add3A_1136 = arith.constant 9 : i32
        %add3A_1137 = arith.addi %mul3A_535, %add3A_1136 : i32
        %swap3A_1138 = arith.index_cast %add3A_1137 : i32 to index
        %swap3A_1139 = arith.constant 32 : index
        %swap3A_1140 = tpu.vector_load %arg16[%swap3A_1138, %swap3A_1139] {strides = array<i32>} : memref<128x64xf32, #tpu.memory_space<vmem>>, vector<1x16xf32>,
        %swap3A_1141 = vector.shape_cast %swap3A_1140 : vector<1x16xf32> to vector<16xf32>
        %swap3A_1142 = vector.shape_cast %mul3A_1135 : vector<16xf32> to vector<1x16xf32>
        tpu.vector_store %arg16[%swap3A_1138, %swap3A_1139], %swap3A_1142 {strides = array<i32>} : memref<128x64xf32, #tpu.memory_space<vmem>>, vector<1x16xf32>,
        %add3A_1143 = arith.constant 9 : i32
        %add3A_1144 = arith.addi %mul3A_535, %add3A_1143 : i32
        %get3A_1145 = arith.index_cast %add3A_1144 : i32 to index
        %get3A_1146 = arith.constant 48 : index
        %get3A_1147 = tpu.vector_load %arg16[%get3A_1145, %get3A_1146] {strides = array<i32>} : memref<128x64xf32, #tpu.memory_space<vmem>>, vector<1x16xf32>,
        %get3A_1148 = vector.shape_cast %get3A_1147 : vector<1x16xf32> to vector<16xf32>
        %mul3A_1149 = vector.broadcast %squeeze3A_1097 : f32 to vector<16xf32>
        %mul3A_1150 = arith.mulf %get3A_1148, %mul3A_1149 : vector<16xf32>
        %add3A_1151 = arith.constant 9 : i32
        %add3A_1152 = arith.addi %mul3A_535, %add3A_1151 : i32
        %swap3A_1153 = arith.index_cast %add3A_1152 : i32 to index
        %swap3A_1154 = arith.constant 48 : index
        %swap3A_1155 = tpu.vector_load %arg16[%swap3A_1153, %swap3A_1154] {strides = array<i32>} : memref<128x64xf32, #tpu.memory_space<vmem>>, vector<1x16xf32>,
        %swap3A_1156 = vector.shape_cast %swap3A_1155 : vector<1x16xf32> to vector<16xf32>
        %swap3A_1157 = vector.shape_cast %mul3A_1150 : vector<16xf32> to vector<1x16xf32>
        tpu.vector_store %arg16[%swap3A_1153, %swap3A_1154], %swap3A_1157 {strides = array<i32>} : memref<128x64xf32, #tpu.memory_space<vmem>>, vector<1x16xf32>,
        %slice3A_1158 = vector.extract_strided_slice %get3A_539 {offsets = [10], sizes = [1], strides = [1]} : vector<16xf32> to vector<1xf32>
        %squeeze3A_1159 = vector.extract %slice3A_1158[0] : f32 from vector<1xf32>
        %add3A_1160 = arith.constant 10 : i32
        %add3A_1161 = arith.addi %mul3A_535, %add3A_1160 : i32
        %get3A_1162 = arith.index_cast %add3A_1161 : i32 to index
        %get3A_1163 = arith.constant 0 : index
        %get3A_1164 = tpu.vector_load %arg16[%get3A_1162, %get3A_1163] {strides = array<i32>} : memref<128x64xf32, #tpu.memory_space<vmem>>, vector<1x16xf32>,
        %get3A_1165 = vector.shape_cast %get3A_1164 : vector<1x16xf32> to vector<16xf32>
        %mul3A_1166 = vector.broadcast %squeeze3A_1159 : f32 to vector<16xf32>
        %mul3A_1167 = arith.mulf %get3A_1165, %mul3A_1166 : vector<16xf32>
        %add3A_1168 = arith.constant 10 : i32
        %add3A_1169 = arith.addi %mul3A_535, %add3A_1168 : i32
        %swap3A_1170 = arith.index_cast %add3A_1169 : i32 to index
        %swap3A_1171 = arith.constant 0 : index
        %swap3A_1172 = tpu.vector_load %arg16[%swap3A_1170, %swap3A_1171] {strides = array<i32>} : memref<128x64xf32, #tpu.memory_space<vmem>>, vector<1x16xf32>,
        %swap3A_1173 = vector.shape_cast %swap3A_1172 : vector<1x16xf32> to vector<16xf32>
        %swap3A_1174 = vector.shape_cast %mul3A_1167 : vector<16xf32> to vector<1x16xf32>
        tpu.vector_store %arg16[%swap3A_1170, %swap3A_1171], %swap3A_1174 {strides = array<i32>} : memref<128x64xf32, #tpu.memory_space<vmem>>, vector<1x16xf32>,
        %add3A_1175 = arith.constant 10 : i32
        %add3A_1176 = arith.addi %mul3A_535, %add3A_1175 : i32
        %get3A_1177 = arith.index_cast %add3A_1176 : i32 to index
        %get3A_1178 = arith.constant 16 : index
        %get3A_1179 = tpu.vector_load %arg16[%get3A_1177, %get3A_1178] {strides = array<i32>} : memref<128x64xf32, #tpu.memory_space<vmem>>, vector<1x16xf32>,
        %get3A_1180 = vector.shape_cast %get3A_1179 : vector<1x16xf32> to vector<16xf32>
        %mul3A_1181 = vector.broadcast %squeeze3A_1159 : f32 to vector<16xf32>
        %mul3A_1182 = arith.mulf %get3A_1180, %mul3A_1181 : vector<16xf32>
        %add3A_1183 = arith.constant 10 : i32
        %add3A_1184 = arith.addi %mul3A_535, %add3A_1183 : i32
        %swap3A_1185 = arith.index_cast %add3A_1184 : i32 to index
        %swap3A_1186 = arith.constant 16 : index
        %swap3A_1187 = tpu.vector_load %arg16[%swap3A_1185, %swap3A_1186] {strides = array<i32>} : memref<128x64xf32, #tpu.memory_space<vmem>>, vector<1x16xf32>,
        %swap3A_1188 = vector.shape_cast %swap3A_1187 : vector<1x16xf32> to vector<16xf32>
        %swap3A_1189 = vector.shape_cast %mul3A_1182 : vector<16xf32> to vector<1x16xf32>
        tpu.vector_store %arg16[%swap3A_1185, %swap3A_1186], %swap3A_1189 {strides = array<i32>} : memref<128x64xf32, #tpu.memory_space<vmem>>, vector<1x16xf32>,
        %add3A_1190 = arith.constant 10 : i32
        %add3A_1191 = arith.addi %mul3A_535, %add3A_1190 : i32
        %get3A_1192 = arith.index_cast %add3A_1191 : i32 to index
        %get3A_1193 = arith.constant 32 : index
        %get3A_1194 = tpu.vector_load %arg16[%get3A_1192, %get3A_1193] {strides = array<i32>} : memref<128x64xf32, #tpu.memory_space<vmem>>, vector<1x16xf32>,
        %get3A_1195 = vector.shape_cast %get3A_1194 : vector<1x16xf32> to vector<16xf32>
        %mul3A_1196 = vector.broadcast %squeeze3A_1159 : f32 to vector<16xf32>
        %mul3A_1197 = arith.mulf %get3A_1195, %mul3A_1196 : vector<16xf32>
        %add3A_1198 = arith.constant 10 : i32
        %add3A_1199 = arith.addi %mul3A_535, %add3A_1198 : i32
        %swap3A_1200 = arith.index_cast %add3A_1199 : i32 to index
        %swap3A_1201 = arith.constant 32 : index
        %swap3A_1202 = tpu.vector_load %arg16[%swap3A_1200, %swap3A_1201] {strides = array<i32>} : memref<128x64xf32, #tpu.memory_space<vmem>>, vector<1x16xf32>,
        %swap3A_1203 = vector.shape_cast %swap3A_1202 : vector<1x16xf32> to vector<16xf32>
        %swap3A_1204 = vector.shape_cast %mul3A_1197 : vector<16xf32> to vector<1x16xf32>
        tpu.vector_store %arg16[%swap3A_1200, %swap3A_1201], %swap3A_1204 {strides = array<i32>} : memref<128x64xf32, #tpu.memory_space<vmem>>, vector<1x16xf32>,
        %add3A_1205 = arith.constant 10 : i32
        %add3A_1206 = arith.addi %mul3A_535, %add3A_1205 : i32
        %get3A_1207 = arith.index_cast %add3A_1206 : i32 to index
        %get3A_1208 = arith.constant 48 : index
        %get3A_1209 = tpu.vector_load %arg16[%get3A_1207, %get3A_1208] {strides = array<i32>} : memref<128x64xf32, #tpu.memory_space<vmem>>, vector<1x16xf32>,
        %get3A_1210 = vector.shape_cast %get3A_1209 : vector<1x16xf32> to vector<16xf32>
        %mul3A_1211 = vector.broadcast %squeeze3A_1159 : f32 to vector<16xf32>
        %mul3A_1212 = arith.mulf %get3A_1210, %mul3A_1211 : vector<16xf32>
        %add3A_1213 = arith.constant 10 : i32
        %add3A_1214 = arith.addi %mul3A_535, %add3A_1213 : i32
        %swap3A_1215 = arith.index_cast %add3A_1214 : i32 to index
        %swap3A_1216 = arith.constant 48 : index
        %swap3A_1217 = tpu.vector_load %arg16[%swap3A_1215, %swap3A_1216] {strides = array<i32>} : memref<128x64xf32, #tpu.memory_space<vmem>>, vector<1x16xf32>,
        %swap3A_1218 = vector.shape_cast %swap3A_1217 : vector<1x16xf32> to vector<16xf32>
        %swap3A_1219 = vector.shape_cast %mul3A_1212 : vector<16xf32> to vector<1x16xf32>
        tpu.vector_store %arg16[%swap3A_1215, %swap3A_1216], %swap3A_1219 {strides = array<i32>} : memref<128x64xf32, #tpu.memory_space<vmem>>, vector<1x16xf32>,
        %slice3A_1220 = vector.extract_strided_slice %get3A_539 {offsets = [11], sizes = [1], strides = [1]} : vector<16xf32> to vector<1xf32>
        %squeeze3A_1221 = vector.extract %slice3A_1220[0] : f32 from vector<1xf32>
        %add3A_1222 = arith.constant 11 : i32
        %add3A_1223 = arith.addi %mul3A_535, %add3A_1222 : i32
        %get3A_1224 = arith.index_cast %add3A_1223 : i32 to index
        %get3A_1225 = arith.constant 0 : index
        %get3A_1226 = tpu.vector_load %arg16[%get3A_1224, %get3A_1225] {strides = array<i32>} : memref<128x64xf32, #tpu.memory_space<vmem>>, vector<1x16xf32>,
        %get3A_1227 = vector.shape_cast %get3A_1226 : vector<1x16xf32> to vector<16xf32>
        %mul3A_1228 = vector.broadcast %squeeze3A_1221 : f32 to vector<16xf32>
        %mul3A_1229 = arith.mulf %get3A_1227, %mul3A_1228 : vector<16xf32>
        %add3A_1230 = arith.constant 11 : i32
        %add3A_1231 = arith.addi %mul3A_535, %add3A_1230 : i32
        %swap3A_1232 = arith.index_cast %add3A_1231 : i32 to index
        %swap3A_1233 = arith.constant 0 : index
        %swap3A_1234 = tpu.vector_load %arg16[%swap3A_1232, %swap3A_1233] {strides = array<i32>} : memref<128x64xf32, #tpu.memory_space<vmem>>, vector<1x16xf32>,
        %swap3A_1235 = vector.shape_cast %swap3A_1234 : vector<1x16xf32> to vector<16xf32>
        %swap3A_1236 = vector.shape_cast %mul3A_1229 : vector<16xf32> to vector<1x16xf32>
        tpu.vector_store %arg16[%swap3A_1232, %swap3A_1233], %swap3A_1236 {strides = array<i32>} : memref<128x64xf32, #tpu.memory_space<vmem>>, vector<1x16xf32>,
        %add3A_1237 = arith.constant 11 : i32
        %add3A_1238 = arith.addi %mul3A_535, %add3A_1237 : i32
        %get3A_1239 = arith.index_cast %add3A_1238 : i32 to index
        %get3A_1240 = arith.constant 16 : index
        %get3A_1241 = tpu.vector_load %arg16[%get3A_1239, %get3A_1240] {strides = array<i32>} : memref<128x64xf32, #tpu.memory_space<vmem>>, vector<1x16xf32>,
        %get3A_1242 = vector.shape_cast %get3A_1241 : vector<1x16xf32> to vector<16xf32>
        %mul3A_1243 = vector.broadcast %squeeze3A_1221 : f32 to vector<16xf32>
        %mul3A_1244 = arith.mulf %get3A_1242, %mul3A_1243 : vector<16xf32>
        %add3A_1245 = arith.constant 11 : i32
        %add3A_1246 = arith.addi %mul3A_535, %add3A_1245 : i32
        %swap3A_1247 = arith.index_cast %add3A_1246 : i32 to index
        %swap3A_1248 = arith.constant 16 : index
        %swap3A_1249 = tpu.vector_load %arg16[%swap3A_1247, %swap3A_1248] {strides = array<i32>} : memref<128x64xf32, #tpu.memory_space<vmem>>, vector<1x16xf32>,
        %swap3A_1250 = vector.shape_cast %swap3A_1249 : vector<1x16xf32> to vector<16xf32>
        %swap3A_1251 = vector.shape_cast %mul3A_1244 : vector<16xf32> to vector<1x16xf32>
        tpu.vector_store %arg16[%swap3A_1247, %swap3A_1248], %swap3A_1251 {strides = array<i32>} : memref<128x64xf32, #tpu.memory_space<vmem>>, vector<1x16xf32>,
        %add3A_1252 = arith.constant 11 : i32
        %add3A_1253 = arith.addi %mul3A_535, %add3A_1252 : i32
        %get3A_1254 = arith.index_cast %add3A_1253 : i32 to index
        %get3A_1255 = arith.constant 32 : index
        %get3A_1256 = tpu.vector_load %arg16[%get3A_1254, %get3A_1255] {strides = array<i32>} : memref<128x64xf32, #tpu.memory_space<vmem>>, vector<1x16xf32>,
        %get3A_1257 = vector.shape_cast %get3A_1256 : vector<1x16xf32> to vector<16xf32>
        %mul3A_1258 = vector.broadcast %squeeze3A_1221 : f32 to vector<16xf32>
        %mul3A_1259 = arith.mulf %get3A_1257, %mul3A_1258 : vector<16xf32>
        %add3A_1260 = arith.constant 11 : i32
        %add3A_1261 = arith.addi %mul3A_535, %add3A_1260 : i32
        %swap3A_1262 = arith.index_cast %add3A_1261 : i32 to index
        %swap3A_1263 = arith.constant 32 : index
        %swap3A_1264 = tpu.vector_load %arg16[%swap3A_1262, %swap3A_1263] {strides = array<i32>} : memref<128x64xf32, #tpu.memory_space<vmem>>, vector<1x16xf32>,
        %swap3A_1265 = vector.shape_cast %swap3A_1264 : vector<1x16xf32> to vector<16xf32>
        %swap3A_1266 = vector.shape_cast %mul3A_1259 : vector<16xf32> to vector<1x16xf32>
        tpu.vector_store %arg16[%swap3A_1262, %swap3A_1263], %swap3A_1266 {strides = array<i32>} : memref<128x64xf32, #tpu.memory_space<vmem>>, vector<1x16xf32>,
        %add3A_1267 = arith.constant 11 : i32
        %add3A_1268 = arith.addi %mul3A_535, %add3A_1267 : i32
        %get3A_1269 = arith.index_cast %add3A_1268 : i32 to index
        %get3A_1270 = arith.constant 48 : index
        %get3A_1271 = tpu.vector_load %arg16[%get3A_1269, %get3A_1270] {strides = array<i32>} : memref<128x64xf32, #tpu.memory_space<vmem>>, vector<1x16xf32>,
        %get3A_1272 = vector.shape_cast %get3A_1271 : vector<1x16xf32> to vector<16xf32>
        %mul3A_1273 = vector.broadcast %squeeze3A_1221 : f32 to vector<16xf32>
        %mul3A_1274 = arith.mulf %get3A_1272, %mul3A_1273 : vector<16xf32>
        %add3A_1275 = arith.constant 11 : i32
        %add3A_1276 = arith.addi %mul3A_535, %add3A_1275 : i32
        %swap3A_1277 = arith.index_cast %add3A_1276 : i32 to index
        %swap3A_1278 = arith.constant 48 : index
        %swap3A_1279 = tpu.vector_load %arg16[%swap3A_1277, %swap3A_1278] {strides = array<i32>} : memref<128x64xf32, #tpu.memory_space<vmem>>, vector<1x16xf32>,
        %swap3A_1280 = vector.shape_cast %swap3A_1279 : vector<1x16xf32> to vector<16xf32>
        %swap3A_1281 = vector.shape_cast %mul3A_1274 : vector<16xf32> to vector<1x16xf32>
        tpu.vector_store %arg16[%swap3A_1277, %swap3A_1278], %swap3A_1281 {strides = array<i32>} : memref<128x64xf32, #tpu.memory_space<vmem>>, vector<1x16xf32>,
        %slice3A_1282 = vector.extract_strided_slice %get3A_539 {offsets = [12], sizes = [1], strides = [1]} : vector<16xf32> to vector<1xf32>
        %squeeze3A_1283 = vector.extract %slice3A_1282[0] : f32 from vector<1xf32>
        %add3A_1284 = arith.constant 12 : i32
        %add3A_1285 = arith.addi %mul3A_535, %add3A_1284 : i32
        %get3A_1286 = arith.index_cast %add3A_1285 : i32 to index
        %get3A_1287 = arith.constant 0 : index
        %get3A_1288 = tpu.vector_load %arg16[%get3A_1286, %get3A_1287] {strides = array<i32>} : memref<128x64xf32, #tpu.memory_space<vmem>>, vector<1x16xf32>,
        %get3A_1289 = vector.shape_cast %get3A_1288 : vector<1x16xf32> to vector<16xf32>
        %mul3A_1290 = vector.broadcast %squeeze3A_1283 : f32 to vector<16xf32>
        %mul3A_1291 = arith.mulf %get3A_1289, %mul3A_1290 : vector<16xf32>
        %add3A_1292 = arith.constant 12 : i32
        %add3A_1293 = arith.addi %mul3A_535, %add3A_1292 : i32
        %swap3A_1294 = arith.index_cast %add3A_1293 : i32 to index
        %swap3A_1295 = arith.constant 0 : index
        %swap3A_1296 = tpu.vector_load %arg16[%swap3A_1294, %swap3A_1295] {strides = array<i32>} : memref<128x64xf32, #tpu.memory_space<vmem>>, vector<1x16xf32>,
        %swap3A_1297 = vector.shape_cast %swap3A_1296 : vector<1x16xf32> to vector<16xf32>
        %swap3A_1298 = vector.shape_cast %mul3A_1291 : vector<16xf32> to vector<1x16xf32>
        tpu.vector_store %arg16[%swap3A_1294, %swap3A_1295], %swap3A_1298 {strides = array<i32>} : memref<128x64xf32, #tpu.memory_space<vmem>>, vector<1x16xf32>,
        %add3A_1299 = arith.constant 12 : i32
        %add3A_1300 = arith.addi %mul3A_535, %add3A_1299 : i32
        %get3A_1301 = arith.index_cast %add3A_1300 : i32 to index
        %get3A_1302 = arith.constant 16 : index
        %get3A_1303 = tpu.vector_load %arg16[%get3A_1301, %get3A_1302] {strides = array<i32>} : memref<128x64xf32, #tpu.memory_space<vmem>>, vector<1x16xf32>,
        %get3A_1304 = vector.shape_cast %get3A_1303 : vector<1x16xf32> to vector<16xf32>
        %mul3A_1305 = vector.broadcast %squeeze3A_1283 : f32 to vector<16xf32>
        %mul3A_1306 = arith.mulf %get3A_1304, %mul3A_1305 : vector<16xf32>
        %add3A_1307 = arith.constant 12 : i32
        %add3A_1308 = arith.addi %mul3A_535, %add3A_1307 : i32
        %swap3A_1309 = arith.index_cast %add3A_1308 : i32 to index
        %swap3A_1310 = arith.constant 16 : index
        %swap3A_1311 = tpu.vector_load %arg16[%swap3A_1309, %swap3A_1310] {strides = array<i32>} : memref<128x64xf32, #tpu.memory_space<vmem>>, vector<1x16xf32>,
        %swap3A_1312 = vector.shape_cast %swap3A_1311 : vector<1x16xf32> to vector<16xf32>
        %swap3A_1313 = vector.shape_cast %mul3A_1306 : vector<16xf32> to vector<1x16xf32>
        tpu.vector_store %arg16[%swap3A_1309, %swap3A_1310], %swap3A_1313 {strides = array<i32>} : memref<128x64xf32, #tpu.memory_space<vmem>>, vector<1x16xf32>,
        %add3A_1314 = arith.constant 12 : i32
        %add3A_1315 = arith.addi %mul3A_535, %add3A_1314 : i32
        %get3A_1316 = arith.index_cast %add3A_1315 : i32 to index
        %get3A_1317 = arith.constant 32 : index
        %get3A_1318 = tpu.vector_load %arg16[%get3A_1316, %get3A_1317] {strides = array<i32>} : memref<128x64xf32, #tpu.memory_space<vmem>>, vector<1x16xf32>,
        %get3A_1319 = vector.shape_cast %get3A_1318 : vector<1x16xf32> to vector<16xf32>
        %mul3A_1320 = vector.broadcast %squeeze3A_1283 : f32 to vector<16xf32>
        %mul3A_1321 = arith.mulf %get3A_1319, %mul3A_1320 : vector<16xf32>
        %add3A_1322 = arith.constant 12 : i32
        %add3A_1323 = arith.addi %mul3A_535, %add3A_1322 : i32
        %swap3A_1324 = arith.index_cast %add3A_1323 : i32 to index
        %swap3A_1325 = arith.constant 32 : index
        %swap3A_1326 = tpu.vector_load %arg16[%swap3A_1324, %swap3A_1325] {strides = array<i32>} : memref<128x64xf32, #tpu.memory_space<vmem>>, vector<1x16xf32>,
        %swap3A_1327 = vector.shape_cast %swap3A_1326 : vector<1x16xf32> to vector<16xf32>
        %swap3A_1328 = vector.shape_cast %mul3A_1321 : vector<16xf32> to vector<1x16xf32>
        tpu.vector_store %arg16[%swap3A_1324, %swap3A_1325], %swap3A_1328 {strides = array<i32>} : memref<128x64xf32, #tpu.memory_space<vmem>>, vector<1x16xf32>,
        %add3A_1329 = arith.constant 12 : i32
        %add3A_1330 = arith.addi %mul3A_535, %add3A_1329 : i32
        %get3A_1331 = arith.index_cast %add3A_1330 : i32 to index
        %get3A_1332 = arith.constant 48 : index
        %get3A_1333 = tpu.vector_load %arg16[%get3A_1331, %get3A_1332] {strides = array<i32>} : memref<128x64xf32, #tpu.memory_space<vmem>>, vector<1x16xf32>,
        %get3A_1334 = vector.shape_cast %get3A_1333 : vector<1x16xf32> to vector<16xf32>
        %mul3A_1335 = vector.broadcast %squeeze3A_1283 : f32 to vector<16xf32>
        %mul3A_1336 = arith.mulf %get3A_1334, %mul3A_1335 : vector<16xf32>
        %add3A_1337 = arith.constant 12 : i32
        %add3A_1338 = arith.addi %mul3A_535, %add3A_1337 : i32
        %swap3A_1339 = arith.index_cast %add3A_1338 : i32 to index
        %swap3A_1340 = arith.constant 48 : index
        %swap3A_1341 = tpu.vector_load %arg16[%swap3A_1339, %swap3A_1340] {strides = array<i32>} : memref<128x64xf32, #tpu.memory_space<vmem>>, vector<1x16xf32>,
        %swap3A_1342 = vector.shape_cast %swap3A_1341 : vector<1x16xf32> to vector<16xf32>
        %swap3A_1343 = vector.shape_cast %mul3A_1336 : vector<16xf32> to vector<1x16xf32>
        tpu.vector_store %arg16[%swap3A_1339, %swap3A_1340], %swap3A_1343 {strides = array<i32>} : memref<128x64xf32, #tpu.memory_space<vmem>>, vector<1x16xf32>,
        %slice3A_1344 = vector.extract_strided_slice %get3A_539 {offsets = [13], sizes = [1], strides = [1]} : vector<16xf32> to vector<1xf32>
        %squeeze3A_1345 = vector.extract %slice3A_1344[0] : f32 from vector<1xf32>
        %add3A_1346 = arith.constant 13 : i32
        %add3A_1347 = arith.addi %mul3A_535, %add3A_1346 : i32
        %get3A_1348 = arith.index_cast %add3A_1347 : i32 to index
        %get3A_1349 = arith.constant 0 : index
        %get3A_1350 = tpu.vector_load %arg16[%get3A_1348, %get3A_1349] {strides = array<i32>} : memref<128x64xf32, #tpu.memory_space<vmem>>, vector<1x16xf32>,
        %get3A_1351 = vector.shape_cast %get3A_1350 : vector<1x16xf32> to vector<16xf32>
        %mul3A_1352 = vector.broadcast %squeeze3A_1345 : f32 to vector<16xf32>
        %mul3A_1353 = arith.mulf %get3A_1351, %mul3A_1352 : vector<16xf32>
        %add3A_1354 = arith.constant 13 : i32
        %add3A_1355 = arith.addi %mul3A_535, %add3A_1354 : i32
        %swap3A_1356 = arith.index_cast %add3A_1355 : i32 to index
        %swap3A_1357 = arith.constant 0 : index
        %swap3A_1358 = tpu.vector_load %arg16[%swap3A_1356, %swap3A_1357] {strides = array<i32>} : memref<128x64xf32, #tpu.memory_space<vmem>>, vector<1x16xf32>,
        %swap3A_1359 = vector.shape_cast %swap3A_1358 : vector<1x16xf32> to vector<16xf32>
        %swap3A_1360 = vector.shape_cast %mul3A_1353 : vector<16xf32> to vector<1x16xf32>
        tpu.vector_store %arg16[%swap3A_1356, %swap3A_1357], %swap3A_1360 {strides = array<i32>} : memref<128x64xf32, #tpu.memory_space<vmem>>, vector<1x16xf32>,
        %add3A_1361 = arith.constant 13 : i32
        %add3A_1362 = arith.addi %mul3A_535, %add3A_1361 : i32
        %get3A_1363 = arith.index_cast %add3A_1362 : i32 to index
        %get3A_1364 = arith.constant 16 : index
        %get3A_1365 = tpu.vector_load %arg16[%get3A_1363, %get3A_1364] {strides = array<i32>} : memref<128x64xf32, #tpu.memory_space<vmem>>, vector<1x16xf32>,
        %get3A_1366 = vector.shape_cast %get3A_1365 : vector<1x16xf32> to vector<16xf32>
        %mul3A_1367 = vector.broadcast %squeeze3A_1345 : f32 to vector<16xf32>
        %mul3A_1368 = arith.mulf %get3A_1366, %mul3A_1367 : vector<16xf32>
        %add3A_1369 = arith.constant 13 : i32
        %add3A_1370 = arith.addi %mul3A_535, %add3A_1369 : i32
        %swap3A_1371 = arith.index_cast %add3A_1370 : i32 to index
        %swap3A_1372 = arith.constant 16 : index
        %swap3A_1373 = tpu.vector_load %arg16[%swap3A_1371, %swap3A_1372] {strides = array<i32>} : memref<128x64xf32, #tpu.memory_space<vmem>>, vector<1x16xf32>,
        %swap3A_1374 = vector.shape_cast %swap3A_1373 : vector<1x16xf32> to vector<16xf32>
        %swap3A_1375 = vector.shape_cast %mul3A_1368 : vector<16xf32> to vector<1x16xf32>
        tpu.vector_store %arg16[%swap3A_1371, %swap3A_1372], %swap3A_1375 {strides = array<i32>} : memref<128x64xf32, #tpu.memory_space<vmem>>, vector<1x16xf32>,
        %add3A_1376 = arith.constant 13 : i32
        %add3A_1377 = arith.addi %mul3A_535, %add3A_1376 : i32
        %get3A_1378 = arith.index_cast %add3A_1377 : i32 to index
        %get3A_1379 = arith.constant 32 : index
        %get3A_1380 = tpu.vector_load %arg16[%get3A_1378, %get3A_1379] {strides = array<i32>} : memref<128x64xf32, #tpu.memory_space<vmem>>, vector<1x16xf32>,
        %get3A_1381 = vector.shape_cast %get3A_1380 : vector<1x16xf32> to vector<16xf32>
        %mul3A_1382 = vector.broadcast %squeeze3A_1345 : f32 to vector<16xf32>
        %mul3A_1383 = arith.mulf %get3A_1381, %mul3A_1382 : vector<16xf32>
        %add3A_1384 = arith.constant 13 : i32
        %add3A_1385 = arith.addi %mul3A_535, %add3A_1384 : i32
        %swap3A_1386 = arith.index_cast %add3A_1385 : i32 to index
        %swap3A_1387 = arith.constant 32 : index
        %swap3A_1388 = tpu.vector_load %arg16[%swap3A_1386, %swap3A_1387] {strides = array<i32>} : memref<128x64xf32, #tpu.memory_space<vmem>>, vector<1x16xf32>,
        %swap3A_1389 = vector.shape_cast %swap3A_1388 : vector<1x16xf32> to vector<16xf32>
        %swap3A_1390 = vector.shape_cast %mul3A_1383 : vector<16xf32> to vector<1x16xf32>
        tpu.vector_store %arg16[%swap3A_1386, %swap3A_1387], %swap3A_1390 {strides = array<i32>} : memref<128x64xf32, #tpu.memory_space<vmem>>, vector<1x16xf32>,
        %add3A_1391 = arith.constant 13 : i32
        %add3A_1392 = arith.addi %mul3A_535, %add3A_1391 : i32
        %get3A_1393 = arith.index_cast %add3A_1392 : i32 to index
        %get3A_1394 = arith.constant 48 : index
        %get3A_1395 = tpu.vector_load %arg16[%get3A_1393, %get3A_1394] {strides = array<i32>} : memref<128x64xf32, #tpu.memory_space<vmem>>, vector<1x16xf32>,
        %get3A_1396 = vector.shape_cast %get3A_1395 : vector<1x16xf32> to vector<16xf32>
        %mul3A_1397 = vector.broadcast %squeeze3A_1345 : f32 to vector<16xf32>
        %mul3A_1398 = arith.mulf %get3A_1396, %mul3A_1397 : vector<16xf32>
        %add3A_1399 = arith.constant 13 : i32
        %add3A_1400 = arith.addi %mul3A_535, %add3A_1399 : i32
        %swap3A_1401 = arith.index_cast %add3A_1400 : i32 to index
        %swap3A_1402 = arith.constant 48 : index
        %swap3A_1403 = tpu.vector_load %arg16[%swap3A_1401, %swap3A_1402] {strides = array<i32>} : memref<128x64xf32, #tpu.memory_space<vmem>>, vector<1x16xf32>,
        %swap3A_1404 = vector.shape_cast %swap3A_1403 : vector<1x16xf32> to vector<16xf32>
        %swap3A_1405 = vector.shape_cast %mul3A_1398 : vector<16xf32> to vector<1x16xf32>
        tpu.vector_store %arg16[%swap3A_1401, %swap3A_1402], %swap3A_1405 {strides = array<i32>} : memref<128x64xf32, #tpu.memory_space<vmem>>, vector<1x16xf32>,
        %slice3A_1406 = vector.extract_strided_slice %get3A_539 {offsets = [14], sizes = [1], strides = [1]} : vector<16xf32> to vector<1xf32>
        %squeeze3A_1407 = vector.extract %slice3A_1406[0] : f32 from vector<1xf32>
        %add3A_1408 = arith.constant 14 : i32
        %add3A_1409 = arith.addi %mul3A_535, %add3A_1408 : i32
        %get3A_1410 = arith.index_cast %add3A_1409 : i32 to index
        %get3A_1411 = arith.constant 0 : index
        %get3A_1412 = tpu.vector_load %arg16[%get3A_1410, %get3A_1411] {strides = array<i32>} : memref<128x64xf32, #tpu.memory_space<vmem>>, vector<1x16xf32>,
        %get3A_1413 = vector.shape_cast %get3A_1412 : vector<1x16xf32> to vector<16xf32>
        %mul3A_1414 = vector.broadcast %squeeze3A_1407 : f32 to vector<16xf32>
        %mul3A_1415 = arith.mulf %get3A_1413, %mul3A_1414 : vector<16xf32>
        %add3A_1416 = arith.constant 14 : i32
        %add3A_1417 = arith.addi %mul3A_535, %add3A_1416 : i32
        %swap3A_1418 = arith.index_cast %add3A_1417 : i32 to index
        %swap3A_1419 = arith.constant 0 : index
        %swap3A_1420 = tpu.vector_load %arg16[%swap3A_1418, %swap3A_1419] {strides = array<i32>} : memref<128x64xf32, #tpu.memory_space<vmem>>, vector<1x16xf32>,
        %swap3A_1421 = vector.shape_cast %swap3A_1420 : vector<1x16xf32> to vector<16xf32>
        %swap3A_1422 = vector.shape_cast %mul3A_1415 : vector<16xf32> to vector<1x16xf32>
        tpu.vector_store %arg16[%swap3A_1418, %swap3A_1419], %swap3A_1422 {strides = array<i32>} : memref<128x64xf32, #tpu.memory_space<vmem>>, vector<1x16xf32>,
        %add3A_1423 = arith.constant 14 : i32
        %add3A_1424 = arith.addi %mul3A_535, %add3A_1423 : i32
        %get3A_1425 = arith.index_cast %add3A_1424 : i32 to index
        %get3A_1426 = arith.constant 16 : index
        %get3A_1427 = tpu.vector_load %arg16[%get3A_1425, %get3A_1426] {strides = array<i32>} : memref<128x64xf32, #tpu.memory_space<vmem>>, vector<1x16xf32>,
        %get3A_1428 = vector.shape_cast %get3A_1427 : vector<1x16xf32> to vector<16xf32>
        %mul3A_1429 = vector.broadcast %squeeze3A_1407 : f32 to vector<16xf32>
        %mul3A_1430 = arith.mulf %get3A_1428, %mul3A_1429 : vector<16xf32>
        %add3A_1431 = arith.constant 14 : i32
        %add3A_1432 = arith.addi %mul3A_535, %add3A_1431 : i32
        %swap3A_1433 = arith.index_cast %add3A_1432 : i32 to index
        %swap3A_1434 = arith.constant 16 : index
        %swap3A_1435 = tpu.vector_load %arg16[%swap3A_1433, %swap3A_1434] {strides = array<i32>} : memref<128x64xf32, #tpu.memory_space<vmem>>, vector<1x16xf32>,
        %swap3A_1436 = vector.shape_cast %swap3A_1435 : vector<1x16xf32> to vector<16xf32>
        %swap3A_1437 = vector.shape_cast %mul3A_1430 : vector<16xf32> to vector<1x16xf32>
        tpu.vector_store %arg16[%swap3A_1433, %swap3A_1434], %swap3A_1437 {strides = array<i32>} : memref<128x64xf32, #tpu.memory_space<vmem>>, vector<1x16xf32>,
        %add3A_1438 = arith.constant 14 : i32
        %add3A_1439 = arith.addi %mul3A_535, %add3A_1438 : i32
        %get3A_1440 = arith.index_cast %add3A_1439 : i32 to index
        %get3A_1441 = arith.constant 32 : index
        %get3A_1442 = tpu.vector_load %arg16[%get3A_1440, %get3A_1441] {strides = array<i32>} : memref<128x64xf32, #tpu.memory_space<vmem>>, vector<1x16xf32>,
        %get3A_1443 = vector.shape_cast %get3A_1442 : vector<1x16xf32> to vector<16xf32>
        %mul3A_1444 = vector.broadcast %squeeze3A_1407 : f32 to vector<16xf32>
        %mul3A_1445 = arith.mulf %get3A_1443, %mul3A_1444 : vector<16xf32>
        %add3A_1446 = arith.constant 14 : i32
        %add3A_1447 = arith.addi %mul3A_535, %add3A_1446 : i32
        %swap3A_1448 = arith.index_cast %add3A_1447 : i32 to index
        %swap3A_1449 = arith.constant 32 : index
        %swap3A_1450 = tpu.vector_load %arg16[%swap3A_1448, %swap3A_1449] {strides = array<i32>} : memref<128x64xf32, #tpu.memory_space<vmem>>, vector<1x16xf32>,
        %swap3A_1451 = vector.shape_cast %swap3A_1450 : vector<1x16xf32> to vector<16xf32>
        %swap3A_1452 = vector.shape_cast %mul3A_1445 : vector<16xf32> to vector<1x16xf32>
        tpu.vector_store %arg16[%swap3A_1448, %swap3A_1449], %swap3A_1452 {strides = array<i32>} : memref<128x64xf32, #tpu.memory_space<vmem>>, vector<1x16xf32>,
        %add3A_1453 = arith.constant 14 : i32
        %add3A_1454 = arith.addi %mul3A_535, %add3A_1453 : i32
        %get3A_1455 = arith.index_cast %add3A_1454 : i32 to index
        %get3A_1456 = arith.constant 48 : index
        %get3A_1457 = tpu.vector_load %arg16[%get3A_1455, %get3A_1456] {strides = array<i32>} : memref<128x64xf32, #tpu.memory_space<vmem>>, vector<1x16xf32>,
        %get3A_1458 = vector.shape_cast %get3A_1457 : vector<1x16xf32> to vector<16xf32>
        %mul3A_1459 = vector.broadcast %squeeze3A_1407 : f32 to vector<16xf32>
        %mul3A_1460 = arith.mulf %get3A_1458, %mul3A_1459 : vector<16xf32>
        %add3A_1461 = arith.constant 14 : i32
        %add3A_1462 = arith.addi %mul3A_535, %add3A_1461 : i32
        %swap3A_1463 = arith.index_cast %add3A_1462 : i32 to index
        %swap3A_1464 = arith.constant 48 : index
        %swap3A_1465 = tpu.vector_load %arg16[%swap3A_1463, %swap3A_1464] {strides = array<i32>} : memref<128x64xf32, #tpu.memory_space<vmem>>, vector<1x16xf32>,
        %swap3A_1466 = vector.shape_cast %swap3A_1465 : vector<1x16xf32> to vector<16xf32>
        %swap3A_1467 = vector.shape_cast %mul3A_1460 : vector<16xf32> to vector<1x16xf32>
        tpu.vector_store %arg16[%swap3A_1463, %swap3A_1464], %swap3A_1467 {strides = array<i32>} : memref<128x64xf32, #tpu.memory_space<vmem>>, vector<1x16xf32>,
        %slice3A_1468 = vector.extract_strided_slice %get3A_539 {offsets = [15], sizes = [1], strides = [1]} : vector<16xf32> to vector<1xf32>
        %squeeze3A_1469 = vector.extract %slice3A_1468[0] : f32 from vector<1xf32>
        %add3A_1470 = arith.constant 15 : i32
        %add3A_1471 = arith.addi %mul3A_535, %add3A_1470 : i32
        %get3A_1472 = arith.index_cast %add3A_1471 : i32 to index
        %get3A_1473 = arith.constant 0 : index
        %get3A_1474 = tpu.vector_load %arg16[%get3A_1472, %get3A_1473] {strides = array<i32>} : memref<128x64xf32, #tpu.memory_space<vmem>>, vector<1x16xf32>,
        %get3A_1475 = vector.shape_cast %get3A_1474 : vector<1x16xf32> to vector<16xf32>
        %mul3A_1476 = vector.broadcast %squeeze3A_1469 : f32 to vector<16xf32>
        %mul3A_1477 = arith.mulf %get3A_1475, %mul3A_1476 : vector<16xf32>
        %add3A_1478 = arith.constant 15 : i32
        %add3A_1479 = arith.addi %mul3A_535, %add3A_1478 : i32
        %swap3A_1480 = arith.index_cast %add3A_1479 : i32 to index
        %swap3A_1481 = arith.constant 0 : index
        %swap3A_1482 = tpu.vector_load %arg16[%swap3A_1480, %swap3A_1481] {strides = array<i32>} : memref<128x64xf32, #tpu.memory_space<vmem>>, vector<1x16xf32>,
        %swap3A_1483 = vector.shape_cast %swap3A_1482 : vector<1x16xf32> to vector<16xf32>
        %swap3A_1484 = vector.shape_cast %mul3A_1477 : vector<16xf32> to vector<1x16xf32>
        tpu.vector_store %arg16[%swap3A_1480, %swap3A_1481], %swap3A_1484 {strides = array<i32>} : memref<128x64xf32, #tpu.memory_space<vmem>>, vector<1x16xf32>,
        %add3A_1485 = arith.constant 15 : i32
        %add3A_1486 = arith.addi %mul3A_535, %add3A_1485 : i32
        %get3A_1487 = arith.index_cast %add3A_1486 : i32 to index
        %get3A_1488 = arith.constant 16 : index
        %get3A_1489 = tpu.vector_load %arg16[%get3A_1487, %get3A_1488] {strides = array<i32>} : memref<128x64xf32, #tpu.memory_space<vmem>>, vector<1x16xf32>,
        %get3A_1490 = vector.shape_cast %get3A_1489 : vector<1x16xf32> to vector<16xf32>
        %mul3A_1491 = vector.broadcast %squeeze3A_1469 : f32 to vector<16xf32>
        %mul3A_1492 = arith.mulf %get3A_1490, %mul3A_1491 : vector<16xf32>
        %add3A_1493 = arith.constant 15 : i32
        %add3A_1494 = arith.addi %mul3A_535, %add3A_1493 : i32
        %swap3A_1495 = arith.index_cast %add3A_1494 : i32 to index
        %swap3A_1496 = arith.constant 16 : index
        %swap3A_1497 = tpu.vector_load %arg16[%swap3A_1495, %swap3A_1496] {strides = array<i32>} : memref<128x64xf32, #tpu.memory_space<vmem>>, vector<1x16xf32>,
        %swap3A_1498 = vector.shape_cast %swap3A_1497 : vector<1x16xf32> to vector<16xf32>
        %swap3A_1499 = vector.shape_cast %mul3A_1492 : vector<16xf32> to vector<1x16xf32>
        tpu.vector_store %arg16[%swap3A_1495, %swap3A_1496], %swap3A_1499 {strides = array<i32>} : memref<128x64xf32, #tpu.memory_space<vmem>>, vector<1x16xf32>,
        %add3A_1500 = arith.constant 15 : i32
        %add3A_1501 = arith.addi %mul3A_535, %add3A_1500 : i32
        %get3A_1502 = arith.index_cast %add3A_1501 : i32 to index
        %get3A_1503 = arith.constant 32 : index
        %get3A_1504 = tpu.vector_load %arg16[%get3A_1502, %get3A_1503] {strides = array<i32>} : memref<128x64xf32, #tpu.memory_space<vmem>>, vector<1x16xf32>,
        %get3A_1505 = vector.shape_cast %get3A_1504 : vector<1x16xf32> to vector<16xf32>
        %mul3A_1506 = vector.broadcast %squeeze3A_1469 : f32 to vector<16xf32>
        %mul3A_1507 = arith.mulf %get3A_1505, %mul3A_1506 : vector<16xf32>
        %add3A_1508 = arith.constant 15 : i32
        %add3A_1509 = arith.addi %mul3A_535, %add3A_1508 : i32
        %swap3A_1510 = arith.index_cast %add3A_1509 : i32 to index
        %swap3A_1511 = arith.constant 32 : index
        %swap3A_1512 = tpu.vector_load %arg16[%swap3A_1510, %swap3A_1511] {strides = array<i32>} : memref<128x64xf32, #tpu.memory_space<vmem>>, vector<1x16xf32>,
        %swap3A_1513 = vector.shape_cast %swap3A_1512 : vector<1x16xf32> to vector<16xf32>
        %swap3A_1514 = vector.shape_cast %mul3A_1507 : vector<16xf32> to vector<1x16xf32>
        tpu.vector_store %arg16[%swap3A_1510, %swap3A_1511], %swap3A_1514 {strides = array<i32>} : memref<128x64xf32, #tpu.memory_space<vmem>>, vector<1x16xf32>,
        %add3A_1515 = arith.constant 15 : i32
        %add3A_1516 = arith.addi %mul3A_535, %add3A_1515 : i32
        %get3A_1517 = arith.index_cast %add3A_1516 : i32 to index
        %get3A_1518 = arith.constant 48 : index
        %get3A_1519 = tpu.vector_load %arg16[%get3A_1517, %get3A_1518] {strides = array<i32>} : memref<128x64xf32, #tpu.memory_space<vmem>>, vector<1x16xf32>,
        %get3A_1520 = vector.shape_cast %get3A_1519 : vector<1x16xf32> to vector<16xf32>
        %mul3A_1521 = vector.broadcast %squeeze3A_1469 : f32 to vector<16xf32>
        %mul3A_1522 = arith.mulf %get3A_1520, %mul3A_1521 : vector<16xf32>
        %add3A_1523 = arith.constant 15 : i32
        %add3A_1524 = arith.addi %mul3A_535, %add3A_1523 : i32
        %swap3A_1525 = arith.index_cast %add3A_1524 : i32 to index
        %swap3A_1526 = arith.constant 48 : index
        %swap3A_1527 = tpu.vector_load %arg16[%swap3A_1525, %swap3A_1526] {strides = array<i32>} : memref<128x64xf32, #tpu.memory_space<vmem>>, vector<1x16xf32>,
        %swap3A_1528 = vector.shape_cast %swap3A_1527 : vector<1x16xf32> to vector<16xf32>
        %swap3A_1529 = vector.shape_cast %mul3A_1522 : vector<16xf32> to vector<1x16xf32>
        tpu.vector_store %arg16[%swap3A_1525, %swap3A_1526], %swap3A_1529 {strides = array<i32>} : memref<128x64xf32, #tpu.memory_space<vmem>>, vector<1x16xf32>,
      }
      %scan3A_322 = arith.constant 8 : i32
      %gt3A = arith.constant 0 : i32
      %gt3A_323 = arith.cmpi sgt, %scan3A_307, %gt3A : i32
      %convert_element_type3A = arith.extui %gt3A_323 : i1 to i32
      %cond3A = arith.constant 0 : i32
      %cond3A_324 = arith.cmpi ne, %convert_element_type3A, %cond3A : i32
      scf.if %cond3A_324 {
        %dma_wait3A_533 = arith.constant 0 : i32
        %dma_wait3A_534 = arith.constant 0 : i32
        %dma_wait3A_535 = tpu.memref_slice %arg28[%dma_wait3A_533, %dma_wait3A_534] : memref<10112x64xf32, #tpu.memory_space<vmem_shared>> -> memref<10112x64xf32, #tpu.memory_space<vmem_shared>>
        tpu.wait_indirect_dma semaphore(%arg24 : memref<!tpu.dma_semaphore, #tpu.memory_space<semaphore_mem>>) src(%arg18 : memref<128x64xf32, #tpu.memory_space<vmem>>) dst(%dma_wait3A_535 : memref<10112x64xf32, #tpu.memory_space<vmem_shared>>)
      } else {
      }
      %add3A_325 = arith.constant 3 : i32
      %add3A_326 = arith.addi %add3A_311, %add3A_325 : i32
      %sub3A = arith.constant 1 : i32
      %sub3A_327 = arith.subi %add3A_326, %sub3A : i32
      %mul3A_328 = arith.constant 128 : i32
      %mul3A_329 = arith.muli %sub3A_327, %mul3A_328 : i32
      %add3A_330 = arith.constant 0 : i32
      %add3A_331 = arith.addi %mul3A_329, %add3A_330 : i32
      %get3A_332 = arith.index_cast %add3A_331 : i32 to index
      %get3A_333 = tpu.vector_load %arg8[%get3A_332] {strides = array<i32>} : memref<20352xi32, #tpu.memory_space<vmem>>, vector<16xi32>,
      %get3A_334 = vector.shape_cast %get3A_333 : vector<16xi32> to vector<16xi32>
      %add3A_335 = vector.broadcast %mul3A_29 : i32 to vector<16xi32>
      %add3A_336 = arith.addi %get3A_334, %add3A_335 : vector<16xi32>
      %swap3A_337 = arith.constant 0 : index
      %swap3A_338 = tpu.vector_load %arg12[%swap3A_337] {strides = array<i32>} : memref<128xi32, #tpu.memory_space<vmem>>, vector<16xi32>,
      %swap3A_339 = vector.shape_cast %swap3A_338 : vector<16xi32> to vector<16xi32>
      %swap3A_340 = vector.shape_cast %add3A_336 : vector<16xi32> to vector<16xi32>
      tpu.vector_store %arg12[%swap3A_337], %swap3A_340 {strides = array<i32>} : memref<128xi32, #tpu.memory_space<vmem>>, vector<16xi32>,
      %get3A_341 = arith.index_cast %add3A_331 : i32 to index
      %get3A_342 = tpu.vector_load %arg7[%get3A_341] {strides = array<i32>} : memref<20352xi32, #tpu.memory_space<vmem>>, vector<16xi32>,
      %get3A_343 = vector.shape_cast %get3A_342 : vector<16xi32> to vector<16xi32>
      %swap3A_344 = arith.constant 0 : index
      %swap3A_345 = tpu.vector_load %arg15[%swap3A_344] {strides = array<i32>} : memref<128xi32, #tpu.memory_space<vmem>>, vector<16xi32>,
      %swap3A_346 = vector.shape_cast %swap3A_345 : vector<16xi32> to vector<16xi32>
      %swap3A_347 = vector.shape_cast %get3A_343 : vector<16xi32> to vector<16xi32>
      tpu.vector_store %arg15[%swap3A_344], %swap3A_347 {strides = array<i32>} : memref<128xi32, #tpu.memory_space<vmem>>, vector<16xi32>,
      %add3A_348 = arith.constant 16 : i32
      %add3A_349 = arith.addi %mul3A_329, %add3A_348 : i32
      %get3A_350 = arith.index_cast %add3A_349 : i32 to index
      %get3A_351 = tpu.vector_load %arg8[%get3A_350] {strides = array<i32>} : memref<20352xi32, #tpu.memory_space<vmem>>, vector<16xi32>,
      %get3A_352 = vector.shape_cast %get3A_351 : vector<16xi32> to vector<16xi32>
      %add3A_353 = vector.broadcast %mul3A_29 : i32 to vector<16xi32>
      %add3A_354 = arith.addi %get3A_352, %add3A_353 : vector<16xi32>
      %swap3A_355 = arith.constant 16 : index
      %swap3A_356 = tpu.vector_load %arg12[%swap3A_355] {strides = array<i32>} : memref<128xi32, #tpu.memory_space<vmem>>, vector<16xi32>,
      %swap3A_357 = vector.shape_cast %swap3A_356 : vector<16xi32> to vector<16xi32>
      %swap3A_358 = vector.shape_cast %add3A_354 : vector<16xi32> to vector<16xi32>
      tpu.vector_store %arg12[%swap3A_355], %swap3A_358 {strides = array<i32>} : memref<128xi32, #tpu.memory_space<vmem>>, vector<16xi32>,
      %get3A_359 = arith.index_cast %add3A_349 : i32 to index
      %get3A_360 = tpu.vector_load %arg7[%get3A_359] {strides = array<i32>} : memref<20352xi32, #tpu.memory_space<vmem>>, vector<16xi32>,
      %get3A_361 = vector.shape_cast %get3A_360 : vector<16xi32> to vector<16xi32>
      %swap3A_362 = arith.constant 16 : index
      %swap3A_363 = tpu.vector_load %arg15[%swap3A_362] {strides = array<i32>} : memref<128xi32, #tpu.memory_space<vmem>>, vector<16xi32>,
      %swap3A_364 = vector.shape_cast %swap3A_363 : vector<16xi32> to vector<16xi32>
      %swap3A_365 = vector.shape_cast %get3A_361 : vector<16xi32> to vector<16xi32>
      tpu.vector_store %arg15[%swap3A_362], %swap3A_365 {strides = array<i32>} : memref<128xi32, #tpu.memory_space<vmem>>, vector<16xi32>,
      %add3A_366 = arith.constant 32 : i32
      %add3A_367 = arith.addi %mul3A_329, %add3A_366 : i32
      %get3A_368 = arith.index_cast %add3A_367 : i32 to index
      %get3A_369 = tpu.vector_load %arg8[%get3A_368] {strides = array<i32>} : memref<20352xi32, #tpu.memory_space<vmem>>, vector<16xi32>,
      %get3A_370 = vector.shape_cast %get3A_369 : vector<16xi32> to vector<16xi32>
      %add3A_371 = vector.broadcast %mul3A_29 : i32 to vector<16xi32>
      %add3A_372 = arith.addi %get3A_370, %add3A_371 : vector<16xi32>
      %swap3A_373 = arith.constant 32 : index
      %swap3A_374 = tpu.vector_load %arg12[%swap3A_373] {strides = array<i32>} : memref<128xi32, #tpu.memory_space<vmem>>, vector<16xi32>,
      %swap3A_375 = vector.shape_cast %swap3A_374 : vector<16xi32> to vector<16xi32>
      %swap3A_376 = vector.shape_cast %add3A_372 : vector<16xi32> to vector<16xi32>
      tpu.vector_store %arg12[%swap3A_373], %swap3A_376 {strides = array<i32>} : memref<128xi32, #tpu.memory_space<vmem>>, vector<16xi32>,
      %get3A_377 = arith.index_cast %add3A_367 : i32 to index
      %get3A_378 = tpu.vector_load %arg7[%get3A_377] {strides = array<i32>} : memref<20352xi32, #tpu.memory_space<vmem>>, vector<16xi32>,
      %get3A_379 = vector.shape_cast %get3A_378 : vector<16xi32> to vector<16xi32>
      %swap3A_380 = arith.constant 32 : index
      %swap3A_381 = tpu.vector_load %arg15[%swap3A_380] {strides = array<i32>} : memref<128xi32, #tpu.memory_space<vmem>>, vector<16xi32>,
      %swap3A_382 = vector.shape_cast %swap3A_381 : vector<16xi32> to vector<16xi32>
      %swap3A_383 = vector.shape_cast %get3A_379 : vector<16xi32> to vector<16xi32>
      tpu.vector_store %arg15[%swap3A_380], %swap3A_383 {strides = array<i32>} : memref<128xi32, #tpu.memory_space<vmem>>, vector<16xi32>,
      %add3A_384 = arith.constant 48 : i32
      %add3A_385 = arith.addi %mul3A_329, %add3A_384 : i32
      %get3A_386 = arith.index_cast %add3A_385 : i32 to index
      %get3A_387 = tpu.vector_load %arg8[%get3A_386] {strides = array<i32>} : memref<20352xi32, #tpu.memory_space<vmem>>, vector<16xi32>,
      %get3A_388 = vector.shape_cast %get3A_387 : vector<16xi32> to vector<16xi32>
      %add3A_389 = vector.broadcast %mul3A_29 : i32 to vector<16xi32>
      %add3A_390 = arith.addi %get3A_388, %add3A_389 : vector<16xi32>
      %swap3A_391 = arith.constant 48 : index
      %swap3A_392 = tpu.vector_load %arg12[%swap3A_391] {strides = array<i32>} : memref<128xi32, #tpu.memory_space<vmem>>, vector<16xi32>,
      %swap3A_393 = vector.shape_cast %swap3A_392 : vector<16xi32> to vector<16xi32>
      %swap3A_394 = vector.shape_cast %add3A_390 : vector<16xi32> to vector<16xi32>
      tpu.vector_store %arg12[%swap3A_391], %swap3A_394 {strides = array<i32>} : memref<128xi32, #tpu.memory_space<vmem>>, vector<16xi32>,
      %get3A_395 = arith.index_cast %add3A_385 : i32 to index
      %get3A_396 = tpu.vector_load %arg7[%get3A_395] {strides = array<i32>} : memref<20352xi32, #tpu.memory_space<vmem>>, vector<16xi32>,
      %get3A_397 = vector.shape_cast %get3A_396 : vector<16xi32> to vector<16xi32>
      %swap3A_398 = arith.constant 48 : index
      %swap3A_399 = tpu.vector_load %arg15[%swap3A_398] {strides = array<i32>} : memref<128xi32, #tpu.memory_space<vmem>>, vector<16xi32>,
      %swap3A_400 = vector.shape_cast %swap3A_399 : vector<16xi32> to vector<16xi32>
      %swap3A_401 = vector.shape_cast %get3A_397 : vector<16xi32> to vector<16xi32>
      tpu.vector_store %arg15[%swap3A_398], %swap3A_401 {strides = array<i32>} : memref<128xi32, #tpu.memory_space<vmem>>, vector<16xi32>,
      %add3A_402 = arith.constant 64 : i32
      %add3A_403 = arith.addi %mul3A_329, %add3A_402 : i32
      %get3A_404 = arith.index_cast %add3A_403 : i32 to index
      %get3A_405 = tpu.vector_load %arg8[%get3A_404] {strides = array<i32>} : memref<20352xi32, #tpu.memory_space<vmem>>, vector<16xi32>,
      %get3A_406 = vector.shape_cast %get3A_405 : vector<16xi32> to vector<16xi32>
      %add3A_407 = vector.broadcast %mul3A_29 : i32 to vector<16xi32>
      %add3A_408 = arith.addi %get3A_406, %add3A_407 : vector<16xi32>
      %swap3A_409 = arith.constant 64 : index
      %swap3A_410 = tpu.vector_load %arg12[%swap3A_409] {strides = array<i32>} : memref<128xi32, #tpu.memory_space<vmem>>, vector<16xi32>,
      %swap3A_411 = vector.shape_cast %swap3A_410 : vector<16xi32> to vector<16xi32>
      %swap3A_412 = vector.shape_cast %add3A_408 : vector<16xi32> to vector<16xi32>
      tpu.vector_store %arg12[%swap3A_409], %swap3A_412 {strides = array<i32>} : memref<128xi32, #tpu.memory_space<vmem>>, vector<16xi32>,
      %get3A_413 = arith.index_cast %add3A_403 : i32 to index
      %get3A_414 = tpu.vector_load %arg7[%get3A_413] {strides = array<i32>} : memref<20352xi32, #tpu.memory_space<vmem>>, vector<16xi32>,
      %get3A_415 = vector.shape_cast %get3A_414 : vector<16xi32> to vector<16xi32>
      %swap3A_416 = arith.constant 64 : index
      %swap3A_417 = tpu.vector_load %arg15[%swap3A_416] {strides = array<i32>} : memref<128xi32, #tpu.memory_space<vmem>>, vector<16xi32>,
      %swap3A_418 = vector.shape_cast %swap3A_417 : vector<16xi32> to vector<16xi32>
      %swap3A_419 = vector.shape_cast %get3A_415 : vector<16xi32> to vector<16xi32>
      tpu.vector_store %arg15[%swap3A_416], %swap3A_419 {strides = array<i32>} : memref<128xi32, #tpu.memory_space<vmem>>, vector<16xi32>,
      %add3A_420 = arith.constant 80 : i32
      %add3A_421 = arith.addi %mul3A_329, %add3A_420 : i32
      %get3A_422 = arith.index_cast %add3A_421 : i32 to index
      %get3A_423 = tpu.vector_load %arg8[%get3A_422] {strides = array<i32>} : memref<20352xi32, #tpu.memory_space<vmem>>, vector<16xi32>,
      %get3A_424 = vector.shape_cast %get3A_423 : vector<16xi32> to vector<16xi32>
      %add3A_425 = vector.broadcast %mul3A_29 : i32 to vector<16xi32>
      %add3A_426 = arith.addi %get3A_424, %add3A_425 : vector<16xi32>
      %swap3A_427 = arith.constant 80 : index
      %swap3A_428 = tpu.vector_load %arg12[%swap3A_427] {strides = array<i32>} : memref<128xi32, #tpu.memory_space<vmem>>, vector<16xi32>,
      %swap3A_429 = vector.shape_cast %swap3A_428 : vector<16xi32> to vector<16xi32>
      %swap3A_430 = vector.shape_cast %add3A_426 : vector<16xi32> to vector<16xi32>
      tpu.vector_store %arg12[%swap3A_427], %swap3A_430 {strides = array<i32>} : memref<128xi32, #tpu.memory_space<vmem>>, vector<16xi32>,
      %get3A_431 = arith.index_cast %add3A_421 : i32 to index
      %get3A_432 = tpu.vector_load %arg7[%get3A_431] {strides = array<i32>} : memref<20352xi32, #tpu.memory_space<vmem>>, vector<16xi32>,
      %get3A_433 = vector.shape_cast %get3A_432 : vector<16xi32> to vector<16xi32>
      %swap3A_434 = arith.constant 80 : index
      %swap3A_435 = tpu.vector_load %arg15[%swap3A_434] {strides = array<i32>} : memref<128xi32, #tpu.memory_space<vmem>>, vector<16xi32>,
      %swap3A_436 = vector.shape_cast %swap3A_435 : vector<16xi32> to vector<16xi32>
      %swap3A_437 = vector.shape_cast %get3A_433 : vector<16xi32> to vector<16xi32>
      tpu.vector_store %arg15[%swap3A_434], %swap3A_437 {strides = array<i32>} : memref<128xi32, #tpu.memory_space<vmem>>, vector<16xi32>,
      %add3A_438 = arith.constant 96 : i32
      %add3A_439 = arith.addi %mul3A_329, %add3A_438 : i32
      %get3A_440 = arith.index_cast %add3A_439 : i32 to index
      %get3A_441 = tpu.vector_load %arg8[%get3A_440] {strides = array<i32>} : memref<20352xi32, #tpu.memory_space<vmem>>, vector<16xi32>,
      %get3A_442 = vector.shape_cast %get3A_441 : vector<16xi32> to vector<16xi32>
      %add3A_443 = vector.broadcast %mul3A_29 : i32 to vector<16xi32>
      %add3A_444 = arith.addi %get3A_442, %add3A_443 : vector<16xi32>
      %swap3A_445 = arith.constant 96 : index
      %swap3A_446 = tpu.vector_load %arg12[%swap3A_445] {strides = array<i32>} : memref<128xi32, #tpu.memory_space<vmem>>, vector<16xi32>,
      %swap3A_447 = vector.shape_cast %swap3A_446 : vector<16xi32> to vector<16xi32>
      %swap3A_448 = vector.shape_cast %add3A_444 : vector<16xi32> to vector<16xi32>
      tpu.vector_store %arg12[%swap3A_445], %swap3A_448 {strides = array<i32>} : memref<128xi32, #tpu.memory_space<vmem>>, vector<16xi32>,
      %get3A_449 = arith.index_cast %add3A_439 : i32 to index
      %get3A_450 = tpu.vector_load %arg7[%get3A_449] {strides = array<i32>} : memref<20352xi32, #tpu.memory_space<vmem>>, vector<16xi32>,
      %get3A_451 = vector.shape_cast %get3A_450 : vector<16xi32> to vector<16xi32>
      %swap3A_452 = arith.constant 96 : index
      %swap3A_453 = tpu.vector_load %arg15[%swap3A_452] {strides = array<i32>} : memref<128xi32, #tpu.memory_space<vmem>>, vector<16xi32>,
      %swap3A_454 = vector.shape_cast %swap3A_453 : vector<16xi32> to vector<16xi32>
      %swap3A_455 = vector.shape_cast %get3A_451 : vector<16xi32> to vector<16xi32>
      tpu.vector_store %arg15[%swap3A_452], %swap3A_455 {strides = array<i32>} : memref<128xi32, #tpu.memory_space<vmem>>, vector<16xi32>,
      %add3A_456 = arith.constant 112 : i32
      %add3A_457 = arith.addi %mul3A_329, %add3A_456 : i32
      %get3A_458 = arith.index_cast %add3A_457 : i32 to index
      %get3A_459 = tpu.vector_load %arg8[%get3A_458] {strides = array<i32>} : memref<20352xi32, #tpu.memory_space<vmem>>, vector<16xi32>,
      %get3A_460 = vector.shape_cast %get3A_459 : vector<16xi32> to vector<16xi32>
      %add3A_461 = vector.broadcast %mul3A_29 : i32 to vector<16xi32>
      %add3A_462 = arith.addi %get3A_460, %add3A_461 : vector<16xi32>
      %swap3A_463 = arith.constant 112 : index
      %swap3A_464 = tpu.vector_load %arg12[%swap3A_463] {strides = array<i32>} : memref<128xi32, #tpu.memory_space<vmem>>, vector<16xi32>,
      %swap3A_465 = vector.shape_cast %swap3A_464 : vector<16xi32> to vector<16xi32>
      %swap3A_466 = vector.shape_cast %add3A_462 : vector<16xi32> to vector<16xi32>
      tpu.vector_store %arg12[%swap3A_463], %swap3A_466 {strides = array<i32>} : memref<128xi32, #tpu.memory_space<vmem>>, vector<16xi32>,
      %get3A_467 = arith.index_cast %add3A_457 : i32 to index
      %get3A_468 = tpu.vector_load %arg7[%get3A_467] {strides = array<i32>} : memref<20352xi32, #tpu.memory_space<vmem>>, vector<16xi32>,
      %get3A_469 = vector.shape_cast %get3A_468 : vector<16xi32> to vector<16xi32>
      %swap3A_470 = arith.constant 112 : index
      %swap3A_471 = tpu.vector_load %arg15[%swap3A_470] {strides = array<i32>} : memref<128xi32, #tpu.memory_space<vmem>>, vector<16xi32>,
      %swap3A_472 = vector.shape_cast %swap3A_471 : vector<16xi32> to vector<16xi32>
      %swap3A_473 = vector.shape_cast %get3A_469 : vector<16xi32> to vector<16xi32>
      tpu.vector_store %arg15[%swap3A_470], %swap3A_473 {strides = array<i32>} : memref<128xi32, #tpu.memory_space<vmem>>, vector<16xi32>,
      %dma_start3A_474 = arith.constant 0 : i32
      %dma_start3A_475 = arith.constant 0 : i32
      %dma_start3A_476 = tpu.memref_slice %arg2[%dma_start3A_474, %dma_start3A_475] : memref<20224x64xf32, #tpu.memory_space<hbm>> -> memref<20224x64xf32, #tpu.memory_space<hbm>>
      tpu.enqueue_indirect_dma source(%dma_start3A_476 : memref<20224x64xf32, #tpu.memory_space<hbm>>) target(%arg18 : memref<128x64xf32, #tpu.memory_space<vmem>>) offsets(%arg12 : memref<128xi32, #tpu.memory_space<vmem>>) semaphore(%arg21 : memref<!tpu.dma_semaphore, #tpu.memory_space<semaphore_mem>>)
      %dma_start3A_477 = arith.constant 0 : i32
      %dma_start3A_478 = arith.constant 0 : i32
      %dma_start3A_479 = tpu.memref_slice %arg28[%dma_start3A_477, %dma_start3A_478] : memref<10112x64xf32, #tpu.memory_space<vmem_shared>> -> memref<10112x64xf32, #tpu.memory_space<vmem_shared>>
      tpu.enqueue_indirect_dma source(%arg16 : memref<128x64xf32, #tpu.memory_space<vmem>>) target(%dma_start3A_479 : memref<10112x64xf32, #tpu.memory_space<vmem_shared>>) offsets(%arg13 : memref<128xi32, #tpu.memory_space<vmem>>) semaphore(%arg22 : memref<!tpu.dma_semaphore, #tpu.memory_space<semaphore_mem>>) {add = true}
      %mul3A_480 = arith.constant 3 : i32
      %mul3A_481 = arith.muli %scan3A_307, %mul3A_480 : i32
      %add3A_482 = arith.constant 1 : i32
      %add3A_483 = arith.addi %mul3A_481, %add3A_482 : i32
      %dma_wait3A_484 = arith.constant 0 : i32
      %dma_wait3A_485 = arith.constant 0 : i32
      %dma_wait3A_486 = tpu.memref_slice %arg2[%dma_wait3A_484, %dma_wait3A_485] : memref<20224x64xf32, #tpu.memory_space<hbm>> -> memref<20224x64xf32, #tpu.memory_space<hbm>>
      tpu.wait_indirect_dma semaphore(%arg20 : memref<!tpu.dma_semaphore, #tpu.memory_space<semaphore_mem>>) src(%dma_wait3A_486 : memref<20224x64xf32, #tpu.memory_space<hbm>>) dst(%arg17 : memref<128x64xf32, #tpu.memory_space<vmem>>)
      %mul3A_487 = arith.constant 128 : i32
      %mul3A_488 = arith.muli %add3A_483, %mul3A_487 : i32
      %scan3A_489 = arith.constant 0 : i32
      %scan3A_490 = arith.constant 0 : i32
      %scan3A_491 = arith.constant 8 : i32
      %scan3A_492 = arith.addi %scan3A_490, %scan3A_491 : i32
      %scan3A_493 = arith.constant 1 : i32
      scf.for %scan3A_533 = %scan3A_490 to %scan3A_492 step %scan3A_493  : i32 {
        %mul3A_534 = arith.constant 16 : i32
        %mul3A_535 = arith.muli %scan3A_533, %mul3A_534 : i32
        %add3A_536 = arith.addi %mul3A_488, %mul3A_535 : i32
        %get3A_537 = arith.index_cast %add3A_536 : i32 to index
        %get3A_538 = tpu.vector_load %arg9[%get3A_537] {strides = array<i32>} : memref<20352xf32, #tpu.memory_space<vmem>>, vector<16xf32>,
        %get3A_539 = vector.shape_cast %get3A_538 : vector<16xf32> to vector<16xf32>
        %slice3A = vector.extract_strided_slice %get3A_539 {offsets = [0], sizes = [1], strides = [1]} : vector<16xf32> to vector<1xf32>
        %squeeze3A = vector.extract %slice3A[0] : f32 from vector<1xf32>
        %add3A_540 = arith.constant 0 : i32
        %add3A_541 = arith.addi %mul3A_535, %add3A_540 : i32
        %get3A_542 = arith.index_cast %add3A_541 : i32 to index
        %get3A_543 = arith.constant 0 : index
        %get3A_544 = tpu.vector_load %arg17[%get3A_542, %get3A_543] {strides = array<i32>} : memref<128x64xf32, #tpu.memory_space<vmem>>, vector<1x16xf32>,
        %get3A_545 = vector.shape_cast %get3A_544 : vector<1x16xf32> to vector<16xf32>
        %mul3A_546 = vector.broadcast %squeeze3A : f32 to vector<16xf32>
        %mul3A_547 = arith.mulf %get3A_545, %mul3A_546 : vector<16xf32>
        %add3A_548 = arith.constant 0 : i32
        %add3A_549 = arith.addi %mul3A_535, %add3A_548 : i32
        %swap3A_550 = arith.index_cast %add3A_549 : i32 to index
        %swap3A_551 = arith.constant 0 : index
        %swap3A_552 = tpu.vector_load %arg17[%swap3A_550, %swap3A_551] {strides = array<i32>} : memref<128x64xf32, #tpu.memory_space<vmem>>, vector<1x16xf32>,
        %swap3A_553 = vector.shape_cast %swap3A_552 : vector<1x16xf32> to vector<16xf32>
        %swap3A_554 = vector.shape_cast %mul3A_547 : vector<16xf32> to vector<1x16xf32>
        tpu.vector_store %arg17[%swap3A_550, %swap3A_551], %swap3A_554 {strides = array<i32>} : memref<128x64xf32, #tpu.memory_space<vmem>>, vector<1x16xf32>,
        %add3A_555 = arith.constant 0 : i32
        %add3A_556 = arith.addi %mul3A_535, %add3A_555 : i32
        %get3A_557 = arith.index_cast %add3A_556 : i32 to index
        %get3A_558 = arith.constant 16 : index
        %get3A_559 = tpu.vector_load %arg17[%get3A_557, %get3A_558] {strides = array<i32>} : memref<128x64xf32, #tpu.memory_space<vmem>>, vector<1x16xf32>,
        %get3A_560 = vector.shape_cast %get3A_559 : vector<1x16xf32> to vector<16xf32>
        %mul3A_561 = vector.broadcast %squeeze3A : f32 to vector<16xf32>
        %mul3A_562 = arith.mulf %get3A_560, %mul3A_561 : vector<16xf32>
        %add3A_563 = arith.constant 0 : i32
        %add3A_564 = arith.addi %mul3A_535, %add3A_563 : i32
        %swap3A_565 = arith.index_cast %add3A_564 : i32 to index
        %swap3A_566 = arith.constant 16 : index
        %swap3A_567 = tpu.vector_load %arg17[%swap3A_565, %swap3A_566] {strides = array<i32>} : memref<128x64xf32, #tpu.memory_space<vmem>>, vector<1x16xf32>,
        %swap3A_568 = vector.shape_cast %swap3A_567 : vector<1x16xf32> to vector<16xf32>
        %swap3A_569 = vector.shape_cast %mul3A_562 : vector<16xf32> to vector<1x16xf32>
        tpu.vector_store %arg17[%swap3A_565, %swap3A_566], %swap3A_569 {strides = array<i32>} : memref<128x64xf32, #tpu.memory_space<vmem>>, vector<1x16xf32>,
        %add3A_570 = arith.constant 0 : i32
        %add3A_571 = arith.addi %mul3A_535, %add3A_570 : i32
        %get3A_572 = arith.index_cast %add3A_571 : i32 to index
        %get3A_573 = arith.constant 32 : index
        %get3A_574 = tpu.vector_load %arg17[%get3A_572, %get3A_573] {strides = array<i32>} : memref<128x64xf32, #tpu.memory_space<vmem>>, vector<1x16xf32>,
        %get3A_575 = vector.shape_cast %get3A_574 : vector<1x16xf32> to vector<16xf32>
        %mul3A_576 = vector.broadcast %squeeze3A : f32 to vector<16xf32>
        %mul3A_577 = arith.mulf %get3A_575, %mul3A_576 : vector<16xf32>
        %add3A_578 = arith.constant 0 : i32
        %add3A_579 = arith.addi %mul3A_535, %add3A_578 : i32
        %swap3A_580 = arith.index_cast %add3A_579 : i32 to index
        %swap3A_581 = arith.constant 32 : index
        %swap3A_582 = tpu.vector_load %arg17[%swap3A_580, %swap3A_581] {strides = array<i32>} : memref<128x64xf32, #tpu.memory_space<vmem>>, vector<1x16xf32>,
        %swap3A_583 = vector.shape_cast %swap3A_582 : vector<1x16xf32> to vector<16xf32>
        %swap3A_584 = vector.shape_cast %mul3A_577 : vector<16xf32> to vector<1x16xf32>
        tpu.vector_store %arg17[%swap3A_580, %swap3A_581], %swap3A_584 {strides = array<i32>} : memref<128x64xf32, #tpu.memory_space<vmem>>, vector<1x16xf32>,
        %add3A_585 = arith.constant 0 : i32
        %add3A_586 = arith.addi %mul3A_535, %add3A_585 : i32
        %get3A_587 = arith.index_cast %add3A_586 : i32 to index
        %get3A_588 = arith.constant 48 : index
        %get3A_589 = tpu.vector_load %arg17[%get3A_587, %get3A_588] {strides = array<i32>} : memref<128x64xf32, #tpu.memory_space<vmem>>, vector<1x16xf32>,
        %get3A_590 = vector.shape_cast %get3A_589 : vector<1x16xf32> to vector<16xf32>
        %mul3A_591 = vector.broadcast %squeeze3A : f32 to vector<16xf32>
        %mul3A_592 = arith.mulf %get3A_590, %mul3A_591 : vector<16xf32>
        %add3A_593 = arith.constant 0 : i32
        %add3A_594 = arith.addi %mul3A_535, %add3A_593 : i32
        %swap3A_595 = arith.index_cast %add3A_594 : i32 to index
        %swap3A_596 = arith.constant 48 : index
        %swap3A_597 = tpu.vector_load %arg17[%swap3A_595, %swap3A_596] {strides = array<i32>} : memref<128x64xf32, #tpu.memory_space<vmem>>, vector<1x16xf32>,
        %swap3A_598 = vector.shape_cast %swap3A_597 : vector<1x16xf32> to vector<16xf32>
        %swap3A_599 = vector.shape_cast %mul3A_592 : vector<16xf32> to vector<1x16xf32>
        tpu.vector_store %arg17[%swap3A_595, %swap3A_596], %swap3A_599 {strides = array<i32>} : memref<128x64xf32, #tpu.memory_space<vmem>>, vector<1x16xf32>,
        %slice3A_600 = vector.extract_strided_slice %get3A_539 {offsets = [1], sizes = [1], strides = [1]} : vector<16xf32> to vector<1xf32>
        %squeeze3A_601 = vector.extract %slice3A_600[0] : f32 from vector<1xf32>
        %add3A_602 = arith.constant 1 : i32
        %add3A_603 = arith.addi %mul3A_535, %add3A_602 : i32
        %get3A_604 = arith.index_cast %add3A_603 : i32 to index
        %get3A_605 = arith.constant 0 : index
        %get3A_606 = tpu.vector_load %arg17[%get3A_604, %get3A_605] {strides = array<i32>} : memref<128x64xf32, #tpu.memory_space<vmem>>, vector<1x16xf32>,
        %get3A_607 = vector.shape_cast %get3A_606 : vector<1x16xf32> to vector<16xf32>
        %mul3A_608 = vector.broadcast %squeeze3A_601 : f32 to vector<16xf32>
        %mul3A_609 = arith.mulf %get3A_607, %mul3A_608 : vector<16xf32>
        %add3A_610 = arith.constant 1 : i32
        %add3A_611 = arith.addi %mul3A_535, %add3A_610 : i32
        %swap3A_612 = arith.index_cast %add3A_611 : i32 to index
        %swap3A_613 = arith.constant 0 : index
        %swap3A_614 = tpu.vector_load %arg17[%swap3A_612, %swap3A_613] {strides = array<i32>} : memref<128x64xf32, #tpu.memory_space<vmem>>, vector<1x16xf32>,
        %swap3A_615 = vector.shape_cast %swap3A_614 : vector<1x16xf32> to vector<16xf32>
        %swap3A_616 = vector.shape_cast %mul3A_609 : vector<16xf32> to vector<1x16xf32>
        tpu.vector_store %arg17[%swap3A_612, %swap3A_613], %swap3A_616 {strides = array<i32>} : memref<128x64xf32, #tpu.memory_space<vmem>>, vector<1x16xf32>,
        %add3A_617 = arith.constant 1 : i32
        %add3A_618 = arith.addi %mul3A_535, %add3A_617 : i32
        %get3A_619 = arith.index_cast %add3A_618 : i32 to index
        %get3A_620 = arith.constant 16 : index
        %get3A_621 = tpu.vector_load %arg17[%get3A_619, %get3A_620] {strides = array<i32>} : memref<128x64xf32, #tpu.memory_space<vmem>>, vector<1x16xf32>,
        %get3A_622 = vector.shape_cast %get3A_621 : vector<1x16xf32> to vector<16xf32>
        %mul3A_623 = vector.broadcast %squeeze3A_601 : f32 to vector<16xf32>
        %mul3A_624 = arith.mulf %get3A_622, %mul3A_623 : vector<16xf32>
        %add3A_625 = arith.constant 1 : i32
        %add3A_626 = arith.addi %mul3A_535, %add3A_625 : i32
        %swap3A_627 = arith.index_cast %add3A_626 : i32 to index
        %swap3A_628 = arith.constant 16 : index
        %swap3A_629 = tpu.vector_load %arg17[%swap3A_627, %swap3A_628] {strides = array<i32>} : memref<128x64xf32, #tpu.memory_space<vmem>>, vector<1x16xf32>,
        %swap3A_630 = vector.shape_cast %swap3A_629 : vector<1x16xf32> to vector<16xf32>
        %swap3A_631 = vector.shape_cast %mul3A_624 : vector<16xf32> to vector<1x16xf32>
        tpu.vector_store %arg17[%swap3A_627, %swap3A_628], %swap3A_631 {strides = array<i32>} : memref<128x64xf32, #tpu.memory_space<vmem>>, vector<1x16xf32>,
        %add3A_632 = arith.constant 1 : i32
        %add3A_633 = arith.addi %mul3A_535, %add3A_632 : i32
        %get3A_634 = arith.index_cast %add3A_633 : i32 to index
        %get3A_635 = arith.constant 32 : index
        %get3A_636 = tpu.vector_load %arg17[%get3A_634, %get3A_635] {strides = array<i32>} : memref<128x64xf32, #tpu.memory_space<vmem>>, vector<1x16xf32>,
        %get3A_637 = vector.shape_cast %get3A_636 : vector<1x16xf32> to vector<16xf32>
        %mul3A_638 = vector.broadcast %squeeze3A_601 : f32 to vector<16xf32>
        %mul3A_639 = arith.mulf %get3A_637, %mul3A_638 : vector<16xf32>
        %add3A_640 = arith.constant 1 : i32
        %add3A_641 = arith.addi %mul3A_535, %add3A_640 : i32
        %swap3A_642 = arith.index_cast %add3A_641 : i32 to index
        %swap3A_643 = arith.constant 32 : index
        %swap3A_644 = tpu.vector_load %arg17[%swap3A_642, %swap3A_643] {strides = array<i32>} : memref<128x64xf32, #tpu.memory_space<vmem>>, vector<1x16xf32>,
        %swap3A_645 = vector.shape_cast %swap3A_644 : vector<1x16xf32> to vector<16xf32>
        %swap3A_646 = vector.shape_cast %mul3A_639 : vector<16xf32> to vector<1x16xf32>
        tpu.vector_store %arg17[%swap3A_642, %swap3A_643], %swap3A_646 {strides = array<i32>} : memref<128x64xf32, #tpu.memory_space<vmem>>, vector<1x16xf32>,
        %add3A_647 = arith.constant 1 : i32
        %add3A_648 = arith.addi %mul3A_535, %add3A_647 : i32
        %get3A_649 = arith.index_cast %add3A_648 : i32 to index
        %get3A_650 = arith.constant 48 : index
        %get3A_651 = tpu.vector_load %arg17[%get3A_649, %get3A_650] {strides = array<i32>} : memref<128x64xf32, #tpu.memory_space<vmem>>, vector<1x16xf32>,
        %get3A_652 = vector.shape_cast %get3A_651 : vector<1x16xf32> to vector<16xf32>
        %mul3A_653 = vector.broadcast %squeeze3A_601 : f32 to vector<16xf32>
        %mul3A_654 = arith.mulf %get3A_652, %mul3A_653 : vector<16xf32>
        %add3A_655 = arith.constant 1 : i32
        %add3A_656 = arith.addi %mul3A_535, %add3A_655 : i32
        %swap3A_657 = arith.index_cast %add3A_656 : i32 to index
        %swap3A_658 = arith.constant 48 : index
        %swap3A_659 = tpu.vector_load %arg17[%swap3A_657, %swap3A_658] {strides = array<i32>} : memref<128x64xf32, #tpu.memory_space<vmem>>, vector<1x16xf32>,
        %swap3A_660 = vector.shape_cast %swap3A_659 : vector<1x16xf32> to vector<16xf32>
        %swap3A_661 = vector.shape_cast %mul3A_654 : vector<16xf32> to vector<1x16xf32>
        tpu.vector_store %arg17[%swap3A_657, %swap3A_658], %swap3A_661 {strides = array<i32>} : memref<128x64xf32, #tpu.memory_space<vmem>>, vector<1x16xf32>,
        %slice3A_662 = vector.extract_strided_slice %get3A_539 {offsets = [2], sizes = [1], strides = [1]} : vector<16xf32> to vector<1xf32>
        %squeeze3A_663 = vector.extract %slice3A_662[0] : f32 from vector<1xf32>
        %add3A_664 = arith.constant 2 : i32
        %add3A_665 = arith.addi %mul3A_535, %add3A_664 : i32
        %get3A_666 = arith.index_cast %add3A_665 : i32 to index
        %get3A_667 = arith.constant 0 : index
        %get3A_668 = tpu.vector_load %arg17[%get3A_666, %get3A_667] {strides = array<i32>} : memref<128x64xf32, #tpu.memory_space<vmem>>, vector<1x16xf32>,
        %get3A_669 = vector.shape_cast %get3A_668 : vector<1x16xf32> to vector<16xf32>
        %mul3A_670 = vector.broadcast %squeeze3A_663 : f32 to vector<16xf32>
        %mul3A_671 = arith.mulf %get3A_669, %mul3A_670 : vector<16xf32>
        %add3A_672 = arith.constant 2 : i32
        %add3A_673 = arith.addi %mul3A_535, %add3A_672 : i32
        %swap3A_674 = arith.index_cast %add3A_673 : i32 to index
        %swap3A_675 = arith.constant 0 : index
        %swap3A_676 = tpu.vector_load %arg17[%swap3A_674, %swap3A_675] {strides = array<i32>} : memref<128x64xf32, #tpu.memory_space<vmem>>, vector<1x16xf32>,
        %swap3A_677 = vector.shape_cast %swap3A_676 : vector<1x16xf32> to vector<16xf32>
        %swap3A_678 = vector.shape_cast %mul3A_671 : vector<16xf32> to vector<1x16xf32>
        tpu.vector_store %arg17[%swap3A_674, %swap3A_675], %swap3A_678 {strides = array<i32>} : memref<128x64xf32, #tpu.memory_space<vmem>>, vector<1x16xf32>,
        %add3A_679 = arith.constant 2 : i32
        %add3A_680 = arith.addi %mul3A_535, %add3A_679 : i32
        %get3A_681 = arith.index_cast %add3A_680 : i32 to index
        %get3A_682 = arith.constant 16 : index
        %get3A_683 = tpu.vector_load %arg17[%get3A_681, %get3A_682] {strides = array<i32>} : memref<128x64xf32, #tpu.memory_space<vmem>>, vector<1x16xf32>,
        %get3A_684 = vector.shape_cast %get3A_683 : vector<1x16xf32> to vector<16xf32>
        %mul3A_685 = vector.broadcast %squeeze3A_663 : f32 to vector<16xf32>
        %mul3A_686 = arith.mulf %get3A_684, %mul3A_685 : vector<16xf32>
        %add3A_687 = arith.constant 2 : i32
        %add3A_688 = arith.addi %mul3A_535, %add3A_687 : i32
        %swap3A_689 = arith.index_cast %add3A_688 : i32 to index
        %swap3A_690 = arith.constant 16 : index
        %swap3A_691 = tpu.vector_load %arg17[%swap3A_689, %swap3A_690] {strides = array<i32>} : memref<128x64xf32, #tpu.memory_space<vmem>>, vector<1x16xf32>,
        %swap3A_692 = vector.shape_cast %swap3A_691 : vector<1x16xf32> to vector<16xf32>
        %swap3A_693 = vector.shape_cast %mul3A_686 : vector<16xf32> to vector<1x16xf32>
        tpu.vector_store %arg17[%swap3A_689, %swap3A_690], %swap3A_693 {strides = array<i32>} : memref<128x64xf32, #tpu.memory_space<vmem>>, vector<1x16xf32>,
        %add3A_694 = arith.constant 2 : i32
        %add3A_695 = arith.addi %mul3A_535, %add3A_694 : i32
        %get3A_696 = arith.index_cast %add3A_695 : i32 to index
        %get3A_697 = arith.constant 32 : index
        %get3A_698 = tpu.vector_load %arg17[%get3A_696, %get3A_697] {strides = array<i32>} : memref<128x64xf32, #tpu.memory_space<vmem>>, vector<1x16xf32>,
        %get3A_699 = vector.shape_cast %get3A_698 : vector<1x16xf32> to vector<16xf32>
        %mul3A_700 = vector.broadcast %squeeze3A_663 : f32 to vector<16xf32>
        %mul3A_701 = arith.mulf %get3A_699, %mul3A_700 : vector<16xf32>
        %add3A_702 = arith.constant 2 : i32
        %add3A_703 = arith.addi %mul3A_535, %add3A_702 : i32
        %swap3A_704 = arith.index_cast %add3A_703 : i32 to index
        %swap3A_705 = arith.constant 32 : index
        %swap3A_706 = tpu.vector_load %arg17[%swap3A_704, %swap3A_705] {strides = array<i32>} : memref<128x64xf32, #tpu.memory_space<vmem>>, vector<1x16xf32>,
        %swap3A_707 = vector.shape_cast %swap3A_706 : vector<1x16xf32> to vector<16xf32>
        %swap3A_708 = vector.shape_cast %mul3A_701 : vector<16xf32> to vector<1x16xf32>
        tpu.vector_store %arg17[%swap3A_704, %swap3A_705], %swap3A_708 {strides = array<i32>} : memref<128x64xf32, #tpu.memory_space<vmem>>, vector<1x16xf32>,
        %add3A_709 = arith.constant 2 : i32
        %add3A_710 = arith.addi %mul3A_535, %add3A_709 : i32
        %get3A_711 = arith.index_cast %add3A_710 : i32 to index
        %get3A_712 = arith.constant 48 : index
        %get3A_713 = tpu.vector_load %arg17[%get3A_711, %get3A_712] {strides = array<i32>} : memref<128x64xf32, #tpu.memory_space<vmem>>, vector<1x16xf32>,
        %get3A_714 = vector.shape_cast %get3A_713 : vector<1x16xf32> to vector<16xf32>
        %mul3A_715 = vector.broadcast %squeeze3A_663 : f32 to vector<16xf32>
        %mul3A_716 = arith.mulf %get3A_714, %mul3A_715 : vector<16xf32>
        %add3A_717 = arith.constant 2 : i32
        %add3A_718 = arith.addi %mul3A_535, %add3A_717 : i32
        %swap3A_719 = arith.index_cast %add3A_718 : i32 to index
        %swap3A_720 = arith.constant 48 : index
        %swap3A_721 = tpu.vector_load %arg17[%swap3A_719, %swap3A_720] {strides = array<i32>} : memref<128x64xf32, #tpu.memory_space<vmem>>, vector<1x16xf32>,
        %swap3A_722 = vector.shape_cast %swap3A_721 : vector<1x16xf32> to vector<16xf32>
        %swap3A_723 = vector.shape_cast %mul3A_716 : vector<16xf32> to vector<1x16xf32>
        tpu.vector_store %arg17[%swap3A_719, %swap3A_720], %swap3A_723 {strides = array<i32>} : memref<128x64xf32, #tpu.memory_space<vmem>>, vector<1x16xf32>,
        %slice3A_724 = vector.extract_strided_slice %get3A_539 {offsets = [3], sizes = [1], strides = [1]} : vector<16xf32> to vector<1xf32>
        %squeeze3A_725 = vector.extract %slice3A_724[0] : f32 from vector<1xf32>
        %add3A_726 = arith.constant 3 : i32
        %add3A_727 = arith.addi %mul3A_535, %add3A_726 : i32
        %get3A_728 = arith.index_cast %add3A_727 : i32 to index
        %get3A_729 = arith.constant 0 : index
        %get3A_730 = tpu.vector_load %arg17[%get3A_728, %get3A_729] {strides = array<i32>} : memref<128x64xf32, #tpu.memory_space<vmem>>, vector<1x16xf32>,
        %get3A_731 = vector.shape_cast %get3A_730 : vector<1x16xf32> to vector<16xf32>
        %mul3A_732 = vector.broadcast %squeeze3A_725 : f32 to vector<16xf32>
        %mul3A_733 = arith.mulf %get3A_731, %mul3A_732 : vector<16xf32>
        %add3A_734 = arith.constant 3 : i32
        %add3A_735 = arith.addi %mul3A_535, %add3A_734 : i32
        %swap3A_736 = arith.index_cast %add3A_735 : i32 to index
        %swap3A_737 = arith.constant 0 : index
        %swap3A_738 = tpu.vector_load %arg17[%swap3A_736, %swap3A_737] {strides = array<i32>} : memref<128x64xf32, #tpu.memory_space<vmem>>, vector<1x16xf32>,
        %swap3A_739 = vector.shape_cast %swap3A_738 : vector<1x16xf32> to vector<16xf32>
        %swap3A_740 = vector.shape_cast %mul3A_733 : vector<16xf32> to vector<1x16xf32>
        tpu.vector_store %arg17[%swap3A_736, %swap3A_737], %swap3A_740 {strides = array<i32>} : memref<128x64xf32, #tpu.memory_space<vmem>>, vector<1x16xf32>,
        %add3A_741 = arith.constant 3 : i32
        %add3A_742 = arith.addi %mul3A_535, %add3A_741 : i32
        %get3A_743 = arith.index_cast %add3A_742 : i32 to index
        %get3A_744 = arith.constant 16 : index
        %get3A_745 = tpu.vector_load %arg17[%get3A_743, %get3A_744] {strides = array<i32>} : memref<128x64xf32, #tpu.memory_space<vmem>>, vector<1x16xf32>,
        %get3A_746 = vector.shape_cast %get3A_745 : vector<1x16xf32> to vector<16xf32>
        %mul3A_747 = vector.broadcast %squeeze3A_725 : f32 to vector<16xf32>
        %mul3A_748 = arith.mulf %get3A_746, %mul3A_747 : vector<16xf32>
        %add3A_749 = arith.constant 3 : i32
        %add3A_750 = arith.addi %mul3A_535, %add3A_749 : i32
        %swap3A_751 = arith.index_cast %add3A_750 : i32 to index
        %swap3A_752 = arith.constant 16 : index
        %swap3A_753 = tpu.vector_load %arg17[%swap3A_751, %swap3A_752] {strides = array<i32>} : memref<128x64xf32, #tpu.memory_space<vmem>>, vector<1x16xf32>,
        %swap3A_754 = vector.shape_cast %swap3A_753 : vector<1x16xf32> to vector<16xf32>
        %swap3A_755 = vector.shape_cast %mul3A_748 : vector<16xf32> to vector<1x16xf32>
        tpu.vector_store %arg17[%swap3A_751, %swap3A_752], %swap3A_755 {strides = array<i32>} : memref<128x64xf32, #tpu.memory_space<vmem>>, vector<1x16xf32>,
        %add3A_756 = arith.constant 3 : i32
        %add3A_757 = arith.addi %mul3A_535, %add3A_756 : i32
        %get3A_758 = arith.index_cast %add3A_757 : i32 to index
        %get3A_759 = arith.constant 32 : index
        %get3A_760 = tpu.vector_load %arg17[%get3A_758, %get3A_759] {strides = array<i32>} : memref<128x64xf32, #tpu.memory_space<vmem>>, vector<1x16xf32>,
        %get3A_761 = vector.shape_cast %get3A_760 : vector<1x16xf32> to vector<16xf32>
        %mul3A_762 = vector.broadcast %squeeze3A_725 : f32 to vector<16xf32>
        %mul3A_763 = arith.mulf %get3A_761, %mul3A_762 : vector<16xf32>
        %add3A_764 = arith.constant 3 : i32
        %add3A_765 = arith.addi %mul3A_535, %add3A_764 : i32
        %swap3A_766 = arith.index_cast %add3A_765 : i32 to index
        %swap3A_767 = arith.constant 32 : index
        %swap3A_768 = tpu.vector_load %arg17[%swap3A_766, %swap3A_767] {strides = array<i32>} : memref<128x64xf32, #tpu.memory_space<vmem>>, vector<1x16xf32>,
        %swap3A_769 = vector.shape_cast %swap3A_768 : vector<1x16xf32> to vector<16xf32>
        %swap3A_770 = vector.shape_cast %mul3A_763 : vector<16xf32> to vector<1x16xf32>
        tpu.vector_store %arg17[%swap3A_766, %swap3A_767], %swap3A_770 {strides = array<i32>} : memref<128x64xf32, #tpu.memory_space<vmem>>, vector<1x16xf32>,
        %add3A_771 = arith.constant 3 : i32
        %add3A_772 = arith.addi %mul3A_535, %add3A_771 : i32
        %get3A_773 = arith.index_cast %add3A_772 : i32 to index
        %get3A_774 = arith.constant 48 : index
        %get3A_775 = tpu.vector_load %arg17[%get3A_773, %get3A_774] {strides = array<i32>} : memref<128x64xf32, #tpu.memory_space<vmem>>, vector<1x16xf32>,
        %get3A_776 = vector.shape_cast %get3A_775 : vector<1x16xf32> to vector<16xf32>
        %mul3A_777 = vector.broadcast %squeeze3A_725 : f32 to vector<16xf32>
        %mul3A_778 = arith.mulf %get3A_776, %mul3A_777 : vector<16xf32>
        %add3A_779 = arith.constant 3 : i32
        %add3A_780 = arith.addi %mul3A_535, %add3A_779 : i32
        %swap3A_781 = arith.index_cast %add3A_780 : i32 to index
        %swap3A_782 = arith.constant 48 : index
        %swap3A_783 = tpu.vector_load %arg17[%swap3A_781, %swap3A_782] {strides = array<i32>} : memref<128x64xf32, #tpu.memory_space<vmem>>, vector<1x16xf32>,
        %swap3A_784 = vector.shape_cast %swap3A_783 : vector<1x16xf32> to vector<16xf32>
        %swap3A_785 = vector.shape_cast %mul3A_778 : vector<16xf32> to vector<1x16xf32>
        tpu.vector_store %arg17[%swap3A_781, %swap3A_782], %swap3A_785 {strides = array<i32>} : memref<128x64xf32, #tpu.memory_space<vmem>>, vector<1x16xf32>,
        %slice3A_786 = vector.extract_strided_slice %get3A_539 {offsets = [4], sizes = [1], strides = [1]} : vector<16xf32> to vector<1xf32>
        %squeeze3A_787 = vector.extract %slice3A_786[0] : f32 from vector<1xf32>
        %add3A_788 = arith.constant 4 : i32
        %add3A_789 = arith.addi %mul3A_535, %add3A_788 : i32
        %get3A_790 = arith.index_cast %add3A_789 : i32 to index
        %get3A_791 = arith.constant 0 : index
        %get3A_792 = tpu.vector_load %arg17[%get3A_790, %get3A_791] {strides = array<i32>} : memref<128x64xf32, #tpu.memory_space<vmem>>, vector<1x16xf32>,
        %get3A_793 = vector.shape_cast %get3A_792 : vector<1x16xf32> to vector<16xf32>
        %mul3A_794 = vector.broadcast %squeeze3A_787 : f32 to vector<16xf32>
        %mul3A_795 = arith.mulf %get3A_793, %mul3A_794 : vector<16xf32>
        %add3A_796 = arith.constant 4 : i32
        %add3A_797 = arith.addi %mul3A_535, %add3A_796 : i32
        %swap3A_798 = arith.index_cast %add3A_797 : i32 to index
        %swap3A_799 = arith.constant 0 : index
        %swap3A_800 = tpu.vector_load %arg17[%swap3A_798, %swap3A_799] {strides = array<i32>} : memref<128x64xf32, #tpu.memory_space<vmem>>, vector<1x16xf32>,
        %swap3A_801 = vector.shape_cast %swap3A_800 : vector<1x16xf32> to vector<16xf32>
        %swap3A_802 = vector.shape_cast %mul3A_795 : vector<16xf32> to vector<1x16xf32>
        tpu.vector_store %arg17[%swap3A_798, %swap3A_799], %swap3A_802 {strides = array<i32>} : memref<128x64xf32, #tpu.memory_space<vmem>>, vector<1x16xf32>,
        %add3A_803 = arith.constant 4 : i32
        %add3A_804 = arith.addi %mul3A_535, %add3A_803 : i32
        %get3A_805 = arith.index_cast %add3A_804 : i32 to index
        %get3A_806 = arith.constant 16 : index
        %get3A_807 = tpu.vector_load %arg17[%get3A_805, %get3A_806] {strides = array<i32>} : memref<128x64xf32, #tpu.memory_space<vmem>>, vector<1x16xf32>,
        %get3A_808 = vector.shape_cast %get3A_807 : vector<1x16xf32> to vector<16xf32>
        %mul3A_809 = vector.broadcast %squeeze3A_787 : f32 to vector<16xf32>
        %mul3A_810 = arith.mulf %get3A_808, %mul3A_809 : vector<16xf32>
        %add3A_811 = arith.constant 4 : i32
        %add3A_812 = arith.addi %mul3A_535, %add3A_811 : i32
        %swap3A_813 = arith.index_cast %add3A_812 : i32 to index
        %swap3A_814 = arith.constant 16 : index
        %swap3A_815 = tpu.vector_load %arg17[%swap3A_813, %swap3A_814] {strides = array<i32>} : memref<128x64xf32, #tpu.memory_space<vmem>>, vector<1x16xf32>,
        %swap3A_816 = vector.shape_cast %swap3A_815 : vector<1x16xf32> to vector<16xf32>
        %swap3A_817 = vector.shape_cast %mul3A_810 : vector<16xf32> to vector<1x16xf32>
        tpu.vector_store %arg17[%swap3A_813, %swap3A_814], %swap3A_817 {strides = array<i32>} : memref<128x64xf32, #tpu.memory_space<vmem>>, vector<1x16xf32>,
        %add3A_818 = arith.constant 4 : i32
        %add3A_819 = arith.addi %mul3A_535, %add3A_818 : i32
        %get3A_820 = arith.index_cast %add3A_819 : i32 to index
        %get3A_821 = arith.constant 32 : index
        %get3A_822 = tpu.vector_load %arg17[%get3A_820, %get3A_821] {strides = array<i32>} : memref<128x64xf32, #tpu.memory_space<vmem>>, vector<1x16xf32>,
        %get3A_823 = vector.shape_cast %get3A_822 : vector<1x16xf32> to vector<16xf32>
        %mul3A_824 = vector.broadcast %squeeze3A_787 : f32 to vector<16xf32>
        %mul3A_825 = arith.mulf %get3A_823, %mul3A_824 : vector<16xf32>
        %add3A_826 = arith.constant 4 : i32
        %add3A_827 = arith.addi %mul3A_535, %add3A_826 : i32
        %swap3A_828 = arith.index_cast %add3A_827 : i32 to index
        %swap3A_829 = arith.constant 32 : index
        %swap3A_830 = tpu.vector_load %arg17[%swap3A_828, %swap3A_829] {strides = array<i32>} : memref<128x64xf32, #tpu.memory_space<vmem>>, vector<1x16xf32>,
        %swap3A_831 = vector.shape_cast %swap3A_830 : vector<1x16xf32> to vector<16xf32>
        %swap3A_832 = vector.shape_cast %mul3A_825 : vector<16xf32> to vector<1x16xf32>
        tpu.vector_store %arg17[%swap3A_828, %swap3A_829], %swap3A_832 {strides = array<i32>} : memref<128x64xf32, #tpu.memory_space<vmem>>, vector<1x16xf32>,
        %add3A_833 = arith.constant 4 : i32
        %add3A_834 = arith.addi %mul3A_535, %add3A_833 : i32
        %get3A_835 = arith.index_cast %add3A_834 : i32 to index
        %get3A_836 = arith.constant 48 : index
        %get3A_837 = tpu.vector_load %arg17[%get3A_835, %get3A_836] {strides = array<i32>} : memref<128x64xf32, #tpu.memory_space<vmem>>, vector<1x16xf32>,
        %get3A_838 = vector.shape_cast %get3A_837 : vector<1x16xf32> to vector<16xf32>
        %mul3A_839 = vector.broadcast %squeeze3A_787 : f32 to vector<16xf32>
        %mul3A_840 = arith.mulf %get3A_838, %mul3A_839 : vector<16xf32>
        %add3A_841 = arith.constant 4 : i32
        %add3A_842 = arith.addi %mul3A_535, %add3A_841 : i32
        %swap3A_843 = arith.index_cast %add3A_842 : i32 to index
        %swap3A_844 = arith.constant 48 : index
        %swap3A_845 = tpu.vector_load %arg17[%swap3A_843, %swap3A_844] {strides = array<i32>} : memref<128x64xf32, #tpu.memory_space<vmem>>, vector<1x16xf32>,
        %swap3A_846 = vector.shape_cast %swap3A_845 : vector<1x16xf32> to vector<16xf32>
        %swap3A_847 = vector.shape_cast %mul3A_840 : vector<16xf32> to vector<1x16xf32>
        tpu.vector_store %arg17[%swap3A_843, %swap3A_844], %swap3A_847 {strides = array<i32>} : memref<128x64xf32, #tpu.memory_space<vmem>>, vector<1x16xf32>,
        %slice3A_848 = vector.extract_strided_slice %get3A_539 {offsets = [5], sizes = [1], strides = [1]} : vector<16xf32> to vector<1xf32>
        %squeeze3A_849 = vector.extract %slice3A_848[0] : f32 from vector<1xf32>
        %add3A_850 = arith.constant 5 : i32
        %add3A_851 = arith.addi %mul3A_535, %add3A_850 : i32
        %get3A_852 = arith.index_cast %add3A_851 : i32 to index
        %get3A_853 = arith.constant 0 : index
        %get3A_854 = tpu.vector_load %arg17[%get3A_852, %get3A_853] {strides = array<i32>} : memref<128x64xf32, #tpu.memory_space<vmem>>, vector<1x16xf32>,
        %get3A_855 = vector.shape_cast %get3A_854 : vector<1x16xf32> to vector<16xf32>
        %mul3A_856 = vector.broadcast %squeeze3A_849 : f32 to vector<16xf32>
        %mul3A_857 = arith.mulf %get3A_855, %mul3A_856 : vector<16xf32>
        %add3A_858 = arith.constant 5 : i32
        %add3A_859 = arith.addi %mul3A_535, %add3A_858 : i32
        %swap3A_860 = arith.index_cast %add3A_859 : i32 to index
        %swap3A_861 = arith.constant 0 : index
        %swap3A_862 = tpu.vector_load %arg17[%swap3A_860, %swap3A_861] {strides = array<i32>} : memref<128x64xf32, #tpu.memory_space<vmem>>, vector<1x16xf32>,
        %swap3A_863 = vector.shape_cast %swap3A_862 : vector<1x16xf32> to vector<16xf32>
        %swap3A_864 = vector.shape_cast %mul3A_857 : vector<16xf32> to vector<1x16xf32>
        tpu.vector_store %arg17[%swap3A_860, %swap3A_861], %swap3A_864 {strides = array<i32>} : memref<128x64xf32, #tpu.memory_space<vmem>>, vector<1x16xf32>,
        %add3A_865 = arith.constant 5 : i32
        %add3A_866 = arith.addi %mul3A_535, %add3A_865 : i32
        %get3A_867 = arith.index_cast %add3A_866 : i32 to index
        %get3A_868 = arith.constant 16 : index
        %get3A_869 = tpu.vector_load %arg17[%get3A_867, %get3A_868] {strides = array<i32>} : memref<128x64xf32, #tpu.memory_space<vmem>>, vector<1x16xf32>,
        %get3A_870 = vector.shape_cast %get3A_869 : vector<1x16xf32> to vector<16xf32>
        %mul3A_871 = vector.broadcast %squeeze3A_849 : f32 to vector<16xf32>
        %mul3A_872 = arith.mulf %get3A_870, %mul3A_871 : vector<16xf32>
        %add3A_873 = arith.constant 5 : i32
        %add3A_874 = arith.addi %mul3A_535, %add3A_873 : i32
        %swap3A_875 = arith.index_cast %add3A_874 : i32 to index
        %swap3A_876 = arith.constant 16 : index
        %swap3A_877 = tpu.vector_load %arg17[%swap3A_875, %swap3A_876] {strides = array<i32>} : memref<128x64xf32, #tpu.memory_space<vmem>>, vector<1x16xf32>,
        %swap3A_878 = vector.shape_cast %swap3A_877 : vector<1x16xf32> to vector<16xf32>
        %swap3A_879 = vector.shape_cast %mul3A_872 : vector<16xf32> to vector<1x16xf32>
        tpu.vector_store %arg17[%swap3A_875, %swap3A_876], %swap3A_879 {strides = array<i32>} : memref<128x64xf32, #tpu.memory_space<vmem>>, vector<1x16xf32>,
        %add3A_880 = arith.constant 5 : i32
        %add3A_881 = arith.addi %mul3A_535, %add3A_880 : i32
        %get3A_882 = arith.index_cast %add3A_881 : i32 to index
        %get3A_883 = arith.constant 32 : index
        %get3A_884 = tpu.vector_load %arg17[%get3A_882, %get3A_883] {strides = array<i32>} : memref<128x64xf32, #tpu.memory_space<vmem>>, vector<1x16xf32>,
        %get3A_885 = vector.shape_cast %get3A_884 : vector<1x16xf32> to vector<16xf32>
        %mul3A_886 = vector.broadcast %squeeze3A_849 : f32 to vector<16xf32>
        %mul3A_887 = arith.mulf %get3A_885, %mul3A_886 : vector<16xf32>
        %add3A_888 = arith.constant 5 : i32
        %add3A_889 = arith.addi %mul3A_535, %add3A_888 : i32
        %swap3A_890 = arith.index_cast %add3A_889 : i32 to index
        %swap3A_891 = arith.constant 32 : index
        %swap3A_892 = tpu.vector_load %arg17[%swap3A_890, %swap3A_891] {strides = array<i32>} : memref<128x64xf32, #tpu.memory_space<vmem>>, vector<1x16xf32>,
        %swap3A_893 = vector.shape_cast %swap3A_892 : vector<1x16xf32> to vector<16xf32>
        %swap3A_894 = vector.shape_cast %mul3A_887 : vector<16xf32> to vector<1x16xf32>
        tpu.vector_store %arg17[%swap3A_890, %swap3A_891], %swap3A_894 {strides = array<i32>} : memref<128x64xf32, #tpu.memory_space<vmem>>, vector<1x16xf32>,
        %add3A_895 = arith.constant 5 : i32
        %add3A_896 = arith.addi %mul3A_535, %add3A_895 : i32
        %get3A_897 = arith.index_cast %add3A_896 : i32 to index
        %get3A_898 = arith.constant 48 : index
        %get3A_899 = tpu.vector_load %arg17[%get3A_897, %get3A_898] {strides = array<i32>} : memref<128x64xf32, #tpu.memory_space<vmem>>, vector<1x16xf32>,
        %get3A_900 = vector.shape_cast %get3A_899 : vector<1x16xf32> to vector<16xf32>
        %mul3A_901 = vector.broadcast %squeeze3A_849 : f32 to vector<16xf32>
        %mul3A_902 = arith.mulf %get3A_900, %mul3A_901 : vector<16xf32>
        %add3A_903 = arith.constant 5 : i32
        %add3A_904 = arith.addi %mul3A_535, %add3A_903 : i32
        %swap3A_905 = arith.index_cast %add3A_904 : i32 to index
        %swap3A_906 = arith.constant 48 : index
        %swap3A_907 = tpu.vector_load %arg17[%swap3A_905, %swap3A_906] {strides = array<i32>} : memref<128x64xf32, #tpu.memory_space<vmem>>, vector<1x16xf32>,
        %swap3A_908 = vector.shape_cast %swap3A_907 : vector<1x16xf32> to vector<16xf32>
        %swap3A_909 = vector.shape_cast %mul3A_902 : vector<16xf32> to vector<1x16xf32>
        tpu.vector_store %arg17[%swap3A_905, %swap3A_906], %swap3A_909 {strides = array<i32>} : memref<128x64xf32, #tpu.memory_space<vmem>>, vector<1x16xf32>,
        %slice3A_910 = vector.extract_strided_slice %get3A_539 {offsets = [6], sizes = [1], strides = [1]} : vector<16xf32> to vector<1xf32>
        %squeeze3A_911 = vector.extract %slice3A_910[0] : f32 from vector<1xf32>
        %add3A_912 = arith.constant 6 : i32
        %add3A_913 = arith.addi %mul3A_535, %add3A_912 : i32
        %get3A_914 = arith.index_cast %add3A_913 : i32 to index
        %get3A_915 = arith.constant 0 : index
        %get3A_916 = tpu.vector_load %arg17[%get3A_914, %get3A_915] {strides = array<i32>} : memref<128x64xf32, #tpu.memory_space<vmem>>, vector<1x16xf32>,
        %get3A_917 = vector.shape_cast %get3A_916 : vector<1x16xf32> to vector<16xf32>
        %mul3A_918 = vector.broadcast %squeeze3A_911 : f32 to vector<16xf32>
        %mul3A_919 = arith.mulf %get3A_917, %mul3A_918 : vector<16xf32>
        %add3A_920 = arith.constant 6 : i32
        %add3A_921 = arith.addi %mul3A_535, %add3A_920 : i32
        %swap3A_922 = arith.index_cast %add3A_921 : i32 to index
        %swap3A_923 = arith.constant 0 : index
        %swap3A_924 = tpu.vector_load %arg17[%swap3A_922, %swap3A_923] {strides = array<i32>} : memref<128x64xf32, #tpu.memory_space<vmem>>, vector<1x16xf32>,
        %swap3A_925 = vector.shape_cast %swap3A_924 : vector<1x16xf32> to vector<16xf32>
        %swap3A_926 = vector.shape_cast %mul3A_919 : vector<16xf32> to vector<1x16xf32>
        tpu.vector_store %arg17[%swap3A_922, %swap3A_923], %swap3A_926 {strides = array<i32>} : memref<128x64xf32, #tpu.memory_space<vmem>>, vector<1x16xf32>,
        %add3A_927 = arith.constant 6 : i32
        %add3A_928 = arith.addi %mul3A_535, %add3A_927 : i32
        %get3A_929 = arith.index_cast %add3A_928 : i32 to index
        %get3A_930 = arith.constant 16 : index
        %get3A_931 = tpu.vector_load %arg17[%get3A_929, %get3A_930] {strides = array<i32>} : memref<128x64xf32, #tpu.memory_space<vmem>>, vector<1x16xf32>,
        %get3A_932 = vector.shape_cast %get3A_931 : vector<1x16xf32> to vector<16xf32>
        %mul3A_933 = vector.broadcast %squeeze3A_911 : f32 to vector<16xf32>
        %mul3A_934 = arith.mulf %get3A_932, %mul3A_933 : vector<16xf32>
        %add3A_935 = arith.constant 6 : i32
        %add3A_936 = arith.addi %mul3A_535, %add3A_935 : i32
        %swap3A_937 = arith.index_cast %add3A_936 : i32 to index
        %swap3A_938 = arith.constant 16 : index
        %swap3A_939 = tpu.vector_load %arg17[%swap3A_937, %swap3A_938] {strides = array<i32>} : memref<128x64xf32, #tpu.memory_space<vmem>>, vector<1x16xf32>,
        %swap3A_940 = vector.shape_cast %swap3A_939 : vector<1x16xf32> to vector<16xf32>
        %swap3A_941 = vector.shape_cast %mul3A_934 : vector<16xf32> to vector<1x16xf32>
        tpu.vector_store %arg17[%swap3A_937, %swap3A_938], %swap3A_941 {strides = array<i32>} : memref<128x64xf32, #tpu.memory_space<vmem>>, vector<1x16xf32>,
        %add3A_942 = arith.constant 6 : i32
        %add3A_943 = arith.addi %mul3A_535, %add3A_942 : i32
        %get3A_944 = arith.index_cast %add3A_943 : i32 to index
        %get3A_945 = arith.constant 32 : index
        %get3A_946 = tpu.vector_load %arg17[%get3A_944, %get3A_945] {strides = array<i32>} : memref<128x64xf32, #tpu.memory_space<vmem>>, vector<1x16xf32>,
        %get3A_947 = vector.shape_cast %get3A_946 : vector<1x16xf32> to vector<16xf32>
        %mul3A_948 = vector.broadcast %squeeze3A_911 : f32 to vector<16xf32>
        %mul3A_949 = arith.mulf %get3A_947, %mul3A_948 : vector<16xf32>
        %add3A_950 = arith.constant 6 : i32
        %add3A_951 = arith.addi %mul3A_535, %add3A_950 : i32
        %swap3A_952 = arith.index_cast %add3A_951 : i32 to index
        %swap3A_953 = arith.constant 32 : index
        %swap3A_954 = tpu.vector_load %arg17[%swap3A_952, %swap3A_953] {strides = array<i32>} : memref<128x64xf32, #tpu.memory_space<vmem>>, vector<1x16xf32>,
        %swap3A_955 = vector.shape_cast %swap3A_954 : vector<1x16xf32> to vector<16xf32>
        %swap3A_956 = vector.shape_cast %mul3A_949 : vector<16xf32> to vector<1x16xf32>
        tpu.vector_store %arg17[%swap3A_952, %swap3A_953], %swap3A_956 {strides = array<i32>} : memref<128x64xf32, #tpu.memory_space<vmem>>, vector<1x16xf32>,
        %add3A_957 = arith.constant 6 : i32
        %add3A_958 = arith.addi %mul3A_535, %add3A_957 : i32
        %get3A_959 = arith.index_cast %add3A_958 : i32 to index
        %get3A_960 = arith.constant 48 : index
        %get3A_961 = tpu.vector_load %arg17[%get3A_959, %get3A_960] {strides = array<i32>} : memref<128x64xf32, #tpu.memory_space<vmem>>, vector<1x16xf32>,
        %get3A_962 = vector.shape_cast %get3A_961 : vector<1x16xf32> to vector<16xf32>
        %mul3A_963 = vector.broadcast %squeeze3A_911 : f32 to vector<16xf32>
        %mul3A_964 = arith.mulf %get3A_962, %mul3A_963 : vector<16xf32>
        %add3A_965 = arith.constant 6 : i32
        %add3A_966 = arith.addi %mul3A_535, %add3A_965 : i32
        %swap3A_967 = arith.index_cast %add3A_966 : i32 to index
        %swap3A_968 = arith.constant 48 : index
        %swap3A_969 = tpu.vector_load %arg17[%swap3A_967, %swap3A_968] {strides = array<i32>} : memref<128x64xf32, #tpu.memory_space<vmem>>, vector<1x16xf32>,
        %swap3A_970 = vector.shape_cast %swap3A_969 : vector<1x16xf32> to vector<16xf32>
        %swap3A_971 = vector.shape_cast %mul3A_964 : vector<16xf32> to vector<1x16xf32>
        tpu.vector_store %arg17[%swap3A_967, %swap3A_968], %swap3A_971 {strides = array<i32>} : memref<128x64xf32, #tpu.memory_space<vmem>>, vector<1x16xf32>,
        %slice3A_972 = vector.extract_strided_slice %get3A_539 {offsets = [7], sizes = [1], strides = [1]} : vector<16xf32> to vector<1xf32>
        %squeeze3A_973 = vector.extract %slice3A_972[0] : f32 from vector<1xf32>
        %add3A_974 = arith.constant 7 : i32
        %add3A_975 = arith.addi %mul3A_535, %add3A_974 : i32
        %get3A_976 = arith.index_cast %add3A_975 : i32 to index
        %get3A_977 = arith.constant 0 : index
        %get3A_978 = tpu.vector_load %arg17[%get3A_976, %get3A_977] {strides = array<i32>} : memref<128x64xf32, #tpu.memory_space<vmem>>, vector<1x16xf32>,
        %get3A_979 = vector.shape_cast %get3A_978 : vector<1x16xf32> to vector<16xf32>
        %mul3A_980 = vector.broadcast %squeeze3A_973 : f32 to vector<16xf32>
        %mul3A_981 = arith.mulf %get3A_979, %mul3A_980 : vector<16xf32>
        %add3A_982 = arith.constant 7 : i32
        %add3A_983 = arith.addi %mul3A_535, %add3A_982 : i32
        %swap3A_984 = arith.index_cast %add3A_983 : i32 to index
        %swap3A_985 = arith.constant 0 : index
        %swap3A_986 = tpu.vector_load %arg17[%swap3A_984, %swap3A_985] {strides = array<i32>} : memref<128x64xf32, #tpu.memory_space<vmem>>, vector<1x16xf32>,
        %swap3A_987 = vector.shape_cast %swap3A_986 : vector<1x16xf32> to vector<16xf32>
        %swap3A_988 = vector.shape_cast %mul3A_981 : vector<16xf32> to vector<1x16xf32>
        tpu.vector_store %arg17[%swap3A_984, %swap3A_985], %swap3A_988 {strides = array<i32>} : memref<128x64xf32, #tpu.memory_space<vmem>>, vector<1x16xf32>,
        %add3A_989 = arith.constant 7 : i32
        %add3A_990 = arith.addi %mul3A_535, %add3A_989 : i32
        %get3A_991 = arith.index_cast %add3A_990 : i32 to index
        %get3A_992 = arith.constant 16 : index
        %get3A_993 = tpu.vector_load %arg17[%get3A_991, %get3A_992] {strides = array<i32>} : memref<128x64xf32, #tpu.memory_space<vmem>>, vector<1x16xf32>,
        %get3A_994 = vector.shape_cast %get3A_993 : vector<1x16xf32> to vector<16xf32>
        %mul3A_995 = vector.broadcast %squeeze3A_973 : f32 to vector<16xf32>
        %mul3A_996 = arith.mulf %get3A_994, %mul3A_995 : vector<16xf32>
        %add3A_997 = arith.constant 7 : i32
        %add3A_998 = arith.addi %mul3A_535, %add3A_997 : i32
        %swap3A_999 = arith.index_cast %add3A_998 : i32 to index
        %swap3A_1000 = arith.constant 16 : index
        %swap3A_1001 = tpu.vector_load %arg17[%swap3A_999, %swap3A_1000] {strides = array<i32>} : memref<128x64xf32, #tpu.memory_space<vmem>>, vector<1x16xf32>,
        %swap3A_1002 = vector.shape_cast %swap3A_1001 : vector<1x16xf32> to vector<16xf32>
        %swap3A_1003 = vector.shape_cast %mul3A_996 : vector<16xf32> to vector<1x16xf32>
        tpu.vector_store %arg17[%swap3A_999, %swap3A_1000], %swap3A_1003 {strides = array<i32>} : memref<128x64xf32, #tpu.memory_space<vmem>>, vector<1x16xf32>,
        %add3A_1004 = arith.constant 7 : i32
        %add3A_1005 = arith.addi %mul3A_535, %add3A_1004 : i32
        %get3A_1006 = arith.index_cast %add3A_1005 : i32 to index
        %get3A_1007 = arith.constant 32 : index
        %get3A_1008 = tpu.vector_load %arg17[%get3A_1006, %get3A_1007] {strides = array<i32>} : memref<128x64xf32, #tpu.memory_space<vmem>>, vector<1x16xf32>,
        %get3A_1009 = vector.shape_cast %get3A_1008 : vector<1x16xf32> to vector<16xf32>
        %mul3A_1010 = vector.broadcast %squeeze3A_973 : f32 to vector<16xf32>
        %mul3A_1011 = arith.mulf %get3A_1009, %mul3A_1010 : vector<16xf32>
        %add3A_1012 = arith.constant 7 : i32
        %add3A_1013 = arith.addi %mul3A_535, %add3A_1012 : i32
        %swap3A_1014 = arith.index_cast %add3A_1013 : i32 to index
        %swap3A_1015 = arith.constant 32 : index
        %swap3A_1016 = tpu.vector_load %arg17[%swap3A_1014, %swap3A_1015] {strides = array<i32>} : memref<128x64xf32, #tpu.memory_space<vmem>>, vector<1x16xf32>,
        %swap3A_1017 = vector.shape_cast %swap3A_1016 : vector<1x16xf32> to vector<16xf32>
        %swap3A_1018 = vector.shape_cast %mul3A_1011 : vector<16xf32> to vector<1x16xf32>
        tpu.vector_store %arg17[%swap3A_1014, %swap3A_1015], %swap3A_1018 {strides = array<i32>} : memref<128x64xf32, #tpu.memory_space<vmem>>, vector<1x16xf32>,
        %add3A_1019 = arith.constant 7 : i32
        %add3A_1020 = arith.addi %mul3A_535, %add3A_1019 : i32
        %get3A_1021 = arith.index_cast %add3A_1020 : i32 to index
        %get3A_1022 = arith.constant 48 : index
        %get3A_1023 = tpu.vector_load %arg17[%get3A_1021, %get3A_1022] {strides = array<i32>} : memref<128x64xf32, #tpu.memory_space<vmem>>, vector<1x16xf32>,
        %get3A_1024 = vector.shape_cast %get3A_1023 : vector<1x16xf32> to vector<16xf32>
        %mul3A_1025 = vector.broadcast %squeeze3A_973 : f32 to vector<16xf32>
        %mul3A_1026 = arith.mulf %get3A_1024, %mul3A_1025 : vector<16xf32>
        %add3A_1027 = arith.constant 7 : i32
        %add3A_1028 = arith.addi %mul3A_535, %add3A_1027 : i32
        %swap3A_1029 = arith.index_cast %add3A_1028 : i32 to index
        %swap3A_1030 = arith.constant 48 : index
        %swap3A_1031 = tpu.vector_load %arg17[%swap3A_1029, %swap3A_1030] {strides = array<i32>} : memref<128x64xf32, #tpu.memory_space<vmem>>, vector<1x16xf32>,
        %swap3A_1032 = vector.shape_cast %swap3A_1031 : vector<1x16xf32> to vector<16xf32>
        %swap3A_1033 = vector.shape_cast %mul3A_1026 : vector<16xf32> to vector<1x16xf32>
        tpu.vector_store %arg17[%swap3A_1029, %swap3A_1030], %swap3A_1033 {strides = array<i32>} : memref<128x64xf32, #tpu.memory_space<vmem>>, vector<1x16xf32>,
        %slice3A_1034 = vector.extract_strided_slice %get3A_539 {offsets = [8], sizes = [1], strides = [1]} : vector<16xf32> to vector<1xf32>
        %squeeze3A_1035 = vector.extract %slice3A_1034[0] : f32 from vector<1xf32>
        %add3A_1036 = arith.constant 8 : i32
        %add3A_1037 = arith.addi %mul3A_535, %add3A_1036 : i32
        %get3A_1038 = arith.index_cast %add3A_1037 : i32 to index
        %get3A_1039 = arith.constant 0 : index
        %get3A_1040 = tpu.vector_load %arg17[%get3A_1038, %get3A_1039] {strides = array<i32>} : memref<128x64xf32, #tpu.memory_space<vmem>>, vector<1x16xf32>,
        %get3A_1041 = vector.shape_cast %get3A_1040 : vector<1x16xf32> to vector<16xf32>
        %mul3A_1042 = vector.broadcast %squeeze3A_1035 : f32 to vector<16xf32>
        %mul3A_1043 = arith.mulf %get3A_1041, %mul3A_1042 : vector<16xf32>
        %add3A_1044 = arith.constant 8 : i32
        %add3A_1045 = arith.addi %mul3A_535, %add3A_1044 : i32
        %swap3A_1046 = arith.index_cast %add3A_1045 : i32 to index
        %swap3A_1047 = arith.constant 0 : index
        %swap3A_1048 = tpu.vector_load %arg17[%swap3A_1046, %swap3A_1047] {strides = array<i32>} : memref<128x64xf32, #tpu.memory_space<vmem>>, vector<1x16xf32>,
        %swap3A_1049 = vector.shape_cast %swap3A_1048 : vector<1x16xf32> to vector<16xf32>
        %swap3A_1050 = vector.shape_cast %mul3A_1043 : vector<16xf32> to vector<1x16xf32>
        tpu.vector_store %arg17[%swap3A_1046, %swap3A_1047], %swap3A_1050 {strides = array<i32>} : memref<128x64xf32, #tpu.memory_space<vmem>>, vector<1x16xf32>,
        %add3A_1051 = arith.constant 8 : i32
        %add3A_1052 = arith.addi %mul3A_535, %add3A_1051 : i32
        %get3A_1053 = arith.index_cast %add3A_1052 : i32 to index
        %get3A_1054 = arith.constant 16 : index
        %get3A_1055 = tpu.vector_load %arg17[%get3A_1053, %get3A_1054] {strides = array<i32>} : memref<128x64xf32, #tpu.memory_space<vmem>>, vector<1x16xf32>,
        %get3A_1056 = vector.shape_cast %get3A_1055 : vector<1x16xf32> to vector<16xf32>
        %mul3A_1057 = vector.broadcast %squeeze3A_1035 : f32 to vector<16xf32>
        %mul3A_1058 = arith.mulf %get3A_1056, %mul3A_1057 : vector<16xf32>
        %add3A_1059 = arith.constant 8 : i32
        %add3A_1060 = arith.addi %mul3A_535, %add3A_1059 : i32
        %swap3A_1061 = arith.index_cast %add3A_1060 : i32 to index
        %swap3A_1062 = arith.constant 16 : index
        %swap3A_1063 = tpu.vector_load %arg17[%swap3A_1061, %swap3A_1062] {strides = array<i32>} : memref<128x64xf32, #tpu.memory_space<vmem>>, vector<1x16xf32>,
        %swap3A_1064 = vector.shape_cast %swap3A_1063 : vector<1x16xf32> to vector<16xf32>
        %swap3A_1065 = vector.shape_cast %mul3A_1058 : vector<16xf32> to vector<1x16xf32>
        tpu.vector_store %arg17[%swap3A_1061, %swap3A_1062], %swap3A_1065 {strides = array<i32>} : memref<128x64xf32, #tpu.memory_space<vmem>>, vector<1x16xf32>,
        %add3A_1066 = arith.constant 8 : i32
        %add3A_1067 = arith.addi %mul3A_535, %add3A_1066 : i32
        %get3A_1068 = arith.index_cast %add3A_1067 : i32 to index
        %get3A_1069 = arith.constant 32 : index
        %get3A_1070 = tpu.vector_load %arg17[%get3A_1068, %get3A_1069] {strides = array<i32>} : memref<128x64xf32, #tpu.memory_space<vmem>>, vector<1x16xf32>,
        %get3A_1071 = vector.shape_cast %get3A_1070 : vector<1x16xf32> to vector<16xf32>
        %mul3A_1072 = vector.broadcast %squeeze3A_1035 : f32 to vector<16xf32>
        %mul3A_1073 = arith.mulf %get3A_1071, %mul3A_1072 : vector<16xf32>
        %add3A_1074 = arith.constant 8 : i32
        %add3A_1075 = arith.addi %mul3A_535, %add3A_1074 : i32
        %swap3A_1076 = arith.index_cast %add3A_1075 : i32 to index
        %swap3A_1077 = arith.constant 32 : index
        %swap3A_1078 = tpu.vector_load %arg17[%swap3A_1076, %swap3A_1077] {strides = array<i32>} : memref<128x64xf32, #tpu.memory_space<vmem>>, vector<1x16xf32>,
        %swap3A_1079 = vector.shape_cast %swap3A_1078 : vector<1x16xf32> to vector<16xf32>
        %swap3A_1080 = vector.shape_cast %mul3A_1073 : vector<16xf32> to vector<1x16xf32>
        tpu.vector_store %arg17[%swap3A_1076, %swap3A_1077], %swap3A_1080 {strides = array<i32>} : memref<128x64xf32, #tpu.memory_space<vmem>>, vector<1x16xf32>,
        %add3A_1081 = arith.constant 8 : i32
        %add3A_1082 = arith.addi %mul3A_535, %add3A_1081 : i32
        %get3A_1083 = arith.index_cast %add3A_1082 : i32 to index
        %get3A_1084 = arith.constant 48 : index
        %get3A_1085 = tpu.vector_load %arg17[%get3A_1083, %get3A_1084] {strides = array<i32>} : memref<128x64xf32, #tpu.memory_space<vmem>>, vector<1x16xf32>,
        %get3A_1086 = vector.shape_cast %get3A_1085 : vector<1x16xf32> to vector<16xf32>
        %mul3A_1087 = vector.broadcast %squeeze3A_1035 : f32 to vector<16xf32>
        %mul3A_1088 = arith.mulf %get3A_1086, %mul3A_1087 : vector<16xf32>
        %add3A_1089 = arith.constant 8 : i32
        %add3A_1090 = arith.addi %mul3A_535, %add3A_1089 : i32
        %swap3A_1091 = arith.index_cast %add3A_1090 : i32 to index
        %swap3A_1092 = arith.constant 48 : index
        %swap3A_1093 = tpu.vector_load %arg17[%swap3A_1091, %swap3A_1092] {strides = array<i32>} : memref<128x64xf32, #tpu.memory_space<vmem>>, vector<1x16xf32>,
        %swap3A_1094 = vector.shape_cast %swap3A_1093 : vector<1x16xf32> to vector<16xf32>
        %swap3A_1095 = vector.shape_cast %mul3A_1088 : vector<16xf32> to vector<1x16xf32>
        tpu.vector_store %arg17[%swap3A_1091, %swap3A_1092], %swap3A_1095 {strides = array<i32>} : memref<128x64xf32, #tpu.memory_space<vmem>>, vector<1x16xf32>,
        %slice3A_1096 = vector.extract_strided_slice %get3A_539 {offsets = [9], sizes = [1], strides = [1]} : vector<16xf32> to vector<1xf32>
        %squeeze3A_1097 = vector.extract %slice3A_1096[0] : f32 from vector<1xf32>
        %add3A_1098 = arith.constant 9 : i32
        %add3A_1099 = arith.addi %mul3A_535, %add3A_1098 : i32
        %get3A_1100 = arith.index_cast %add3A_1099 : i32 to index
        %get3A_1101 = arith.constant 0 : index
        %get3A_1102 = tpu.vector_load %arg17[%get3A_1100, %get3A_1101] {strides = array<i32>} : memref<128x64xf32, #tpu.memory_space<vmem>>, vector<1x16xf32>,
        %get3A_1103 = vector.shape_cast %get3A_1102 : vector<1x16xf32> to vector<16xf32>
        %mul3A_1104 = vector.broadcast %squeeze3A_1097 : f32 to vector<16xf32>
        %mul3A_1105 = arith.mulf %get3A_1103, %mul3A_1104 : vector<16xf32>
        %add3A_1106 = arith.constant 9 : i32
        %add3A_1107 = arith.addi %mul3A_535, %add3A_1106 : i32
        %swap3A_1108 = arith.index_cast %add3A_1107 : i32 to index
        %swap3A_1109 = arith.constant 0 : index
        %swap3A_1110 = tpu.vector_load %arg17[%swap3A_1108, %swap3A_1109] {strides = array<i32>} : memref<128x64xf32, #tpu.memory_space<vmem>>, vector<1x16xf32>,
        %swap3A_1111 = vector.shape_cast %swap3A_1110 : vector<1x16xf32> to vector<16xf32>
        %swap3A_1112 = vector.shape_cast %mul3A_1105 : vector<16xf32> to vector<1x16xf32>
        tpu.vector_store %arg17[%swap3A_1108, %swap3A_1109], %swap3A_1112 {strides = array<i32>} : memref<128x64xf32, #tpu.memory_space<vmem>>, vector<1x16xf32>,
        %add3A_1113 = arith.constant 9 : i32
        %add3A_1114 = arith.addi %mul3A_535, %add3A_1113 : i32
        %get3A_1115 = arith.index_cast %add3A_1114 : i32 to index
        %get3A_1116 = arith.constant 16 : index
        %get3A_1117 = tpu.vector_load %arg17[%get3A_1115, %get3A_1116] {strides = array<i32>} : memref<128x64xf32, #tpu.memory_space<vmem>>, vector<1x16xf32>,
        %get3A_1118 = vector.shape_cast %get3A_1117 : vector<1x16xf32> to vector<16xf32>
        %mul3A_1119 = vector.broadcast %squeeze3A_1097 : f32 to vector<16xf32>
        %mul3A_1120 = arith.mulf %get3A_1118, %mul3A_1119 : vector<16xf32>
        %add3A_1121 = arith.constant 9 : i32
        %add3A_1122 = arith.addi %mul3A_535, %add3A_1121 : i32
        %swap3A_1123 = arith.index_cast %add3A_1122 : i32 to index
        %swap3A_1124 = arith.constant 16 : index
        %swap3A_1125 = tpu.vector_load %arg17[%swap3A_1123, %swap3A_1124] {strides = array<i32>} : memref<128x64xf32, #tpu.memory_space<vmem>>, vector<1x16xf32>,
        %swap3A_1126 = vector.shape_cast %swap3A_1125 : vector<1x16xf32> to vector<16xf32>
        %swap3A_1127 = vector.shape_cast %mul3A_1120 : vector<16xf32> to vector<1x16xf32>
        tpu.vector_store %arg17[%swap3A_1123, %swap3A_1124], %swap3A_1127 {strides = array<i32>} : memref<128x64xf32, #tpu.memory_space<vmem>>, vector<1x16xf32>,
        %add3A_1128 = arith.constant 9 : i32
        %add3A_1129 = arith.addi %mul3A_535, %add3A_1128 : i32
        %get3A_1130 = arith.index_cast %add3A_1129 : i32 to index
        %get3A_1131 = arith.constant 32 : index
        %get3A_1132 = tpu.vector_load %arg17[%get3A_1130, %get3A_1131] {strides = array<i32>} : memref<128x64xf32, #tpu.memory_space<vmem>>, vector<1x16xf32>,
        %get3A_1133 = vector.shape_cast %get3A_1132 : vector<1x16xf32> to vector<16xf32>
        %mul3A_1134 = vector.broadcast %squeeze3A_1097 : f32 to vector<16xf32>
        %mul3A_1135 = arith.mulf %get3A_1133, %mul3A_1134 : vector<16xf32>
        %add3A_1136 = arith.constant 9 : i32
        %add3A_1137 = arith.addi %mul3A_535, %add3A_1136 : i32
        %swap3A_1138 = arith.index_cast %add3A_1137 : i32 to index
        %swap3A_1139 = arith.constant 32 : index
        %swap3A_1140 = tpu.vector_load %arg17[%swap3A_1138, %swap3A_1139] {strides = array<i32>} : memref<128x64xf32, #tpu.memory_space<vmem>>, vector<1x16xf32>,
        %swap3A_1141 = vector.shape_cast %swap3A_1140 : vector<1x16xf32> to vector<16xf32>
        %swap3A_1142 = vector.shape_cast %mul3A_1135 : vector<16xf32> to vector<1x16xf32>
        tpu.vector_store %arg17[%swap3A_1138, %swap3A_1139], %swap3A_1142 {strides = array<i32>} : memref<128x64xf32, #tpu.memory_space<vmem>>, vector<1x16xf32>,
        %add3A_1143 = arith.constant 9 : i32
        %add3A_1144 = arith.addi %mul3A_535, %add3A_1143 : i32
        %get3A_1145 = arith.index_cast %add3A_1144 : i32 to index
        %get3A_1146 = arith.constant 48 : index
        %get3A_1147 = tpu.vector_load %arg17[%get3A_1145, %get3A_1146] {strides = array<i32>} : memref<128x64xf32, #tpu.memory_space<vmem>>, vector<1x16xf32>,
        %get3A_1148 = vector.shape_cast %get3A_1147 : vector<1x16xf32> to vector<16xf32>
        %mul3A_1149 = vector.broadcast %squeeze3A_1097 : f32 to vector<16xf32>
        %mul3A_1150 = arith.mulf %get3A_1148, %mul3A_1149 : vector<16xf32>
        %add3A_1151 = arith.constant 9 : i32
        %add3A_1152 = arith.addi %mul3A_535, %add3A_1151 : i32
        %swap3A_1153 = arith.index_cast %add3A_1152 : i32 to index
        %swap3A_1154 = arith.constant 48 : index
        %swap3A_1155 = tpu.vector_load %arg17[%swap3A_1153, %swap3A_1154] {strides = array<i32>} : memref<128x64xf32, #tpu.memory_space<vmem>>, vector<1x16xf32>,
        %swap3A_1156 = vector.shape_cast %swap3A_1155 : vector<1x16xf32> to vector<16xf32>
        %swap3A_1157 = vector.shape_cast %mul3A_1150 : vector<16xf32> to vector<1x16xf32>
        tpu.vector_store %arg17[%swap3A_1153, %swap3A_1154], %swap3A_1157 {strides = array<i32>} : memref<128x64xf32, #tpu.memory_space<vmem>>, vector<1x16xf32>,
        %slice3A_1158 = vector.extract_strided_slice %get3A_539 {offsets = [10], sizes = [1], strides = [1]} : vector<16xf32> to vector<1xf32>
        %squeeze3A_1159 = vector.extract %slice3A_1158[0] : f32 from vector<1xf32>
        %add3A_1160 = arith.constant 10 : i32
        %add3A_1161 = arith.addi %mul3A_535, %add3A_1160 : i32
        %get3A_1162 = arith.index_cast %add3A_1161 : i32 to index
        %get3A_1163 = arith.constant 0 : index
        %get3A_1164 = tpu.vector_load %arg17[%get3A_1162, %get3A_1163] {strides = array<i32>} : memref<128x64xf32, #tpu.memory_space<vmem>>, vector<1x16xf32>,
        %get3A_1165 = vector.shape_cast %get3A_1164 : vector<1x16xf32> to vector<16xf32>
        %mul3A_1166 = vector.broadcast %squeeze3A_1159 : f32 to vector<16xf32>
        %mul3A_1167 = arith.mulf %get3A_1165, %mul3A_1166 : vector<16xf32>
        %add3A_1168 = arith.constant 10 : i32
        %add3A_1169 = arith.addi %mul3A_535, %add3A_1168 : i32
        %swap3A_1170 = arith.index_cast %add3A_1169 : i32 to index
        %swap3A_1171 = arith.constant 0 : index
        %swap3A_1172 = tpu.vector_load %arg17[%swap3A_1170, %swap3A_1171] {strides = array<i32>} : memref<128x64xf32, #tpu.memory_space<vmem>>, vector<1x16xf32>,
        %swap3A_1173 = vector.shape_cast %swap3A_1172 : vector<1x16xf32> to vector<16xf32>
        %swap3A_1174 = vector.shape_cast %mul3A_1167 : vector<16xf32> to vector<1x16xf32>
        tpu.vector_store %arg17[%swap3A_1170, %swap3A_1171], %swap3A_1174 {strides = array<i32>} : memref<128x64xf32, #tpu.memory_space<vmem>>, vector<1x16xf32>,
        %add3A_1175 = arith.constant 10 : i32
        %add3A_1176 = arith.addi %mul3A_535, %add3A_1175 : i32
        %get3A_1177 = arith.index_cast %add3A_1176 : i32 to index
        %get3A_1178 = arith.constant 16 : index
        %get3A_1179 = tpu.vector_load %arg17[%get3A_1177, %get3A_1178] {strides = array<i32>} : memref<128x64xf32, #tpu.memory_space<vmem>>, vector<1x16xf32>,
        %get3A_1180 = vector.shape_cast %get3A_1179 : vector<1x16xf32> to vector<16xf32>
        %mul3A_1181 = vector.broadcast %squeeze3A_1159 : f32 to vector<16xf32>
        %mul3A_1182 = arith.mulf %get3A_1180, %mul3A_1181 : vector<16xf32>
        %add3A_1183 = arith.constant 10 : i32
        %add3A_1184 = arith.addi %mul3A_535, %add3A_1183 : i32
        %swap3A_1185 = arith.index_cast %add3A_1184 : i32 to index
        %swap3A_1186 = arith.constant 16 : index
        %swap3A_1187 = tpu.vector_load %arg17[%swap3A_1185, %swap3A_1186] {strides = array<i32>} : memref<128x64xf32, #tpu.memory_space<vmem>>, vector<1x16xf32>,
        %swap3A_1188 = vector.shape_cast %swap3A_1187 : vector<1x16xf32> to vector<16xf32>
        %swap3A_1189 = vector.shape_cast %mul3A_1182 : vector<16xf32> to vector<1x16xf32>
        tpu.vector_store %arg17[%swap3A_1185, %swap3A_1186], %swap3A_1189 {strides = array<i32>} : memref<128x64xf32, #tpu.memory_space<vmem>>, vector<1x16xf32>,
        %add3A_1190 = arith.constant 10 : i32
        %add3A_1191 = arith.addi %mul3A_535, %add3A_1190 : i32
        %get3A_1192 = arith.index_cast %add3A_1191 : i32 to index
        %get3A_1193 = arith.constant 32 : index
        %get3A_1194 = tpu.vector_load %arg17[%get3A_1192, %get3A_1193] {strides = array<i32>} : memref<128x64xf32, #tpu.memory_space<vmem>>, vector<1x16xf32>,
        %get3A_1195 = vector.shape_cast %get3A_1194 : vector<1x16xf32> to vector<16xf32>
        %mul3A_1196 = vector.broadcast %squeeze3A_1159 : f32 to vector<16xf32>
        %mul3A_1197 = arith.mulf %get3A_1195, %mul3A_1196 : vector<16xf32>
        %add3A_1198 = arith.constant 10 : i32
        %add3A_1199 = arith.addi %mul3A_535, %add3A_1198 : i32
        %swap3A_1200 = arith.index_cast %add3A_1199 : i32 to index
        %swap3A_1201 = arith.constant 32 : index
        %swap3A_1202 = tpu.vector_load %arg17[%swap3A_1200, %swap3A_1201] {strides = array<i32>} : memref<128x64xf32, #tpu.memory_space<vmem>>, vector<1x16xf32>,
        %swap3A_1203 = vector.shape_cast %swap3A_1202 : vector<1x16xf32> to vector<16xf32>
        %swap3A_1204 = vector.shape_cast %mul3A_1197 : vector<16xf32> to vector<1x16xf32>
        tpu.vector_store %arg17[%swap3A_1200, %swap3A_1201], %swap3A_1204 {strides = array<i32>} : memref<128x64xf32, #tpu.memory_space<vmem>>, vector<1x16xf32>,
        %add3A_1205 = arith.constant 10 : i32
        %add3A_1206 = arith.addi %mul3A_535, %add3A_1205 : i32
        %get3A_1207 = arith.index_cast %add3A_1206 : i32 to index
        %get3A_1208 = arith.constant 48 : index
        %get3A_1209 = tpu.vector_load %arg17[%get3A_1207, %get3A_1208] {strides = array<i32>} : memref<128x64xf32, #tpu.memory_space<vmem>>, vector<1x16xf32>,
        %get3A_1210 = vector.shape_cast %get3A_1209 : vector<1x16xf32> to vector<16xf32>
        %mul3A_1211 = vector.broadcast %squeeze3A_1159 : f32 to vector<16xf32>
        %mul3A_1212 = arith.mulf %get3A_1210, %mul3A_1211 : vector<16xf32>
        %add3A_1213 = arith.constant 10 : i32
        %add3A_1214 = arith.addi %mul3A_535, %add3A_1213 : i32
        %swap3A_1215 = arith.index_cast %add3A_1214 : i32 to index
        %swap3A_1216 = arith.constant 48 : index
        %swap3A_1217 = tpu.vector_load %arg17[%swap3A_1215, %swap3A_1216] {strides = array<i32>} : memref<128x64xf32, #tpu.memory_space<vmem>>, vector<1x16xf32>,
        %swap3A_1218 = vector.shape_cast %swap3A_1217 : vector<1x16xf32> to vector<16xf32>
        %swap3A_1219 = vector.shape_cast %mul3A_1212 : vector<16xf32> to vector<1x16xf32>
        tpu.vector_store %arg17[%swap3A_1215, %swap3A_1216], %swap3A_1219 {strides = array<i32>} : memref<128x64xf32, #tpu.memory_space<vmem>>, vector<1x16xf32>,
        %slice3A_1220 = vector.extract_strided_slice %get3A_539 {offsets = [11], sizes = [1], strides = [1]} : vector<16xf32> to vector<1xf32>
        %squeeze3A_1221 = vector.extract %slice3A_1220[0] : f32 from vector<1xf32>
        %add3A_1222 = arith.constant 11 : i32
        %add3A_1223 = arith.addi %mul3A_535, %add3A_1222 : i32
        %get3A_1224 = arith.index_cast %add3A_1223 : i32 to index
        %get3A_1225 = arith.constant 0 : index
        %get3A_1226 = tpu.vector_load %arg17[%get3A_1224, %get3A_1225] {strides = array<i32>} : memref<128x64xf32, #tpu.memory_space<vmem>>, vector<1x16xf32>,
        %get3A_1227 = vector.shape_cast %get3A_1226 : vector<1x16xf32> to vector<16xf32>
        %mul3A_1228 = vector.broadcast %squeeze3A_1221 : f32 to vector<16xf32>
        %mul3A_1229 = arith.mulf %get3A_1227, %mul3A_1228 : vector<16xf32>
        %add3A_1230 = arith.constant 11 : i32
        %add3A_1231 = arith.addi %mul3A_535, %add3A_1230 : i32
        %swap3A_1232 = arith.index_cast %add3A_1231 : i32 to index
        %swap3A_1233 = arith.constant 0 : index
        %swap3A_1234 = tpu.vector_load %arg17[%swap3A_1232, %swap3A_1233] {strides = array<i32>} : memref<128x64xf32, #tpu.memory_space<vmem>>, vector<1x16xf32>,
        %swap3A_1235 = vector.shape_cast %swap3A_1234 : vector<1x16xf32> to vector<16xf32>
        %swap3A_1236 = vector.shape_cast %mul3A_1229 : vector<16xf32> to vector<1x16xf32>
        tpu.vector_store %arg17[%swap3A_1232, %swap3A_1233], %swap3A_1236 {strides = array<i32>} : memref<128x64xf32, #tpu.memory_space<vmem>>, vector<1x16xf32>,
        %add3A_1237 = arith.constant 11 : i32
        %add3A_1238 = arith.addi %mul3A_535, %add3A_1237 : i32
        %get3A_1239 = arith.index_cast %add3A_1238 : i32 to index
        %get3A_1240 = arith.constant 16 : index
        %get3A_1241 = tpu.vector_load %arg17[%get3A_1239, %get3A_1240] {strides = array<i32>} : memref<128x64xf32, #tpu.memory_space<vmem>>, vector<1x16xf32>,
        %get3A_1242 = vector.shape_cast %get3A_1241 : vector<1x16xf32> to vector<16xf32>
        %mul3A_1243 = vector.broadcast %squeeze3A_1221 : f32 to vector<16xf32>
        %mul3A_1244 = arith.mulf %get3A_1242, %mul3A_1243 : vector<16xf32>
        %add3A_1245 = arith.constant 11 : i32
        %add3A_1246 = arith.addi %mul3A_535, %add3A_1245 : i32
        %swap3A_1247 = arith.index_cast %add3A_1246 : i32 to index
        %swap3A_1248 = arith.constant 16 : index
        %swap3A_1249 = tpu.vector_load %arg17[%swap3A_1247, %swap3A_1248] {strides = array<i32>} : memref<128x64xf32, #tpu.memory_space<vmem>>, vector<1x16xf32>,
        %swap3A_1250 = vector.shape_cast %swap3A_1249 : vector<1x16xf32> to vector<16xf32>
        %swap3A_1251 = vector.shape_cast %mul3A_1244 : vector<16xf32> to vector<1x16xf32>
        tpu.vector_store %arg17[%swap3A_1247, %swap3A_1248], %swap3A_1251 {strides = array<i32>} : memref<128x64xf32, #tpu.memory_space<vmem>>, vector<1x16xf32>,
        %add3A_1252 = arith.constant 11 : i32
        %add3A_1253 = arith.addi %mul3A_535, %add3A_1252 : i32
        %get3A_1254 = arith.index_cast %add3A_1253 : i32 to index
        %get3A_1255 = arith.constant 32 : index
        %get3A_1256 = tpu.vector_load %arg17[%get3A_1254, %get3A_1255] {strides = array<i32>} : memref<128x64xf32, #tpu.memory_space<vmem>>, vector<1x16xf32>,
        %get3A_1257 = vector.shape_cast %get3A_1256 : vector<1x16xf32> to vector<16xf32>
        %mul3A_1258 = vector.broadcast %squeeze3A_1221 : f32 to vector<16xf32>
        %mul3A_1259 = arith.mulf %get3A_1257, %mul3A_1258 : vector<16xf32>
        %add3A_1260 = arith.constant 11 : i32
        %add3A_1261 = arith.addi %mul3A_535, %add3A_1260 : i32
        %swap3A_1262 = arith.index_cast %add3A_1261 : i32 to index
        %swap3A_1263 = arith.constant 32 : index
        %swap3A_1264 = tpu.vector_load %arg17[%swap3A_1262, %swap3A_1263] {strides = array<i32>} : memref<128x64xf32, #tpu.memory_space<vmem>>, vector<1x16xf32>,
        %swap3A_1265 = vector.shape_cast %swap3A_1264 : vector<1x16xf32> to vector<16xf32>
        %swap3A_1266 = vector.shape_cast %mul3A_1259 : vector<16xf32> to vector<1x16xf32>
        tpu.vector_store %arg17[%swap3A_1262, %swap3A_1263], %swap3A_1266 {strides = array<i32>} : memref<128x64xf32, #tpu.memory_space<vmem>>, vector<1x16xf32>,
        %add3A_1267 = arith.constant 11 : i32
        %add3A_1268 = arith.addi %mul3A_535, %add3A_1267 : i32
        %get3A_1269 = arith.index_cast %add3A_1268 : i32 to index
        %get3A_1270 = arith.constant 48 : index
        %get3A_1271 = tpu.vector_load %arg17[%get3A_1269, %get3A_1270] {strides = array<i32>} : memref<128x64xf32, #tpu.memory_space<vmem>>, vector<1x16xf32>,
        %get3A_1272 = vector.shape_cast %get3A_1271 : vector<1x16xf32> to vector<16xf32>
        %mul3A_1273 = vector.broadcast %squeeze3A_1221 : f32 to vector<16xf32>
        %mul3A_1274 = arith.mulf %get3A_1272, %mul3A_1273 : vector<16xf32>
        %add3A_1275 = arith.constant 11 : i32
        %add3A_1276 = arith.addi %mul3A_535, %add3A_1275 : i32
        %swap3A_1277 = arith.index_cast %add3A_1276 : i32 to index
        %swap3A_1278 = arith.constant 48 : index
        %swap3A_1279 = tpu.vector_load %arg17[%swap3A_1277, %swap3A_1278] {strides = array<i32>} : memref<128x64xf32, #tpu.memory_space<vmem>>, vector<1x16xf32>,
        %swap3A_1280 = vector.shape_cast %swap3A_1279 : vector<1x16xf32> to vector<16xf32>
        %swap3A_1281 = vector.shape_cast %mul3A_1274 : vector<16xf32> to vector<1x16xf32>
        tpu.vector_store %arg17[%swap3A_1277, %swap3A_1278], %swap3A_1281 {strides = array<i32>} : memref<128x64xf32, #tpu.memory_space<vmem>>, vector<1x16xf32>,
        %slice3A_1282 = vector.extract_strided_slice %get3A_539 {offsets = [12], sizes = [1], strides = [1]} : vector<16xf32> to vector<1xf32>
        %squeeze3A_1283 = vector.extract %slice3A_1282[0] : f32 from vector<1xf32>
        %add3A_1284 = arith.constant 12 : i32
        %add3A_1285 = arith.addi %mul3A_535, %add3A_1284 : i32
        %get3A_1286 = arith.index_cast %add3A_1285 : i32 to index
        %get3A_1287 = arith.constant 0 : index
        %get3A_1288 = tpu.vector_load %arg17[%get3A_1286, %get3A_1287] {strides = array<i32>} : memref<128x64xf32, #tpu.memory_space<vmem>>, vector<1x16xf32>,
        %get3A_1289 = vector.shape_cast %get3A_1288 : vector<1x16xf32> to vector<16xf32>
        %mul3A_1290 = vector.broadcast %squeeze3A_1283 : f32 to vector<16xf32>
        %mul3A_1291 = arith.mulf %get3A_1289, %mul3A_1290 : vector<16xf32>
        %add3A_1292 = arith.constant 12 : i32
        %add3A_1293 = arith.addi %mul3A_535, %add3A_1292 : i32
        %swap3A_1294 = arith.index_cast %add3A_1293 : i32 to index
        %swap3A_1295 = arith.constant 0 : index
        %swap3A_1296 = tpu.vector_load %arg17[%swap3A_1294, %swap3A_1295] {strides = array<i32>} : memref<128x64xf32, #tpu.memory_space<vmem>>, vector<1x16xf32>,
        %swap3A_1297 = vector.shape_cast %swap3A_1296 : vector<1x16xf32> to vector<16xf32>
        %swap3A_1298 = vector.shape_cast %mul3A_1291 : vector<16xf32> to vector<1x16xf32>
        tpu.vector_store %arg17[%swap3A_1294, %swap3A_1295], %swap3A_1298 {strides = array<i32>} : memref<128x64xf32, #tpu.memory_space<vmem>>, vector<1x16xf32>,
        %add3A_1299 = arith.constant 12 : i32
        %add3A_1300 = arith.addi %mul3A_535, %add3A_1299 : i32
        %get3A_1301 = arith.index_cast %add3A_1300 : i32 to index
        %get3A_1302 = arith.constant 16 : index
        %get3A_1303 = tpu.vector_load %arg17[%get3A_1301, %get3A_1302] {strides = array<i32>} : memref<128x64xf32, #tpu.memory_space<vmem>>, vector<1x16xf32>,
        %get3A_1304 = vector.shape_cast %get3A_1303 : vector<1x16xf32> to vector<16xf32>
        %mul3A_1305 = vector.broadcast %squeeze3A_1283 : f32 to vector<16xf32>
        %mul3A_1306 = arith.mulf %get3A_1304, %mul3A_1305 : vector<16xf32>
        %add3A_1307 = arith.constant 12 : i32
        %add3A_1308 = arith.addi %mul3A_535, %add3A_1307 : i32
        %swap3A_1309 = arith.index_cast %add3A_1308 : i32 to index
        %swap3A_1310 = arith.constant 16 : index
        %swap3A_1311 = tpu.vector_load %arg17[%swap3A_1309, %swap3A_1310] {strides = array<i32>} : memref<128x64xf32, #tpu.memory_space<vmem>>, vector<1x16xf32>,
        %swap3A_1312 = vector.shape_cast %swap3A_1311 : vector<1x16xf32> to vector<16xf32>
        %swap3A_1313 = vector.shape_cast %mul3A_1306 : vector<16xf32> to vector<1x16xf32>
        tpu.vector_store %arg17[%swap3A_1309, %swap3A_1310], %swap3A_1313 {strides = array<i32>} : memref<128x64xf32, #tpu.memory_space<vmem>>, vector<1x16xf32>,
        %add3A_1314 = arith.constant 12 : i32
        %add3A_1315 = arith.addi %mul3A_535, %add3A_1314 : i32
        %get3A_1316 = arith.index_cast %add3A_1315 : i32 to index
        %get3A_1317 = arith.constant 32 : index
        %get3A_1318 = tpu.vector_load %arg17[%get3A_1316, %get3A_1317] {strides = array<i32>} : memref<128x64xf32, #tpu.memory_space<vmem>>, vector<1x16xf32>,
        %get3A_1319 = vector.shape_cast %get3A_1318 : vector<1x16xf32> to vector<16xf32>
        %mul3A_1320 = vector.broadcast %squeeze3A_1283 : f32 to vector<16xf32>
        %mul3A_1321 = arith.mulf %get3A_1319, %mul3A_1320 : vector<16xf32>
        %add3A_1322 = arith.constant 12 : i32
        %add3A_1323 = arith.addi %mul3A_535, %add3A_1322 : i32
        %swap3A_1324 = arith.index_cast %add3A_1323 : i32 to index
        %swap3A_1325 = arith.constant 32 : index
        %swap3A_1326 = tpu.vector_load %arg17[%swap3A_1324, %swap3A_1325] {strides = array<i32>} : memref<128x64xf32, #tpu.memory_space<vmem>>, vector<1x16xf32>,
        %swap3A_1327 = vector.shape_cast %swap3A_1326 : vector<1x16xf32> to vector<16xf32>
        %swap3A_1328 = vector.shape_cast %mul3A_1321 : vector<16xf32> to vector<1x16xf32>
        tpu.vector_store %arg17[%swap3A_1324, %swap3A_1325], %swap3A_1328 {strides = array<i32>} : memref<128x64xf32, #tpu.memory_space<vmem>>, vector<1x16xf32>,
        %add3A_1329 = arith.constant 12 : i32
        %add3A_1330 = arith.addi %mul3A_535, %add3A_1329 : i32
        %get3A_1331 = arith.index_cast %add3A_1330 : i32 to index
        %get3A_1332 = arith.constant 48 : index
        %get3A_1333 = tpu.vector_load %arg17[%get3A_1331, %get3A_1332] {strides = array<i32>} : memref<128x64xf32, #tpu.memory_space<vmem>>, vector<1x16xf32>,
        %get3A_1334 = vector.shape_cast %get3A_1333 : vector<1x16xf32> to vector<16xf32>
        %mul3A_1335 = vector.broadcast %squeeze3A_1283 : f32 to vector<16xf32>
        %mul3A_1336 = arith.mulf %get3A_1334, %mul3A_1335 : vector<16xf32>
        %add3A_1337 = arith.constant 12 : i32
        %add3A_1338 = arith.addi %mul3A_535, %add3A_1337 : i32
        %swap3A_1339 = arith.index_cast %add3A_1338 : i32 to index
        %swap3A_1340 = arith.constant 48 : index
        %swap3A_1341 = tpu.vector_load %arg17[%swap3A_1339, %swap3A_1340] {strides = array<i32>} : memref<128x64xf32, #tpu.memory_space<vmem>>, vector<1x16xf32>,
        %swap3A_1342 = vector.shape_cast %swap3A_1341 : vector<1x16xf32> to vector<16xf32>
        %swap3A_1343 = vector.shape_cast %mul3A_1336 : vector<16xf32> to vector<1x16xf32>
        tpu.vector_store %arg17[%swap3A_1339, %swap3A_1340], %swap3A_1343 {strides = array<i32>} : memref<128x64xf32, #tpu.memory_space<vmem>>, vector<1x16xf32>,
        %slice3A_1344 = vector.extract_strided_slice %get3A_539 {offsets = [13], sizes = [1], strides = [1]} : vector<16xf32> to vector<1xf32>
        %squeeze3A_1345 = vector.extract %slice3A_1344[0] : f32 from vector<1xf32>
        %add3A_1346 = arith.constant 13 : i32
        %add3A_1347 = arith.addi %mul3A_535, %add3A_1346 : i32
        %get3A_1348 = arith.index_cast %add3A_1347 : i32 to index
        %get3A_1349 = arith.constant 0 : index
        %get3A_1350 = tpu.vector_load %arg17[%get3A_1348, %get3A_1349] {strides = array<i32>} : memref<128x64xf32, #tpu.memory_space<vmem>>, vector<1x16xf32>,
        %get3A_1351 = vector.shape_cast %get3A_1350 : vector<1x16xf32> to vector<16xf32>
        %mul3A_1352 = vector.broadcast %squeeze3A_1345 : f32 to vector<16xf32>
        %mul3A_1353 = arith.mulf %get3A_1351, %mul3A_1352 : vector<16xf32>
        %add3A_1354 = arith.constant 13 : i32
        %add3A_1355 = arith.addi %mul3A_535, %add3A_1354 : i32
        %swap3A_1356 = arith.index_cast %add3A_1355 : i32 to index
        %swap3A_1357 = arith.constant 0 : index
        %swap3A_1358 = tpu.vector_load %arg17[%swap3A_1356, %swap3A_1357] {strides = array<i32>} : memref<128x64xf32, #tpu.memory_space<vmem>>, vector<1x16xf32>,
        %swap3A_1359 = vector.shape_cast %swap3A_1358 : vector<1x16xf32> to vector<16xf32>
        %swap3A_1360 = vector.shape_cast %mul3A_1353 : vector<16xf32> to vector<1x16xf32>
        tpu.vector_store %arg17[%swap3A_1356, %swap3A_1357], %swap3A_1360 {strides = array<i32>} : memref<128x64xf32, #tpu.memory_space<vmem>>, vector<1x16xf32>,
        %add3A_1361 = arith.constant 13 : i32
        %add3A_1362 = arith.addi %mul3A_535, %add3A_1361 : i32
        %get3A_1363 = arith.index_cast %add3A_1362 : i32 to index
        %get3A_1364 = arith.constant 16 : index
        %get3A_1365 = tpu.vector_load %arg17[%get3A_1363, %get3A_1364] {strides = array<i32>} : memref<128x64xf32, #tpu.memory_space<vmem>>, vector<1x16xf32>,
        %get3A_1366 = vector.shape_cast %get3A_1365 : vector<1x16xf32> to vector<16xf32>
        %mul3A_1367 = vector.broadcast %squeeze3A_1345 : f32 to vector<16xf32>
        %mul3A_1368 = arith.mulf %get3A_1366, %mul3A_1367 : vector<16xf32>
        %add3A_1369 = arith.constant 13 : i32
        %add3A_1370 = arith.addi %mul3A_535, %add3A_1369 : i32
        %swap3A_1371 = arith.index_cast %add3A_1370 : i32 to index
        %swap3A_1372 = arith.constant 16 : index
        %swap3A_1373 = tpu.vector_load %arg17[%swap3A_1371, %swap3A_1372] {strides = array<i32>} : memref<128x64xf32, #tpu.memory_space<vmem>>, vector<1x16xf32>,
        %swap3A_1374 = vector.shape_cast %swap3A_1373 : vector<1x16xf32> to vector<16xf32>
        %swap3A_1375 = vector.shape_cast %mul3A_1368 : vector<16xf32> to vector<1x16xf32>
        tpu.vector_store %arg17[%swap3A_1371, %swap3A_1372], %swap3A_1375 {strides = array<i32>} : memref<128x64xf32, #tpu.memory_space<vmem>>, vector<1x16xf32>,
        %add3A_1376 = arith.constant 13 : i32
        %add3A_1377 = arith.addi %mul3A_535, %add3A_1376 : i32
        %get3A_1378 = arith.index_cast %add3A_1377 : i32 to index
        %get3A_1379 = arith.constant 32 : index
        %get3A_1380 = tpu.vector_load %arg17[%get3A_1378, %get3A_1379] {strides = array<i32>} : memref<128x64xf32, #tpu.memory_space<vmem>>, vector<1x16xf32>,
        %get3A_1381 = vector.shape_cast %get3A_1380 : vector<1x16xf32> to vector<16xf32>
        %mul3A_1382 = vector.broadcast %squeeze3A_1345 : f32 to vector<16xf32>
        %mul3A_1383 = arith.mulf %get3A_1381, %mul3A_1382 : vector<16xf32>
        %add3A_1384 = arith.constant 13 : i32
        %add3A_1385 = arith.addi %mul3A_535, %add3A_1384 : i32
        %swap3A_1386 = arith.index_cast %add3A_1385 : i32 to index
        %swap3A_1387 = arith.constant 32 : index
        %swap3A_1388 = tpu.vector_load %arg17[%swap3A_1386, %swap3A_1387] {strides = array<i32>} : memref<128x64xf32, #tpu.memory_space<vmem>>, vector<1x16xf32>,
        %swap3A_1389 = vector.shape_cast %swap3A_1388 : vector<1x16xf32> to vector<16xf32>
        %swap3A_1390 = vector.shape_cast %mul3A_1383 : vector<16xf32> to vector<1x16xf32>
        tpu.vector_store %arg17[%swap3A_1386, %swap3A_1387], %swap3A_1390 {strides = array<i32>} : memref<128x64xf32, #tpu.memory_space<vmem>>, vector<1x16xf32>,
        %add3A_1391 = arith.constant 13 : i32
        %add3A_1392 = arith.addi %mul3A_535, %add3A_1391 : i32
        %get3A_1393 = arith.index_cast %add3A_1392 : i32 to index
        %get3A_1394 = arith.constant 48 : index
        %get3A_1395 = tpu.vector_load %arg17[%get3A_1393, %get3A_1394] {strides = array<i32>} : memref<128x64xf32, #tpu.memory_space<vmem>>, vector<1x16xf32>,
        %get3A_1396 = vector.shape_cast %get3A_1395 : vector<1x16xf32> to vector<16xf32>
        %mul3A_1397 = vector.broadcast %squeeze3A_1345 : f32 to vector<16xf32>
        %mul3A_1398 = arith.mulf %get3A_1396, %mul3A_1397 : vector<16xf32>
        %add3A_1399 = arith.constant 13 : i32
        %add3A_1400 = arith.addi %mul3A_535, %add3A_1399 : i32
        %swap3A_1401 = arith.index_cast %add3A_1400 : i32 to index
        %swap3A_1402 = arith.constant 48 : index
        %swap3A_1403 = tpu.vector_load %arg17[%swap3A_1401, %swap3A_1402] {strides = array<i32>} : memref<128x64xf32, #tpu.memory_space<vmem>>, vector<1x16xf32>,
        %swap3A_1404 = vector.shape_cast %swap3A_1403 : vector<1x16xf32> to vector<16xf32>
        %swap3A_1405 = vector.shape_cast %mul3A_1398 : vector<16xf32> to vector<1x16xf32>
        tpu.vector_store %arg17[%swap3A_1401, %swap3A_1402], %swap3A_1405 {strides = array<i32>} : memref<128x64xf32, #tpu.memory_space<vmem>>, vector<1x16xf32>,
        %slice3A_1406 = vector.extract_strided_slice %get3A_539 {offsets = [14], sizes = [1], strides = [1]} : vector<16xf32> to vector<1xf32>
        %squeeze3A_1407 = vector.extract %slice3A_1406[0] : f32 from vector<1xf32>
        %add3A_1408 = arith.constant 14 : i32
        %add3A_1409 = arith.addi %mul3A_535, %add3A_1408 : i32
        %get3A_1410 = arith.index_cast %add3A_1409 : i32 to index
        %get3A_1411 = arith.constant 0 : index
        %get3A_1412 = tpu.vector_load %arg17[%get3A_1410, %get3A_1411] {strides = array<i32>} : memref<128x64xf32, #tpu.memory_space<vmem>>, vector<1x16xf32>,
        %get3A_1413 = vector.shape_cast %get3A_1412 : vector<1x16xf32> to vector<16xf32>
        %mul3A_1414 = vector.broadcast %squeeze3A_1407 : f32 to vector<16xf32>
        %mul3A_1415 = arith.mulf %get3A_1413, %mul3A_1414 : vector<16xf32>
        %add3A_1416 = arith.constant 14 : i32
        %add3A_1417 = arith.addi %mul3A_535, %add3A_1416 : i32
        %swap3A_1418 = arith.index_cast %add3A_1417 : i32 to index
        %swap3A_1419 = arith.constant 0 : index
        %swap3A_1420 = tpu.vector_load %arg17[%swap3A_1418, %swap3A_1419] {strides = array<i32>} : memref<128x64xf32, #tpu.memory_space<vmem>>, vector<1x16xf32>,
        %swap3A_1421 = vector.shape_cast %swap3A_1420 : vector<1x16xf32> to vector<16xf32>
        %swap3A_1422 = vector.shape_cast %mul3A_1415 : vector<16xf32> to vector<1x16xf32>
        tpu.vector_store %arg17[%swap3A_1418, %swap3A_1419], %swap3A_1422 {strides = array<i32>} : memref<128x64xf32, #tpu.memory_space<vmem>>, vector<1x16xf32>,
        %add3A_1423 = arith.constant 14 : i32
        %add3A_1424 = arith.addi %mul3A_535, %add3A_1423 : i32
        %get3A_1425 = arith.index_cast %add3A_1424 : i32 to index
        %get3A_1426 = arith.constant 16 : index
        %get3A_1427 = tpu.vector_load %arg17[%get3A_1425, %get3A_1426] {strides = array<i32>} : memref<128x64xf32, #tpu.memory_space<vmem>>, vector<1x16xf32>,
        %get3A_1428 = vector.shape_cast %get3A_1427 : vector<1x16xf32> to vector<16xf32>
        %mul3A_1429 = vector.broadcast %squeeze3A_1407 : f32 to vector<16xf32>
        %mul3A_1430 = arith.mulf %get3A_1428, %mul3A_1429 : vector<16xf32>
        %add3A_1431 = arith.constant 14 : i32
        %add3A_1432 = arith.addi %mul3A_535, %add3A_1431 : i32
        %swap3A_1433 = arith.index_cast %add3A_1432 : i32 to index
        %swap3A_1434 = arith.constant 16 : index
        %swap3A_1435 = tpu.vector_load %arg17[%swap3A_1433, %swap3A_1434] {strides = array<i32>} : memref<128x64xf32, #tpu.memory_space<vmem>>, vector<1x16xf32>,
        %swap3A_1436 = vector.shape_cast %swap3A_1435 : vector<1x16xf32> to vector<16xf32>
        %swap3A_1437 = vector.shape_cast %mul3A_1430 : vector<16xf32> to vector<1x16xf32>
        tpu.vector_store %arg17[%swap3A_1433, %swap3A_1434], %swap3A_1437 {strides = array<i32>} : memref<128x64xf32, #tpu.memory_space<vmem>>, vector<1x16xf32>,
        %add3A_1438 = arith.constant 14 : i32
        %add3A_1439 = arith.addi %mul3A_535, %add3A_1438 : i32
        %get3A_1440 = arith.index_cast %add3A_1439 : i32 to index
        %get3A_1441 = arith.constant 32 : index
        %get3A_1442 = tpu.vector_load %arg17[%get3A_1440, %get3A_1441] {strides = array<i32>} : memref<128x64xf32, #tpu.memory_space<vmem>>, vector<1x16xf32>,
        %get3A_1443 = vector.shape_cast %get3A_1442 : vector<1x16xf32> to vector<16xf32>
        %mul3A_1444 = vector.broadcast %squeeze3A_1407 : f32 to vector<16xf32>
        %mul3A_1445 = arith.mulf %get3A_1443, %mul3A_1444 : vector<16xf32>
        %add3A_1446 = arith.constant 14 : i32
        %add3A_1447 = arith.addi %mul3A_535, %add3A_1446 : i32
        %swap3A_1448 = arith.index_cast %add3A_1447 : i32 to index
        %swap3A_1449 = arith.constant 32 : index
        %swap3A_1450 = tpu.vector_load %arg17[%swap3A_1448, %swap3A_1449] {strides = array<i32>} : memref<128x64xf32, #tpu.memory_space<vmem>>, vector<1x16xf32>,
        %swap3A_1451 = vector.shape_cast %swap3A_1450 : vector<1x16xf32> to vector<16xf32>
        %swap3A_1452 = vector.shape_cast %mul3A_1445 : vector<16xf32> to vector<1x16xf32>
        tpu.vector_store %arg17[%swap3A_1448, %swap3A_1449], %swap3A_1452 {strides = array<i32>} : memref<128x64xf32, #tpu.memory_space<vmem>>, vector<1x16xf32>,
        %add3A_1453 = arith.constant 14 : i32
        %add3A_1454 = arith.addi %mul3A_535, %add3A_1453 : i32
        %get3A_1455 = arith.index_cast %add3A_1454 : i32 to index
        %get3A_1456 = arith.constant 48 : index
        %get3A_1457 = tpu.vector_load %arg17[%get3A_1455, %get3A_1456] {strides = array<i32>} : memref<128x64xf32, #tpu.memory_space<vmem>>, vector<1x16xf32>,
        %get3A_1458 = vector.shape_cast %get3A_1457 : vector<1x16xf32> to vector<16xf32>
        %mul3A_1459 = vector.broadcast %squeeze3A_1407 : f32 to vector<16xf32>
        %mul3A_1460 = arith.mulf %get3A_1458, %mul3A_1459 : vector<16xf32>
        %add3A_1461 = arith.constant 14 : i32
        %add3A_1462 = arith.addi %mul3A_535, %add3A_1461 : i32
        %swap3A_1463 = arith.index_cast %add3A_1462 : i32 to index
        %swap3A_1464 = arith.constant 48 : index
        %swap3A_1465 = tpu.vector_load %arg17[%swap3A_1463, %swap3A_1464] {strides = array<i32>} : memref<128x64xf32, #tpu.memory_space<vmem>>, vector<1x16xf32>,
        %swap3A_1466 = vector.shape_cast %swap3A_1465 : vector<1x16xf32> to vector<16xf32>
        %swap3A_1467 = vector.shape_cast %mul3A_1460 : vector<16xf32> to vector<1x16xf32>
        tpu.vector_store %arg17[%swap3A_1463, %swap3A_1464], %swap3A_1467 {strides = array<i32>} : memref<128x64xf32, #tpu.memory_space<vmem>>, vector<1x16xf32>,
        %slice3A_1468 = vector.extract_strided_slice %get3A_539 {offsets = [15], sizes = [1], strides = [1]} : vector<16xf32> to vector<1xf32>
        %squeeze3A_1469 = vector.extract %slice3A_1468[0] : f32 from vector<1xf32>
        %add3A_1470 = arith.constant 15 : i32
        %add3A_1471 = arith.addi %mul3A_535, %add3A_1470 : i32
        %get3A_1472 = arith.index_cast %add3A_1471 : i32 to index
        %get3A_1473 = arith.constant 0 : index
        %get3A_1474 = tpu.vector_load %arg17[%get3A_1472, %get3A_1473] {strides = array<i32>} : memref<128x64xf32, #tpu.memory_space<vmem>>, vector<1x16xf32>,
        %get3A_1475 = vector.shape_cast %get3A_1474 : vector<1x16xf32> to vector<16xf32>
        %mul3A_1476 = vector.broadcast %squeeze3A_1469 : f32 to vector<16xf32>
        %mul3A_1477 = arith.mulf %get3A_1475, %mul3A_1476 : vector<16xf32>
        %add3A_1478 = arith.constant 15 : i32
        %add3A_1479 = arith.addi %mul3A_535, %add3A_1478 : i32
        %swap3A_1480 = arith.index_cast %add3A_1479 : i32 to index
        %swap3A_1481 = arith.constant 0 : index
        %swap3A_1482 = tpu.vector_load %arg17[%swap3A_1480, %swap3A_1481] {strides = array<i32>} : memref<128x64xf32, #tpu.memory_space<vmem>>, vector<1x16xf32>,
        %swap3A_1483 = vector.shape_cast %swap3A_1482 : vector<1x16xf32> to vector<16xf32>
        %swap3A_1484 = vector.shape_cast %mul3A_1477 : vector<16xf32> to vector<1x16xf32>
        tpu.vector_store %arg17[%swap3A_1480, %swap3A_1481], %swap3A_1484 {strides = array<i32>} : memref<128x64xf32, #tpu.memory_space<vmem>>, vector<1x16xf32>,
        %add3A_1485 = arith.constant 15 : i32
        %add3A_1486 = arith.addi %mul3A_535, %add3A_1485 : i32
        %get3A_1487 = arith.index_cast %add3A_1486 : i32 to index
        %get3A_1488 = arith.constant 16 : index
        %get3A_1489 = tpu.vector_load %arg17[%get3A_1487, %get3A_1488] {strides = array<i32>} : memref<128x64xf32, #tpu.memory_space<vmem>>, vector<1x16xf32>,
        %get3A_1490 = vector.shape_cast %get3A_1489 : vector<1x16xf32> to vector<16xf32>
        %mul3A_1491 = vector.broadcast %squeeze3A_1469 : f32 to vector<16xf32>
        %mul3A_1492 = arith.mulf %get3A_1490, %mul3A_1491 : vector<16xf32>
        %add3A_1493 = arith.constant 15 : i32
        %add3A_1494 = arith.addi %mul3A_535, %add3A_1493 : i32
        %swap3A_1495 = arith.index_cast %add3A_1494 : i32 to index
        %swap3A_1496 = arith.constant 16 : index
        %swap3A_1497 = tpu.vector_load %arg17[%swap3A_1495, %swap3A_1496] {strides = array<i32>} : memref<128x64xf32, #tpu.memory_space<vmem>>, vector<1x16xf32>,
        %swap3A_1498 = vector.shape_cast %swap3A_1497 : vector<1x16xf32> to vector<16xf32>
        %swap3A_1499 = vector.shape_cast %mul3A_1492 : vector<16xf32> to vector<1x16xf32>
        tpu.vector_store %arg17[%swap3A_1495, %swap3A_1496], %swap3A_1499 {strides = array<i32>} : memref<128x64xf32, #tpu.memory_space<vmem>>, vector<1x16xf32>,
        %add3A_1500 = arith.constant 15 : i32
        %add3A_1501 = arith.addi %mul3A_535, %add3A_1500 : i32
        %get3A_1502 = arith.index_cast %add3A_1501 : i32 to index
        %get3A_1503 = arith.constant 32 : index
        %get3A_1504 = tpu.vector_load %arg17[%get3A_1502, %get3A_1503] {strides = array<i32>} : memref<128x64xf32, #tpu.memory_space<vmem>>, vector<1x16xf32>,
        %get3A_1505 = vector.shape_cast %get3A_1504 : vector<1x16xf32> to vector<16xf32>
        %mul3A_1506 = vector.broadcast %squeeze3A_1469 : f32 to vector<16xf32>
        %mul3A_1507 = arith.mulf %get3A_1505, %mul3A_1506 : vector<16xf32>
        %add3A_1508 = arith.constant 15 : i32
        %add3A_1509 = arith.addi %mul3A_535, %add3A_1508 : i32
        %swap3A_1510 = arith.index_cast %add3A_1509 : i32 to index
        %swap3A_1511 = arith.constant 32 : index
        %swap3A_1512 = tpu.vector_load %arg17[%swap3A_1510, %swap3A_1511] {strides = array<i32>} : memref<128x64xf32, #tpu.memory_space<vmem>>, vector<1x16xf32>,
        %swap3A_1513 = vector.shape_cast %swap3A_1512 : vector<1x16xf32> to vector<16xf32>
        %swap3A_1514 = vector.shape_cast %mul3A_1507 : vector<16xf32> to vector<1x16xf32>
        tpu.vector_store %arg17[%swap3A_1510, %swap3A_1511], %swap3A_1514 {strides = array<i32>} : memref<128x64xf32, #tpu.memory_space<vmem>>, vector<1x16xf32>,
        %add3A_1515 = arith.constant 15 : i32
        %add3A_1516 = arith.addi %mul3A_535, %add3A_1515 : i32
        %get3A_1517 = arith.index_cast %add3A_1516 : i32 to index
        %get3A_1518 = arith.constant 48 : index
        %get3A_1519 = tpu.vector_load %arg17[%get3A_1517, %get3A_1518] {strides = array<i32>} : memref<128x64xf32, #tpu.memory_space<vmem>>, vector<1x16xf32>,
        %get3A_1520 = vector.shape_cast %get3A_1519 : vector<1x16xf32> to vector<16xf32>
        %mul3A_1521 = vector.broadcast %squeeze3A_1469 : f32 to vector<16xf32>
        %mul3A_1522 = arith.mulf %get3A_1520, %mul3A_1521 : vector<16xf32>
        %add3A_1523 = arith.constant 15 : i32
        %add3A_1524 = arith.addi %mul3A_535, %add3A_1523 : i32
        %swap3A_1525 = arith.index_cast %add3A_1524 : i32 to index
        %swap3A_1526 = arith.constant 48 : index
        %swap3A_1527 = tpu.vector_load %arg17[%swap3A_1525, %swap3A_1526] {strides = array<i32>} : memref<128x64xf32, #tpu.memory_space<vmem>>, vector<1x16xf32>,
        %swap3A_1528 = vector.shape_cast %swap3A_1527 : vector<1x16xf32> to vector<16xf32>
        %swap3A_1529 = vector.shape_cast %mul3A_1522 : vector<16xf32> to vector<1x16xf32>
        tpu.vector_store %arg17[%swap3A_1525, %swap3A_1526], %swap3A_1529 {strides = array<i32>} : memref<128x64xf32, #tpu.memory_space<vmem>>, vector<1x16xf32>,
      }
      %scan3A_494 = arith.constant 8 : i32
      %add3A_495 = arith.constant 3 : i32
      %add3A_496 = arith.addi %add3A_483, %add3A_495 : i32
      %sub3A_497 = arith.constant 1 : i32
      %sub3A_498 = arith.subi %add3A_496, %sub3A_497 : i32
      %lt3A = arith.constant 159 : i32
      %lt3A_499 = arith.cmpi slt, %sub3A_498, %lt3A : i32
      %convert_element_type3A_500 = arith.extui %lt3A_499 : i1 to i32
      %cond3A_501 = arith.constant 0 : i32
      %cond3A_502 = arith.cmpi ne, %convert_element_type3A_500, %cond3A_501 : i32
      scf.if %cond3A_502 {
        %dma_wait3A_533 = arith.constant 0 : i32
        %dma_wait3A_534 = arith.constant 0 : i32
        %dma_wait3A_535 = tpu.memref_slice %arg28[%dma_wait3A_533, %dma_wait3A_534] : memref<10112x64xf32, #tpu.memory_space<vmem_shared>> -> memref<10112x64xf32, #tpu.memory_space<vmem_shared>>
        tpu.wait_indirect_dma semaphore(%arg22 : memref<!tpu.dma_semaphore, #tpu.memory_space<semaphore_mem>>) src(%arg16 : memref<128x64xf32, #tpu.memory_space<vmem>>) dst(%dma_wait3A_535 : memref<10112x64xf32, #tpu.memory_space<vmem_shared>>)
        %add3A_536 = arith.constant 3 : i32
        %add3A_537 = arith.addi %add3A_483, %add3A_536 : i32
        %sub3A_538 = arith.constant 1 : i32
        %sub3A_539 = arith.subi %add3A_537, %sub3A_538 : i32
        %mul3A_540 = arith.constant 128 : i32
        %mul3A_541 = arith.muli %sub3A_539, %mul3A_540 : i32
        %add3A_542 = arith.constant 0 : i32
        %add3A_543 = arith.addi %mul3A_541, %add3A_542 : i32
        %get3A_544 = arith.index_cast %add3A_543 : i32 to index
        %get3A_545 = tpu.vector_load %arg8[%get3A_544] {strides = array<i32>} : memref<20352xi32, #tpu.memory_space<vmem>>, vector<16xi32>,
        %get3A_546 = vector.shape_cast %get3A_545 : vector<16xi32> to vector<16xi32>
        %add3A_547 = vector.broadcast %mul3A_29 : i32 to vector<16xi32>
        %add3A_548 = arith.addi %get3A_546, %add3A_547 : vector<16xi32>
        %swap3A_549 = arith.constant 0 : index
        %swap3A_550 = tpu.vector_load %arg10[%swap3A_549] {strides = array<i32>} : memref<128xi32, #tpu.memory_space<vmem>>, vector<16xi32>,
        %swap3A_551 = vector.shape_cast %swap3A_550 : vector<16xi32> to vector<16xi32>
        %swap3A_552 = vector.shape_cast %add3A_548 : vector<16xi32> to vector<16xi32>
        tpu.vector_store %arg10[%swap3A_549], %swap3A_552 {strides = array<i32>} : memref<128xi32, #tpu.memory_space<vmem>>, vector<16xi32>,
        %get3A_553 = arith.index_cast %add3A_543 : i32 to index
        %get3A_554 = tpu.vector_load %arg7[%get3A_553] {strides = array<i32>} : memref<20352xi32, #tpu.memory_space<vmem>>, vector<16xi32>,
        %get3A_555 = vector.shape_cast %get3A_554 : vector<16xi32> to vector<16xi32>
        %swap3A_556 = arith.constant 0 : index
        %swap3A_557 = tpu.vector_load %arg13[%swap3A_556] {strides = array<i32>} : memref<128xi32, #tpu.memory_space<vmem>>, vector<16xi32>,
        %swap3A_558 = vector.shape_cast %swap3A_557 : vector<16xi32> to vector<16xi32>
        %swap3A_559 = vector.shape_cast %get3A_555 : vector<16xi32> to vector<16xi32>
        tpu.vector_store %arg13[%swap3A_556], %swap3A_559 {strides = array<i32>} : memref<128xi32, #tpu.memory_space<vmem>>, vector<16xi32>,
        %add3A_560 = arith.constant 16 : i32
        %add3A_561 = arith.addi %mul3A_541, %add3A_560 : i32
        %get3A_562 = arith.index_cast %add3A_561 : i32 to index
        %get3A_563 = tpu.vector_load %arg8[%get3A_562] {strides = array<i32>} : memref<20352xi32, #tpu.memory_space<vmem>>, vector<16xi32>,
        %get3A_564 = vector.shape_cast %get3A_563 : vector<16xi32> to vector<16xi32>
        %add3A_565 = vector.broadcast %mul3A_29 : i32 to vector<16xi32>
        %add3A_566 = arith.addi %get3A_564, %add3A_565 : vector<16xi32>
        %swap3A_567 = arith.constant 16 : index
        %swap3A_568 = tpu.vector_load %arg10[%swap3A_567] {strides = array<i32>} : memref<128xi32, #tpu.memory_space<vmem>>, vector<16xi32>,
        %swap3A_569 = vector.shape_cast %swap3A_568 : vector<16xi32> to vector<16xi32>
        %swap3A_570 = vector.shape_cast %add3A_566 : vector<16xi32> to vector<16xi32>
        tpu.vector_store %arg10[%swap3A_567], %swap3A_570 {strides = array<i32>} : memref<128xi32, #tpu.memory_space<vmem>>, vector<16xi32>,
        %get3A_571 = arith.index_cast %add3A_561 : i32 to index
        %get3A_572 = tpu.vector_load %arg7[%get3A_571] {strides = array<i32>} : memref<20352xi32, #tpu.memory_space<vmem>>, vector<16xi32>,
        %get3A_573 = vector.shape_cast %get3A_572 : vector<16xi32> to vector<16xi32>
        %swap3A_574 = arith.constant 16 : index
        %swap3A_575 = tpu.vector_load %arg13[%swap3A_574] {strides = array<i32>} : memref<128xi32, #tpu.memory_space<vmem>>, vector<16xi32>,
        %swap3A_576 = vector.shape_cast %swap3A_575 : vector<16xi32> to vector<16xi32>
        %swap3A_577 = vector.shape_cast %get3A_573 : vector<16xi32> to vector<16xi32>
        tpu.vector_store %arg13[%swap3A_574], %swap3A_577 {strides = array<i32>} : memref<128xi32, #tpu.memory_space<vmem>>, vector<16xi32>,
        %add3A_578 = arith.constant 32 : i32
        %add3A_579 = arith.addi %mul3A_541, %add3A_578 : i32
        %get3A_580 = arith.index_cast %add3A_579 : i32 to index
        %get3A_581 = tpu.vector_load %arg8[%get3A_580] {strides = array<i32>} : memref<20352xi32, #tpu.memory_space<vmem>>, vector<16xi32>,
        %get3A_582 = vector.shape_cast %get3A_581 : vector<16xi32> to vector<16xi32>
        %add3A_583 = vector.broadcast %mul3A_29 : i32 to vector<16xi32>
        %add3A_584 = arith.addi %get3A_582, %add3A_583 : vector<16xi32>
        %swap3A_585 = arith.constant 32 : index
        %swap3A_586 = tpu.vector_load %arg10[%swap3A_585] {strides = array<i32>} : memref<128xi32, #tpu.memory_space<vmem>>, vector<16xi32>,
        %swap3A_587 = vector.shape_cast %swap3A_586 : vector<16xi32> to vector<16xi32>
        %swap3A_588 = vector.shape_cast %add3A_584 : vector<16xi32> to vector<16xi32>
        tpu.vector_store %arg10[%swap3A_585], %swap3A_588 {strides = array<i32>} : memref<128xi32, #tpu.memory_space<vmem>>, vector<16xi32>,
        %get3A_589 = arith.index_cast %add3A_579 : i32 to index
        %get3A_590 = tpu.vector_load %arg7[%get3A_589] {strides = array<i32>} : memref<20352xi32, #tpu.memory_space<vmem>>, vector<16xi32>,
        %get3A_591 = vector.shape_cast %get3A_590 : vector<16xi32> to vector<16xi32>
        %swap3A_592 = arith.constant 32 : index
        %swap3A_593 = tpu.vector_load %arg13[%swap3A_592] {strides = array<i32>} : memref<128xi32, #tpu.memory_space<vmem>>, vector<16xi32>,
        %swap3A_594 = vector.shape_cast %swap3A_593 : vector<16xi32> to vector<16xi32>
        %swap3A_595 = vector.shape_cast %get3A_591 : vector<16xi32> to vector<16xi32>
        tpu.vector_store %arg13[%swap3A_592], %swap3A_595 {strides = array<i32>} : memref<128xi32, #tpu.memory_space<vmem>>, vector<16xi32>,
        %add3A_596 = arith.constant 48 : i32
        %add3A_597 = arith.addi %mul3A_541, %add3A_596 : i32
        %get3A_598 = arith.index_cast %add3A_597 : i32 to index
        %get3A_599 = tpu.vector_load %arg8[%get3A_598] {strides = array<i32>} : memref<20352xi32, #tpu.memory_space<vmem>>, vector<16xi32>,
        %get3A_600 = vector.shape_cast %get3A_599 : vector<16xi32> to vector<16xi32>
        %add3A_601 = vector.broadcast %mul3A_29 : i32 to vector<16xi32>
        %add3A_602 = arith.addi %get3A_600, %add3A_601 : vector<16xi32>
        %swap3A_603 = arith.constant 48 : index
        %swap3A_604 = tpu.vector_load %arg10[%swap3A_603] {strides = array<i32>} : memref<128xi32, #tpu.memory_space<vmem>>, vector<16xi32>,
        %swap3A_605 = vector.shape_cast %swap3A_604 : vector<16xi32> to vector<16xi32>
        %swap3A_606 = vector.shape_cast %add3A_602 : vector<16xi32> to vector<16xi32>
        tpu.vector_store %arg10[%swap3A_603], %swap3A_606 {strides = array<i32>} : memref<128xi32, #tpu.memory_space<vmem>>, vector<16xi32>,
        %get3A_607 = arith.index_cast %add3A_597 : i32 to index
        %get3A_608 = tpu.vector_load %arg7[%get3A_607] {strides = array<i32>} : memref<20352xi32, #tpu.memory_space<vmem>>, vector<16xi32>,
        %get3A_609 = vector.shape_cast %get3A_608 : vector<16xi32> to vector<16xi32>
        %swap3A_610 = arith.constant 48 : index
        %swap3A_611 = tpu.vector_load %arg13[%swap3A_610] {strides = array<i32>} : memref<128xi32, #tpu.memory_space<vmem>>, vector<16xi32>,
        %swap3A_612 = vector.shape_cast %swap3A_611 : vector<16xi32> to vector<16xi32>
        %swap3A_613 = vector.shape_cast %get3A_609 : vector<16xi32> to vector<16xi32>
        tpu.vector_store %arg13[%swap3A_610], %swap3A_613 {strides = array<i32>} : memref<128xi32, #tpu.memory_space<vmem>>, vector<16xi32>,
        %add3A_614 = arith.constant 64 : i32
        %add3A_615 = arith.addi %mul3A_541, %add3A_614 : i32
        %get3A_616 = arith.index_cast %add3A_615 : i32 to index
        %get3A_617 = tpu.vector_load %arg8[%get3A_616] {strides = array<i32>} : memref<20352xi32, #tpu.memory_space<vmem>>, vector<16xi32>,
        %get3A_618 = vector.shape_cast %get3A_617 : vector<16xi32> to vector<16xi32>
        %add3A_619 = vector.broadcast %mul3A_29 : i32 to vector<16xi32>
        %add3A_620 = arith.addi %get3A_618, %add3A_619 : vector<16xi32>
        %swap3A_621 = arith.constant 64 : index
        %swap3A_622 = tpu.vector_load %arg10[%swap3A_621] {strides = array<i32>} : memref<128xi32, #tpu.memory_space<vmem>>, vector<16xi32>,
        %swap3A_623 = vector.shape_cast %swap3A_622 : vector<16xi32> to vector<16xi32>
        %swap3A_624 = vector.shape_cast %add3A_620 : vector<16xi32> to vector<16xi32>
        tpu.vector_store %arg10[%swap3A_621], %swap3A_624 {strides = array<i32>} : memref<128xi32, #tpu.memory_space<vmem>>, vector<16xi32>,
        %get3A_625 = arith.index_cast %add3A_615 : i32 to index
        %get3A_626 = tpu.vector_load %arg7[%get3A_625] {strides = array<i32>} : memref<20352xi32, #tpu.memory_space<vmem>>, vector<16xi32>,
        %get3A_627 = vector.shape_cast %get3A_626 : vector<16xi32> to vector<16xi32>
        %swap3A_628 = arith.constant 64 : index
        %swap3A_629 = tpu.vector_load %arg13[%swap3A_628] {strides = array<i32>} : memref<128xi32, #tpu.memory_space<vmem>>, vector<16xi32>,
        %swap3A_630 = vector.shape_cast %swap3A_629 : vector<16xi32> to vector<16xi32>
        %swap3A_631 = vector.shape_cast %get3A_627 : vector<16xi32> to vector<16xi32>
        tpu.vector_store %arg13[%swap3A_628], %swap3A_631 {strides = array<i32>} : memref<128xi32, #tpu.memory_space<vmem>>, vector<16xi32>,
        %add3A_632 = arith.constant 80 : i32
        %add3A_633 = arith.addi %mul3A_541, %add3A_632 : i32
        %get3A_634 = arith.index_cast %add3A_633 : i32 to index
        %get3A_635 = tpu.vector_load %arg8[%get3A_634] {strides = array<i32>} : memref<20352xi32, #tpu.memory_space<vmem>>, vector<16xi32>,
        %get3A_636 = vector.shape_cast %get3A_635 : vector<16xi32> to vector<16xi32>
        %add3A_637 = vector.broadcast %mul3A_29 : i32 to vector<16xi32>
        %add3A_638 = arith.addi %get3A_636, %add3A_637 : vector<16xi32>
        %swap3A_639 = arith.constant 80 : index
        %swap3A_640 = tpu.vector_load %arg10[%swap3A_639] {strides = array<i32>} : memref<128xi32, #tpu.memory_space<vmem>>, vector<16xi32>,
        %swap3A_641 = vector.shape_cast %swap3A_640 : vector<16xi32> to vector<16xi32>
        %swap3A_642 = vector.shape_cast %add3A_638 : vector<16xi32> to vector<16xi32>
        tpu.vector_store %arg10[%swap3A_639], %swap3A_642 {strides = array<i32>} : memref<128xi32, #tpu.memory_space<vmem>>, vector<16xi32>,
        %get3A_643 = arith.index_cast %add3A_633 : i32 to index
        %get3A_644 = tpu.vector_load %arg7[%get3A_643] {strides = array<i32>} : memref<20352xi32, #tpu.memory_space<vmem>>, vector<16xi32>,
        %get3A_645 = vector.shape_cast %get3A_644 : vector<16xi32> to vector<16xi32>
        %swap3A_646 = arith.constant 80 : index
        %swap3A_647 = tpu.vector_load %arg13[%swap3A_646] {strides = array<i32>} : memref<128xi32, #tpu.memory_space<vmem>>, vector<16xi32>,
        %swap3A_648 = vector.shape_cast %swap3A_647 : vector<16xi32> to vector<16xi32>
        %swap3A_649 = vector.shape_cast %get3A_645 : vector<16xi32> to vector<16xi32>
        tpu.vector_store %arg13[%swap3A_646], %swap3A_649 {strides = array<i32>} : memref<128xi32, #tpu.memory_space<vmem>>, vector<16xi32>,
        %add3A_650 = arith.constant 96 : i32
        %add3A_651 = arith.addi %mul3A_541, %add3A_650 : i32
        %get3A_652 = arith.index_cast %add3A_651 : i32 to index
        %get3A_653 = tpu.vector_load %arg8[%get3A_652] {strides = array<i32>} : memref<20352xi32, #tpu.memory_space<vmem>>, vector<16xi32>,
        %get3A_654 = vector.shape_cast %get3A_653 : vector<16xi32> to vector<16xi32>
        %add3A_655 = vector.broadcast %mul3A_29 : i32 to vector<16xi32>
        %add3A_656 = arith.addi %get3A_654, %add3A_655 : vector<16xi32>
        %swap3A_657 = arith.constant 96 : index
        %swap3A_658 = tpu.vector_load %arg10[%swap3A_657] {strides = array<i32>} : memref<128xi32, #tpu.memory_space<vmem>>, vector<16xi32>,
        %swap3A_659 = vector.shape_cast %swap3A_658 : vector<16xi32> to vector<16xi32>
        %swap3A_660 = vector.shape_cast %add3A_656 : vector<16xi32> to vector<16xi32>
        tpu.vector_store %arg10[%swap3A_657], %swap3A_660 {strides = array<i32>} : memref<128xi32, #tpu.memory_space<vmem>>, vector<16xi32>,
        %get3A_661 = arith.index_cast %add3A_651 : i32 to index
        %get3A_662 = tpu.vector_load %arg7[%get3A_661] {strides = array<i32>} : memref<20352xi32, #tpu.memory_space<vmem>>, vector<16xi32>,
        %get3A_663 = vector.shape_cast %get3A_662 : vector<16xi32> to vector<16xi32>
        %swap3A_664 = arith.constant 96 : index
        %swap3A_665 = tpu.vector_load %arg13[%swap3A_664] {strides = array<i32>} : memref<128xi32, #tpu.memory_space<vmem>>, vector<16xi32>,
        %swap3A_666 = vector.shape_cast %swap3A_665 : vector<16xi32> to vector<16xi32>
        %swap3A_667 = vector.shape_cast %get3A_663 : vector<16xi32> to vector<16xi32>
        tpu.vector_store %arg13[%swap3A_664], %swap3A_667 {strides = array<i32>} : memref<128xi32, #tpu.memory_space<vmem>>, vector<16xi32>,
        %add3A_668 = arith.constant 112 : i32
        %add3A_669 = arith.addi %mul3A_541, %add3A_668 : i32
        %get3A_670 = arith.index_cast %add3A_669 : i32 to index
        %get3A_671 = tpu.vector_load %arg8[%get3A_670] {strides = array<i32>} : memref<20352xi32, #tpu.memory_space<vmem>>, vector<16xi32>,
        %get3A_672 = vector.shape_cast %get3A_671 : vector<16xi32> to vector<16xi32>
        %add3A_673 = vector.broadcast %mul3A_29 : i32 to vector<16xi32>
        %add3A_674 = arith.addi %get3A_672, %add3A_673 : vector<16xi32>
        %swap3A_675 = arith.constant 112 : index
        %swap3A_676 = tpu.vector_load %arg10[%swap3A_675] {strides = array<i32>} : memref<128xi32, #tpu.memory_space<vmem>>, vector<16xi32>,
        %swap3A_677 = vector.shape_cast %swap3A_676 : vector<16xi32> to vector<16xi32>
        %swap3A_678 = vector.shape_cast %add3A_674 : vector<16xi32> to vector<16xi32>
        tpu.vector_store %arg10[%swap3A_675], %swap3A_678 {strides = array<i32>} : memref<128xi32, #tpu.memory_space<vmem>>, vector<16xi32>,
        %get3A_679 = arith.index_cast %add3A_669 : i32 to index
        %get3A_680 = tpu.vector_load %arg7[%get3A_679] {strides = array<i32>} : memref<20352xi32, #tpu.memory_space<vmem>>, vector<16xi32>,
        %get3A_681 = vector.shape_cast %get3A_680 : vector<16xi32> to vector<16xi32>
        %swap3A_682 = arith.constant 112 : index
        %swap3A_683 = tpu.vector_load %arg13[%swap3A_682] {strides = array<i32>} : memref<128xi32, #tpu.memory_space<vmem>>, vector<16xi32>,
        %swap3A_684 = vector.shape_cast %swap3A_683 : vector<16xi32> to vector<16xi32>
        %swap3A_685 = vector.shape_cast %get3A_681 : vector<16xi32> to vector<16xi32>
        tpu.vector_store %arg13[%swap3A_682], %swap3A_685 {strides = array<i32>} : memref<128xi32, #tpu.memory_space<vmem>>, vector<16xi32>,
        %dma_start3A_686 = arith.constant 0 : i32
        %dma_start3A_687 = arith.constant 0 : i32
        %dma_start3A_688 = tpu.memref_slice %arg2[%dma_start3A_686, %dma_start3A_687] : memref<20224x64xf32, #tpu.memory_space<hbm>> -> memref<20224x64xf32, #tpu.memory_space<hbm>>
        tpu.enqueue_indirect_dma source(%dma_start3A_688 : memref<20224x64xf32, #tpu.memory_space<hbm>>) target(%arg16 : memref<128x64xf32, #tpu.memory_space<vmem>>) offsets(%arg10 : memref<128xi32, #tpu.memory_space<vmem>>) semaphore(%arg19 : memref<!tpu.dma_semaphore, #tpu.memory_space<semaphore_mem>>)
      } else {
      }
      %dma_start3A_503 = arith.constant 0 : i32
      %dma_start3A_504 = arith.constant 0 : i32
      %dma_start3A_505 = tpu.memref_slice %arg28[%dma_start3A_503, %dma_start3A_504] : memref<10112x64xf32, #tpu.memory_space<vmem_shared>> -> memref<10112x64xf32, #tpu.memory_space<vmem_shared>>
      tpu.enqueue_indirect_dma source(%arg17 : memref<128x64xf32, #tpu.memory_space<vmem>>) target(%dma_start3A_505 : memref<10112x64xf32, #tpu.memory_space<vmem_shared>>) offsets(%arg14 : memref<128xi32, #tpu.memory_space<vmem>>) semaphore(%arg23 : memref<!tpu.dma_semaphore, #tpu.memory_space<semaphore_mem>>) {add = true}
      %mul3A_506 = arith.constant 3 : i32
      %mul3A_507 = arith.muli %scan3A_307, %mul3A_506 : i32
      %add3A_508 = arith.constant 2 : i32
      %add3A_509 = arith.addi %mul3A_507, %add3A_508 : i32
      %dma_wait3A_510 = arith.constant 0 : i32
      %dma_wait3A_511 = arith.constant 0 : i32
      %dma_wait3A_512 = tpu.memref_slice %arg2[%dma_wait3A_510, %dma_wait3A_511] : memref<20224x64xf32, #tpu.memory_space<hbm>> -> memref<20224x64xf32, #tpu.memory_space<hbm>>
      tpu.wait_indirect_dma semaphore(%arg21 : memref<!tpu.dma_semaphore, #tpu.memory_space<semaphore_mem>>) src(%dma_wait3A_512 : memref<20224x64xf32, #tpu.memory_space<hbm>>) dst(%arg18 : memref<128x64xf32, #tpu.memory_space<vmem>>)
      %mul3A_513 = arith.constant 128 : i32
      %mul3A_514 = arith.muli %add3A_509, %mul3A_513 : i32
      %scan3A_515 = arith.constant 0 : i32
      %scan3A_516 = arith.constant 0 : i32
      %scan3A_517 = arith.constant 8 : i32
      %scan3A_518 = arith.addi %scan3A_516, %scan3A_517 : i32
      %scan3A_519 = arith.constant 1 : i32
      scf.for %scan3A_533 = %scan3A_516 to %scan3A_518 step %scan3A_519  : i32 {
        %mul3A_534 = arith.constant 16 : i32
        %mul3A_535 = arith.muli %scan3A_533, %mul3A_534 : i32
        %add3A_536 = arith.addi %mul3A_514, %mul3A_535 : i32
        %get3A_537 = arith.index_cast %add3A_536 : i32 to index
        %get3A_538 = tpu.vector_load %arg9[%get3A_537] {strides = array<i32>} : memref<20352xf32, #tpu.memory_space<vmem>>, vector<16xf32>,
        %get3A_539 = vector.shape_cast %get3A_538 : vector<16xf32> to vector<16xf32>
        %slice3A = vector.extract_strided_slice %get3A_539 {offsets = [0], sizes = [1], strides = [1]} : vector<16xf32> to vector<1xf32>
        %squeeze3A = vector.extract %slice3A[0] : f32 from vector<1xf32>
        %add3A_540 = arith.constant 0 : i32
        %add3A_541 = arith.addi %mul3A_535, %add3A_540 : i32
        %get3A_542 = arith.index_cast %add3A_541 : i32 to index
        %get3A_543 = arith.constant 0 : index
        %get3A_544 = tpu.vector_load %arg18[%get3A_542, %get3A_543] {strides = array<i32>} : memref<128x64xf32, #tpu.memory_space<vmem>>, vector<1x16xf32>,
        %get3A_545 = vector.shape_cast %get3A_544 : vector<1x16xf32> to vector<16xf32>
        %mul3A_546 = vector.broadcast %squeeze3A : f32 to vector<16xf32>
        %mul3A_547 = arith.mulf %get3A_545, %mul3A_546 : vector<16xf32>
        %add3A_548 = arith.constant 0 : i32
        %add3A_549 = arith.addi %mul3A_535, %add3A_548 : i32
        %swap3A_550 = arith.index_cast %add3A_549 : i32 to index
        %swap3A_551 = arith.constant 0 : index
        %swap3A_552 = tpu.vector_load %arg18[%swap3A_550, %swap3A_551] {strides = array<i32>} : memref<128x64xf32, #tpu.memory_space<vmem>>, vector<1x16xf32>,
        %swap3A_553 = vector.shape_cast %swap3A_552 : vector<1x16xf32> to vector<16xf32>
        %swap3A_554 = vector.shape_cast %mul3A_547 : vector<16xf32> to vector<1x16xf32>
        tpu.vector_store %arg18[%swap3A_550, %swap3A_551], %swap3A_554 {strides = array<i32>} : memref<128x64xf32, #tpu.memory_space<vmem>>, vector<1x16xf32>,
        %add3A_555 = arith.constant 0 : i32
        %add3A_556 = arith.addi %mul3A_535, %add3A_555 : i32
        %get3A_557 = arith.index_cast %add3A_556 : i32 to index
        %get3A_558 = arith.constant 16 : index
        %get3A_559 = tpu.vector_load %arg18[%get3A_557, %get3A_558] {strides = array<i32>} : memref<128x64xf32, #tpu.memory_space<vmem>>, vector<1x16xf32>,
        %get3A_560 = vector.shape_cast %get3A_559 : vector<1x16xf32> to vector<16xf32>
        %mul3A_561 = vector.broadcast %squeeze3A : f32 to vector<16xf32>
        %mul3A_562 = arith.mulf %get3A_560, %mul3A_561 : vector<16xf32>
        %add3A_563 = arith.constant 0 : i32
        %add3A_564 = arith.addi %mul3A_535, %add3A_563 : i32
        %swap3A_565 = arith.index_cast %add3A_564 : i32 to index
        %swap3A_566 = arith.constant 16 : index
        %swap3A_567 = tpu.vector_load %arg18[%swap3A_565, %swap3A_566] {strides = array<i32>} : memref<128x64xf32, #tpu.memory_space<vmem>>, vector<1x16xf32>,
        %swap3A_568 = vector.shape_cast %swap3A_567 : vector<1x16xf32> to vector<16xf32>
        %swap3A_569 = vector.shape_cast %mul3A_562 : vector<16xf32> to vector<1x16xf32>
        tpu.vector_store %arg18[%swap3A_565, %swap3A_566], %swap3A_569 {strides = array<i32>} : memref<128x64xf32, #tpu.memory_space<vmem>>, vector<1x16xf32>,
        %add3A_570 = arith.constant 0 : i32
        %add3A_571 = arith.addi %mul3A_535, %add3A_570 : i32
        %get3A_572 = arith.index_cast %add3A_571 : i32 to index
        %get3A_573 = arith.constant 32 : index
        %get3A_574 = tpu.vector_load %arg18[%get3A_572, %get3A_573] {strides = array<i32>} : memref<128x64xf32, #tpu.memory_space<vmem>>, vector<1x16xf32>,
        %get3A_575 = vector.shape_cast %get3A_574 : vector<1x16xf32> to vector<16xf32>
        %mul3A_576 = vector.broadcast %squeeze3A : f32 to vector<16xf32>
        %mul3A_577 = arith.mulf %get3A_575, %mul3A_576 : vector<16xf32>
        %add3A_578 = arith.constant 0 : i32
        %add3A_579 = arith.addi %mul3A_535, %add3A_578 : i32
        %swap3A_580 = arith.index_cast %add3A_579 : i32 to index
        %swap3A_581 = arith.constant 32 : index
        %swap3A_582 = tpu.vector_load %arg18[%swap3A_580, %swap3A_581] {strides = array<i32>} : memref<128x64xf32, #tpu.memory_space<vmem>>, vector<1x16xf32>,
        %swap3A_583 = vector.shape_cast %swap3A_582 : vector<1x16xf32> to vector<16xf32>
        %swap3A_584 = vector.shape_cast %mul3A_577 : vector<16xf32> to vector<1x16xf32>
        tpu.vector_store %arg18[%swap3A_580, %swap3A_581], %swap3A_584 {strides = array<i32>} : memref<128x64xf32, #tpu.memory_space<vmem>>, vector<1x16xf32>,
        %add3A_585 = arith.constant 0 : i32
        %add3A_586 = arith.addi %mul3A_535, %add3A_585 : i32
        %get3A_587 = arith.index_cast %add3A_586 : i32 to index
        %get3A_588 = arith.constant 48 : index
        %get3A_589 = tpu.vector_load %arg18[%get3A_587, %get3A_588] {strides = array<i32>} : memref<128x64xf32, #tpu.memory_space<vmem>>, vector<1x16xf32>,
        %get3A_590 = vector.shape_cast %get3A_589 : vector<1x16xf32> to vector<16xf32>
        %mul3A_591 = vector.broadcast %squeeze3A : f32 to vector<16xf32>
        %mul3A_592 = arith.mulf %get3A_590, %mul3A_591 : vector<16xf32>
        %add3A_593 = arith.constant 0 : i32
        %add3A_594 = arith.addi %mul3A_535, %add3A_593 : i32
        %swap3A_595 = arith.index_cast %add3A_594 : i32 to index
        %swap3A_596 = arith.constant 48 : index
        %swap3A_597 = tpu.vector_load %arg18[%swap3A_595, %swap3A_596] {strides = array<i32>} : memref<128x64xf32, #tpu.memory_space<vmem>>, vector<1x16xf32>,
        %swap3A_598 = vector.shape_cast %swap3A_597 : vector<1x16xf32> to vector<16xf32>
        %swap3A_599 = vector.shape_cast %mul3A_592 : vector<16xf32> to vector<1x16xf32>
        tpu.vector_store %arg18[%swap3A_595, %swap3A_596], %swap3A_599 {strides = array<i32>} : memref<128x64xf32, #tpu.memory_space<vmem>>, vector<1x16xf32>,
        %slice3A_600 = vector.extract_strided_slice %get3A_539 {offsets = [1], sizes = [1], strides = [1]} : vector<16xf32> to vector<1xf32>
        %squeeze3A_601 = vector.extract %slice3A_600[0] : f32 from vector<1xf32>
        %add3A_602 = arith.constant 1 : i32
        %add3A_603 = arith.addi %mul3A_535, %add3A_602 : i32
        %get3A_604 = arith.index_cast %add3A_603 : i32 to index
        %get3A_605 = arith.constant 0 : index
        %get3A_606 = tpu.vector_load %arg18[%get3A_604, %get3A_605] {strides = array<i32>} : memref<128x64xf32, #tpu.memory_space<vmem>>, vector<1x16xf32>,
        %get3A_607 = vector.shape_cast %get3A_606 : vector<1x16xf32> to vector<16xf32>
        %mul3A_608 = vector.broadcast %squeeze3A_601 : f32 to vector<16xf32>
        %mul3A_609 = arith.mulf %get3A_607, %mul3A_608 : vector<16xf32>
        %add3A_610 = arith.constant 1 : i32
        %add3A_611 = arith.addi %mul3A_535, %add3A_610 : i32
        %swap3A_612 = arith.index_cast %add3A_611 : i32 to index
        %swap3A_613 = arith.constant 0 : index
        %swap3A_614 = tpu.vector_load %arg18[%swap3A_612, %swap3A_613] {strides = array<i32>} : memref<128x64xf32, #tpu.memory_space<vmem>>, vector<1x16xf32>,
        %swap3A_615 = vector.shape_cast %swap3A_614 : vector<1x16xf32> to vector<16xf32>
        %swap3A_616 = vector.shape_cast %mul3A_609 : vector<16xf32> to vector<1x16xf32>
        tpu.vector_store %arg18[%swap3A_612, %swap3A_613], %swap3A_616 {strides = array<i32>} : memref<128x64xf32, #tpu.memory_space<vmem>>, vector<1x16xf32>,
        %add3A_617 = arith.constant 1 : i32
        %add3A_618 = arith.addi %mul3A_535, %add3A_617 : i32
        %get3A_619 = arith.index_cast %add3A_618 : i32 to index
        %get3A_620 = arith.constant 16 : index
        %get3A_621 = tpu.vector_load %arg18[%get3A_619, %get3A_620] {strides = array<i32>} : memref<128x64xf32, #tpu.memory_space<vmem>>, vector<1x16xf32>,
        %get3A_622 = vector.shape_cast %get3A_621 : vector<1x16xf32> to vector<16xf32>
        %mul3A_623 = vector.broadcast %squeeze3A_601 : f32 to vector<16xf32>
        %mul3A_624 = arith.mulf %get3A_622, %mul3A_623 : vector<16xf32>
        %add3A_625 = arith.constant 1 : i32
        %add3A_626 = arith.addi %mul3A_535, %add3A_625 : i32
        %swap3A_627 = arith.index_cast %add3A_626 : i32 to index
        %swap3A_628 = arith.constant 16 : index
        %swap3A_629 = tpu.vector_load %arg18[%swap3A_627, %swap3A_628] {strides = array<i32>} : memref<128x64xf32, #tpu.memory_space<vmem>>, vector<1x16xf32>,
        %swap3A_630 = vector.shape_cast %swap3A_629 : vector<1x16xf32> to vector<16xf32>
        %swap3A_631 = vector.shape_cast %mul3A_624 : vector<16xf32> to vector<1x16xf32>
        tpu.vector_store %arg18[%swap3A_627, %swap3A_628], %swap3A_631 {strides = array<i32>} : memref<128x64xf32, #tpu.memory_space<vmem>>, vector<1x16xf32>,
        %add3A_632 = arith.constant 1 : i32
        %add3A_633 = arith.addi %mul3A_535, %add3A_632 : i32
        %get3A_634 = arith.index_cast %add3A_633 : i32 to index
        %get3A_635 = arith.constant 32 : index
        %get3A_636 = tpu.vector_load %arg18[%get3A_634, %get3A_635] {strides = array<i32>} : memref<128x64xf32, #tpu.memory_space<vmem>>, vector<1x16xf32>,
        %get3A_637 = vector.shape_cast %get3A_636 : vector<1x16xf32> to vector<16xf32>
        %mul3A_638 = vector.broadcast %squeeze3A_601 : f32 to vector<16xf32>
        %mul3A_639 = arith.mulf %get3A_637, %mul3A_638 : vector<16xf32>
        %add3A_640 = arith.constant 1 : i32
        %add3A_641 = arith.addi %mul3A_535, %add3A_640 : i32
        %swap3A_642 = arith.index_cast %add3A_641 : i32 to index
        %swap3A_643 = arith.constant 32 : index
        %swap3A_644 = tpu.vector_load %arg18[%swap3A_642, %swap3A_643] {strides = array<i32>} : memref<128x64xf32, #tpu.memory_space<vmem>>, vector<1x16xf32>,
        %swap3A_645 = vector.shape_cast %swap3A_644 : vector<1x16xf32> to vector<16xf32>
        %swap3A_646 = vector.shape_cast %mul3A_639 : vector<16xf32> to vector<1x16xf32>
        tpu.vector_store %arg18[%swap3A_642, %swap3A_643], %swap3A_646 {strides = array<i32>} : memref<128x64xf32, #tpu.memory_space<vmem>>, vector<1x16xf32>,
        %add3A_647 = arith.constant 1 : i32
        %add3A_648 = arith.addi %mul3A_535, %add3A_647 : i32
        %get3A_649 = arith.index_cast %add3A_648 : i32 to index
        %get3A_650 = arith.constant 48 : index
        %get3A_651 = tpu.vector_load %arg18[%get3A_649, %get3A_650] {strides = array<i32>} : memref<128x64xf32, #tpu.memory_space<vmem>>, vector<1x16xf32>,
        %get3A_652 = vector.shape_cast %get3A_651 : vector<1x16xf32> to vector<16xf32>
        %mul3A_653 = vector.broadcast %squeeze3A_601 : f32 to vector<16xf32>
        %mul3A_654 = arith.mulf %get3A_652, %mul3A_653 : vector<16xf32>
        %add3A_655 = arith.constant 1 : i32
        %add3A_656 = arith.addi %mul3A_535, %add3A_655 : i32
        %swap3A_657 = arith.index_cast %add3A_656 : i32 to index
        %swap3A_658 = arith.constant 48 : index
        %swap3A_659 = tpu.vector_load %arg18[%swap3A_657, %swap3A_658] {strides = array<i32>} : memref<128x64xf32, #tpu.memory_space<vmem>>, vector<1x16xf32>,
        %swap3A_660 = vector.shape_cast %swap3A_659 : vector<1x16xf32> to vector<16xf32>
        %swap3A_661 = vector.shape_cast %mul3A_654 : vector<16xf32> to vector<1x16xf32>
        tpu.vector_store %arg18[%swap3A_657, %swap3A_658], %swap3A_661 {strides = array<i32>} : memref<128x64xf32, #tpu.memory_space<vmem>>, vector<1x16xf32>,
        %slice3A_662 = vector.extract_strided_slice %get3A_539 {offsets = [2], sizes = [1], strides = [1]} : vector<16xf32> to vector<1xf32>
        %squeeze3A_663 = vector.extract %slice3A_662[0] : f32 from vector<1xf32>
        %add3A_664 = arith.constant 2 : i32
        %add3A_665 = arith.addi %mul3A_535, %add3A_664 : i32
        %get3A_666 = arith.index_cast %add3A_665 : i32 to index
        %get3A_667 = arith.constant 0 : index
        %get3A_668 = tpu.vector_load %arg18[%get3A_666, %get3A_667] {strides = array<i32>} : memref<128x64xf32, #tpu.memory_space<vmem>>, vector<1x16xf32>,
        %get3A_669 = vector.shape_cast %get3A_668 : vector<1x16xf32> to vector<16xf32>
        %mul3A_670 = vector.broadcast %squeeze3A_663 : f32 to vector<16xf32>
        %mul3A_671 = arith.mulf %get3A_669, %mul3A_670 : vector<16xf32>
        %add3A_672 = arith.constant 2 : i32
        %add3A_673 = arith.addi %mul3A_535, %add3A_672 : i32
        %swap3A_674 = arith.index_cast %add3A_673 : i32 to index
        %swap3A_675 = arith.constant 0 : index
        %swap3A_676 = tpu.vector_load %arg18[%swap3A_674, %swap3A_675] {strides = array<i32>} : memref<128x64xf32, #tpu.memory_space<vmem>>, vector<1x16xf32>,
        %swap3A_677 = vector.shape_cast %swap3A_676 : vector<1x16xf32> to vector<16xf32>
        %swap3A_678 = vector.shape_cast %mul3A_671 : vector<16xf32> to vector<1x16xf32>
        tpu.vector_store %arg18[%swap3A_674, %swap3A_675], %swap3A_678 {strides = array<i32>} : memref<128x64xf32, #tpu.memory_space<vmem>>, vector<1x16xf32>,
        %add3A_679 = arith.constant 2 : i32
        %add3A_680 = arith.addi %mul3A_535, %add3A_679 : i32
        %get3A_681 = arith.index_cast %add3A_680 : i32 to index
        %get3A_682 = arith.constant 16 : index
        %get3A_683 = tpu.vector_load %arg18[%get3A_681, %get3A_682] {strides = array<i32>} : memref<128x64xf32, #tpu.memory_space<vmem>>, vector<1x16xf32>,
        %get3A_684 = vector.shape_cast %get3A_683 : vector<1x16xf32> to vector<16xf32>
        %mul3A_685 = vector.broadcast %squeeze3A_663 : f32 to vector<16xf32>
        %mul3A_686 = arith.mulf %get3A_684, %mul3A_685 : vector<16xf32>
        %add3A_687 = arith.constant 2 : i32
        %add3A_688 = arith.addi %mul3A_535, %add3A_687 : i32
        %swap3A_689 = arith.index_cast %add3A_688 : i32 to index
        %swap3A_690 = arith.constant 16 : index
        %swap3A_691 = tpu.vector_load %arg18[%swap3A_689, %swap3A_690] {strides = array<i32>} : memref<128x64xf32, #tpu.memory_space<vmem>>, vector<1x16xf32>,
        %swap3A_692 = vector.shape_cast %swap3A_691 : vector<1x16xf32> to vector<16xf32>
        %swap3A_693 = vector.shape_cast %mul3A_686 : vector<16xf32> to vector<1x16xf32>
        tpu.vector_store %arg18[%swap3A_689, %swap3A_690], %swap3A_693 {strides = array<i32>} : memref<128x64xf32, #tpu.memory_space<vmem>>, vector<1x16xf32>,
        %add3A_694 = arith.constant 2 : i32
        %add3A_695 = arith.addi %mul3A_535, %add3A_694 : i32
        %get3A_696 = arith.index_cast %add3A_695 : i32 to index
        %get3A_697 = arith.constant 32 : index
        %get3A_698 = tpu.vector_load %arg18[%get3A_696, %get3A_697] {strides = array<i32>} : memref<128x64xf32, #tpu.memory_space<vmem>>, vector<1x16xf32>,
        %get3A_699 = vector.shape_cast %get3A_698 : vector<1x16xf32> to vector<16xf32>
        %mul3A_700 = vector.broadcast %squeeze3A_663 : f32 to vector<16xf32>
        %mul3A_701 = arith.mulf %get3A_699, %mul3A_700 : vector<16xf32>
        %add3A_702 = arith.constant 2 : i32
        %add3A_703 = arith.addi %mul3A_535, %add3A_702 : i32
        %swap3A_704 = arith.index_cast %add3A_703 : i32 to index
        %swap3A_705 = arith.constant 32 : index
        %swap3A_706 = tpu.vector_load %arg18[%swap3A_704, %swap3A_705] {strides = array<i32>} : memref<128x64xf32, #tpu.memory_space<vmem>>, vector<1x16xf32>,
        %swap3A_707 = vector.shape_cast %swap3A_706 : vector<1x16xf32> to vector<16xf32>
        %swap3A_708 = vector.shape_cast %mul3A_701 : vector<16xf32> to vector<1x16xf32>
        tpu.vector_store %arg18[%swap3A_704, %swap3A_705], %swap3A_708 {strides = array<i32>} : memref<128x64xf32, #tpu.memory_space<vmem>>, vector<1x16xf32>,
        %add3A_709 = arith.constant 2 : i32
        %add3A_710 = arith.addi %mul3A_535, %add3A_709 : i32
        %get3A_711 = arith.index_cast %add3A_710 : i32 to index
        %get3A_712 = arith.constant 48 : index
        %get3A_713 = tpu.vector_load %arg18[%get3A_711, %get3A_712] {strides = array<i32>} : memref<128x64xf32, #tpu.memory_space<vmem>>, vector<1x16xf32>,
        %get3A_714 = vector.shape_cast %get3A_713 : vector<1x16xf32> to vector<16xf32>
        %mul3A_715 = vector.broadcast %squeeze3A_663 : f32 to vector<16xf32>
        %mul3A_716 = arith.mulf %get3A_714, %mul3A_715 : vector<16xf32>
        %add3A_717 = arith.constant 2 : i32
        %add3A_718 = arith.addi %mul3A_535, %add3A_717 : i32
        %swap3A_719 = arith.index_cast %add3A_718 : i32 to index
        %swap3A_720 = arith.constant 48 : index
        %swap3A_721 = tpu.vector_load %arg18[%swap3A_719, %swap3A_720] {strides = array<i32>} : memref<128x64xf32, #tpu.memory_space<vmem>>, vector<1x16xf32>,
        %swap3A_722 = vector.shape_cast %swap3A_721 : vector<1x16xf32> to vector<16xf32>
        %swap3A_723 = vector.shape_cast %mul3A_716 : vector<16xf32> to vector<1x16xf32>
        tpu.vector_store %arg18[%swap3A_719, %swap3A_720], %swap3A_723 {strides = array<i32>} : memref<128x64xf32, #tpu.memory_space<vmem>>, vector<1x16xf32>,
        %slice3A_724 = vector.extract_strided_slice %get3A_539 {offsets = [3], sizes = [1], strides = [1]} : vector<16xf32> to vector<1xf32>
        %squeeze3A_725 = vector.extract %slice3A_724[0] : f32 from vector<1xf32>
        %add3A_726 = arith.constant 3 : i32
        %add3A_727 = arith.addi %mul3A_535, %add3A_726 : i32
        %get3A_728 = arith.index_cast %add3A_727 : i32 to index
        %get3A_729 = arith.constant 0 : index
        %get3A_730 = tpu.vector_load %arg18[%get3A_728, %get3A_729] {strides = array<i32>} : memref<128x64xf32, #tpu.memory_space<vmem>>, vector<1x16xf32>,
        %get3A_731 = vector.shape_cast %get3A_730 : vector<1x16xf32> to vector<16xf32>
        %mul3A_732 = vector.broadcast %squeeze3A_725 : f32 to vector<16xf32>
        %mul3A_733 = arith.mulf %get3A_731, %mul3A_732 : vector<16xf32>
        %add3A_734 = arith.constant 3 : i32
        %add3A_735 = arith.addi %mul3A_535, %add3A_734 : i32
        %swap3A_736 = arith.index_cast %add3A_735 : i32 to index
        %swap3A_737 = arith.constant 0 : index
        %swap3A_738 = tpu.vector_load %arg18[%swap3A_736, %swap3A_737] {strides = array<i32>} : memref<128x64xf32, #tpu.memory_space<vmem>>, vector<1x16xf32>,
        %swap3A_739 = vector.shape_cast %swap3A_738 : vector<1x16xf32> to vector<16xf32>
        %swap3A_740 = vector.shape_cast %mul3A_733 : vector<16xf32> to vector<1x16xf32>
        tpu.vector_store %arg18[%swap3A_736, %swap3A_737], %swap3A_740 {strides = array<i32>} : memref<128x64xf32, #tpu.memory_space<vmem>>, vector<1x16xf32>,
        %add3A_741 = arith.constant 3 : i32
        %add3A_742 = arith.addi %mul3A_535, %add3A_741 : i32
        %get3A_743 = arith.index_cast %add3A_742 : i32 to index
        %get3A_744 = arith.constant 16 : index
        %get3A_745 = tpu.vector_load %arg18[%get3A_743, %get3A_744] {strides = array<i32>} : memref<128x64xf32, #tpu.memory_space<vmem>>, vector<1x16xf32>,
        %get3A_746 = vector.shape_cast %get3A_745 : vector<1x16xf32> to vector<16xf32>
        %mul3A_747 = vector.broadcast %squeeze3A_725 : f32 to vector<16xf32>
        %mul3A_748 = arith.mulf %get3A_746, %mul3A_747 : vector<16xf32>
        %add3A_749 = arith.constant 3 : i32
        %add3A_750 = arith.addi %mul3A_535, %add3A_749 : i32
        %swap3A_751 = arith.index_cast %add3A_750 : i32 to index
        %swap3A_752 = arith.constant 16 : index
        %swap3A_753 = tpu.vector_load %arg18[%swap3A_751, %swap3A_752] {strides = array<i32>} : memref<128x64xf32, #tpu.memory_space<vmem>>, vector<1x16xf32>,
        %swap3A_754 = vector.shape_cast %swap3A_753 : vector<1x16xf32> to vector<16xf32>
        %swap3A_755 = vector.shape_cast %mul3A_748 : vector<16xf32> to vector<1x16xf32>
        tpu.vector_store %arg18[%swap3A_751, %swap3A_752], %swap3A_755 {strides = array<i32>} : memref<128x64xf32, #tpu.memory_space<vmem>>, vector<1x16xf32>,
        %add3A_756 = arith.constant 3 : i32
        %add3A_757 = arith.addi %mul3A_535, %add3A_756 : i32
        %get3A_758 = arith.index_cast %add3A_757 : i32 to index
        %get3A_759 = arith.constant 32 : index
        %get3A_760 = tpu.vector_load %arg18[%get3A_758, %get3A_759] {strides = array<i32>} : memref<128x64xf32, #tpu.memory_space<vmem>>, vector<1x16xf32>,
        %get3A_761 = vector.shape_cast %get3A_760 : vector<1x16xf32> to vector<16xf32>
        %mul3A_762 = vector.broadcast %squeeze3A_725 : f32 to vector<16xf32>
        %mul3A_763 = arith.mulf %get3A_761, %mul3A_762 : vector<16xf32>
        %add3A_764 = arith.constant 3 : i32
        %add3A_765 = arith.addi %mul3A_535, %add3A_764 : i32
        %swap3A_766 = arith.index_cast %add3A_765 : i32 to index
        %swap3A_767 = arith.constant 32 : index
        %swap3A_768 = tpu.vector_load %arg18[%swap3A_766, %swap3A_767] {strides = array<i32>} : memref<128x64xf32, #tpu.memory_space<vmem>>, vector<1x16xf32>,
        %swap3A_769 = vector.shape_cast %swap3A_768 : vector<1x16xf32> to vector<16xf32>
        %swap3A_770 = vector.shape_cast %mul3A_763 : vector<16xf32> to vector<1x16xf32>
        tpu.vector_store %arg18[%swap3A_766, %swap3A_767], %swap3A_770 {strides = array<i32>} : memref<128x64xf32, #tpu.memory_space<vmem>>, vector<1x16xf32>,
        %add3A_771 = arith.constant 3 : i32
        %add3A_772 = arith.addi %mul3A_535, %add3A_771 : i32
        %get3A_773 = arith.index_cast %add3A_772 : i32 to index
        %get3A_774 = arith.constant 48 : index
        %get3A_775 = tpu.vector_load %arg18[%get3A_773, %get3A_774] {strides = array<i32>} : memref<128x64xf32, #tpu.memory_space<vmem>>, vector<1x16xf32>,
        %get3A_776 = vector.shape_cast %get3A_775 : vector<1x16xf32> to vector<16xf32>
        %mul3A_777 = vector.broadcast %squeeze3A_725 : f32 to vector<16xf32>
        %mul3A_778 = arith.mulf %get3A_776, %mul3A_777 : vector<16xf32>
        %add3A_779 = arith.constant 3 : i32
        %add3A_780 = arith.addi %mul3A_535, %add3A_779 : i32
        %swap3A_781 = arith.index_cast %add3A_780 : i32 to index
        %swap3A_782 = arith.constant 48 : index
        %swap3A_783 = tpu.vector_load %arg18[%swap3A_781, %swap3A_782] {strides = array<i32>} : memref<128x64xf32, #tpu.memory_space<vmem>>, vector<1x16xf32>,
        %swap3A_784 = vector.shape_cast %swap3A_783 : vector<1x16xf32> to vector<16xf32>
        %swap3A_785 = vector.shape_cast %mul3A_778 : vector<16xf32> to vector<1x16xf32>
        tpu.vector_store %arg18[%swap3A_781, %swap3A_782], %swap3A_785 {strides = array<i32>} : memref<128x64xf32, #tpu.memory_space<vmem>>, vector<1x16xf32>,
        %slice3A_786 = vector.extract_strided_slice %get3A_539 {offsets = [4], sizes = [1], strides = [1]} : vector<16xf32> to vector<1xf32>
        %squeeze3A_787 = vector.extract %slice3A_786[0] : f32 from vector<1xf32>
        %add3A_788 = arith.constant 4 : i32
        %add3A_789 = arith.addi %mul3A_535, %add3A_788 : i32
        %get3A_790 = arith.index_cast %add3A_789 : i32 to index
        %get3A_791 = arith.constant 0 : index
        %get3A_792 = tpu.vector_load %arg18[%get3A_790, %get3A_791] {strides = array<i32>} : memref<128x64xf32, #tpu.memory_space<vmem>>, vector<1x16xf32>,
        %get3A_793 = vector.shape_cast %get3A_792 : vector<1x16xf32> to vector<16xf32>
        %mul3A_794 = vector.broadcast %squeeze3A_787 : f32 to vector<16xf32>
        %mul3A_795 = arith.mulf %get3A_793, %mul3A_794 : vector<16xf32>
        %add3A_796 = arith.constant 4 : i32
        %add3A_797 = arith.addi %mul3A_535, %add3A_796 : i32
        %swap3A_798 = arith.index_cast %add3A_797 : i32 to index
        %swap3A_799 = arith.constant 0 : index
        %swap3A_800 = tpu.vector_load %arg18[%swap3A_798, %swap3A_799] {strides = array<i32>} : memref<128x64xf32, #tpu.memory_space<vmem>>, vector<1x16xf32>,
        %swap3A_801 = vector.shape_cast %swap3A_800 : vector<1x16xf32> to vector<16xf32>
        %swap3A_802 = vector.shape_cast %mul3A_795 : vector<16xf32> to vector<1x16xf32>
        tpu.vector_store %arg18[%swap3A_798, %swap3A_799], %swap3A_802 {strides = array<i32>} : memref<128x64xf32, #tpu.memory_space<vmem>>, vector<1x16xf32>,
        %add3A_803 = arith.constant 4 : i32
        %add3A_804 = arith.addi %mul3A_535, %add3A_803 : i32
        %get3A_805 = arith.index_cast %add3A_804 : i32 to index
        %get3A_806 = arith.constant 16 : index
        %get3A_807 = tpu.vector_load %arg18[%get3A_805, %get3A_806] {strides = array<i32>} : memref<128x64xf32, #tpu.memory_space<vmem>>, vector<1x16xf32>,
        %get3A_808 = vector.shape_cast %get3A_807 : vector<1x16xf32> to vector<16xf32>
        %mul3A_809 = vector.broadcast %squeeze3A_787 : f32 to vector<16xf32>
        %mul3A_810 = arith.mulf %get3A_808, %mul3A_809 : vector<16xf32>
        %add3A_811 = arith.constant 4 : i32
        %add3A_812 = arith.addi %mul3A_535, %add3A_811 : i32
        %swap3A_813 = arith.index_cast %add3A_812 : i32 to index
        %swap3A_814 = arith.constant 16 : index
        %swap3A_815 = tpu.vector_load %arg18[%swap3A_813, %swap3A_814] {strides = array<i32>} : memref<128x64xf32, #tpu.memory_space<vmem>>, vector<1x16xf32>,
        %swap3A_816 = vector.shape_cast %swap3A_815 : vector<1x16xf32> to vector<16xf32>
        %swap3A_817 = vector.shape_cast %mul3A_810 : vector<16xf32> to vector<1x16xf32>
        tpu.vector_store %arg18[%swap3A_813, %swap3A_814], %swap3A_817 {strides = array<i32>} : memref<128x64xf32, #tpu.memory_space<vmem>>, vector<1x16xf32>,
        %add3A_818 = arith.constant 4 : i32
        %add3A_819 = arith.addi %mul3A_535, %add3A_818 : i32
        %get3A_820 = arith.index_cast %add3A_819 : i32 to index
        %get3A_821 = arith.constant 32 : index
        %get3A_822 = tpu.vector_load %arg18[%get3A_820, %get3A_821] {strides = array<i32>} : memref<128x64xf32, #tpu.memory_space<vmem>>, vector<1x16xf32>,
        %get3A_823 = vector.shape_cast %get3A_822 : vector<1x16xf32> to vector<16xf32>
        %mul3A_824 = vector.broadcast %squeeze3A_787 : f32 to vector<16xf32>
        %mul3A_825 = arith.mulf %get3A_823, %mul3A_824 : vector<16xf32>
        %add3A_826 = arith.constant 4 : i32
        %add3A_827 = arith.addi %mul3A_535, %add3A_826 : i32
        %swap3A_828 = arith.index_cast %add3A_827 : i32 to index
        %swap3A_829 = arith.constant 32 : index
        %swap3A_830 = tpu.vector_load %arg18[%swap3A_828, %swap3A_829] {strides = array<i32>} : memref<128x64xf32, #tpu.memory_space<vmem>>, vector<1x16xf32>,
        %swap3A_831 = vector.shape_cast %swap3A_830 : vector<1x16xf32> to vector<16xf32>
        %swap3A_832 = vector.shape_cast %mul3A_825 : vector<16xf32> to vector<1x16xf32>
        tpu.vector_store %arg18[%swap3A_828, %swap3A_829], %swap3A_832 {strides = array<i32>} : memref<128x64xf32, #tpu.memory_space<vmem>>, vector<1x16xf32>,
        %add3A_833 = arith.constant 4 : i32
        %add3A_834 = arith.addi %mul3A_535, %add3A_833 : i32
        %get3A_835 = arith.index_cast %add3A_834 : i32 to index
        %get3A_836 = arith.constant 48 : index
        %get3A_837 = tpu.vector_load %arg18[%get3A_835, %get3A_836] {strides = array<i32>} : memref<128x64xf32, #tpu.memory_space<vmem>>, vector<1x16xf32>,
        %get3A_838 = vector.shape_cast %get3A_837 : vector<1x16xf32> to vector<16xf32>
        %mul3A_839 = vector.broadcast %squeeze3A_787 : f32 to vector<16xf32>
        %mul3A_840 = arith.mulf %get3A_838, %mul3A_839 : vector<16xf32>
        %add3A_841 = arith.constant 4 : i32
        %add3A_842 = arith.addi %mul3A_535, %add3A_841 : i32
        %swap3A_843 = arith.index_cast %add3A_842 : i32 to index
        %swap3A_844 = arith.constant 48 : index
        %swap3A_845 = tpu.vector_load %arg18[%swap3A_843, %swap3A_844] {strides = array<i32>} : memref<128x64xf32, #tpu.memory_space<vmem>>, vector<1x16xf32>,
        %swap3A_846 = vector.shape_cast %swap3A_845 : vector<1x16xf32> to vector<16xf32>
        %swap3A_847 = vector.shape_cast %mul3A_840 : vector<16xf32> to vector<1x16xf32>
        tpu.vector_store %arg18[%swap3A_843, %swap3A_844], %swap3A_847 {strides = array<i32>} : memref<128x64xf32, #tpu.memory_space<vmem>>, vector<1x16xf32>,
        %slice3A_848 = vector.extract_strided_slice %get3A_539 {offsets = [5], sizes = [1], strides = [1]} : vector<16xf32> to vector<1xf32>
        %squeeze3A_849 = vector.extract %slice3A_848[0] : f32 from vector<1xf32>
        %add3A_850 = arith.constant 5 : i32
        %add3A_851 = arith.addi %mul3A_535, %add3A_850 : i32
        %get3A_852 = arith.index_cast %add3A_851 : i32 to index
        %get3A_853 = arith.constant 0 : index
        %get3A_854 = tpu.vector_load %arg18[%get3A_852, %get3A_853] {strides = array<i32>} : memref<128x64xf32, #tpu.memory_space<vmem>>, vector<1x16xf32>,
        %get3A_855 = vector.shape_cast %get3A_854 : vector<1x16xf32> to vector<16xf32>
        %mul3A_856 = vector.broadcast %squeeze3A_849 : f32 to vector<16xf32>
        %mul3A_857 = arith.mulf %get3A_855, %mul3A_856 : vector<16xf32>
        %add3A_858 = arith.constant 5 : i32
        %add3A_859 = arith.addi %mul3A_535, %add3A_858 : i32
        %swap3A_860 = arith.index_cast %add3A_859 : i32 to index
        %swap3A_861 = arith.constant 0 : index
        %swap3A_862 = tpu.vector_load %arg18[%swap3A_860, %swap3A_861] {strides = array<i32>} : memref<128x64xf32, #tpu.memory_space<vmem>>, vector<1x16xf32>,
        %swap3A_863 = vector.shape_cast %swap3A_862 : vector<1x16xf32> to vector<16xf32>
        %swap3A_864 = vector.shape_cast %mul3A_857 : vector<16xf32> to vector<1x16xf32>
        tpu.vector_store %arg18[%swap3A_860, %swap3A_861], %swap3A_864 {strides = array<i32>} : memref<128x64xf32, #tpu.memory_space<vmem>>, vector<1x16xf32>,
        %add3A_865 = arith.constant 5 : i32
        %add3A_866 = arith.addi %mul3A_535, %add3A_865 : i32
        %get3A_867 = arith.index_cast %add3A_866 : i32 to index
        %get3A_868 = arith.constant 16 : index
        %get3A_869 = tpu.vector_load %arg18[%get3A_867, %get3A_868] {strides = array<i32>} : memref<128x64xf32, #tpu.memory_space<vmem>>, vector<1x16xf32>,
        %get3A_870 = vector.shape_cast %get3A_869 : vector<1x16xf32> to vector<16xf32>
        %mul3A_871 = vector.broadcast %squeeze3A_849 : f32 to vector<16xf32>
        %mul3A_872 = arith.mulf %get3A_870, %mul3A_871 : vector<16xf32>
        %add3A_873 = arith.constant 5 : i32
        %add3A_874 = arith.addi %mul3A_535, %add3A_873 : i32
        %swap3A_875 = arith.index_cast %add3A_874 : i32 to index
        %swap3A_876 = arith.constant 16 : index
        %swap3A_877 = tpu.vector_load %arg18[%swap3A_875, %swap3A_876] {strides = array<i32>} : memref<128x64xf32, #tpu.memory_space<vmem>>, vector<1x16xf32>,
        %swap3A_878 = vector.shape_cast %swap3A_877 : vector<1x16xf32> to vector<16xf32>
        %swap3A_879 = vector.shape_cast %mul3A_872 : vector<16xf32> to vector<1x16xf32>
        tpu.vector_store %arg18[%swap3A_875, %swap3A_876], %swap3A_879 {strides = array<i32>} : memref<128x64xf32, #tpu.memory_space<vmem>>, vector<1x16xf32>,
        %add3A_880 = arith.constant 5 : i32
        %add3A_881 = arith.addi %mul3A_535, %add3A_880 : i32
        %get3A_882 = arith.index_cast %add3A_881 : i32 to index
        %get3A_883 = arith.constant 32 : index
        %get3A_884 = tpu.vector_load %arg18[%get3A_882, %get3A_883] {strides = array<i32>} : memref<128x64xf32, #tpu.memory_space<vmem>>, vector<1x16xf32>,
        %get3A_885 = vector.shape_cast %get3A_884 : vector<1x16xf32> to vector<16xf32>
        %mul3A_886 = vector.broadcast %squeeze3A_849 : f32 to vector<16xf32>
        %mul3A_887 = arith.mulf %get3A_885, %mul3A_886 : vector<16xf32>
        %add3A_888 = arith.constant 5 : i32
        %add3A_889 = arith.addi %mul3A_535, %add3A_888 : i32
        %swap3A_890 = arith.index_cast %add3A_889 : i32 to index
        %swap3A_891 = arith.constant 32 : index
        %swap3A_892 = tpu.vector_load %arg18[%swap3A_890, %swap3A_891] {strides = array<i32>} : memref<128x64xf32, #tpu.memory_space<vmem>>, vector<1x16xf32>,
        %swap3A_893 = vector.shape_cast %swap3A_892 : vector<1x16xf32> to vector<16xf32>
        %swap3A_894 = vector.shape_cast %mul3A_887 : vector<16xf32> to vector<1x16xf32>
        tpu.vector_store %arg18[%swap3A_890, %swap3A_891], %swap3A_894 {strides = array<i32>} : memref<128x64xf32, #tpu.memory_space<vmem>>, vector<1x16xf32>,
        %add3A_895 = arith.constant 5 : i32
        %add3A_896 = arith.addi %mul3A_535, %add3A_895 : i32
        %get3A_897 = arith.index_cast %add3A_896 : i32 to index
        %get3A_898 = arith.constant 48 : index
        %get3A_899 = tpu.vector_load %arg18[%get3A_897, %get3A_898] {strides = array<i32>} : memref<128x64xf32, #tpu.memory_space<vmem>>, vector<1x16xf32>,
        %get3A_900 = vector.shape_cast %get3A_899 : vector<1x16xf32> to vector<16xf32>
        %mul3A_901 = vector.broadcast %squeeze3A_849 : f32 to vector<16xf32>
        %mul3A_902 = arith.mulf %get3A_900, %mul3A_901 : vector<16xf32>
        %add3A_903 = arith.constant 5 : i32
        %add3A_904 = arith.addi %mul3A_535, %add3A_903 : i32
        %swap3A_905 = arith.index_cast %add3A_904 : i32 to index
        %swap3A_906 = arith.constant 48 : index
        %swap3A_907 = tpu.vector_load %arg18[%swap3A_905, %swap3A_906] {strides = array<i32>} : memref<128x64xf32, #tpu.memory_space<vmem>>, vector<1x16xf32>,
        %swap3A_908 = vector.shape_cast %swap3A_907 : vector<1x16xf32> to vector<16xf32>
        %swap3A_909 = vector.shape_cast %mul3A_902 : vector<16xf32> to vector<1x16xf32>
        tpu.vector_store %arg18[%swap3A_905, %swap3A_906], %swap3A_909 {strides = array<i32>} : memref<128x64xf32, #tpu.memory_space<vmem>>, vector<1x16xf32>,
        %slice3A_910 = vector.extract_strided_slice %get3A_539 {offsets = [6], sizes = [1], strides = [1]} : vector<16xf32> to vector<1xf32>
        %squeeze3A_911 = vector.extract %slice3A_910[0] : f32 from vector<1xf32>
        %add3A_912 = arith.constant 6 : i32
        %add3A_913 = arith.addi %mul3A_535, %add3A_912 : i32
        %get3A_914 = arith.index_cast %add3A_913 : i32 to index
        %get3A_915 = arith.constant 0 : index
        %get3A_916 = tpu.vector_load %arg18[%get3A_914, %get3A_915] {strides = array<i32>} : memref<128x64xf32, #tpu.memory_space<vmem>>, vector<1x16xf32>,
        %get3A_917 = vector.shape_cast %get3A_916 : vector<1x16xf32> to vector<16xf32>
        %mul3A_918 = vector.broadcast %squeeze3A_911 : f32 to vector<16xf32>
        %mul3A_919 = arith.mulf %get3A_917, %mul3A_918 : vector<16xf32>
        %add3A_920 = arith.constant 6 : i32
        %add3A_921 = arith.addi %mul3A_535, %add3A_920 : i32
        %swap3A_922 = arith.index_cast %add3A_921 : i32 to index
        %swap3A_923 = arith.constant 0 : index
        %swap3A_924 = tpu.vector_load %arg18[%swap3A_922, %swap3A_923] {strides = array<i32>} : memref<128x64xf32, #tpu.memory_space<vmem>>, vector<1x16xf32>,
        %swap3A_925 = vector.shape_cast %swap3A_924 : vector<1x16xf32> to vector<16xf32>
        %swap3A_926 = vector.shape_cast %mul3A_919 : vector<16xf32> to vector<1x16xf32>
        tpu.vector_store %arg18[%swap3A_922, %swap3A_923], %swap3A_926 {strides = array<i32>} : memref<128x64xf32, #tpu.memory_space<vmem>>, vector<1x16xf32>,
        %add3A_927 = arith.constant 6 : i32
        %add3A_928 = arith.addi %mul3A_535, %add3A_927 : i32
        %get3A_929 = arith.index_cast %add3A_928 : i32 to index
        %get3A_930 = arith.constant 16 : index
        %get3A_931 = tpu.vector_load %arg18[%get3A_929, %get3A_930] {strides = array<i32>} : memref<128x64xf32, #tpu.memory_space<vmem>>, vector<1x16xf32>,
        %get3A_932 = vector.shape_cast %get3A_931 : vector<1x16xf32> to vector<16xf32>
        %mul3A_933 = vector.broadcast %squeeze3A_911 : f32 to vector<16xf32>
        %mul3A_934 = arith.mulf %get3A_932, %mul3A_933 : vector<16xf32>
        %add3A_935 = arith.constant 6 : i32
        %add3A_936 = arith.addi %mul3A_535, %add3A_935 : i32
        %swap3A_937 = arith.index_cast %add3A_936 : i32 to index
        %swap3A_938 = arith.constant 16 : index
        %swap3A_939 = tpu.vector_load %arg18[%swap3A_937, %swap3A_938] {strides = array<i32>} : memref<128x64xf32, #tpu.memory_space<vmem>>, vector<1x16xf32>,
        %swap3A_940 = vector.shape_cast %swap3A_939 : vector<1x16xf32> to vector<16xf32>
        %swap3A_941 = vector.shape_cast %mul3A_934 : vector<16xf32> to vector<1x16xf32>
        tpu.vector_store %arg18[%swap3A_937, %swap3A_938], %swap3A_941 {strides = array<i32>} : memref<128x64xf32, #tpu.memory_space<vmem>>, vector<1x16xf32>,
        %add3A_942 = arith.constant 6 : i32
        %add3A_943 = arith.addi %mul3A_535, %add3A_942 : i32
        %get3A_944 = arith.index_cast %add3A_943 : i32 to index
        %get3A_945 = arith.constant 32 : index
        %get3A_946 = tpu.vector_load %arg18[%get3A_944, %get3A_945] {strides = array<i32>} : memref<128x64xf32, #tpu.memory_space<vmem>>, vector<1x16xf32>,
        %get3A_947 = vector.shape_cast %get3A_946 : vector<1x16xf32> to vector<16xf32>
        %mul3A_948 = vector.broadcast %squeeze3A_911 : f32 to vector<16xf32>
        %mul3A_949 = arith.mulf %get3A_947, %mul3A_948 : vector<16xf32>
        %add3A_950 = arith.constant 6 : i32
        %add3A_951 = arith.addi %mul3A_535, %add3A_950 : i32
        %swap3A_952 = arith.index_cast %add3A_951 : i32 to index
        %swap3A_953 = arith.constant 32 : index
        %swap3A_954 = tpu.vector_load %arg18[%swap3A_952, %swap3A_953] {strides = array<i32>} : memref<128x64xf32, #tpu.memory_space<vmem>>, vector<1x16xf32>,
        %swap3A_955 = vector.shape_cast %swap3A_954 : vector<1x16xf32> to vector<16xf32>
        %swap3A_956 = vector.shape_cast %mul3A_949 : vector<16xf32> to vector<1x16xf32>
        tpu.vector_store %arg18[%swap3A_952, %swap3A_953], %swap3A_956 {strides = array<i32>} : memref<128x64xf32, #tpu.memory_space<vmem>>, vector<1x16xf32>,
        %add3A_957 = arith.constant 6 : i32
        %add3A_958 = arith.addi %mul3A_535, %add3A_957 : i32
        %get3A_959 = arith.index_cast %add3A_958 : i32 to index
        %get3A_960 = arith.constant 48 : index
        %get3A_961 = tpu.vector_load %arg18[%get3A_959, %get3A_960] {strides = array<i32>} : memref<128x64xf32, #tpu.memory_space<vmem>>, vector<1x16xf32>,
        %get3A_962 = vector.shape_cast %get3A_961 : vector<1x16xf32> to vector<16xf32>
        %mul3A_963 = vector.broadcast %squeeze3A_911 : f32 to vector<16xf32>
        %mul3A_964 = arith.mulf %get3A_962, %mul3A_963 : vector<16xf32>
        %add3A_965 = arith.constant 6 : i32
        %add3A_966 = arith.addi %mul3A_535, %add3A_965 : i32
        %swap3A_967 = arith.index_cast %add3A_966 : i32 to index
        %swap3A_968 = arith.constant 48 : index
        %swap3A_969 = tpu.vector_load %arg18[%swap3A_967, %swap3A_968] {strides = array<i32>} : memref<128x64xf32, #tpu.memory_space<vmem>>, vector<1x16xf32>,
        %swap3A_970 = vector.shape_cast %swap3A_969 : vector<1x16xf32> to vector<16xf32>
        %swap3A_971 = vector.shape_cast %mul3A_964 : vector<16xf32> to vector<1x16xf32>
        tpu.vector_store %arg18[%swap3A_967, %swap3A_968], %swap3A_971 {strides = array<i32>} : memref<128x64xf32, #tpu.memory_space<vmem>>, vector<1x16xf32>,
        %slice3A_972 = vector.extract_strided_slice %get3A_539 {offsets = [7], sizes = [1], strides = [1]} : vector<16xf32> to vector<1xf32>
        %squeeze3A_973 = vector.extract %slice3A_972[0] : f32 from vector<1xf32>
        %add3A_974 = arith.constant 7 : i32
        %add3A_975 = arith.addi %mul3A_535, %add3A_974 : i32
        %get3A_976 = arith.index_cast %add3A_975 : i32 to index
        %get3A_977 = arith.constant 0 : index
        %get3A_978 = tpu.vector_load %arg18[%get3A_976, %get3A_977] {strides = array<i32>} : memref<128x64xf32, #tpu.memory_space<vmem>>, vector<1x16xf32>,
        %get3A_979 = vector.shape_cast %get3A_978 : vector<1x16xf32> to vector<16xf32>
        %mul3A_980 = vector.broadcast %squeeze3A_973 : f32 to vector<16xf32>
        %mul3A_981 = arith.mulf %get3A_979, %mul3A_980 : vector<16xf32>
        %add3A_982 = arith.constant 7 : i32
        %add3A_983 = arith.addi %mul3A_535, %add3A_982 : i32
        %swap3A_984 = arith.index_cast %add3A_983 : i32 to index
        %swap3A_985 = arith.constant 0 : index
        %swap3A_986 = tpu.vector_load %arg18[%swap3A_984, %swap3A_985] {strides = array<i32>} : memref<128x64xf32, #tpu.memory_space<vmem>>, vector<1x16xf32>,
        %swap3A_987 = vector.shape_cast %swap3A_986 : vector<1x16xf32> to vector<16xf32>
        %swap3A_988 = vector.shape_cast %mul3A_981 : vector<16xf32> to vector<1x16xf32>
        tpu.vector_store %arg18[%swap3A_984, %swap3A_985], %swap3A_988 {strides = array<i32>} : memref<128x64xf32, #tpu.memory_space<vmem>>, vector<1x16xf32>,
        %add3A_989 = arith.constant 7 : i32
        %add3A_990 = arith.addi %mul3A_535, %add3A_989 : i32
        %get3A_991 = arith.index_cast %add3A_990 : i32 to index
        %get3A_992 = arith.constant 16 : index
        %get3A_993 = tpu.vector_load %arg18[%get3A_991, %get3A_992] {strides = array<i32>} : memref<128x64xf32, #tpu.memory_space<vmem>>, vector<1x16xf32>,
        %get3A_994 = vector.shape_cast %get3A_993 : vector<1x16xf32> to vector<16xf32>
        %mul3A_995 = vector.broadcast %squeeze3A_973 : f32 to vector<16xf32>
        %mul3A_996 = arith.mulf %get3A_994, %mul3A_995 : vector<16xf32>
        %add3A_997 = arith.constant 7 : i32
        %add3A_998 = arith.addi %mul3A_535, %add3A_997 : i32
        %swap3A_999 = arith.index_cast %add3A_998 : i32 to index
        %swap3A_1000 = arith.constant 16 : index
        %swap3A_1001 = tpu.vector_load %arg18[%swap3A_999, %swap3A_1000] {strides = array<i32>} : memref<128x64xf32, #tpu.memory_space<vmem>>, vector<1x16xf32>,
        %swap3A_1002 = vector.shape_cast %swap3A_1001 : vector<1x16xf32> to vector<16xf32>
        %swap3A_1003 = vector.shape_cast %mul3A_996 : vector<16xf32> to vector<1x16xf32>
        tpu.vector_store %arg18[%swap3A_999, %swap3A_1000], %swap3A_1003 {strides = array<i32>} : memref<128x64xf32, #tpu.memory_space<vmem>>, vector<1x16xf32>,
        %add3A_1004 = arith.constant 7 : i32
        %add3A_1005 = arith.addi %mul3A_535, %add3A_1004 : i32
        %get3A_1006 = arith.index_cast %add3A_1005 : i32 to index
        %get3A_1007 = arith.constant 32 : index
        %get3A_1008 = tpu.vector_load %arg18[%get3A_1006, %get3A_1007] {strides = array<i32>} : memref<128x64xf32, #tpu.memory_space<vmem>>, vector<1x16xf32>,
        %get3A_1009 = vector.shape_cast %get3A_1008 : vector<1x16xf32> to vector<16xf32>
        %mul3A_1010 = vector.broadcast %squeeze3A_973 : f32 to vector<16xf32>
        %mul3A_1011 = arith.mulf %get3A_1009, %mul3A_1010 : vector<16xf32>
        %add3A_1012 = arith.constant 7 : i32
        %add3A_1013 = arith.addi %mul3A_535, %add3A_1012 : i32
        %swap3A_1014 = arith.index_cast %add3A_1013 : i32 to index
        %swap3A_1015 = arith.constant 32 : index
        %swap3A_1016 = tpu.vector_load %arg18[%swap3A_1014, %swap3A_1015] {strides = array<i32>} : memref<128x64xf32, #tpu.memory_space<vmem>>, vector<1x16xf32>,
        %swap3A_1017 = vector.shape_cast %swap3A_1016 : vector<1x16xf32> to vector<16xf32>
        %swap3A_1018 = vector.shape_cast %mul3A_1011 : vector<16xf32> to vector<1x16xf32>
        tpu.vector_store %arg18[%swap3A_1014, %swap3A_1015], %swap3A_1018 {strides = array<i32>} : memref<128x64xf32, #tpu.memory_space<vmem>>, vector<1x16xf32>,
        %add3A_1019 = arith.constant 7 : i32
        %add3A_1020 = arith.addi %mul3A_535, %add3A_1019 : i32
        %get3A_1021 = arith.index_cast %add3A_1020 : i32 to index
        %get3A_1022 = arith.constant 48 : index
        %get3A_1023 = tpu.vector_load %arg18[%get3A_1021, %get3A_1022] {strides = array<i32>} : memref<128x64xf32, #tpu.memory_space<vmem>>, vector<1x16xf32>,
        %get3A_1024 = vector.shape_cast %get3A_1023 : vector<1x16xf32> to vector<16xf32>
        %mul3A_1025 = vector.broadcast %squeeze3A_973 : f32 to vector<16xf32>
        %mul3A_1026 = arith.mulf %get3A_1024, %mul3A_1025 : vector<16xf32>
        %add3A_1027 = arith.constant 7 : i32
        %add3A_1028 = arith.addi %mul3A_535, %add3A_1027 : i32
        %swap3A_1029 = arith.index_cast %add3A_1028 : i32 to index
        %swap3A_1030 = arith.constant 48 : index
        %swap3A_1031 = tpu.vector_load %arg18[%swap3A_1029, %swap3A_1030] {strides = array<i32>} : memref<128x64xf32, #tpu.memory_space<vmem>>, vector<1x16xf32>,
        %swap3A_1032 = vector.shape_cast %swap3A_1031 : vector<1x16xf32> to vector<16xf32>
        %swap3A_1033 = vector.shape_cast %mul3A_1026 : vector<16xf32> to vector<1x16xf32>
        tpu.vector_store %arg18[%swap3A_1029, %swap3A_1030], %swap3A_1033 {strides = array<i32>} : memref<128x64xf32, #tpu.memory_space<vmem>>, vector<1x16xf32>,
        %slice3A_1034 = vector.extract_strided_slice %get3A_539 {offsets = [8], sizes = [1], strides = [1]} : vector<16xf32> to vector<1xf32>
        %squeeze3A_1035 = vector.extract %slice3A_1034[0] : f32 from vector<1xf32>
        %add3A_1036 = arith.constant 8 : i32
        %add3A_1037 = arith.addi %mul3A_535, %add3A_1036 : i32
        %get3A_1038 = arith.index_cast %add3A_1037 : i32 to index
        %get3A_1039 = arith.constant 0 : index
        %get3A_1040 = tpu.vector_load %arg18[%get3A_1038, %get3A_1039] {strides = array<i32>} : memref<128x64xf32, #tpu.memory_space<vmem>>, vector<1x16xf32>,
        %get3A_1041 = vector.shape_cast %get3A_1040 : vector<1x16xf32> to vector<16xf32>
        %mul3A_1042 = vector.broadcast %squeeze3A_1035 : f32 to vector<16xf32>
        %mul3A_1043 = arith.mulf %get3A_1041, %mul3A_1042 : vector<16xf32>
        %add3A_1044 = arith.constant 8 : i32
        %add3A_1045 = arith.addi %mul3A_535, %add3A_1044 : i32
        %swap3A_1046 = arith.index_cast %add3A_1045 : i32 to index
        %swap3A_1047 = arith.constant 0 : index
        %swap3A_1048 = tpu.vector_load %arg18[%swap3A_1046, %swap3A_1047] {strides = array<i32>} : memref<128x64xf32, #tpu.memory_space<vmem>>, vector<1x16xf32>,
        %swap3A_1049 = vector.shape_cast %swap3A_1048 : vector<1x16xf32> to vector<16xf32>
        %swap3A_1050 = vector.shape_cast %mul3A_1043 : vector<16xf32> to vector<1x16xf32>
        tpu.vector_store %arg18[%swap3A_1046, %swap3A_1047], %swap3A_1050 {strides = array<i32>} : memref<128x64xf32, #tpu.memory_space<vmem>>, vector<1x16xf32>,
        %add3A_1051 = arith.constant 8 : i32
        %add3A_1052 = arith.addi %mul3A_535, %add3A_1051 : i32
        %get3A_1053 = arith.index_cast %add3A_1052 : i32 to index
        %get3A_1054 = arith.constant 16 : index
        %get3A_1055 = tpu.vector_load %arg18[%get3A_1053, %get3A_1054] {strides = array<i32>} : memref<128x64xf32, #tpu.memory_space<vmem>>, vector<1x16xf32>,
        %get3A_1056 = vector.shape_cast %get3A_1055 : vector<1x16xf32> to vector<16xf32>
        %mul3A_1057 = vector.broadcast %squeeze3A_1035 : f32 to vector<16xf32>
        %mul3A_1058 = arith.mulf %get3A_1056, %mul3A_1057 : vector<16xf32>
        %add3A_1059 = arith.constant 8 : i32
        %add3A_1060 = arith.addi %mul3A_535, %add3A_1059 : i32
        %swap3A_1061 = arith.index_cast %add3A_1060 : i32 to index
        %swap3A_1062 = arith.constant 16 : index
        %swap3A_1063 = tpu.vector_load %arg18[%swap3A_1061, %swap3A_1062] {strides = array<i32>} : memref<128x64xf32, #tpu.memory_space<vmem>>, vector<1x16xf32>,
        %swap3A_1064 = vector.shape_cast %swap3A_1063 : vector<1x16xf32> to vector<16xf32>
        %swap3A_1065 = vector.shape_cast %mul3A_1058 : vector<16xf32> to vector<1x16xf32>
        tpu.vector_store %arg18[%swap3A_1061, %swap3A_1062], %swap3A_1065 {strides = array<i32>} : memref<128x64xf32, #tpu.memory_space<vmem>>, vector<1x16xf32>,
        %add3A_1066 = arith.constant 8 : i32
        %add3A_1067 = arith.addi %mul3A_535, %add3A_1066 : i32
        %get3A_1068 = arith.index_cast %add3A_1067 : i32 to index
        %get3A_1069 = arith.constant 32 : index
        %get3A_1070 = tpu.vector_load %arg18[%get3A_1068, %get3A_1069] {strides = array<i32>} : memref<128x64xf32, #tpu.memory_space<vmem>>, vector<1x16xf32>,
        %get3A_1071 = vector.shape_cast %get3A_1070 : vector<1x16xf32> to vector<16xf32>
        %mul3A_1072 = vector.broadcast %squeeze3A_1035 : f32 to vector<16xf32>
        %mul3A_1073 = arith.mulf %get3A_1071, %mul3A_1072 : vector<16xf32>
        %add3A_1074 = arith.constant 8 : i32
        %add3A_1075 = arith.addi %mul3A_535, %add3A_1074 : i32
        %swap3A_1076 = arith.index_cast %add3A_1075 : i32 to index
        %swap3A_1077 = arith.constant 32 : index
        %swap3A_1078 = tpu.vector_load %arg18[%swap3A_1076, %swap3A_1077] {strides = array<i32>} : memref<128x64xf32, #tpu.memory_space<vmem>>, vector<1x16xf32>,
        %swap3A_1079 = vector.shape_cast %swap3A_1078 : vector<1x16xf32> to vector<16xf32>
        %swap3A_1080 = vector.shape_cast %mul3A_1073 : vector<16xf32> to vector<1x16xf32>
        tpu.vector_store %arg18[%swap3A_1076, %swap3A_1077], %swap3A_1080 {strides = array<i32>} : memref<128x64xf32, #tpu.memory_space<vmem>>, vector<1x16xf32>,
        %add3A_1081 = arith.constant 8 : i32
        %add3A_1082 = arith.addi %mul3A_535, %add3A_1081 : i32
        %get3A_1083 = arith.index_cast %add3A_1082 : i32 to index
        %get3A_1084 = arith.constant 48 : index
        %get3A_1085 = tpu.vector_load %arg18[%get3A_1083, %get3A_1084] {strides = array<i32>} : memref<128x64xf32, #tpu.memory_space<vmem>>, vector<1x16xf32>,
        %get3A_1086 = vector.shape_cast %get3A_1085 : vector<1x16xf32> to vector<16xf32>
        %mul3A_1087 = vector.broadcast %squeeze3A_1035 : f32 to vector<16xf32>
        %mul3A_1088 = arith.mulf %get3A_1086, %mul3A_1087 : vector<16xf32>
        %add3A_1089 = arith.constant 8 : i32
        %add3A_1090 = arith.addi %mul3A_535, %add3A_1089 : i32
        %swap3A_1091 = arith.index_cast %add3A_1090 : i32 to index
        %swap3A_1092 = arith.constant 48 : index
        %swap3A_1093 = tpu.vector_load %arg18[%swap3A_1091, %swap3A_1092] {strides = array<i32>} : memref<128x64xf32, #tpu.memory_space<vmem>>, vector<1x16xf32>,
        %swap3A_1094 = vector.shape_cast %swap3A_1093 : vector<1x16xf32> to vector<16xf32>
        %swap3A_1095 = vector.shape_cast %mul3A_1088 : vector<16xf32> to vector<1x16xf32>
        tpu.vector_store %arg18[%swap3A_1091, %swap3A_1092], %swap3A_1095 {strides = array<i32>} : memref<128x64xf32, #tpu.memory_space<vmem>>, vector<1x16xf32>,
        %slice3A_1096 = vector.extract_strided_slice %get3A_539 {offsets = [9], sizes = [1], strides = [1]} : vector<16xf32> to vector<1xf32>
        %squeeze3A_1097 = vector.extract %slice3A_1096[0] : f32 from vector<1xf32>
        %add3A_1098 = arith.constant 9 : i32
        %add3A_1099 = arith.addi %mul3A_535, %add3A_1098 : i32
        %get3A_1100 = arith.index_cast %add3A_1099 : i32 to index
        %get3A_1101 = arith.constant 0 : index
        %get3A_1102 = tpu.vector_load %arg18[%get3A_1100, %get3A_1101] {strides = array<i32>} : memref<128x64xf32, #tpu.memory_space<vmem>>, vector<1x16xf32>,
        %get3A_1103 = vector.shape_cast %get3A_1102 : vector<1x16xf32> to vector<16xf32>
        %mul3A_1104 = vector.broadcast %squeeze3A_1097 : f32 to vector<16xf32>
        %mul3A_1105 = arith.mulf %get3A_1103, %mul3A_1104 : vector<16xf32>
        %add3A_1106 = arith.constant 9 : i32
        %add3A_1107 = arith.addi %mul3A_535, %add3A_1106 : i32
        %swap3A_1108 = arith.index_cast %add3A_1107 : i32 to index
        %swap3A_1109 = arith.constant 0 : index
        %swap3A_1110 = tpu.vector_load %arg18[%swap3A_1108, %swap3A_1109] {strides = array<i32>} : memref<128x64xf32, #tpu.memory_space<vmem>>, vector<1x16xf32>,
        %swap3A_1111 = vector.shape_cast %swap3A_1110 : vector<1x16xf32> to vector<16xf32>
        %swap3A_1112 = vector.shape_cast %mul3A_1105 : vector<16xf32> to vector<1x16xf32>
        tpu.vector_store %arg18[%swap3A_1108, %swap3A_1109], %swap3A_1112 {strides = array<i32>} : memref<128x64xf32, #tpu.memory_space<vmem>>, vector<1x16xf32>,
        %add3A_1113 = arith.constant 9 : i32
        %add3A_1114 = arith.addi %mul3A_535, %add3A_1113 : i32
        %get3A_1115 = arith.index_cast %add3A_1114 : i32 to index
        %get3A_1116 = arith.constant 16 : index
        %get3A_1117 = tpu.vector_load %arg18[%get3A_1115, %get3A_1116] {strides = array<i32>} : memref<128x64xf32, #tpu.memory_space<vmem>>, vector<1x16xf32>,
        %get3A_1118 = vector.shape_cast %get3A_1117 : vector<1x16xf32> to vector<16xf32>
        %mul3A_1119 = vector.broadcast %squeeze3A_1097 : f32 to vector<16xf32>
        %mul3A_1120 = arith.mulf %get3A_1118, %mul3A_1119 : vector<16xf32>
        %add3A_1121 = arith.constant 9 : i32
        %add3A_1122 = arith.addi %mul3A_535, %add3A_1121 : i32
        %swap3A_1123 = arith.index_cast %add3A_1122 : i32 to index
        %swap3A_1124 = arith.constant 16 : index
        %swap3A_1125 = tpu.vector_load %arg18[%swap3A_1123, %swap3A_1124] {strides = array<i32>} : memref<128x64xf32, #tpu.memory_space<vmem>>, vector<1x16xf32>,
        %swap3A_1126 = vector.shape_cast %swap3A_1125 : vector<1x16xf32> to vector<16xf32>
        %swap3A_1127 = vector.shape_cast %mul3A_1120 : vector<16xf32> to vector<1x16xf32>
        tpu.vector_store %arg18[%swap3A_1123, %swap3A_1124], %swap3A_1127 {strides = array<i32>} : memref<128x64xf32, #tpu.memory_space<vmem>>, vector<1x16xf32>,
        %add3A_1128 = arith.constant 9 : i32
        %add3A_1129 = arith.addi %mul3A_535, %add3A_1128 : i32
        %get3A_1130 = arith.index_cast %add3A_1129 : i32 to index
        %get3A_1131 = arith.constant 32 : index
        %get3A_1132 = tpu.vector_load %arg18[%get3A_1130, %get3A_1131] {strides = array<i32>} : memref<128x64xf32, #tpu.memory_space<vmem>>, vector<1x16xf32>,
        %get3A_1133 = vector.shape_cast %get3A_1132 : vector<1x16xf32> to vector<16xf32>
        %mul3A_1134 = vector.broadcast %squeeze3A_1097 : f32 to vector<16xf32>
        %mul3A_1135 = arith.mulf %get3A_1133, %mul3A_1134 : vector<16xf32>
        %add3A_1136 = arith.constant 9 : i32
        %add3A_1137 = arith.addi %mul3A_535, %add3A_1136 : i32
        %swap3A_1138 = arith.index_cast %add3A_1137 : i32 to index
        %swap3A_1139 = arith.constant 32 : index
        %swap3A_1140 = tpu.vector_load %arg18[%swap3A_1138, %swap3A_1139] {strides = array<i32>} : memref<128x64xf32, #tpu.memory_space<vmem>>, vector<1x16xf32>,
        %swap3A_1141 = vector.shape_cast %swap3A_1140 : vector<1x16xf32> to vector<16xf32>
        %swap3A_1142 = vector.shape_cast %mul3A_1135 : vector<16xf32> to vector<1x16xf32>
        tpu.vector_store %arg18[%swap3A_1138, %swap3A_1139], %swap3A_1142 {strides = array<i32>} : memref<128x64xf32, #tpu.memory_space<vmem>>, vector<1x16xf32>,
        %add3A_1143 = arith.constant 9 : i32
        %add3A_1144 = arith.addi %mul3A_535, %add3A_1143 : i32
        %get3A_1145 = arith.index_cast %add3A_1144 : i32 to index
        %get3A_1146 = arith.constant 48 : index
        %get3A_1147 = tpu.vector_load %arg18[%get3A_1145, %get3A_1146] {strides = array<i32>} : memref<128x64xf32, #tpu.memory_space<vmem>>, vector<1x16xf32>,
        %get3A_1148 = vector.shape_cast %get3A_1147 : vector<1x16xf32> to vector<16xf32>
        %mul3A_1149 = vector.broadcast %squeeze3A_1097 : f32 to vector<16xf32>
        %mul3A_1150 = arith.mulf %get3A_1148, %mul3A_1149 : vector<16xf32>
        %add3A_1151 = arith.constant 9 : i32
        %add3A_1152 = arith.addi %mul3A_535, %add3A_1151 : i32
        %swap3A_1153 = arith.index_cast %add3A_1152 : i32 to index
        %swap3A_1154 = arith.constant 48 : index
        %swap3A_1155 = tpu.vector_load %arg18[%swap3A_1153, %swap3A_1154] {strides = array<i32>} : memref<128x64xf32, #tpu.memory_space<vmem>>, vector<1x16xf32>,
        %swap3A_1156 = vector.shape_cast %swap3A_1155 : vector<1x16xf32> to vector<16xf32>
        %swap3A_1157 = vector.shape_cast %mul3A_1150 : vector<16xf32> to vector<1x16xf32>
        tpu.vector_store %arg18[%swap3A_1153, %swap3A_1154], %swap3A_1157 {strides = array<i32>} : memref<128x64xf32, #tpu.memory_space<vmem>>, vector<1x16xf32>,
        %slice3A_1158 = vector.extract_strided_slice %get3A_539 {offsets = [10], sizes = [1], strides = [1]} : vector<16xf32> to vector<1xf32>
        %squeeze3A_1159 = vector.extract %slice3A_1158[0] : f32 from vector<1xf32>
        %add3A_1160 = arith.constant 10 : i32
        %add3A_1161 = arith.addi %mul3A_535, %add3A_1160 : i32
        %get3A_1162 = arith.index_cast %add3A_1161 : i32 to index
        %get3A_1163 = arith.constant 0 : index
        %get3A_1164 = tpu.vector_load %arg18[%get3A_1162, %get3A_1163] {strides = array<i32>} : memref<128x64xf32, #tpu.memory_space<vmem>>, vector<1x16xf32>,
        %get3A_1165 = vector.shape_cast %get3A_1164 : vector<1x16xf32> to vector<16xf32>
        %mul3A_1166 = vector.broadcast %squeeze3A_1159 : f32 to vector<16xf32>
        %mul3A_1167 = arith.mulf %get3A_1165, %mul3A_1166 : vector<16xf32>
        %add3A_1168 = arith.constant 10 : i32
        %add3A_1169 = arith.addi %mul3A_535, %add3A_1168 : i32
        %swap3A_1170 = arith.index_cast %add3A_1169 : i32 to index
        %swap3A_1171 = arith.constant 0 : index
        %swap3A_1172 = tpu.vector_load %arg18[%swap3A_1170, %swap3A_1171] {strides = array<i32>} : memref<128x64xf32, #tpu.memory_space<vmem>>, vector<1x16xf32>,
        %swap3A_1173 = vector.shape_cast %swap3A_1172 : vector<1x16xf32> to vector<16xf32>
        %swap3A_1174 = vector.shape_cast %mul3A_1167 : vector<16xf32> to vector<1x16xf32>
        tpu.vector_store %arg18[%swap3A_1170, %swap3A_1171], %swap3A_1174 {strides = array<i32>} : memref<128x64xf32, #tpu.memory_space<vmem>>, vector<1x16xf32>,
        %add3A_1175 = arith.constant 10 : i32
        %add3A_1176 = arith.addi %mul3A_535, %add3A_1175 : i32
        %get3A_1177 = arith.index_cast %add3A_1176 : i32 to index
        %get3A_1178 = arith.constant 16 : index
        %get3A_1179 = tpu.vector_load %arg18[%get3A_1177, %get3A_1178] {strides = array<i32>} : memref<128x64xf32, #tpu.memory_space<vmem>>, vector<1x16xf32>,
        %get3A_1180 = vector.shape_cast %get3A_1179 : vector<1x16xf32> to vector<16xf32>
        %mul3A_1181 = vector.broadcast %squeeze3A_1159 : f32 to vector<16xf32>
        %mul3A_1182 = arith.mulf %get3A_1180, %mul3A_1181 : vector<16xf32>
        %add3A_1183 = arith.constant 10 : i32
        %add3A_1184 = arith.addi %mul3A_535, %add3A_1183 : i32
        %swap3A_1185 = arith.index_cast %add3A_1184 : i32 to index
        %swap3A_1186 = arith.constant 16 : index
        %swap3A_1187 = tpu.vector_load %arg18[%swap3A_1185, %swap3A_1186] {strides = array<i32>} : memref<128x64xf32, #tpu.memory_space<vmem>>, vector<1x16xf32>,
        %swap3A_1188 = vector.shape_cast %swap3A_1187 : vector<1x16xf32> to vector<16xf32>
        %swap3A_1189 = vector.shape_cast %mul3A_1182 : vector<16xf32> to vector<1x16xf32>
        tpu.vector_store %arg18[%swap3A_1185, %swap3A_1186], %swap3A_1189 {strides = array<i32>} : memref<128x64xf32, #tpu.memory_space<vmem>>, vector<1x16xf32>,
        %add3A_1190 = arith.constant 10 : i32
        %add3A_1191 = arith.addi %mul3A_535, %add3A_1190 : i32
        %get3A_1192 = arith.index_cast %add3A_1191 : i32 to index
        %get3A_1193 = arith.constant 32 : index
        %get3A_1194 = tpu.vector_load %arg18[%get3A_1192, %get3A_1193] {strides = array<i32>} : memref<128x64xf32, #tpu.memory_space<vmem>>, vector<1x16xf32>,
        %get3A_1195 = vector.shape_cast %get3A_1194 : vector<1x16xf32> to vector<16xf32>
        %mul3A_1196 = vector.broadcast %squeeze3A_1159 : f32 to vector<16xf32>
        %mul3A_1197 = arith.mulf %get3A_1195, %mul3A_1196 : vector<16xf32>
        %add3A_1198 = arith.constant 10 : i32
        %add3A_1199 = arith.addi %mul3A_535, %add3A_1198 : i32
        %swap3A_1200 = arith.index_cast %add3A_1199 : i32 to index
        %swap3A_1201 = arith.constant 32 : index
        %swap3A_1202 = tpu.vector_load %arg18[%swap3A_1200, %swap3A_1201] {strides = array<i32>} : memref<128x64xf32, #tpu.memory_space<vmem>>, vector<1x16xf32>,
        %swap3A_1203 = vector.shape_cast %swap3A_1202 : vector<1x16xf32> to vector<16xf32>
        %swap3A_1204 = vector.shape_cast %mul3A_1197 : vector<16xf32> to vector<1x16xf32>
        tpu.vector_store %arg18[%swap3A_1200, %swap3A_1201], %swap3A_1204 {strides = array<i32>} : memref<128x64xf32, #tpu.memory_space<vmem>>, vector<1x16xf32>,
        %add3A_1205 = arith.constant 10 : i32
        %add3A_1206 = arith.addi %mul3A_535, %add3A_1205 : i32
        %get3A_1207 = arith.index_cast %add3A_1206 : i32 to index
        %get3A_1208 = arith.constant 48 : index
        %get3A_1209 = tpu.vector_load %arg18[%get3A_1207, %get3A_1208] {strides = array<i32>} : memref<128x64xf32, #tpu.memory_space<vmem>>, vector<1x16xf32>,
        %get3A_1210 = vector.shape_cast %get3A_1209 : vector<1x16xf32> to vector<16xf32>
        %mul3A_1211 = vector.broadcast %squeeze3A_1159 : f32 to vector<16xf32>
        %mul3A_1212 = arith.mulf %get3A_1210, %mul3A_1211 : vector<16xf32>
        %add3A_1213 = arith.constant 10 : i32
        %add3A_1214 = arith.addi %mul3A_535, %add3A_1213 : i32
        %swap3A_1215 = arith.index_cast %add3A_1214 : i32 to index
        %swap3A_1216 = arith.constant 48 : index
        %swap3A_1217 = tpu.vector_load %arg18[%swap3A_1215, %swap3A_1216] {strides = array<i32>} : memref<128x64xf32, #tpu.memory_space<vmem>>, vector<1x16xf32>,
        %swap3A_1218 = vector.shape_cast %swap3A_1217 : vector<1x16xf32> to vector<16xf32>
        %swap3A_1219 = vector.shape_cast %mul3A_1212 : vector<16xf32> to vector<1x16xf32>
        tpu.vector_store %arg18[%swap3A_1215, %swap3A_1216], %swap3A_1219 {strides = array<i32>} : memref<128x64xf32, #tpu.memory_space<vmem>>, vector<1x16xf32>,
        %slice3A_1220 = vector.extract_strided_slice %get3A_539 {offsets = [11], sizes = [1], strides = [1]} : vector<16xf32> to vector<1xf32>
        %squeeze3A_1221 = vector.extract %slice3A_1220[0] : f32 from vector<1xf32>
        %add3A_1222 = arith.constant 11 : i32
        %add3A_1223 = arith.addi %mul3A_535, %add3A_1222 : i32
        %get3A_1224 = arith.index_cast %add3A_1223 : i32 to index
        %get3A_1225 = arith.constant 0 : index
        %get3A_1226 = tpu.vector_load %arg18[%get3A_1224, %get3A_1225] {strides = array<i32>} : memref<128x64xf32, #tpu.memory_space<vmem>>, vector<1x16xf32>,
        %get3A_1227 = vector.shape_cast %get3A_1226 : vector<1x16xf32> to vector<16xf32>
        %mul3A_1228 = vector.broadcast %squeeze3A_1221 : f32 to vector<16xf32>
        %mul3A_1229 = arith.mulf %get3A_1227, %mul3A_1228 : vector<16xf32>
        %add3A_1230 = arith.constant 11 : i32
        %add3A_1231 = arith.addi %mul3A_535, %add3A_1230 : i32
        %swap3A_1232 = arith.index_cast %add3A_1231 : i32 to index
        %swap3A_1233 = arith.constant 0 : index
        %swap3A_1234 = tpu.vector_load %arg18[%swap3A_1232, %swap3A_1233] {strides = array<i32>} : memref<128x64xf32, #tpu.memory_space<vmem>>, vector<1x16xf32>,
        %swap3A_1235 = vector.shape_cast %swap3A_1234 : vector<1x16xf32> to vector<16xf32>
        %swap3A_1236 = vector.shape_cast %mul3A_1229 : vector<16xf32> to vector<1x16xf32>
        tpu.vector_store %arg18[%swap3A_1232, %swap3A_1233], %swap3A_1236 {strides = array<i32>} : memref<128x64xf32, #tpu.memory_space<vmem>>, vector<1x16xf32>,
        %add3A_1237 = arith.constant 11 : i32
        %add3A_1238 = arith.addi %mul3A_535, %add3A_1237 : i32
        %get3A_1239 = arith.index_cast %add3A_1238 : i32 to index
        %get3A_1240 = arith.constant 16 : index
        %get3A_1241 = tpu.vector_load %arg18[%get3A_1239, %get3A_1240] {strides = array<i32>} : memref<128x64xf32, #tpu.memory_space<vmem>>, vector<1x16xf32>,
        %get3A_1242 = vector.shape_cast %get3A_1241 : vector<1x16xf32> to vector<16xf32>
        %mul3A_1243 = vector.broadcast %squeeze3A_1221 : f32 to vector<16xf32>
        %mul3A_1244 = arith.mulf %get3A_1242, %mul3A_1243 : vector<16xf32>
        %add3A_1245 = arith.constant 11 : i32
        %add3A_1246 = arith.addi %mul3A_535, %add3A_1245 : i32
        %swap3A_1247 = arith.index_cast %add3A_1246 : i32 to index
        %swap3A_1248 = arith.constant 16 : index
        %swap3A_1249 = tpu.vector_load %arg18[%swap3A_1247, %swap3A_1248] {strides = array<i32>} : memref<128x64xf32, #tpu.memory_space<vmem>>, vector<1x16xf32>,
        %swap3A_1250 = vector.shape_cast %swap3A_1249 : vector<1x16xf32> to vector<16xf32>
        %swap3A_1251 = vector.shape_cast %mul3A_1244 : vector<16xf32> to vector<1x16xf32>
        tpu.vector_store %arg18[%swap3A_1247, %swap3A_1248], %swap3A_1251 {strides = array<i32>} : memref<128x64xf32, #tpu.memory_space<vmem>>, vector<1x16xf32>,
        %add3A_1252 = arith.constant 11 : i32
        %add3A_1253 = arith.addi %mul3A_535, %add3A_1252 : i32
        %get3A_1254 = arith.index_cast %add3A_1253 : i32 to index
        %get3A_1255 = arith.constant 32 : index
        %get3A_1256 = tpu.vector_load %arg18[%get3A_1254, %get3A_1255] {strides = array<i32>} : memref<128x64xf32, #tpu.memory_space<vmem>>, vector<1x16xf32>,
        %get3A_1257 = vector.shape_cast %get3A_1256 : vector<1x16xf32> to vector<16xf32>
        %mul3A_1258 = vector.broadcast %squeeze3A_1221 : f32 to vector<16xf32>
        %mul3A_1259 = arith.mulf %get3A_1257, %mul3A_1258 : vector<16xf32>
        %add3A_1260 = arith.constant 11 : i32
        %add3A_1261 = arith.addi %mul3A_535, %add3A_1260 : i32
        %swap3A_1262 = arith.index_cast %add3A_1261 : i32 to index
        %swap3A_1263 = arith.constant 32 : index
        %swap3A_1264 = tpu.vector_load %arg18[%swap3A_1262, %swap3A_1263] {strides = array<i32>} : memref<128x64xf32, #tpu.memory_space<vmem>>, vector<1x16xf32>,
        %swap3A_1265 = vector.shape_cast %swap3A_1264 : vector<1x16xf32> to vector<16xf32>
        %swap3A_1266 = vector.shape_cast %mul3A_1259 : vector<16xf32> to vector<1x16xf32>
        tpu.vector_store %arg18[%swap3A_1262, %swap3A_1263], %swap3A_1266 {strides = array<i32>} : memref<128x64xf32, #tpu.memory_space<vmem>>, vector<1x16xf32>,
        %add3A_1267 = arith.constant 11 : i32
        %add3A_1268 = arith.addi %mul3A_535, %add3A_1267 : i32
        %get3A_1269 = arith.index_cast %add3A_1268 : i32 to index
        %get3A_1270 = arith.constant 48 : index
        %get3A_1271 = tpu.vector_load %arg18[%get3A_1269, %get3A_1270] {strides = array<i32>} : memref<128x64xf32, #tpu.memory_space<vmem>>, vector<1x16xf32>,
        %get3A_1272 = vector.shape_cast %get3A_1271 : vector<1x16xf32> to vector<16xf32>
        %mul3A_1273 = vector.broadcast %squeeze3A_1221 : f32 to vector<16xf32>
        %mul3A_1274 = arith.mulf %get3A_1272, %mul3A_1273 : vector<16xf32>
        %add3A_1275 = arith.constant 11 : i32
        %add3A_1276 = arith.addi %mul3A_535, %add3A_1275 : i32
        %swap3A_1277 = arith.index_cast %add3A_1276 : i32 to index
        %swap3A_1278 = arith.constant 48 : index
        %swap3A_1279 = tpu.vector_load %arg18[%swap3A_1277, %swap3A_1278] {strides = array<i32>} : memref<128x64xf32, #tpu.memory_space<vmem>>, vector<1x16xf32>,
        %swap3A_1280 = vector.shape_cast %swap3A_1279 : vector<1x16xf32> to vector<16xf32>
        %swap3A_1281 = vector.shape_cast %mul3A_1274 : vector<16xf32> to vector<1x16xf32>
        tpu.vector_store %arg18[%swap3A_1277, %swap3A_1278], %swap3A_1281 {strides = array<i32>} : memref<128x64xf32, #tpu.memory_space<vmem>>, vector<1x16xf32>,
        %slice3A_1282 = vector.extract_strided_slice %get3A_539 {offsets = [12], sizes = [1], strides = [1]} : vector<16xf32> to vector<1xf32>
        %squeeze3A_1283 = vector.extract %slice3A_1282[0] : f32 from vector<1xf32>
        %add3A_1284 = arith.constant 12 : i32
        %add3A_1285 = arith.addi %mul3A_535, %add3A_1284 : i32
        %get3A_1286 = arith.index_cast %add3A_1285 : i32 to index
        %get3A_1287 = arith.constant 0 : index
        %get3A_1288 = tpu.vector_load %arg18[%get3A_1286, %get3A_1287] {strides = array<i32>} : memref<128x64xf32, #tpu.memory_space<vmem>>, vector<1x16xf32>,
        %get3A_1289 = vector.shape_cast %get3A_1288 : vector<1x16xf32> to vector<16xf32>
        %mul3A_1290 = vector.broadcast %squeeze3A_1283 : f32 to vector<16xf32>
        %mul3A_1291 = arith.mulf %get3A_1289, %mul3A_1290 : vector<16xf32>
        %add3A_1292 = arith.constant 12 : i32
        %add3A_1293 = arith.addi %mul3A_535, %add3A_1292 : i32
        %swap3A_1294 = arith.index_cast %add3A_1293 : i32 to index
        %swap3A_1295 = arith.constant 0 : index
        %swap3A_1296 = tpu.vector_load %arg18[%swap3A_1294, %swap3A_1295] {strides = array<i32>} : memref<128x64xf32, #tpu.memory_space<vmem>>, vector<1x16xf32>,
        %swap3A_1297 = vector.shape_cast %swap3A_1296 : vector<1x16xf32> to vector<16xf32>
        %swap3A_1298 = vector.shape_cast %mul3A_1291 : vector<16xf32> to vector<1x16xf32>
        tpu.vector_store %arg18[%swap3A_1294, %swap3A_1295], %swap3A_1298 {strides = array<i32>} : memref<128x64xf32, #tpu.memory_space<vmem>>, vector<1x16xf32>,
        %add3A_1299 = arith.constant 12 : i32
        %add3A_1300 = arith.addi %mul3A_535, %add3A_1299 : i32
        %get3A_1301 = arith.index_cast %add3A_1300 : i32 to index
        %get3A_1302 = arith.constant 16 : index
        %get3A_1303 = tpu.vector_load %arg18[%get3A_1301, %get3A_1302] {strides = array<i32>} : memref<128x64xf32, #tpu.memory_space<vmem>>, vector<1x16xf32>,
        %get3A_1304 = vector.shape_cast %get3A_1303 : vector<1x16xf32> to vector<16xf32>
        %mul3A_1305 = vector.broadcast %squeeze3A_1283 : f32 to vector<16xf32>
        %mul3A_1306 = arith.mulf %get3A_1304, %mul3A_1305 : vector<16xf32>
        %add3A_1307 = arith.constant 12 : i32
        %add3A_1308 = arith.addi %mul3A_535, %add3A_1307 : i32
        %swap3A_1309 = arith.index_cast %add3A_1308 : i32 to index
        %swap3A_1310 = arith.constant 16 : index
        %swap3A_1311 = tpu.vector_load %arg18[%swap3A_1309, %swap3A_1310] {strides = array<i32>} : memref<128x64xf32, #tpu.memory_space<vmem>>, vector<1x16xf32>,
        %swap3A_1312 = vector.shape_cast %swap3A_1311 : vector<1x16xf32> to vector<16xf32>
        %swap3A_1313 = vector.shape_cast %mul3A_1306 : vector<16xf32> to vector<1x16xf32>
        tpu.vector_store %arg18[%swap3A_1309, %swap3A_1310], %swap3A_1313 {strides = array<i32>} : memref<128x64xf32, #tpu.memory_space<vmem>>, vector<1x16xf32>,
        %add3A_1314 = arith.constant 12 : i32
        %add3A_1315 = arith.addi %mul3A_535, %add3A_1314 : i32
        %get3A_1316 = arith.index_cast %add3A_1315 : i32 to index
        %get3A_1317 = arith.constant 32 : index
        %get3A_1318 = tpu.vector_load %arg18[%get3A_1316, %get3A_1317] {strides = array<i32>} : memref<128x64xf32, #tpu.memory_space<vmem>>, vector<1x16xf32>,
        %get3A_1319 = vector.shape_cast %get3A_1318 : vector<1x16xf32> to vector<16xf32>
        %mul3A_1320 = vector.broadcast %squeeze3A_1283 : f32 to vector<16xf32>
        %mul3A_1321 = arith.mulf %get3A_1319, %mul3A_1320 : vector<16xf32>
        %add3A_1322 = arith.constant 12 : i32
        %add3A_1323 = arith.addi %mul3A_535, %add3A_1322 : i32
        %swap3A_1324 = arith.index_cast %add3A_1323 : i32 to index
        %swap3A_1325 = arith.constant 32 : index
        %swap3A_1326 = tpu.vector_load %arg18[%swap3A_1324, %swap3A_1325] {strides = array<i32>} : memref<128x64xf32, #tpu.memory_space<vmem>>, vector<1x16xf32>,
        %swap3A_1327 = vector.shape_cast %swap3A_1326 : vector<1x16xf32> to vector<16xf32>
        %swap3A_1328 = vector.shape_cast %mul3A_1321 : vector<16xf32> to vector<1x16xf32>
        tpu.vector_store %arg18[%swap3A_1324, %swap3A_1325], %swap3A_1328 {strides = array<i32>} : memref<128x64xf32, #tpu.memory_space<vmem>>, vector<1x16xf32>,
        %add3A_1329 = arith.constant 12 : i32
        %add3A_1330 = arith.addi %mul3A_535, %add3A_1329 : i32
        %get3A_1331 = arith.index_cast %add3A_1330 : i32 to index
        %get3A_1332 = arith.constant 48 : index
        %get3A_1333 = tpu.vector_load %arg18[%get3A_1331, %get3A_1332] {strides = array<i32>} : memref<128x64xf32, #tpu.memory_space<vmem>>, vector<1x16xf32>,
        %get3A_1334 = vector.shape_cast %get3A_1333 : vector<1x16xf32> to vector<16xf32>
        %mul3A_1335 = vector.broadcast %squeeze3A_1283 : f32 to vector<16xf32>
        %mul3A_1336 = arith.mulf %get3A_1334, %mul3A_1335 : vector<16xf32>
        %add3A_1337 = arith.constant 12 : i32
        %add3A_1338 = arith.addi %mul3A_535, %add3A_1337 : i32
        %swap3A_1339 = arith.index_cast %add3A_1338 : i32 to index
        %swap3A_1340 = arith.constant 48 : index
        %swap3A_1341 = tpu.vector_load %arg18[%swap3A_1339, %swap3A_1340] {strides = array<i32>} : memref<128x64xf32, #tpu.memory_space<vmem>>, vector<1x16xf32>,
        %swap3A_1342 = vector.shape_cast %swap3A_1341 : vector<1x16xf32> to vector<16xf32>
        %swap3A_1343 = vector.shape_cast %mul3A_1336 : vector<16xf32> to vector<1x16xf32>
        tpu.vector_store %arg18[%swap3A_1339, %swap3A_1340], %swap3A_1343 {strides = array<i32>} : memref<128x64xf32, #tpu.memory_space<vmem>>, vector<1x16xf32>,
        %slice3A_1344 = vector.extract_strided_slice %get3A_539 {offsets = [13], sizes = [1], strides = [1]} : vector<16xf32> to vector<1xf32>
        %squeeze3A_1345 = vector.extract %slice3A_1344[0] : f32 from vector<1xf32>
        %add3A_1346 = arith.constant 13 : i32
        %add3A_1347 = arith.addi %mul3A_535, %add3A_1346 : i32
        %get3A_1348 = arith.index_cast %add3A_1347 : i32 to index
        %get3A_1349 = arith.constant 0 : index
        %get3A_1350 = tpu.vector_load %arg18[%get3A_1348, %get3A_1349] {strides = array<i32>} : memref<128x64xf32, #tpu.memory_space<vmem>>, vector<1x16xf32>,
        %get3A_1351 = vector.shape_cast %get3A_1350 : vector<1x16xf32> to vector<16xf32>
        %mul3A_1352 = vector.broadcast %squeeze3A_1345 : f32 to vector<16xf32>
        %mul3A_1353 = arith.mulf %get3A_1351, %mul3A_1352 : vector<16xf32>
        %add3A_1354 = arith.constant 13 : i32
        %add3A_1355 = arith.addi %mul3A_535, %add3A_1354 : i32
        %swap3A_1356 = arith.index_cast %add3A_1355 : i32 to index
        %swap3A_1357 = arith.constant 0 : index
        %swap3A_1358 = tpu.vector_load %arg18[%swap3A_1356, %swap3A_1357] {strides = array<i32>} : memref<128x64xf32, #tpu.memory_space<vmem>>, vector<1x16xf32>,
        %swap3A_1359 = vector.shape_cast %swap3A_1358 : vector<1x16xf32> to vector<16xf32>
        %swap3A_1360 = vector.shape_cast %mul3A_1353 : vector<16xf32> to vector<1x16xf32>
        tpu.vector_store %arg18[%swap3A_1356, %swap3A_1357], %swap3A_1360 {strides = array<i32>} : memref<128x64xf32, #tpu.memory_space<vmem>>, vector<1x16xf32>,
        %add3A_1361 = arith.constant 13 : i32
        %add3A_1362 = arith.addi %mul3A_535, %add3A_1361 : i32
        %get3A_1363 = arith.index_cast %add3A_1362 : i32 to index
        %get3A_1364 = arith.constant 16 : index
        %get3A_1365 = tpu.vector_load %arg18[%get3A_1363, %get3A_1364] {strides = array<i32>} : memref<128x64xf32, #tpu.memory_space<vmem>>, vector<1x16xf32>,
        %get3A_1366 = vector.shape_cast %get3A_1365 : vector<1x16xf32> to vector<16xf32>
        %mul3A_1367 = vector.broadcast %squeeze3A_1345 : f32 to vector<16xf32>
        %mul3A_1368 = arith.mulf %get3A_1366, %mul3A_1367 : vector<16xf32>
        %add3A_1369 = arith.constant 13 : i32
        %add3A_1370 = arith.addi %mul3A_535, %add3A_1369 : i32
        %swap3A_1371 = arith.index_cast %add3A_1370 : i32 to index
        %swap3A_1372 = arith.constant 16 : index
        %swap3A_1373 = tpu.vector_load %arg18[%swap3A_1371, %swap3A_1372] {strides = array<i32>} : memref<128x64xf32, #tpu.memory_space<vmem>>, vector<1x16xf32>,
        %swap3A_1374 = vector.shape_cast %swap3A_1373 : vector<1x16xf32> to vector<16xf32>
        %swap3A_1375 = vector.shape_cast %mul3A_1368 : vector<16xf32> to vector<1x16xf32>
        tpu.vector_store %arg18[%swap3A_1371, %swap3A_1372], %swap3A_1375 {strides = array<i32>} : memref<128x64xf32, #tpu.memory_space<vmem>>, vector<1x16xf32>,
        %add3A_1376 = arith.constant 13 : i32
        %add3A_1377 = arith.addi %mul3A_535, %add3A_1376 : i32
        %get3A_1378 = arith.index_cast %add3A_1377 : i32 to index
        %get3A_1379 = arith.constant 32 : index
        %get3A_1380 = tpu.vector_load %arg18[%get3A_1378, %get3A_1379] {strides = array<i32>} : memref<128x64xf32, #tpu.memory_space<vmem>>, vector<1x16xf32>,
        %get3A_1381 = vector.shape_cast %get3A_1380 : vector<1x16xf32> to vector<16xf32>
        %mul3A_1382 = vector.broadcast %squeeze3A_1345 : f32 to vector<16xf32>
        %mul3A_1383 = arith.mulf %get3A_1381, %mul3A_1382 : vector<16xf32>
        %add3A_1384 = arith.constant 13 : i32
        %add3A_1385 = arith.addi %mul3A_535, %add3A_1384 : i32
        %swap3A_1386 = arith.index_cast %add3A_1385 : i32 to index
        %swap3A_1387 = arith.constant 32 : index
        %swap3A_1388 = tpu.vector_load %arg18[%swap3A_1386, %swap3A_1387] {strides = array<i32>} : memref<128x64xf32, #tpu.memory_space<vmem>>, vector<1x16xf32>,
        %swap3A_1389 = vector.shape_cast %swap3A_1388 : vector<1x16xf32> to vector<16xf32>
        %swap3A_1390 = vector.shape_cast %mul3A_1383 : vector<16xf32> to vector<1x16xf32>
        tpu.vector_store %arg18[%swap3A_1386, %swap3A_1387], %swap3A_1390 {strides = array<i32>} : memref<128x64xf32, #tpu.memory_space<vmem>>, vector<1x16xf32>,
        %add3A_1391 = arith.constant 13 : i32
        %add3A_1392 = arith.addi %mul3A_535, %add3A_1391 : i32
        %get3A_1393 = arith.index_cast %add3A_1392 : i32 to index
        %get3A_1394 = arith.constant 48 : index
        %get3A_1395 = tpu.vector_load %arg18[%get3A_1393, %get3A_1394] {strides = array<i32>} : memref<128x64xf32, #tpu.memory_space<vmem>>, vector<1x16xf32>,
        %get3A_1396 = vector.shape_cast %get3A_1395 : vector<1x16xf32> to vector<16xf32>
        %mul3A_1397 = vector.broadcast %squeeze3A_1345 : f32 to vector<16xf32>
        %mul3A_1398 = arith.mulf %get3A_1396, %mul3A_1397 : vector<16xf32>
        %add3A_1399 = arith.constant 13 : i32
        %add3A_1400 = arith.addi %mul3A_535, %add3A_1399 : i32
        %swap3A_1401 = arith.index_cast %add3A_1400 : i32 to index
        %swap3A_1402 = arith.constant 48 : index
        %swap3A_1403 = tpu.vector_load %arg18[%swap3A_1401, %swap3A_1402] {strides = array<i32>} : memref<128x64xf32, #tpu.memory_space<vmem>>, vector<1x16xf32>,
        %swap3A_1404 = vector.shape_cast %swap3A_1403 : vector<1x16xf32> to vector<16xf32>
        %swap3A_1405 = vector.shape_cast %mul3A_1398 : vector<16xf32> to vector<1x16xf32>
        tpu.vector_store %arg18[%swap3A_1401, %swap3A_1402], %swap3A_1405 {strides = array<i32>} : memref<128x64xf32, #tpu.memory_space<vmem>>, vector<1x16xf32>,
        %slice3A_1406 = vector.extract_strided_slice %get3A_539 {offsets = [14], sizes = [1], strides = [1]} : vector<16xf32> to vector<1xf32>
        %squeeze3A_1407 = vector.extract %slice3A_1406[0] : f32 from vector<1xf32>
        %add3A_1408 = arith.constant 14 : i32
        %add3A_1409 = arith.addi %mul3A_535, %add3A_1408 : i32
        %get3A_1410 = arith.index_cast %add3A_1409 : i32 to index
        %get3A_1411 = arith.constant 0 : index
        %get3A_1412 = tpu.vector_load %arg18[%get3A_1410, %get3A_1411] {strides = array<i32>} : memref<128x64xf32, #tpu.memory_space<vmem>>, vector<1x16xf32>,
        %get3A_1413 = vector.shape_cast %get3A_1412 : vector<1x16xf32> to vector<16xf32>
        %mul3A_1414 = vector.broadcast %squeeze3A_1407 : f32 to vector<16xf32>
        %mul3A_1415 = arith.mulf %get3A_1413, %mul3A_1414 : vector<16xf32>
        %add3A_1416 = arith.constant 14 : i32
        %add3A_1417 = arith.addi %mul3A_535, %add3A_1416 : i32
        %swap3A_1418 = arith.index_cast %add3A_1417 : i32 to index
        %swap3A_1419 = arith.constant 0 : index
        %swap3A_1420 = tpu.vector_load %arg18[%swap3A_1418, %swap3A_1419] {strides = array<i32>} : memref<128x64xf32, #tpu.memory_space<vmem>>, vector<1x16xf32>,
        %swap3A_1421 = vector.shape_cast %swap3A_1420 : vector<1x16xf32> to vector<16xf32>
        %swap3A_1422 = vector.shape_cast %mul3A_1415 : vector<16xf32> to vector<1x16xf32>
        tpu.vector_store %arg18[%swap3A_1418, %swap3A_1419], %swap3A_1422 {strides = array<i32>} : memref<128x64xf32, #tpu.memory_space<vmem>>, vector<1x16xf32>,
        %add3A_1423 = arith.constant 14 : i32
        %add3A_1424 = arith.addi %mul3A_535, %add3A_1423 : i32
        %get3A_1425 = arith.index_cast %add3A_1424 : i32 to index
        %get3A_1426 = arith.constant 16 : index
        %get3A_1427 = tpu.vector_load %arg18[%get3A_1425, %get3A_1426] {strides = array<i32>} : memref<128x64xf32, #tpu.memory_space<vmem>>, vector<1x16xf32>,
        %get3A_1428 = vector.shape_cast %get3A_1427 : vector<1x16xf32> to vector<16xf32>
        %mul3A_1429 = vector.broadcast %squeeze3A_1407 : f32 to vector<16xf32>
        %mul3A_1430 = arith.mulf %get3A_1428, %mul3A_1429 : vector<16xf32>
        %add3A_1431 = arith.constant 14 : i32
        %add3A_1432 = arith.addi %mul3A_535, %add3A_1431 : i32
        %swap3A_1433 = arith.index_cast %add3A_1432 : i32 to index
        %swap3A_1434 = arith.constant 16 : index
        %swap3A_1435 = tpu.vector_load %arg18[%swap3A_1433, %swap3A_1434] {strides = array<i32>} : memref<128x64xf32, #tpu.memory_space<vmem>>, vector<1x16xf32>,
        %swap3A_1436 = vector.shape_cast %swap3A_1435 : vector<1x16xf32> to vector<16xf32>
        %swap3A_1437 = vector.shape_cast %mul3A_1430 : vector<16xf32> to vector<1x16xf32>
        tpu.vector_store %arg18[%swap3A_1433, %swap3A_1434], %swap3A_1437 {strides = array<i32>} : memref<128x64xf32, #tpu.memory_space<vmem>>, vector<1x16xf32>,
        %add3A_1438 = arith.constant 14 : i32
        %add3A_1439 = arith.addi %mul3A_535, %add3A_1438 : i32
        %get3A_1440 = arith.index_cast %add3A_1439 : i32 to index
        %get3A_1441 = arith.constant 32 : index
        %get3A_1442 = tpu.vector_load %arg18[%get3A_1440, %get3A_1441] {strides = array<i32>} : memref<128x64xf32, #tpu.memory_space<vmem>>, vector<1x16xf32>,
        %get3A_1443 = vector.shape_cast %get3A_1442 : vector<1x16xf32> to vector<16xf32>
        %mul3A_1444 = vector.broadcast %squeeze3A_1407 : f32 to vector<16xf32>
        %mul3A_1445 = arith.mulf %get3A_1443, %mul3A_1444 : vector<16xf32>
        %add3A_1446 = arith.constant 14 : i32
        %add3A_1447 = arith.addi %mul3A_535, %add3A_1446 : i32
        %swap3A_1448 = arith.index_cast %add3A_1447 : i32 to index
        %swap3A_1449 = arith.constant 32 : index
        %swap3A_1450 = tpu.vector_load %arg18[%swap3A_1448, %swap3A_1449] {strides = array<i32>} : memref<128x64xf32, #tpu.memory_space<vmem>>, vector<1x16xf32>,
        %swap3A_1451 = vector.shape_cast %swap3A_1450 : vector<1x16xf32> to vector<16xf32>
        %swap3A_1452 = vector.shape_cast %mul3A_1445 : vector<16xf32> to vector<1x16xf32>
        tpu.vector_store %arg18[%swap3A_1448, %swap3A_1449], %swap3A_1452 {strides = array<i32>} : memref<128x64xf32, #tpu.memory_space<vmem>>, vector<1x16xf32>,
        %add3A_1453 = arith.constant 14 : i32
        %add3A_1454 = arith.addi %mul3A_535, %add3A_1453 : i32
        %get3A_1455 = arith.index_cast %add3A_1454 : i32 to index
        %get3A_1456 = arith.constant 48 : index
        %get3A_1457 = tpu.vector_load %arg18[%get3A_1455, %get3A_1456] {strides = array<i32>} : memref<128x64xf32, #tpu.memory_space<vmem>>, vector<1x16xf32>,
        %get3A_1458 = vector.shape_cast %get3A_1457 : vector<1x16xf32> to vector<16xf32>
        %mul3A_1459 = vector.broadcast %squeeze3A_1407 : f32 to vector<16xf32>
        %mul3A_1460 = arith.mulf %get3A_1458, %mul3A_1459 : vector<16xf32>
        %add3A_1461 = arith.constant 14 : i32
        %add3A_1462 = arith.addi %mul3A_535, %add3A_1461 : i32
        %swap3A_1463 = arith.index_cast %add3A_1462 : i32 to index
        %swap3A_1464 = arith.constant 48 : index
        %swap3A_1465 = tpu.vector_load %arg18[%swap3A_1463, %swap3A_1464] {strides = array<i32>} : memref<128x64xf32, #tpu.memory_space<vmem>>, vector<1x16xf32>,
        %swap3A_1466 = vector.shape_cast %swap3A_1465 : vector<1x16xf32> to vector<16xf32>
        %swap3A_1467 = vector.shape_cast %mul3A_1460 : vector<16xf32> to vector<1x16xf32>
        tpu.vector_store %arg18[%swap3A_1463, %swap3A_1464], %swap3A_1467 {strides = array<i32>} : memref<128x64xf32, #tpu.memory_space<vmem>>, vector<1x16xf32>,
        %slice3A_1468 = vector.extract_strided_slice %get3A_539 {offsets = [15], sizes = [1], strides = [1]} : vector<16xf32> to vector<1xf32>
        %squeeze3A_1469 = vector.extract %slice3A_1468[0] : f32 from vector<1xf32>
        %add3A_1470 = arith.constant 15 : i32
        %add3A_1471 = arith.addi %mul3A_535, %add3A_1470 : i32
        %get3A_1472 = arith.index_cast %add3A_1471 : i32 to index
        %get3A_1473 = arith.constant 0 : index
        %get3A_1474 = tpu.vector_load %arg18[%get3A_1472, %get3A_1473] {strides = array<i32>} : memref<128x64xf32, #tpu.memory_space<vmem>>, vector<1x16xf32>,
        %get3A_1475 = vector.shape_cast %get3A_1474 : vector<1x16xf32> to vector<16xf32>
        %mul3A_1476 = vector.broadcast %squeeze3A_1469 : f32 to vector<16xf32>
        %mul3A_1477 = arith.mulf %get3A_1475, %mul3A_1476 : vector<16xf32>
        %add3A_1478 = arith.constant 15 : i32
        %add3A_1479 = arith.addi %mul3A_535, %add3A_1478 : i32
        %swap3A_1480 = arith.index_cast %add3A_1479 : i32 to index
        %swap3A_1481 = arith.constant 0 : index
        %swap3A_1482 = tpu.vector_load %arg18[%swap3A_1480, %swap3A_1481] {strides = array<i32>} : memref<128x64xf32, #tpu.memory_space<vmem>>, vector<1x16xf32>,
        %swap3A_1483 = vector.shape_cast %swap3A_1482 : vector<1x16xf32> to vector<16xf32>
        %swap3A_1484 = vector.shape_cast %mul3A_1477 : vector<16xf32> to vector<1x16xf32>
        tpu.vector_store %arg18[%swap3A_1480, %swap3A_1481], %swap3A_1484 {strides = array<i32>} : memref<128x64xf32, #tpu.memory_space<vmem>>, vector<1x16xf32>,
        %add3A_1485 = arith.constant 15 : i32
        %add3A_1486 = arith.addi %mul3A_535, %add3A_1485 : i32
        %get3A_1487 = arith.index_cast %add3A_1486 : i32 to index
        %get3A_1488 = arith.constant 16 : index
        %get3A_1489 = tpu.vector_load %arg18[%get3A_1487, %get3A_1488] {strides = array<i32>} : memref<128x64xf32, #tpu.memory_space<vmem>>, vector<1x16xf32>,
        %get3A_1490 = vector.shape_cast %get3A_1489 : vector<1x16xf32> to vector<16xf32>
        %mul3A_1491 = vector.broadcast %squeeze3A_1469 : f32 to vector<16xf32>
        %mul3A_1492 = arith.mulf %get3A_1490, %mul3A_1491 : vector<16xf32>
        %add3A_1493 = arith.constant 15 : i32
        %add3A_1494 = arith.addi %mul3A_535, %add3A_1493 : i32
        %swap3A_1495 = arith.index_cast %add3A_1494 : i32 to index
        %swap3A_1496 = arith.constant 16 : index
        %swap3A_1497 = tpu.vector_load %arg18[%swap3A_1495, %swap3A_1496] {strides = array<i32>} : memref<128x64xf32, #tpu.memory_space<vmem>>, vector<1x16xf32>,
        %swap3A_1498 = vector.shape_cast %swap3A_1497 : vector<1x16xf32> to vector<16xf32>
        %swap3A_1499 = vector.shape_cast %mul3A_1492 : vector<16xf32> to vector<1x16xf32>
        tpu.vector_store %arg18[%swap3A_1495, %swap3A_1496], %swap3A_1499 {strides = array<i32>} : memref<128x64xf32, #tpu.memory_space<vmem>>, vector<1x16xf32>,
        %add3A_1500 = arith.constant 15 : i32
        %add3A_1501 = arith.addi %mul3A_535, %add3A_1500 : i32
        %get3A_1502 = arith.index_cast %add3A_1501 : i32 to index
        %get3A_1503 = arith.constant 32 : index
        %get3A_1504 = tpu.vector_load %arg18[%get3A_1502, %get3A_1503] {strides = array<i32>} : memref<128x64xf32, #tpu.memory_space<vmem>>, vector<1x16xf32>,
        %get3A_1505 = vector.shape_cast %get3A_1504 : vector<1x16xf32> to vector<16xf32>
        %mul3A_1506 = vector.broadcast %squeeze3A_1469 : f32 to vector<16xf32>
        %mul3A_1507 = arith.mulf %get3A_1505, %mul3A_1506 : vector<16xf32>
        %add3A_1508 = arith.constant 15 : i32
        %add3A_1509 = arith.addi %mul3A_535, %add3A_1508 : i32
        %swap3A_1510 = arith.index_cast %add3A_1509 : i32 to index
        %swap3A_1511 = arith.constant 32 : index
        %swap3A_1512 = tpu.vector_load %arg18[%swap3A_1510, %swap3A_1511] {strides = array<i32>} : memref<128x64xf32, #tpu.memory_space<vmem>>, vector<1x16xf32>,
        %swap3A_1513 = vector.shape_cast %swap3A_1512 : vector<1x16xf32> to vector<16xf32>
        %swap3A_1514 = vector.shape_cast %mul3A_1507 : vector<16xf32> to vector<1x16xf32>
        tpu.vector_store %arg18[%swap3A_1510, %swap3A_1511], %swap3A_1514 {strides = array<i32>} : memref<128x64xf32, #tpu.memory_space<vmem>>, vector<1x16xf32>,
        %add3A_1515 = arith.constant 15 : i32
        %add3A_1516 = arith.addi %mul3A_535, %add3A_1515 : i32
        %get3A_1517 = arith.index_cast %add3A_1516 : i32 to index
        %get3A_1518 = arith.constant 48 : index
        %get3A_1519 = tpu.vector_load %arg18[%get3A_1517, %get3A_1518] {strides = array<i32>} : memref<128x64xf32, #tpu.memory_space<vmem>>, vector<1x16xf32>,
        %get3A_1520 = vector.shape_cast %get3A_1519 : vector<1x16xf32> to vector<16xf32>
        %mul3A_1521 = vector.broadcast %squeeze3A_1469 : f32 to vector<16xf32>
        %mul3A_1522 = arith.mulf %get3A_1520, %mul3A_1521 : vector<16xf32>
        %add3A_1523 = arith.constant 15 : i32
        %add3A_1524 = arith.addi %mul3A_535, %add3A_1523 : i32
        %swap3A_1525 = arith.index_cast %add3A_1524 : i32 to index
        %swap3A_1526 = arith.constant 48 : index
        %swap3A_1527 = tpu.vector_load %arg18[%swap3A_1525, %swap3A_1526] {strides = array<i32>} : memref<128x64xf32, #tpu.memory_space<vmem>>, vector<1x16xf32>,
        %swap3A_1528 = vector.shape_cast %swap3A_1527 : vector<1x16xf32> to vector<16xf32>
        %swap3A_1529 = vector.shape_cast %mul3A_1522 : vector<16xf32> to vector<1x16xf32>
        tpu.vector_store %arg18[%swap3A_1525, %swap3A_1526], %swap3A_1529 {strides = array<i32>} : memref<128x64xf32, #tpu.memory_space<vmem>>, vector<1x16xf32>,
      }
      %scan3A_520 = arith.constant 8 : i32
      %add3A_521 = arith.constant 3 : i32
      %add3A_522 = arith.addi %add3A_509, %add3A_521 : i32
      %sub3A_523 = arith.constant 1 : i32
      %sub3A_524 = arith.subi %add3A_522, %sub3A_523 : i32
      %lt3A_525 = arith.constant 159 : i32
      %lt3A_526 = arith.cmpi slt, %sub3A_524, %lt3A_525 : i32
      %convert_element_type3A_527 = arith.extui %lt3A_526 : i1 to i32
      %cond3A_528 = arith.constant 0 : i32
      %cond3A_529 = arith.cmpi ne, %convert_element_type3A_527, %cond3A_528 : i32
      scf.if %cond3A_529 {
        %dma_wait3A_533 = arith.constant 0 : i32
        %dma_wait3A_534 = arith.constant 0 : i32
        %dma_wait3A_535 = tpu.memref_slice %arg28[%dma_wait3A_533, %dma_wait3A_534] : memref<10112x64xf32, #tpu.memory_space<vmem_shared>> -> memref<10112x64xf32, #tpu.memory_space<vmem_shared>>
        tpu.wait_indirect_dma semaphore(%arg23 : memref<!tpu.dma_semaphore, #tpu.memory_space<semaphore_mem>>) src(%arg17 : memref<128x64xf32, #tpu.memory_space<vmem>>) dst(%dma_wait3A_535 : memref<10112x64xf32, #tpu.memory_space<vmem_shared>>)
        %add3A_536 = arith.constant 3 : i32
        %add3A_537 = arith.addi %add3A_509, %add3A_536 : i32
        %sub3A_538 = arith.constant 1 : i32
        %sub3A_539 = arith.subi %add3A_537, %sub3A_538 : i32
        %mul3A_540 = arith.constant 128 : i32
        %mul3A_541 = arith.muli %sub3A_539, %mul3A_540 : i32
        %add3A_542 = arith.constant 0 : i32
        %add3A_543 = arith.addi %mul3A_541, %add3A_542 : i32
        %get3A_544 = arith.index_cast %add3A_543 : i32 to index
        %get3A_545 = tpu.vector_load %arg8[%get3A_544] {strides = array<i32>} : memref<20352xi32, #tpu.memory_space<vmem>>, vector<16xi32>,
        %get3A_546 = vector.shape_cast %get3A_545 : vector<16xi32> to vector<16xi32>
        %add3A_547 = vector.broadcast %mul3A_29 : i32 to vector<16xi32>
        %add3A_548 = arith.addi %get3A_546, %add3A_547 : vector<16xi32>
        %swap3A_549 = arith.constant 0 : index
        %swap3A_550 = tpu.vector_load %arg11[%swap3A_549] {strides = array<i32>} : memref<128xi32, #tpu.memory_space<vmem>>, vector<16xi32>,
        %swap3A_551 = vector.shape_cast %swap3A_550 : vector<16xi32> to vector<16xi32>
        %swap3A_552 = vector.shape_cast %add3A_548 : vector<16xi32> to vector<16xi32>
        tpu.vector_store %arg11[%swap3A_549], %swap3A_552 {strides = array<i32>} : memref<128xi32, #tpu.memory_space<vmem>>, vector<16xi32>,
        %get3A_553 = arith.index_cast %add3A_543 : i32 to index
        %get3A_554 = tpu.vector_load %arg7[%get3A_553] {strides = array<i32>} : memref<20352xi32, #tpu.memory_space<vmem>>, vector<16xi32>,
        %get3A_555 = vector.shape_cast %get3A_554 : vector<16xi32> to vector<16xi32>
        %swap3A_556 = arith.constant 0 : index
        %swap3A_557 = tpu.vector_load %arg14[%swap3A_556] {strides = array<i32>} : memref<128xi32, #tpu.memory_space<vmem>>, vector<16xi32>,
        %swap3A_558 = vector.shape_cast %swap3A_557 : vector<16xi32> to vector<16xi32>
        %swap3A_559 = vector.shape_cast %get3A_555 : vector<16xi32> to vector<16xi32>
        tpu.vector_store %arg14[%swap3A_556], %swap3A_559 {strides = array<i32>} : memref<128xi32, #tpu.memory_space<vmem>>, vector<16xi32>,
        %add3A_560 = arith.constant 16 : i32
        %add3A_561 = arith.addi %mul3A_541, %add3A_560 : i32
        %get3A_562 = arith.index_cast %add3A_561 : i32 to index
        %get3A_563 = tpu.vector_load %arg8[%get3A_562] {strides = array<i32>} : memref<20352xi32, #tpu.memory_space<vmem>>, vector<16xi32>,
        %get3A_564 = vector.shape_cast %get3A_563 : vector<16xi32> to vector<16xi32>
        %add3A_565 = vector.broadcast %mul3A_29 : i32 to vector<16xi32>
        %add3A_566 = arith.addi %get3A_564, %add3A_565 : vector<16xi32>
        %swap3A_567 = arith.constant 16 : index
        %swap3A_568 = tpu.vector_load %arg11[%swap3A_567] {strides = array<i32>} : memref<128xi32, #tpu.memory_space<vmem>>, vector<16xi32>,
        %swap3A_569 = vector.shape_cast %swap3A_568 : vector<16xi32> to vector<16xi32>
        %swap3A_570 = vector.shape_cast %add3A_566 : vector<16xi32> to vector<16xi32>
        tpu.vector_store %arg11[%swap3A_567], %swap3A_570 {strides = array<i32>} : memref<128xi32, #tpu.memory_space<vmem>>, vector<16xi32>,
        %get3A_571 = arith.index_cast %add3A_561 : i32 to index
        %get3A_572 = tpu.vector_load %arg7[%get3A_571] {strides = array<i32>} : memref<20352xi32, #tpu.memory_space<vmem>>, vector<16xi32>,
        %get3A_573 = vector.shape_cast %get3A_572 : vector<16xi32> to vector<16xi32>
        %swap3A_574 = arith.constant 16 : index
        %swap3A_575 = tpu.vector_load %arg14[%swap3A_574] {strides = array<i32>} : memref<128xi32, #tpu.memory_space<vmem>>, vector<16xi32>,
        %swap3A_576 = vector.shape_cast %swap3A_575 : vector<16xi32> to vector<16xi32>
        %swap3A_577 = vector.shape_cast %get3A_573 : vector<16xi32> to vector<16xi32>
        tpu.vector_store %arg14[%swap3A_574], %swap3A_577 {strides = array<i32>} : memref<128xi32, #tpu.memory_space<vmem>>, vector<16xi32>,
        %add3A_578 = arith.constant 32 : i32
        %add3A_579 = arith.addi %mul3A_541, %add3A_578 : i32
        %get3A_580 = arith.index_cast %add3A_579 : i32 to index
        %get3A_581 = tpu.vector_load %arg8[%get3A_580] {strides = array<i32>} : memref<20352xi32, #tpu.memory_space<vmem>>, vector<16xi32>,
        %get3A_582 = vector.shape_cast %get3A_581 : vector<16xi32> to vector<16xi32>
        %add3A_583 = vector.broadcast %mul3A_29 : i32 to vector<16xi32>
        %add3A_584 = arith.addi %get3A_582, %add3A_583 : vector<16xi32>
        %swap3A_585 = arith.constant 32 : index
        %swap3A_586 = tpu.vector_load %arg11[%swap3A_585] {strides = array<i32>} : memref<128xi32, #tpu.memory_space<vmem>>, vector<16xi32>,
        %swap3A_587 = vector.shape_cast %swap3A_586 : vector<16xi32> to vector<16xi32>
        %swap3A_588 = vector.shape_cast %add3A_584 : vector<16xi32> to vector<16xi32>
        tpu.vector_store %arg11[%swap3A_585], %swap3A_588 {strides = array<i32>} : memref<128xi32, #tpu.memory_space<vmem>>, vector<16xi32>,
        %get3A_589 = arith.index_cast %add3A_579 : i32 to index
        %get3A_590 = tpu.vector_load %arg7[%get3A_589] {strides = array<i32>} : memref<20352xi32, #tpu.memory_space<vmem>>, vector<16xi32>,
        %get3A_591 = vector.shape_cast %get3A_590 : vector<16xi32> to vector<16xi32>
        %swap3A_592 = arith.constant 32 : index
        %swap3A_593 = tpu.vector_load %arg14[%swap3A_592] {strides = array<i32>} : memref<128xi32, #tpu.memory_space<vmem>>, vector<16xi32>,
        %swap3A_594 = vector.shape_cast %swap3A_593 : vector<16xi32> to vector<16xi32>
        %swap3A_595 = vector.shape_cast %get3A_591 : vector<16xi32> to vector<16xi32>
        tpu.vector_store %arg14[%swap3A_592], %swap3A_595 {strides = array<i32>} : memref<128xi32, #tpu.memory_space<vmem>>, vector<16xi32>,
        %add3A_596 = arith.constant 48 : i32
        %add3A_597 = arith.addi %mul3A_541, %add3A_596 : i32
        %get3A_598 = arith.index_cast %add3A_597 : i32 to index
        %get3A_599 = tpu.vector_load %arg8[%get3A_598] {strides = array<i32>} : memref<20352xi32, #tpu.memory_space<vmem>>, vector<16xi32>,
        %get3A_600 = vector.shape_cast %get3A_599 : vector<16xi32> to vector<16xi32>
        %add3A_601 = vector.broadcast %mul3A_29 : i32 to vector<16xi32>
        %add3A_602 = arith.addi %get3A_600, %add3A_601 : vector<16xi32>
        %swap3A_603 = arith.constant 48 : index
        %swap3A_604 = tpu.vector_load %arg11[%swap3A_603] {strides = array<i32>} : memref<128xi32, #tpu.memory_space<vmem>>, vector<16xi32>,
        %swap3A_605 = vector.shape_cast %swap3A_604 : vector<16xi32> to vector<16xi32>
        %swap3A_606 = vector.shape_cast %add3A_602 : vector<16xi32> to vector<16xi32>
        tpu.vector_store %arg11[%swap3A_603], %swap3A_606 {strides = array<i32>} : memref<128xi32, #tpu.memory_space<vmem>>, vector<16xi32>,
        %get3A_607 = arith.index_cast %add3A_597 : i32 to index
        %get3A_608 = tpu.vector_load %arg7[%get3A_607] {strides = array<i32>} : memref<20352xi32, #tpu.memory_space<vmem>>, vector<16xi32>,
        %get3A_609 = vector.shape_cast %get3A_608 : vector<16xi32> to vector<16xi32>
        %swap3A_610 = arith.constant 48 : index
        %swap3A_611 = tpu.vector_load %arg14[%swap3A_610] {strides = array<i32>} : memref<128xi32, #tpu.memory_space<vmem>>, vector<16xi32>,
        %swap3A_612 = vector.shape_cast %swap3A_611 : vector<16xi32> to vector<16xi32>
        %swap3A_613 = vector.shape_cast %get3A_609 : vector<16xi32> to vector<16xi32>
        tpu.vector_store %arg14[%swap3A_610], %swap3A_613 {strides = array<i32>} : memref<128xi32, #tpu.memory_space<vmem>>, vector<16xi32>,
        %add3A_614 = arith.constant 64 : i32
        %add3A_615 = arith.addi %mul3A_541, %add3A_614 : i32
        %get3A_616 = arith.index_cast %add3A_615 : i32 to index
        %get3A_617 = tpu.vector_load %arg8[%get3A_616] {strides = array<i32>} : memref<20352xi32, #tpu.memory_space<vmem>>, vector<16xi32>,
        %get3A_618 = vector.shape_cast %get3A_617 : vector<16xi32> to vector<16xi32>
        %add3A_619 = vector.broadcast %mul3A_29 : i32 to vector<16xi32>
        %add3A_620 = arith.addi %get3A_618, %add3A_619 : vector<16xi32>
        %swap3A_621 = arith.constant 64 : index
        %swap3A_622 = tpu.vector_load %arg11[%swap3A_621] {strides = array<i32>} : memref<128xi32, #tpu.memory_space<vmem>>, vector<16xi32>,
        %swap3A_623 = vector.shape_cast %swap3A_622 : vector<16xi32> to vector<16xi32>
        %swap3A_624 = vector.shape_cast %add3A_620 : vector<16xi32> to vector<16xi32>
        tpu.vector_store %arg11[%swap3A_621], %swap3A_624 {strides = array<i32>} : memref<128xi32, #tpu.memory_space<vmem>>, vector<16xi32>,
        %get3A_625 = arith.index_cast %add3A_615 : i32 to index
        %get3A_626 = tpu.vector_load %arg7[%get3A_625] {strides = array<i32>} : memref<20352xi32, #tpu.memory_space<vmem>>, vector<16xi32>,
        %get3A_627 = vector.shape_cast %get3A_626 : vector<16xi32> to vector<16xi32>
        %swap3A_628 = arith.constant 64 : index
        %swap3A_629 = tpu.vector_load %arg14[%swap3A_628] {strides = array<i32>} : memref<128xi32, #tpu.memory_space<vmem>>, vector<16xi32>,
        %swap3A_630 = vector.shape_cast %swap3A_629 : vector<16xi32> to vector<16xi32>
        %swap3A_631 = vector.shape_cast %get3A_627 : vector<16xi32> to vector<16xi32>
        tpu.vector_store %arg14[%swap3A_628], %swap3A_631 {strides = array<i32>} : memref<128xi32, #tpu.memory_space<vmem>>, vector<16xi32>,
        %add3A_632 = arith.constant 80 : i32
        %add3A_633 = arith.addi %mul3A_541, %add3A_632 : i32
        %get3A_634 = arith.index_cast %add3A_633 : i32 to index
        %get3A_635 = tpu.vector_load %arg8[%get3A_634] {strides = array<i32>} : memref<20352xi32, #tpu.memory_space<vmem>>, vector<16xi32>,
        %get3A_636 = vector.shape_cast %get3A_635 : vector<16xi32> to vector<16xi32>
        %add3A_637 = vector.broadcast %mul3A_29 : i32 to vector<16xi32>
        %add3A_638 = arith.addi %get3A_636, %add3A_637 : vector<16xi32>
        %swap3A_639 = arith.constant 80 : index
        %swap3A_640 = tpu.vector_load %arg11[%swap3A_639] {strides = array<i32>} : memref<128xi32, #tpu.memory_space<vmem>>, vector<16xi32>,
        %swap3A_641 = vector.shape_cast %swap3A_640 : vector<16xi32> to vector<16xi32>
        %swap3A_642 = vector.shape_cast %add3A_638 : vector<16xi32> to vector<16xi32>
        tpu.vector_store %arg11[%swap3A_639], %swap3A_642 {strides = array<i32>} : memref<128xi32, #tpu.memory_space<vmem>>, vector<16xi32>,
        %get3A_643 = arith.index_cast %add3A_633 : i32 to index
        %get3A_644 = tpu.vector_load %arg7[%get3A_643] {strides = array<i32>} : memref<20352xi32, #tpu.memory_space<vmem>>, vector<16xi32>,
        %get3A_645 = vector.shape_cast %get3A_644 : vector<16xi32> to vector<16xi32>
        %swap3A_646 = arith.constant 80 : index
        %swap3A_647 = tpu.vector_load %arg14[%swap3A_646] {strides = array<i32>} : memref<128xi32, #tpu.memory_space<vmem>>, vector<16xi32>,
        %swap3A_648 = vector.shape_cast %swap3A_647 : vector<16xi32> to vector<16xi32>
        %swap3A_649 = vector.shape_cast %get3A_645 : vector<16xi32> to vector<16xi32>
        tpu.vector_store %arg14[%swap3A_646], %swap3A_649 {strides = array<i32>} : memref<128xi32, #tpu.memory_space<vmem>>, vector<16xi32>,
        %add3A_650 = arith.constant 96 : i32
        %add3A_651 = arith.addi %mul3A_541, %add3A_650 : i32
        %get3A_652 = arith.index_cast %add3A_651 : i32 to index
        %get3A_653 = tpu.vector_load %arg8[%get3A_652] {strides = array<i32>} : memref<20352xi32, #tpu.memory_space<vmem>>, vector<16xi32>,
        %get3A_654 = vector.shape_cast %get3A_653 : vector<16xi32> to vector<16xi32>
        %add3A_655 = vector.broadcast %mul3A_29 : i32 to vector<16xi32>
        %add3A_656 = arith.addi %get3A_654, %add3A_655 : vector<16xi32>
        %swap3A_657 = arith.constant 96 : index
        %swap3A_658 = tpu.vector_load %arg11[%swap3A_657] {strides = array<i32>} : memref<128xi32, #tpu.memory_space<vmem>>, vector<16xi32>,
        %swap3A_659 = vector.shape_cast %swap3A_658 : vector<16xi32> to vector<16xi32>
        %swap3A_660 = vector.shape_cast %add3A_656 : vector<16xi32> to vector<16xi32>
        tpu.vector_store %arg11[%swap3A_657], %swap3A_660 {strides = array<i32>} : memref<128xi32, #tpu.memory_space<vmem>>, vector<16xi32>,
        %get3A_661 = arith.index_cast %add3A_651 : i32 to index
        %get3A_662 = tpu.vector_load %arg7[%get3A_661] {strides = array<i32>} : memref<20352xi32, #tpu.memory_space<vmem>>, vector<16xi32>,
        %get3A_663 = vector.shape_cast %get3A_662 : vector<16xi32> to vector<16xi32>
        %swap3A_664 = arith.constant 96 : index
        %swap3A_665 = tpu.vector_load %arg14[%swap3A_664] {strides = array<i32>} : memref<128xi32, #tpu.memory_space<vmem>>, vector<16xi32>,
        %swap3A_666 = vector.shape_cast %swap3A_665 : vector<16xi32> to vector<16xi32>
        %swap3A_667 = vector.shape_cast %get3A_663 : vector<16xi32> to vector<16xi32>
        tpu.vector_store %arg14[%swap3A_664], %swap3A_667 {strides = array<i32>} : memref<128xi32, #tpu.memory_space<vmem>>, vector<16xi32>,
        %add3A_668 = arith.constant 112 : i32
        %add3A_669 = arith.addi %mul3A_541, %add3A_668 : i32
        %get3A_670 = arith.index_cast %add3A_669 : i32 to index
        %get3A_671 = tpu.vector_load %arg8[%get3A_670] {strides = array<i32>} : memref<20352xi32, #tpu.memory_space<vmem>>, vector<16xi32>,
        %get3A_672 = vector.shape_cast %get3A_671 : vector<16xi32> to vector<16xi32>
        %add3A_673 = vector.broadcast %mul3A_29 : i32 to vector<16xi32>
        %add3A_674 = arith.addi %get3A_672, %add3A_673 : vector<16xi32>
        %swap3A_675 = arith.constant 112 : index
        %swap3A_676 = tpu.vector_load %arg11[%swap3A_675] {strides = array<i32>} : memref<128xi32, #tpu.memory_space<vmem>>, vector<16xi32>,
        %swap3A_677 = vector.shape_cast %swap3A_676 : vector<16xi32> to vector<16xi32>
        %swap3A_678 = vector.shape_cast %add3A_674 : vector<16xi32> to vector<16xi32>
        tpu.vector_store %arg11[%swap3A_675], %swap3A_678 {strides = array<i32>} : memref<128xi32, #tpu.memory_space<vmem>>, vector<16xi32>,
        %get3A_679 = arith.index_cast %add3A_669 : i32 to index
        %get3A_680 = tpu.vector_load %arg7[%get3A_679] {strides = array<i32>} : memref<20352xi32, #tpu.memory_space<vmem>>, vector<16xi32>,
        %get3A_681 = vector.shape_cast %get3A_680 : vector<16xi32> to vector<16xi32>
        %swap3A_682 = arith.constant 112 : index
        %swap3A_683 = tpu.vector_load %arg14[%swap3A_682] {strides = array<i32>} : memref<128xi32, #tpu.memory_space<vmem>>, vector<16xi32>,
        %swap3A_684 = vector.shape_cast %swap3A_683 : vector<16xi32> to vector<16xi32>
        %swap3A_685 = vector.shape_cast %get3A_681 : vector<16xi32> to vector<16xi32>
        tpu.vector_store %arg14[%swap3A_682], %swap3A_685 {strides = array<i32>} : memref<128xi32, #tpu.memory_space<vmem>>, vector<16xi32>,
        %dma_start3A_686 = arith.constant 0 : i32
        %dma_start3A_687 = arith.constant 0 : i32
        %dma_start3A_688 = tpu.memref_slice %arg2[%dma_start3A_686, %dma_start3A_687] : memref<20224x64xf32, #tpu.memory_space<hbm>> -> memref<20224x64xf32, #tpu.memory_space<hbm>>
        tpu.enqueue_indirect_dma source(%dma_start3A_688 : memref<20224x64xf32, #tpu.memory_space<hbm>>) target(%arg17 : memref<128x64xf32, #tpu.memory_space<vmem>>) offsets(%arg11 : memref<128xi32, #tpu.memory_space<vmem>>) semaphore(%arg20 : memref<!tpu.dma_semaphore, #tpu.memory_space<semaphore_mem>>)
      } else {
      }
      %dma_start3A_530 = arith.constant 0 : i32
      %dma_start3A_531 = arith.constant 0 : i32
      %dma_start3A_532 = tpu.memref_slice %arg28[%dma_start3A_530, %dma_start3A_531] : memref<10112x64xf32, #tpu.memory_space<vmem_shared>> -> memref<10112x64xf32, #tpu.memory_space<vmem_shared>>
      tpu.enqueue_indirect_dma source(%arg18 : memref<128x64xf32, #tpu.memory_space<vmem>>) target(%dma_start3A_532 : memref<10112x64xf32, #tpu.memory_space<vmem_shared>>) offsets(%arg15 : memref<128xi32, #tpu.memory_space<vmem>>) semaphore(%arg24 : memref<!tpu.dma_semaphore, #tpu.memory_space<semaphore_mem>>) {add = true}
    }
    %scan3A_295 = arith.constant 53 : i32
    %dma_wait3A_296 = arith.constant 0 : i32
    %dma_wait3A_297 = arith.constant 0 : i32
    %dma_wait3A_298 = tpu.memref_slice %arg28[%dma_wait3A_296, %dma_wait3A_297] : memref<10112x64xf32, #tpu.memory_space<vmem_shared>> -> memref<10112x64xf32, #tpu.memory_space<vmem_shared>>
    tpu.wait_indirect_dma semaphore(%arg22 : memref<!tpu.dma_semaphore, #tpu.memory_space<semaphore_mem>>) src(%arg16 : memref<128x64xf32, #tpu.memory_space<vmem>>) dst(%dma_wait3A_298 : memref<10112x64xf32, #tpu.memory_space<vmem_shared>>)
    %dma_wait3A_299 = arith.constant 0 : i32
    %dma_wait3A_300 = arith.constant 0 : i32
    %dma_wait3A_301 = tpu.memref_slice %arg28[%dma_wait3A_299, %dma_wait3A_300] : memref<10112x64xf32, #tpu.memory_space<vmem_shared>> -> memref<10112x64xf32, #tpu.memory_space<vmem_shared>>
    tpu.wait_indirect_dma semaphore(%arg23 : memref<!tpu.dma_semaphore, #tpu.memory_space<semaphore_mem>>) src(%arg17 : memref<128x64xf32, #tpu.memory_space<vmem>>) dst(%dma_wait3A_301 : memref<10112x64xf32, #tpu.memory_space<vmem_shared>>)
    %dma_wait3A_302 = arith.constant 0 : i32
    %dma_wait3A_303 = arith.constant 0 : i32
    %dma_wait3A_304 = tpu.memref_slice %arg28[%dma_wait3A_302, %dma_wait3A_303] : memref<10112x64xf32, #tpu.memory_space<vmem_shared>> -> memref<10112x64xf32, #tpu.memory_space<vmem_shared>>
    tpu.wait_indirect_dma semaphore(%arg24 : memref<!tpu.dma_semaphore, #tpu.memory_space<semaphore_mem>>) src(%arg18 : memref<128x64xf32, #tpu.memory_space<vmem>>) dst(%dma_wait3A_304 : memref<10112x64xf32, #tpu.memory_space<vmem_shared>>)
    %barrier3A_305 = arith.constant 0 : index
    tpu.barrier barrier_id(%barrier3A_305)
    %add3A_306 = arith.addi %mul3A_29, %mul3A_13 : i32
    "tpu.region"() ({
      %run_scoped3A = tpu.sem_alloc : memref<!tpu.dma_semaphore, #tpu.memory_space<semaphore_mem>>
      %dma_start3A_307 = arith.constant 0 : i32
      %dma_start3A_308 = tpu.memref_slice %arg6[%add3A_306, %dma_start3A_307] : memref<20224x64xf32, #tpu.memory_space<hbm>> -> memref<632x64xf32, #tpu.memory_space<hbm>>
      %dma_start3A_309 = arith.constant 0 : i32
      %dma_start3A_310 = tpu.memref_slice %arg28[%mul3A_13, %dma_start3A_309] : memref<10112x64xf32, #tpu.memory_space<vmem_shared>> -> memref<632x64xf32, #tpu.memory_space<vmem_shared>>
      tpu.enqueue_dma source(%dma_start3A_310 : memref<632x64xf32, #tpu.memory_space<vmem_shared>>) target(%dma_start3A_308 : memref<632x64xf32, #tpu.memory_space<hbm>>) target_semaphore(%run_scoped3A : memref<!tpu.dma_semaphore, #tpu.memory_space<semaphore_mem>>)
      %dma_wait3A_311 = arith.constant 0 : i32
      %dma_wait3A_312 = tpu.memref_slice %arg6[%add3A_306, %dma_wait3A_311] : memref<20224x64xf32, #tpu.memory_space<hbm>> -> memref<632x64xf32, #tpu.memory_space<hbm>>
      %dma_wait3A_313 = arith.constant 0 : i32
      %dma_wait3A_314 = tpu.memref_slice %arg28[%mul3A_13, %dma_wait3A_313] : memref<10112x64xf32, #tpu.memory_space<vmem_shared>> -> memref<632x64xf32, #tpu.memory_space<vmem_shared>>
      tpu.wait_dma2 semaphore(%run_scoped3A : memref<!tpu.dma_semaphore, #tpu.memory_space<semaphore_mem>>) src(%dma_wait3A_314 : memref<632x64xf32, #tpu.memory_space<vmem_shared>>) dst(%dma_wait3A_312 : memref<632x64xf32, #tpu.memory_space<hbm>>)
      tpu.yield
    }) : () -> ()
    return
  }
}

</mosaic_0001>

<sc_bundles>
// kernel: body.5.cloned.1.call-start
scs
__scs_entry_jumppad:
0x0: {  	(pc) =	sbr.rel $0x88, $3  }
0x1: {  	(tag) =	ssettag $0x0;
	lr =	simm.s32 $0x1  }
0x2: {  	[smem:$0x3F9D] =	sst lr;
	_ =	strace $0xD0000000  }
0x3: {  	_ = 	snop  }
0x4: {  	_ = 	snop  }
0x5: {  	_ = 	snop  }
0x6: {  	_ = 	snop  }
0x7: {  	_ = 	snop  }
__scs_overlays_trampoline_lowered:
0x8: {  	[smem:$0x3FAC] =	sst s0  }
0x9: {  	[smem:$0x3FAD] =	sst s1  }
0xa: {  	[smem:$0x3FAE] =	sst s2  }
0xb: {  	[smem:$0x3FAF] =	sst s3  }
0xc: {  	[smem:$0x3FB0] =	sst s4  }
0xd: {  	[smem:$0x3FB1] =	sst s5  }
0xe: {  	[smem:$0x3FB2] =	sst s6  }
0xf: {  	[smem:$0x3FB3] =	sst s7  }
0x10: {  	[smem:$0x3FB4] =	sst s8  }
0x11: {  	[smem:$0x3FB5] =	sst s9;
	s0 =	simm.s32 @!p0 $0x0  }
0x12: {  	s1 =	sld [smem:$0x3F9B];
	s0 =	simm.s32 @p0 $0x1  }
0x13: {  	[smem:$0x3FB6] =	sst s0;
	s0 =	simm.s32 @!p1 $0x0  }
0x14: {  	s2 =	sld [smem:$0x3F9A];
	s0 =	simm.s32 @p1 $0x1  }
0x15: {  	[smem:$0x3FB7] =	sst s0;
	s0 =	simm.s32 @!p2 $0x0  }
0x16: {  	s3 =	sld [smem:$0x3FDB];
	s0 =	simm.s32 @p2 $0x1  }
0x17: {  	s4 =	simm.s32 $0x1BF5;
	[smem:$0x3FB9] =	sst s0  }
0x18: {  	s0 =	sld [smem:$0x3F9C];
	_ =	swait.ge [sflag:s4], $0x0  }
0x19: {  	s7 =	sld [smem:$0x3F9D]  }
0x1a: {  	s8 =	sadd.s32 $0xFFFFE003, lr  }
0x1b: {  	s9 =	sadd.s32 $0xFFFFFEF7, lr;
	s5 =	simm.s32 $0xFFFFFFFF;
	p2 =	slt.u32 s8, $0xFFFFF086  }
0x1c: {  	p1 =	slt.u32 s9, $0xF7A;
	s5 =	simm.s32 @!p2 $0x0  }
0x1d: {  	s5 =	simm.s32 @p1 $0x1;
	p0 =	seq.s32 s7, s2  }
0x1e: {  	s7 =	smul.u32 @!p0 $0xF7A, s2;
	p2 =	seq.s32 @!p0 s5, $0x0  }
0x1f: {  	s9 =	smul.u32 $0xF7A, s1;
	s8 =	simm.s32 @!p0 $0x1BF5;
	p2 =	por !p2, p0  }
0x20: {  	[sflag:s8] =	ssyncset.s32 @!p0 $0xFFFFF086;
	s6 =	sadd.s32 @!p0 s3, s7;
	s7 =	simm.s32 @!p0 $0x108  }
0x21: {  	s3 =	sadd.s32 s3, s9;
	s6 =	sadd.s32 @!p0 $0x88, s6;
	s7 =	simm.s32 @p2 $0x1082  }
0x22: {  	[simem:s7], [sflag:s8] =	dma.local @!p0 [hbm:s6], $0xF7A  }
0x23: {  	s9 =	sor.u32 $0xD0000000, s2;
	s6 =	simm.s32 $0x108;
	_ =	swait.ge @!p0 [sflag:s8], $0x0  }
0x24: {  	s3 =	sadd.s32 $0x88, s3;
	s6 =	simm.s32 @!p1 $0x1082;
	[sflag:s4] =	ssyncset.s32 $0xFFFFF086  }
0x25: {  	[simem:s6], [sflag:s4] =	dma.local [hbm:s3], $0xF7A  }
0x26: {  	[smem:$0x3F9D] =	sst s1;
	(tag) =	ssettag s2;
	_ =	strace s9  }
0x27: {  	s1 =	sld [smem:$0x3FAD]  }
0x28: {  	s2 =	sld [smem:$0x3FAE]  }
0x29: {  	s4 =	sld [smem:$0x3FB0]  }
0x2a: {  	p0 =	seq.s32 s5, $0x0;
	s5 =	sld [smem:$0x3FB1]  }
0x2b: {  	s6 =	sld [smem:$0x3FB2]  }
0x2c: {  	s7 =	sld [smem:$0x3FB3]  }
0x2d: {  	s3 =	simm.s32 $0x108;
	s8 =	sld [smem:$0x3FB4]  }
0x2e: {  	s3 =	simm.s32 @!p0 $0x1082;
	s9 =	sld [smem:$0x3FB5]  }
0x2f: {  	lr =	sadd.s32 s0, s3;
	s0 =	sld [smem:$0x3FAC]  }
0x30: {  	s3 =	sld [smem:$0x3FAF]  }
0x31: {  	[smem:$0x3FB8] =	sst s10  }
0x32: {  	s10 =	sld [smem:$0x3FB6];
	_ =	sdelay $0x3  }
0x33: {  	p0 =	seq.s32 s10, $0x1;
	s10 =	sld [smem:$0x3FB8];
	_ =	sdelay $0x3  }
0x34: {  	[smem:$0x3FB8] =	sst s10  }
0x35: {  	s10 =	sld [smem:$0x3FB7];
	_ =	sdelay $0x3  }
0x36: {  	p1 =	seq.s32 s10, $0x1;
	s10 =	sld [smem:$0x3FB8];
	_ =	sdelay $0x3  }
0x37: {  	[smem:$0x3FB8] =	sst s10  }
0x38: {  	s10 =	sld [smem:$0x3FB9]  }
0x39: {  	_ = 	snop;
	(pc) =	sbr.ind lr, $3  }
0x3a: {  	_ = 	snop  }
0x3b: {  	_ = 	snop  }
0x3c: {  	p2 =	seq.s32 s10, $0x1;
	s10 =	sld [smem:$0x3FB8]  }
0x3d: {  	_ =	shalt  }
0x3e: {  	_ =	shalt  }
0x3f: {  	_ =	shalt  }
0x40: {  	_ =	shalt  }
0x41: {  	_ =	shalt  }
0x42: {  	_ =	shalt  }
0x43: {  	_ =	shalt  }
0x44: {  	_ =	shalt  }
0x45: {  	_ =	shalt  }
0x46: {  	_ =	shalt  }
0x47: {  	_ =	shalt  }
0x48: {  	_ =	shalt  }
0x49: {  	_ =	shalt  }
0x4a: {  	_ =	shalt  }
0x4b: {  	_ =	shalt  }
0x4c: {  	_ =	shalt  }
0x4d: {  	_ =	shalt  }
0x4e: {  	_ =	shalt  }
0x4f: {  	_ =	shalt  }
0x50: {  	_ =	shalt  }
0x51: {  	_ =	shalt  }
0x52: {  	_ =	shalt  }
0x53: {  	_ =	shalt  }
0x54: {  	_ =	shalt  }
0x55: {  	_ =	shalt  }
0x56: {  	_ =	shalt  }
0x57: {  	_ =	shalt  }
0x58: {  	_ =	shalt  }
0x59: {  	_ =	shalt  }
0x5a: {  	_ =	shalt  }
0x5b: {  	_ =	shalt  }
0x5c: {  	_ =	shalt  }
0x5d: {  	_ =	shalt  }
0x5e: {  	_ =	shalt  }
0x5f: {  	_ =	shalt  }
0x60: {  	_ =	shalt  }
0x61: {  	_ =	shalt  }
0x62: {  	_ =	shalt  }
0x63: {  	_ =	shalt  }
0x64: {  	_ =	shalt  }
0x65: {  	_ =	shalt  }
0x66: {  	_ =	shalt  }
0x67: {  	_ =	shalt  }
0x68: {  	_ =	shalt  }
0x69: {  	_ =	shalt  }
0x6a: {  	_ =	shalt  }
0x6b: {  	_ =	shalt  }
0x6c: {  	_ =	shalt  }
0x6d: {  	_ =	shalt  }
0x6e: {  	_ =	shalt  }
0x6f: {  	_ =	shalt  }
0x70: {  	_ =	shalt  }
0x71: {  	_ =	shalt  }
0x72: {  	_ =	shalt  }
0x73: {  	_ =	shalt  }
0x74: {  	_ =	shalt  }
0x75: {  	_ =	shalt  }
0x76: {  	_ =	shalt  }
0x77: {  	_ =	shalt  }
0x78: {  	_ =	shalt  }
0x79: {  	_ =	shalt  }
0x7a: {  	_ =	shalt  }
0x7b: {  	_ =	shalt  }
0x7c: {  	_ =	shalt  }
0x7d: {  	_ =	shalt  }
0x7e: {  	_ =	shalt  }
0x7f: {  	_ =	shalt  }
0x80: {  	_ =	shalt  }
0x81: {  	_ =	shalt  }
0x82: {  	_ =	shalt  }
0x83: {  	_ =	shalt  }
0x84: {  	_ =	shalt  }
0x85: {  	_ =	shalt  }
0x86: {  	_ =	shalt  }
0x87: {  	_ =	shalt  }
.Lfunc_end0:
.L_simem_size_0:
called_computation_lowered:
.L_overlay_start_0:
0x88: {  	s2 =	sld [smem:$0x3FD9]  }
0x89: {  	s3 =	sld [smem:$0x3FFE];
	_ =	sdelay $0x1  }
0x8a: {  	s1 =	srdreg.scid  }
0x8b: {  	s0 =	sand.u32 $0x1, s1  }
0x8c: {  	s17 =	sshll.u32 s0, $0xA;
	s2 =	sadd.s32 s3, s2  }
0x8d: {  	s2 =	sadd.s32 s2, s17  }
0x8e: {  	[smem:$0x3FC4] =	sst s2  }
0x8f: {  	_ = 	snop  }
0x90: {  	s2 =	sld [smem:$0x3FD0];
	(tm) =	ssettm $0x1  }
0x91: {  	s18 =	sld [smem:$0x3FFB];
	_ =	sdelay $0x3  }
0x92: {  	_ =	strace s18  }
0x93: {  	s3 =	sld [smem:$0x3FFC];
	_ =	sdelay $0x3  }
0x94: {  	_ =	strace s3  }
0x95: {  	s3 =	sld [smem:$0x3FFD];
	_ =	sdelay $0x3  }
0x96: {  	_ =	strace s3  }
0x97: {  	_ =	strace $0x8FFFFFFF  }
0x98: {  	s19 =	sld [smem:$0x3FDB];
	_ =	sdelay $0x1  }
0x99: {  	s4 =	simm.s32 $_scs_section_size  }
0x9a: {  	s5 =	simm.s32 $_size__tile_overlayer_lowered;
	s6 =	simm.s32 $_tile_overlayer_lowered  }
0x9b: {  	s22 =	simm.s32 $0x1BFF;
	s21 =	sshll.u32 s6, $0x1;
	s3 =	sadd.s32 s4, s19  }
0x9c: {  	s7 =	simm.s32 $0x0;
	s20 =	sshll.u32 s5, $0x1;
	s5 =	sadd.s32 s21, s3  }
0x9d: {  	[timem:s7], [sflag:s22] =	dma.local [hbm:s5], s20  }
0x9e: {  	_ =	swait.ge [sflag:s22], s20  }
0x9f: {  	s4 =	ssub.s32 $0x0, s20;
	[sflag:s22] =	ssyncset.done $0x0  }
0xa0: {  	[sflag:s22] =	ssyncadd.s32 s4;
	_ =	sdelay $0x1  }
0xa1: {  	s23 =	simm.s32 $0x1B8B  }
0xa2: {  	_ =	swait.ge [sflag:s23], $0x1  }
0xa3: {  	[sflag:s23] =	ssyncset.done $0x0  }
0xa4: {  	s25 =	simm.s32 $0x1B8E;
	s24 =	sld [smem:$0x3FFE];
	[sflag:s23] =	ssyncadd.s32 $0xFFFFFFFF  }
0xa5: {  	s26 =	simm.s32 $execute0_lowered;
	[smem:$0x3FD2] =	sst s25  }
0xa6: {  	s5 =	sshll.u32 s26, $0x1;
	_ =	strace $0x80000046;
	[dreg:$0x1] =	wrdreg $0xFFFFFFFF  }
0xa7: {  	s28 =	simm.s32 $_size_execute0_lowered;
	s3 =	sadd.s32 s3, s5;
	[dreg:$0x0] =	wrdreg $0x0  }
0xa8: {  	s5 =	sshll.u32 s28, $0x1;
	[dreg:$0x2] =	wrdreg s3  }
0xa9: {  	[dreg:$0x3] =	wrdreg s5  }
0xaa: {  	[dreg:$0x4] =	wrdreg $0xC0  }
0xab: {  	_ =	task [dreg:s7], $0x5FFFF  }
0xac: {  	[dreg:$0x1] =	wrdreg $0xFFFFFFFF  }
0xad: {  	[dreg:$0x0] =	wrdreg $0x60  }
0xae: {  	[dreg:$0x2] =	wrdreg s24  }
0xaf: {  	[dreg:$0x3] =	wrdreg s2  }
0xb0: {  	[dreg:$0x4] =	wrdreg $0x151800  }
0xb1: {  	[dreg:$0x5] =	wrdreg $0x9  }
0xb2: {  	_ =	task.clear_ibuf [dreg:s7], $0x6FFFF;
	_ =	strace $0x90000046  }
0xb3: {  	s29 =	simm.s32 $0x9;
	_ =	strace $0x80000048  }
0xb4: {  	_ =	swait.ge [sflag:s29], $0x1  }
0xb5: {  	[sflag:s29] =	ssyncadd.s32 $0xFFFFFFFF  }
0xb6: {  	_ =	strace $0x90000048  }
0xb7: {  	_ =	sfence  }
0xb8: {  	s30 =	sld [smem:$0x0];
	_ =	sdelay $0x2  }
0xb9: {  	s31 =	sshll.u32 s1, $0xD;
	s1 =	sshrl.u32 s1, $0x2  }
0xba: {  	s3 =	sand.u32 $0x4000, s31;
	s1 =	sadd.s32 s1, s30  }
0xbb: {  	s0 =	sor.u32 s3, s0;
	s1 =	sshll.u32 s1, $0x11  }
0xbc: {  	s0 =	sor.u32 s1, s0  }
0xbd: {  	s0 =	sadd.s32 $0x8F2B, s0  }
0xbe: {  	[sflag:s0] =	ssyncadd.remote.s32 $0x1  }
0xbf: {  	_ =	sfence.sel $0xFFFF  }
0xc0: {  	[dreg:$0x0] =	wrdreg $0xFFFFFFFF;
	(pc) =	sbr.abs _section_cstart, $3  }
0xc1: {  	[dreg:$0x1] =	wrdreg $0xFFFFFFFF  }
0xc2: {  	_ =	task.clear_ibuf [dreg:s7], $0x2FFFF;
	_ =	strace $0x9FFFFFFF  }
0xc3: {  	(tm) =	ssettm $0x7FFFFFFF  }
tec
execute0_lowered:
.L_overlay_start_1:
0x0: {  	(tag) =	ssettag $0x1  }
0x1: {  	s0 =	rddreg [dreg:$0x0]  }
0x2: {  	s1 =	rddreg [dreg:$0x1]  }
0x3: {  	s2 =	rddreg [dreg:$0x2]  }
0x4: {  	s3 =	stileid.u32;
	s4 =	srdreg.scid  }
0x5: {  	s7 =	simm.s32 $0x0;
	s17 =	simm.s32 $0xF180;
	s28 =	simm.s32 $0xEF80  }
0x6: {  	s29 =	simm.s32 $0x13180;
	s30 =	simm.s32 $0xF000;
	s6 =	smul.u32 $0x278, s3  }
0x7: {  	s31 =	simm.s32 $0x2;
	s15 =	simm.s32 $0x3;
	s18 =	smul.u32 $0x9F0, s3  }
0x8: {  	s16 =	simm.s32 $0xF100;
	s5 =	sand.u32 $0x1, s4;
	s9 =	smul.u32 $0x27800, s3  }
0x9: {  	[smem:$0x7FF] =	sst s7;
	s4 =	sadd.s32 $0x15800, s0;
	s8 =	smul.u32 $0x2780, s5  }
0xa: {  	_ =	strace $0x80000047;
	s5 =	ssub.s32 $0x2, s5;
	s10 =	sadd.s32 s18, s0  }
0xb: {  	s11 =	sshrl.u32 s5, $0x1;
	s19 =	sshrl.u32 s9, $0x2;
	s1 =	sadd.s32 s1, s18  }
0xc: {  	s18 =	simm.s32 $0xA;
	s6 =	sadd.s32 s6, s8;
	s5 =	ssub.s32 s5, s11  }
0xd: {  	[dreg:$0x4] =	wrdreg s1;
	s20 =	sadd.s32 $0xB800, s10;
	s7 =	sadd.s32 s19, s2  }
0xe: {  	s21 =	sadd.s32 $0x1800, s10;
	s19 =	simm.s32 $0x7;
	[dreg:$0x5] =	wrdreg s20  }
0xf: {  	s1 =	simm.s32 $0x5;
	[dreg:$0x6] =	wrdreg s21;
	s22 =	sadd.s32 $0x2000, s7  }
0x10: {  	s6 =	sshll.u32 s6, $0x3;
	s23 =	sadd.s32 $0x4000, s7;
	[dreg:$0x7] =	wrdreg s22  }
0x11: {  	s24 =	sadd.s32 $0x6000, s7;
	s25 =	sadd.s32 $0x8000, s7;
	[dreg:$0x8] =	wrdreg s23  }
0x12: {  	s26 =	smax.u32 s5, $0x1;
	s20 =	simm.s32 $0x8;
	[dreg:$0x9] =	wrdreg s24  }
.Ltmp0:
0x13: {  	s21 =	simm.s32 $0x9;
	[dreg:$0xa] =	wrdreg s25;
	(pc) =	sbr.rel .LBB2_1-.Ltmp0, $4  }
0x14: {  	s5 =	simm.s32 $0x6;
	s0 =	sadd.s32 s6, s0;
	[dreg:$0xc] =	wrdreg s26  }
0x15: {  	s22 =	simm.s32 $0x80;
	s24 =	simm.s32 $0xEF00;
	s25 =	simm.s32 $0x11180  }
0x16: {  	s26 =	simm.s32 $0x1;
	s23 =	simm.s32 $0x4;
	s0 =	sadd.s32 $0x3D000, s0  }
0x17: {  	v1 =	vimm.f32 $0.0e+00;
	v0 =	vmov s8;
	s6 =	simm.s32 $0x0;
	[dreg:$0xb] =	wrdreg s0;
	s0 =	simm.s32 $0xF080  }
.LBB2_12:
0x18: {  	[spmem:s2] =	stream.indirect.scatter.add.f32 [tilespmem:s29], [sflag:$0x6], $0x40, s16, s22, $0xb8;
	[tilespmem:$0x1EF80] =	vst v63  }
0x19: {  	_ =	swait.ge [sflag:s23], $0x2000  }
0x1a: {  	[sflag:s23] =	ssyncset.done $0x0  }
0x1b: {  	[sflag:s23] =	ssyncadd.s32 $0xFFFFE000  }
0x1c: {  	_ =	swait.ge [sflag:s1], $0x2000  }
0x1d: {  	[sflag:s1] =	ssyncset.done $0x0  }
0x1e: {  	[sflag:s1] =	ssyncadd.s32 $0xFFFFE000  }
0x1f: {  	_ =	swait.ge [sflag:s5], $0x2000  }
0x20: {  	[sflag:s5] =	ssyncset.done $0x0  }
0x21: {  	s3 =	stileid.u32;
	[sflag:s5] =	ssyncadd.s32 $0xFFFFE000  }
0x22: {  	s3 =	sshll.u32 s3, $0x6;
	[bflag:$0x0] =	sbarrier.arrive $0xFFFF  }
0x23: {  	s8 =	sshrl.u32 s7, $0x3;
	s3 =	sor.u32 $0x1C0A, s3;
	s9 =	rddreg [dreg:$0xb]  }
0x24: {  	[hbm:s9], [sflag:s3] =	dma.local [spmem:s8], $0x13C0  }
0x25: {  	_ =	swait.ge [sflag:s18], $0x13C0  }
0x26: {  	s6 =	sadd.s32 $0x1, s6;
	s14 =	rddreg [dreg:$0xc]  }
0x27: {  	p0 =	sne.s32 s6, s14  }
.Ltmp1:
0x28: {  	_ = 	snop;
	(pc) =	sbr.rel @!p0 .LBB2_13-.Ltmp1, $3  }
0x29: {  	_ =	sdelay $0x1  }
0x2a: {  	[sflag:s18] =	ssyncset.done $0x0  }
0x2b: {  	[sflag:s18] =	ssyncadd.s32 $0xFFFFEC40  }
.LBB2_1:
0x2c: {  	s8 =	rddreg [dreg:$0x4]  }
0x2d: {  	s3 =	simm.s32 $0x0;
	s12 =	rddreg [dreg:$0x5]  }
0x2e: {  	[tilespmem:s3], [sflag:$0x7] =	stream.linear.gather [hbm4b:s8+s3], $0x4F80, $0x38;
	[tilespmem:$0x1EF80] =	vst v63  }
0x2f: {  	s9 =	simm.s32 $0x4F80;
	s13 =	rddreg [dreg:$0x6]  }
0x30: {  	[tilespmem:s9], [sflag:$0x8] =	stream.linear.gather [hbm4b:s12+s3], $0x4F80, $0x38;
	[tilespmem:$0x1EF80] =	vst v63  }
0x31: {  	s14 =	simm.s32 $0x9F00;
	s8 =	simm.s32 $0x0;
	s9 =	simm.s32 $0x100  }
0x32: {  	[tilespmem:s14], [sflag:$0x9] =	stream.linear.gather [hbm4b:s13+s3], $0x4F80, $0x38;
	[tilespmem:$0x1EF80] =	vst v63  }
.LBB2_2:
0x33: {  	p0 =	sne.s32 s9, $0x7F00;
	[tilespmem:s8+$0xF1B0] =	vst v1;
	s10 =	smov.u32 s9;
	s9 =	sadd.s32 $0x100, s9  }
.Ltmp2:
0x34: {  	[tilespmem:s8+$0xF1A0] =	vst v1;
	(pc) =	sbr.rel @p0 .LBB2_2-.Ltmp2, $3  }
0x35: {  	[tilespmem:s8+$0xF180] =	vst v1  }
0x36: {  	[tilespmem:s8+$0xF190] =	vst v1;
	_ =	sdelay $0x1  }
0x37: {  	s8 =	sshra.s32 s10, $0x2  }
0x38: {  	[tilespmem:s8+$0xF1B0] =	vst v1  }
0x39: {  	[tilespmem:s8+$0xF1A0] =	vst v1  }
0x3a: {  	[tilespmem:s8+$0xF180] =	vst v1  }
0x3b: {  	[tilespmem:s8+$0xF190] =	vst v1  }
0x3c: {  	[spmem:s7] =	stream.linear.scatter [tilespmem:s17], [sflag:$0xA], $0x2000, $0x38;
	[tilespmem:$0x1EF80] =	vst v63  }
0x3d: {  	_ =	swait.ge [sflag:s18], $0x2000  }
0x3e: {  	[sflag:s18] =	ssyncset.done $0x0  }
0x3f: {  	s3 =	rddreg [dreg:$0x7];
	[sflag:s18] =	ssyncadd.s32 $0xFFFFE000  }
0x40: {  	[spmem:s3] =	stream.linear.scatter [tilespmem:s17], [sflag:$0xA], $0x2000, $0x38;
	[tilespmem:$0x1EF80] =	vst v63  }
0x41: {  	_ =	swait.ge [sflag:s18], $0x2000  }
0x42: {  	[sflag:s18] =	ssyncset.done $0x0  }
0x43: {  	s11 =	rddreg [dreg:$0x8];
	[sflag:s18] =	ssyncadd.s32 $0xFFFFE000  }
0x44: {  	[spmem:s11] =	stream.linear.scatter [tilespmem:s17], [sflag:$0xA], $0x2000, $0x38;
	[tilespmem:$0x1EF80] =	vst v63  }
0x45: {  	_ =	swait.ge [sflag:s18], $0x2000  }
0x46: {  	[sflag:s18] =	ssyncset.done $0x0  }
0x47: {  	s12 =	rddreg [dreg:$0x9];
	[sflag:s18] =	ssyncadd.s32 $0xFFFFE000  }
0x48: {  	[spmem:s12] =	stream.linear.scatter [tilespmem:s17], [sflag:$0xA], $0x2000, $0x38;
	[tilespmem:$0x1EF80] =	vst v63  }
0x49: {  	_ =	swait.ge [sflag:s18], $0x2000  }
0x4a: {  	[sflag:s18] =	ssyncset.done $0x0  }
0x4b: {  	s13 =	rddreg [dreg:$0xa];
	[sflag:s18] =	ssyncadd.s32 $0xFFFFE000  }
0x4c: {  	[spmem:s13] =	stream.linear.scatter [tilespmem:s17], [sflag:$0xA], $0x1E00, $0x38;
	[tilespmem:$0x1EF80] =	vst v63  }
0x4d: {  	_ =	swait.ge [sflag:s18], $0x1E00  }
0x4e: {  	[sflag:s18] =	ssyncset.done $0x0  }
0x4f: {  	[sflag:s18] =	ssyncadd.s32 $0xFFFFE200  }
0x50: {  	_ =	swait.ge [sflag:s19], $0x4F80  }
0x51: {  	[sflag:s19] =	ssyncset.done $0x0  }
0x52: {  	[sflag:s19] =	ssyncadd.s32 $0xFFFFB080  }
0x53: {  	_ =	swait.ge [sflag:s20], $0x4F80  }
0x54: {  	[sflag:s20] =	ssyncset.done $0x0  }
0x55: {  	[sflag:s20] =	ssyncadd.s32 $0xFFFFB080  }
0x56: {  	_ =	swait.ge [sflag:s21], $0x4F80  }
0x57: {  	[sflag:s21] =	ssyncset.done $0x0  }
0x58: {  	[sflag:s21] =	ssyncadd.s32 $0xFFFFB080  }
0x59: {  	[bflag:$0x0] =	sbarrier.arrive $0xFFFF  }
0x5a: {  	v2 =	vld [tilespmem:$0x4F80]  }
0x5b: {  	v3 =	vld [tilespmem:$0x0]  }
0x5c: {  	v5 =	vld [tilespmem:$0x10]  }
0x5d: {  	v4 =	vld [tilespmem:$0x4F90]  }
0x5e: {  	v7 =	vld [tilespmem:$0x20]  }
0x5f: {  	v46 =	vld [tilespmem:$0x30]  }
0x60: {  	v48 =	vld [tilespmem:$0x40];
	[tilespmem:$0xF000] =	vst v3  }
0x61: {  	v50 =	vld [tilespmem:$0x50];
	v2 =	vadd.s32 v0, v2;
	[tilespmem:$0xF010] =	vst v5  }
0x62: {  	v3 =	vadd.s32 v0, v4;
	[tilespmem:$0xEE80] =	vst v2;
	v2 =	vld [tilespmem:$0x4FB0]  }
0x63: {  	[tilespmem:$0xEE90] =	vst v3;
	v3 =	vld [tilespmem:$0x4FC0]  }
0x64: {  	v6 =	vld [tilespmem:$0x4FA0];
	[tilespmem:$0xF020] =	vst v7  }
0x65: {  	v51 =	vld [tilespmem:$0x60];
	[tilespmem:$0xF030] =	vst v46  }
0x66: {  	v52 =	vld [tilespmem:$0x70];
	[tilespmem:$0xF040] =	vst v48  }
0x67: {  	v49 =	vld [tilespmem:$0x4FD0];
	[tilespmem:$0xF050] =	vst v50;
	v2 =	vadd.s32 v0, v2  }
0x68: {  	v3 =	vadd.s32 v0, v3;
	[tilespmem:$0xEEB0] =	vst v2;
	v2 =	vld [tilespmem:$0x4FE0]  }
0x69: {  	[tilespmem:$0xEEC0] =	vst v3;
	v3 =	vld [tilespmem:$0x4FF0]  }
0x6a: {  	[tilespmem:$0xF060] =	vst v51  }
0x6b: {  	v47 =	vadd.s32 v0, v6;
	[tilespmem:$0xF070] =	vst v52  }
0x6c: {  	v5 =	vadd.s32 v0, v49;
	[tilespmem:$0xEEA0] =	vst v47  }
0x6d: {  	[tilespmem:$0xEED0] =	vst v5;
	v2 =	vadd.s32 v0, v2  }
0x6e: {  	[tilespmem:$0xEEE0] =	vst v2;
	v2 =	vadd.s32 v0, v3  }
0x6f: {  	s14 =	simm.s32 $0xEE80;
	[tilespmem:$0xEEF0] =	vst v2  }
0x70: {  	[tilespmem:s17], [sflag:$0x1] =	stream.indirect.gather [hbm4b:s4+s22], $0x40, s14, s22, $0xb8;
	[tilespmem:$0x1EF80] =	vst v63  }
0x71: {  	v2 =	vld [tilespmem:$0x5000]  }
0x72: {  	v3 =	vld [tilespmem:$0x80]  }
0x73: {  	v54 =	vld [tilespmem:$0x90]  }
0x74: {  	v53 =	vld [tilespmem:$0x5010]  }
0x75: {  	v56 =	vld [tilespmem:$0xA0]  }
0x76: {  	v57 =	vld [tilespmem:$0xB0]  }
0x77: {  	v59 =	vld [tilespmem:$0xC0];
	[tilespmem:$0xF080] =	vst v3  }
0x78: {  	v61 =	vld [tilespmem:$0xD0];
	v2 =	vadd.s32 v0, v2;
	[tilespmem:$0xF090] =	vst v54  }
0x79: {  	v3 =	vadd.s32 v0, v53;
	[tilespmem:$0xEF00] =	vst v2;
	v2 =	vld [tilespmem:$0x5030]  }
0x7a: {  	[tilespmem:$0xEF10] =	vst v3;
	v3 =	vld [tilespmem:$0x5040]  }
0x7b: {  	v55 =	vld [tilespmem:$0x5020];
	[tilespmem:$0xF0A0] =	vst v56  }
0x7c: {  	v62 =	vld [tilespmem:$0xE0];
	[tilespmem:$0xF0B0] =	vst v57  }
0x7d: {  	v63 =	vld [tilespmem:$0xF0];
	[tilespmem:$0xF0C0] =	vst v59  }
0x7e: {  	v60 =	vld [tilespmem:$0x5050];
	[tilespmem:$0xF0D0] =	vst v61;
	v2 =	vadd.s32 v0, v2  }
0x7f: {  	v3 =	vadd.s32 v0, v3;
	[tilespmem:$0xEF30] =	vst v2;
	v2 =	vld [tilespmem:$0x5060]  }
0x80: {  	[tilespmem:$0xEF40] =	vst v3;
	v3 =	vld [tilespmem:$0x5070]  }
0x81: {  	[tilespmem:$0xF0E0] =	vst v62  }
0x82: {  	v58 =	vadd.s32 v0, v55;
	[tilespmem:$0xF0F0] =	vst v63  }
0x83: {  	v5 =	vadd.s32 v0, v60;
	[tilespmem:$0xEF20] =	vst v58  }
0x84: {  	[tilespmem:$0xEF50] =	vst v5;
	v2 =	vadd.s32 v0, v2  }
0x85: {  	s8 =	simm.s32 $0x0;
	[tilespmem:$0xEF60] =	vst v2;
	v2 =	vadd.s32 v0, v3  }
0x86: {  	s9 =	simm.s32 $0x9F00;
	s10 =	simm.s32 $0x9F80;
	s11 =	simm.s32 $0xA000;
	[tilespmem:$0xEF70] =	vst v2  }
0x87: {  	[tilespmem:s25], [sflag:$0x2] =	stream.indirect.gather [hbm4b:s4+s22], $0x40, s24, s22, $0xb8;
	[tilespmem:$0x1EF80] =	vst v63  }
.LBB2_4:
0x88: {  	v2 =	vmov s9  }
0x89: {  	_ =	swait.ge [sflag:s26], $0x2000  }
0x8a: {  	[sflag:s26] =	ssyncset.done $0x0  }
0x8b: {  	s12 =	simm.s32 $0xF380;
	s13 =	simm.s32 $0x0;
	[sflag:s26] =	ssyncadd.s32 $0xFFFFE000  }
.LBB2_5:
0x8c: {  	s14 =	sshra.s32 s13, $0x2  }
0x8d: {  	v3 =	vld.idx.msk [tilespmem:v2+s14+$0x0 ss:$0x1], $0xffff;
	_ =	sdelay $0x1  }
0x8e: {  	v4 =	vld [tilespmem:s12+$0xFFFFFE00];
	_ =	sdelay $0x1  }
0x8f: {  	v43 =	vld [tilespmem:s12+$0xFFFFFE10]  }
0x90: {  	v5 =	vbroadcast v3, $0x0  }
0x91: {  	v44 =	vld [tilespmem:s12+$0xFFFFFE20]  }
0x92: {  	v4 =	vmul.f32 v5, v4  }
0x93: {  	v45 =	vld [tilespmem:s12+$0xFFFFFE30]  }
0x94: {  	[tilespmem:s12+$0xFFFFFE00] =	vst v4;
	v4 =	vmul.f32 v43, v5  }
0x95: {  	v46 =	vld [tilespmem:s12+$0xFFFFFE40]  }
0x96: {  	[tilespmem:s12+$0xFFFFFE10] =	vst v4;
	v4 =	vmul.f32 v44, v5  }
0x97: {  	v48 =	vld [tilespmem:s12+$0xFFFFFE50]  }
0x98: {  	v47 =	vbroadcast v3, $0x1;
	[tilespmem:s12+$0xFFFFFE20] =	vst v4;
	v4 =	vmul.f32 v45, v5  }
0x99: {  	v49 =	vld [tilespmem:s12+$0xFFFFFE60]  }
0x9a: {  	[tilespmem:s12+$0xFFFFFE30] =	vst v4;
	v4 =	vmul.f32 v46, v47  }
0x9b: {  	v50 =	vld [tilespmem:s12+$0xFFFFFE70]  }
0x9c: {  	[tilespmem:s12+$0xFFFFFE40] =	vst v4;
	v4 =	vmul.f32 v48, v47  }
0x9d: {  	v51 =	vld [tilespmem:s12+$0xFFFFFE80]  }
0x9e: {  	[tilespmem:s12+$0xFFFFFE50] =	vst v4;
	v4 =	vmul.f32 v49, v47  }
0x9f: {  	v53 =	vld [tilespmem:s12+$0xFFFFFE90]  }
0xa0: {  	v52 =	vbroadcast v3, $0x2;
	[tilespmem:s12+$0xFFFFFE60] =	vst v4;
	v4 =	vmul.f32 v50, v47  }
0xa1: {  	v54 =	vld [tilespmem:s12+$0xFFFFFEA0]  }
0xa2: {  	[tilespmem:s12+$0xFFFFFE70] =	vst v4;
	v4 =	vmul.f32 v51, v52  }
0xa3: {  	v55 =	vld [tilespmem:s12+$0xFFFFFEB0]  }
0xa4: {  	[tilespmem:s12+$0xFFFFFE80] =	vst v4;
	v4 =	vmul.f32 v53, v52  }
0xa5: {  	v56 =	vld [tilespmem:s12+$0xFFFFFEC0]  }
0xa6: {  	[tilespmem:s12+$0xFFFFFE90] =	vst v4;
	v4 =	vmul.f32 v54, v52  }
0xa7: {  	v58 =	vld [tilespmem:s12+$0xFFFFFED0]  }
0xa8: {  	v57 =	vbroadcast v3, $0x3;
	[tilespmem:s12+$0xFFFFFEA0] =	vst v4;
	v4 =	vmul.f32 v55, v52  }
0xa9: {  	v59 =	vld [tilespmem:s12+$0xFFFFFEE0]  }
0xaa: {  	[tilespmem:s12+$0xFFFFFEB0] =	vst v4;
	v4 =	vmul.f32 v56, v57  }
0xab: {  	v60 =	vld [tilespmem:s12+$0xFFFFFEF0]  }
0xac: {  	[tilespmem:s12+$0xFFFFFEC0] =	vst v4;
	v4 =	vmul.f32 v58, v57  }
0xad: {  	v61 =	vld [tilespmem:s12+$0xFFFFFF00]  }
0xae: {  	[tilespmem:s12+$0xFFFFFED0] =	vst v4;
	v4 =	vmul.f32 v59, v57  }
0xaf: {  	v63 =	vld [tilespmem:s12+$0xFFFFFF10]  }
0xb0: {  	v62 =	vbroadcast v3, $0x4;
	[tilespmem:s12+$0xFFFFFEE0] =	vst v4;
	v4 =	vmul.f32 v60, v57  }
0xb1: {  	v8 =	vld [tilespmem:s12+$0xFFFFFF20]  }
0xb2: {  	[tilespmem:s12+$0xFFFFFEF0] =	vst v4;
	v4 =	vmul.f32 v61, v62  }
0xb3: {  	v9 =	vld [tilespmem:s12+$0xFFFFFF30]  }
0xb4: {  	[tilespmem:s12+$0xFFFFFF00] =	vst v4;
	v4 =	vmul.f32 v63, v62  }
0xb5: {  	v10 =	vld [tilespmem:s12+$0xFFFFFF40]  }
0xb6: {  	[tilespmem:s12+$0xFFFFFF10] =	vst v4;
	v4 =	vmul.f32 v8, v62  }
0xb7: {  	v12 =	vld [tilespmem:s12+$0xFFFFFF50]  }
0xb8: {  	v11 =	vbroadcast v3, $0x5;
	[tilespmem:s12+$0xFFFFFF20] =	vst v4;
	v4 =	vmul.f32 v9, v62  }
0xb9: {  	v13 =	vld [tilespmem:s12+$0xFFFFFF60]  }
0xba: {  	[tilespmem:s12+$0xFFFFFF30] =	vst v4;
	v4 =	vmul.f32 v10, v11  }
0xbb: {  	v14 =	vld [tilespmem:s12+$0xFFFFFF70]  }
0xbc: {  	[tilespmem:s12+$0xFFFFFF40] =	vst v4;
	v4 =	vmul.f32 v12, v11  }
0xbd: {  	v15 =	vld [tilespmem:s12+$0xFFFFFF80]  }
0xbe: {  	[tilespmem:s12+$0xFFFFFF50] =	vst v4;
	v4 =	vmul.f32 v13, v11  }
0xbf: {  	v17 =	vld [tilespmem:s12+$0xFFFFFF90]  }
0xc0: {  	v16 =	vbroadcast v3, $0x6;
	[tilespmem:s12+$0xFFFFFF60] =	vst v4;
	v4 =	vmul.f32 v14, v11  }
0xc1: {  	v18 =	vld [tilespmem:s12+$0xFFFFFFA0]  }
0xc2: {  	[tilespmem:s12+$0xFFFFFF70] =	vst v4;
	v4 =	vmul.f32 v15, v16  }
0xc3: {  	v19 =	vld [tilespmem:s12+$0xFFFFFFB0]  }
0xc4: {  	[tilespmem:s12+$0xFFFFFF80] =	vst v4;
	v4 =	vmul.f32 v17, v16  }
0xc5: {  	v20 =	vld [tilespmem:s12+$0xFFFFFFC0]  }
0xc6: {  	[tilespmem:s12+$0xFFFFFF90] =	vst v4;
	v4 =	vmul.f32 v18, v16  }
0xc7: {  	v22 =	vld [tilespmem:s12+$0xFFFFFFD0]  }
0xc8: {  	v21 =	vbroadcast v3, $0x7;
	[tilespmem:s12+$0xFFFFFFA0] =	vst v4;
	v4 =	vmul.f32 v19, v16  }
0xc9: {  	v23 =	vld [tilespmem:s12+$0xFFFFFFE0]  }
0xca: {  	[tilespmem:s12+$0xFFFFFFB0] =	vst v4;
	v4 =	vmul.f32 v20, v21  }
0xcb: {  	v24 =	vld [tilespmem:s12+$0xFFFFFFF0]  }
0xcc: {  	[tilespmem:s12+$0xFFFFFFC0] =	vst v4;
	v4 =	vmul.f32 v22, v21  }
0xcd: {  	v25 =	vld [tilespmem:s12+$0x0]  }
0xce: {  	[tilespmem:s12+$0xFFFFFFD0] =	vst v4;
	v4 =	vmul.f32 v23, v21  }
0xcf: {  	v27 =	vld [tilespmem:s12+$0x10]  }
0xd0: {  	v26 =	vbroadcast v3, $0x8;
	[tilespmem:s12+$0xFFFFFFE0] =	vst v4;
	v4 =	vmul.f32 v24, v21  }
0xd1: {  	v28 =	vld [tilespmem:s12+$0x20]  }
0xd2: {  	[tilespmem:s12+$0xFFFFFFF0] =	vst v4;
	v4 =	vmul.f32 v25, v26  }
0xd3: {  	v29 =	vld [tilespmem:s12+$0x30]  }
0xd4: {  	[tilespmem:s12+$0x0] =	vst v4;
	v4 =	vmul.f32 v27, v26  }
0xd5: {  	v30 =	vld [tilespmem:s12+$0x40]  }
0xd6: {  	[tilespmem:s12+$0x10] =	vst v4;
	v4 =	vmul.f32 v28, v26  }
0xd7: {  	v32 =	vld [tilespmem:s12+$0x50]  }
0xd8: {  	v31 =	vbroadcast v3, $0x9;
	[tilespmem:s12+$0x20] =	vst v4;
	v4 =	vmul.f32 v29, v26  }
0xd9: {  	v33 =	vld [tilespmem:s12+$0x60]  }
0xda: {  	[tilespmem:s12+$0x30] =	vst v4;
	v4 =	vmul.f32 v30, v31  }
0xdb: {  	v34 =	vld [tilespmem:s12+$0x70]  }
0xdc: {  	[tilespmem:s12+$0x40] =	vst v4;
	v4 =	vmul.f32 v32, v31  }
0xdd: {  	v35 =	vld [tilespmem:s12+$0x80]  }
0xde: {  	[tilespmem:s12+$0x50] =	vst v4;
	v4 =	vmul.f32 v33, v31  }
0xdf: {  	v37 =	vld [tilespmem:s12+$0x90]  }
0xe0: {  	v36 =	vbroadcast v3, $0xA;
	[tilespmem:s12+$0x60] =	vst v4;
	v4 =	vmul.f32 v34, v31  }
0xe1: {  	v38 =	vld [tilespmem:s12+$0xA0]  }
0xe2: {  	[tilespmem:s12+$0x70] =	vst v4;
	v4 =	vmul.f32 v35, v36  }
0xe3: {  	v39 =	vld [tilespmem:s12+$0xB0]  }
0xe4: {  	[tilespmem:s12+$0x80] =	vst v4;
	v4 =	vmul.f32 v37, v36  }
0xe5: {  	v40 =	vld [tilespmem:s12+$0xC0]  }
0xe6: {  	[tilespmem:s12+$0x90] =	vst v4;
	v4 =	vmul.f32 v38, v36  }
0xe7: {  	v42 =	vld [tilespmem:s12+$0xD0]  }
0xe8: {  	v41 =	vbroadcast v3, $0xB;
	[tilespmem:s12+$0xA0] =	vst v4;
	v4 =	vmul.f32 v39, v36  }
0xe9: {  	v43 =	vld [tilespmem:s12+$0xE0]  }
0xea: {  	[tilespmem:s12+$0xB0] =	vst v4;
	v4 =	vmul.f32 v40, v41  }
0xeb: {  	v44 =	vld [tilespmem:s12+$0xF0]  }
0xec: {  	[tilespmem:s12+$0xC0] =	vst v4;
	v4 =	vmul.f32 v42, v41  }
0xed: {  	v45 =	vld [tilespmem:s12+$0x100]  }
0xee: {  	[tilespmem:s12+$0xD0] =	vst v4;
	v4 =	vmul.f32 v43, v41  }
0xef: {  	v47 =	vld [tilespmem:s12+$0x110]  }
0xf0: {  	v46 =	vbroadcast v3, $0xC;
	[tilespmem:s12+$0xE0] =	vst v4;
	v4 =	vmul.f32 v44, v41  }
0xf1: {  	v48 =	vld [tilespmem:s12+$0x120]  }
0xf2: {  	[tilespmem:s12+$0xF0] =	vst v4;
	v4 =	vmul.f32 v45, v46  }
0xf3: {  	v49 =	vld [tilespmem:s12+$0x130]  }
0xf4: {  	[tilespmem:s12+$0x100] =	vst v4;
	v4 =	vmul.f32 v47, v46  }
0xf5: {  	v50 =	vld [tilespmem:s12+$0x140]  }
0xf6: {  	[tilespmem:s12+$0x110] =	vst v4;
	v4 =	vmul.f32 v48, v46  }
0xf7: {  	v52 =	vld [tilespmem:s12+$0x150]  }
0xf8: {  	v51 =	vbroadcast v3, $0xD;
	[tilespmem:s12+$0x120] =	vst v4;
	v4 =	vmul.f32 v49, v46  }
0xf9: {  	v53 =	vld [tilespmem:s12+$0x160]  }
0xfa: {  	[tilespmem:s12+$0x130] =	vst v4;
	v4 =	vmul.f32 v50, v51  }
0xfb: {  	v54 =	vld [tilespmem:s12+$0x170]  }
0xfc: {  	[tilespmem:s12+$0x140] =	vst v4;
	v4 =	vmul.f32 v52, v51  }
0xfd: {  	v55 =	vld [tilespmem:s12+$0x180]  }
0xfe: {  	[tilespmem:s12+$0x150] =	vst v4;
	v4 =	vmul.f32 v53, v51  }
0xff: {  	v57 =	vld [tilespmem:s12+$0x190]  }
0x100: {  	v56 =	vbroadcast v3, $0xE;
	[tilespmem:s12+$0x160] =	vst v4;
	v4 =	vmul.f32 v54, v51  }
0x101: {  	v58 =	vld [tilespmem:s12+$0x1A0]  }
0x102: {  	[tilespmem:s12+$0x170] =	vst v4;
	v4 =	vmul.f32 v55, v56  }
0x103: {  	v59 =	vld [tilespmem:s12+$0x1B0]  }
0x104: {  	[tilespmem:s12+$0x180] =	vst v4;
	v4 =	vmul.f32 v57, v56  }
0x105: {  	v60 =	vld [tilespmem:s12+$0x1C0]  }
0x106: {  	[tilespmem:s12+$0x190] =	vst v4;
	v4 =	vmul.f32 v58, v56  }
0x107: {  	v61 =	vld [tilespmem:s12+$0x1D0]  }
0x108: {  	v3 =	vbroadcast v3, $0xF;
	[tilespmem:s12+$0x1A0] =	vst v4;
	v4 =	vmul.f32 v59, v56  }
0x109: {  	v62 =	vld [tilespmem:s12+$0x1E0]  }
0x10a: {  	v63 =	vld [tilespmem:s12+$0x1F0];
	[tilespmem:s12+$0x1B0] =	vst v4;
	v4 =	vmul.f32 v60, v3;
	_ =	sdelay $0x1  }
0x10b: {  	p0 =	sne.s32 s13, $0x1C0;
	[tilespmem:s12+$0x1C0] =	vst v4;
	v4 =	vmul.f32 v61, v3  }
.Ltmp3:
0x10c: {  	_ = 	snop;
	(pc) =	sbr.rel @p0 .LBB2_5-.Ltmp3, $4  }
0x10d: {  	[tilespmem:s12+$0x1D0] =	vst v4;
	v4 =	vmul.f32 v62, v3  }
0x10e: {  	v3 =	vmul.f32 v63, v3  }
0x10f: {  	[tilespmem:s12+$0x1E0] =	vst v4  }
0x110: {  	s13 =	sadd.s32 $0x40, s13;
	[tilespmem:s12+$0x1F0] =	vst v3;
	s12 =	sadd.s32 $0x400, s12  }
0x111: {  	p0 =	seq.s32 s8, $0x0  }
0x112: {  	s13 =	simm.s32 @!p0 $0x6  }
0x113: {  	_ =	swait.ge @!p0 [sflag:s13], $0x2000  }
0x114: {  	s12 =	smul.u32 $0x180, s8;
	[sflag:s13] =	ssyncset.done @!p0 $0x0  }
0x115: {  	[sflag:s13] =	ssyncadd.s32 @!p0 $0xFFFFE000  }
0x116: {  	v2 =	vld [tilespmem:s12+$0x5080];
	_ =	sdelay $0x4  }
0x117: {  	v2 =	vadd.s32 v0, v2  }
0x118: {  	[tilespmem:$0xEF80] =	vst v2  }
0x119: {  	v2 =	vld [tilespmem:s12+$0x100];
	_ =	sdelay $0x4  }
0x11a: {  	[tilespmem:$0xF100] =	vst v2  }
0x11b: {  	v2 =	vld [tilespmem:s12+$0x5090];
	_ =	sdelay $0x4  }
0x11c: {  	v2 =	vadd.s32 v0, v2  }
0x11d: {  	[tilespmem:$0xEF90] =	vst v2  }
0x11e: {  	v2 =	vld [tilespmem:s12+$0x110];
	_ =	sdelay $0x4  }
0x11f: {  	[tilespmem:$0xF110] =	vst v2  }
0x120: {  	v2 =	vld [tilespmem:s12+$0x50A0];
	_ =	sdelay $0x4  }
0x121: {  	v2 =	vadd.s32 v0, v2  }
0x122: {  	[tilespmem:$0xEFA0] =	vst v2  }
0x123: {  	v2 =	vld [tilespmem:s12+$0x120];
	_ =	sdelay $0x4  }
0x124: {  	[tilespmem:$0xF120] =	vst v2  }
0x125: {  	v2 =	vld [tilespmem:s12+$0x50B0];
	_ =	sdelay $0x4  }
0x126: {  	v2 =	vadd.s32 v0, v2  }
0x127: {  	[tilespmem:$0xEFB0] =	vst v2  }
0x128: {  	v2 =	vld [tilespmem:s12+$0x130];
	_ =	sdelay $0x4  }
0x129: {  	[tilespmem:$0xF130] =	vst v2  }
0x12a: {  	v2 =	vld [tilespmem:s12+$0x50C0];
	_ =	sdelay $0x4  }
0x12b: {  	v2 =	vadd.s32 v0, v2  }
0x12c: {  	[tilespmem:$0xEFC0] =	vst v2  }
0x12d: {  	v2 =	vld [tilespmem:s12+$0x140];
	_ =	sdelay $0x4  }
0x12e: {  	[tilespmem:$0xF140] =	vst v2  }
0x12f: {  	v2 =	vld [tilespmem:s12+$0x50D0];
	_ =	sdelay $0x4  }
0x130: {  	v2 =	vadd.s32 v0, v2  }
0x131: {  	[tilespmem:$0xEFD0] =	vst v2  }
0x132: {  	v2 =	vld [tilespmem:s12+$0x150];
	_ =	sdelay $0x4  }
0x133: {  	[tilespmem:$0xF150] =	vst v2  }
0x134: {  	v2 =	vld [tilespmem:s12+$0x50E0];
	_ =	sdelay $0x4  }
0x135: {  	v2 =	vadd.s32 v0, v2  }
0x136: {  	[tilespmem:$0xEFE0] =	vst v2  }
0x137: {  	v2 =	vld [tilespmem:s12+$0x160];
	_ =	sdelay $0x4  }
0x138: {  	[tilespmem:$0xF160] =	vst v2  }
0x139: {  	v2 =	vld [tilespmem:s12+$0x50F0];
	_ =	sdelay $0x4  }
0x13a: {  	v2 =	vadd.s32 v0, v2  }
0x13b: {  	[tilespmem:$0xEFF0] =	vst v2  }
0x13c: {  	v2 =	vld [tilespmem:s12+$0x170];
	_ =	sdelay $0x4  }
0x13d: {  	[tilespmem:$0xF170] =	vst v2  }
0x13e: {  	[tilespmem:s29], [sflag:$0x3] =	stream.indirect.gather [hbm4b:s4+s22], $0x40, s28, s22, $0xb8;
	[tilespmem:$0x1EF80] =	vst v63  }
0x13f: {  	_ = 	snop  }
0x140: {  	v2 =	vmov s10;
	[spmem:s2] =	stream.indirect.scatter.add.f32 [tilespmem:s17], [sflag:$0x4], $0x40, s30, s22, $0xb8;
	[tilespmem:$0x1EF80] =	vst v63  }
0x141: {  	_ =	swait.ge [sflag:s31], $0x2000  }
0x142: {  	[sflag:s31] =	ssyncset.done $0x0  }
0x143: {  	s14 =	simm.s32 $0x11380;
	s13 =	simm.s32 $0x0;
	[sflag:s31] =	ssyncadd.s32 $0xFFFFE000  }
.LBB2_7:
0x144: {  	s3 =	sshra.s32 s13, $0x2  }
0x145: {  	v3 =	vld.idx.msk [tilespmem:v2+s3+$0x0 ss:$0x1], $0xffff;
	_ =	sdelay $0x1  }
0x146: {  	v4 =	vld [tilespmem:s14+$0xFFFFFE00];
	_ =	sdelay $0x1  }
0x147: {  	v43 =	vld [tilespmem:s14+$0xFFFFFE10]  }
0x148: {  	v5 =	vbroadcast v3, $0x0  }
0x149: {  	v44 =	vld [tilespmem:s14+$0xFFFFFE20]  }
0x14a: {  	v4 =	vmul.f32 v5, v4  }
0x14b: {  	v45 =	vld [tilespmem:s14+$0xFFFFFE30]  }
0x14c: {  	[tilespmem:s14+$0xFFFFFE00] =	vst v4;
	v4 =	vmul.f32 v43, v5  }
0x14d: {  	v46 =	vld [tilespmem:s14+$0xFFFFFE40]  }
0x14e: {  	[tilespmem:s14+$0xFFFFFE10] =	vst v4;
	v4 =	vmul.f32 v44, v5  }
0x14f: {  	v48 =	vld [tilespmem:s14+$0xFFFFFE50]  }
0x150: {  	v47 =	vbroadcast v3, $0x1;
	[tilespmem:s14+$0xFFFFFE20] =	vst v4;
	v4 =	vmul.f32 v45, v5  }
0x151: {  	v49 =	vld [tilespmem:s14+$0xFFFFFE60]  }
0x152: {  	[tilespmem:s14+$0xFFFFFE30] =	vst v4;
	v4 =	vmul.f32 v46, v47  }
0x153: {  	v50 =	vld [tilespmem:s14+$0xFFFFFE70]  }
0x154: {  	[tilespmem:s14+$0xFFFFFE40] =	vst v4;
	v4 =	vmul.f32 v48, v47  }
0x155: {  	v51 =	vld [tilespmem:s14+$0xFFFFFE80]  }
0x156: {  	[tilespmem:s14+$0xFFFFFE50] =	vst v4;
	v4 =	vmul.f32 v49, v47  }
0x157: {  	v53 =	vld [tilespmem:s14+$0xFFFFFE90]  }
0x158: {  	v52 =	vbroadcast v3, $0x2;
	[tilespmem:s14+$0xFFFFFE60] =	vst v4;
	v4 =	vmul.f32 v50, v47  }
0x159: {  	v54 =	vld [tilespmem:s14+$0xFFFFFEA0]  }
0x15a: {  	[tilespmem:s14+$0xFFFFFE70] =	vst v4;
	v4 =	vmul.f32 v51, v52  }
0x15b: {  	v55 =	vld [tilespmem:s14+$0xFFFFFEB0]  }
0x15c: {  	[tilespmem:s14+$0xFFFFFE80] =	vst v4;
	v4 =	vmul.f32 v53, v52  }
0x15d: {  	v56 =	vld [tilespmem:s14+$0xFFFFFEC0]  }
0x15e: {  	[tilespmem:s14+$0xFFFFFE90] =	vst v4;
	v4 =	vmul.f32 v54, v52  }
0x15f: {  	v58 =	vld [tilespmem:s14+$0xFFFFFED0]  }
0x160: {  	v57 =	vbroadcast v3, $0x3;
	[tilespmem:s14+$0xFFFFFEA0] =	vst v4;
	v4 =	vmul.f32 v55, v52  }
0x161: {  	v59 =	vld [tilespmem:s14+$0xFFFFFEE0]  }
0x162: {  	[tilespmem:s14+$0xFFFFFEB0] =	vst v4;
	v4 =	vmul.f32 v56, v57  }
0x163: {  	v60 =	vld [tilespmem:s14+$0xFFFFFEF0]  }
0x164: {  	[tilespmem:s14+$0xFFFFFEC0] =	vst v4;
	v4 =	vmul.f32 v58, v57  }
0x165: {  	v61 =	vld [tilespmem:s14+$0xFFFFFF00]  }
0x166: {  	[tilespmem:s14+$0xFFFFFED0] =	vst v4;
	v4 =	vmul.f32 v59, v57  }
0x167: {  	v63 =	vld [tilespmem:s14+$0xFFFFFF10]  }
0x168: {  	v62 =	vbroadcast v3, $0x4;
	[tilespmem:s14+$0xFFFFFEE0] =	vst v4;
	v4 =	vmul.f32 v60, v57  }
0x169: {  	v8 =	vld [tilespmem:s14+$0xFFFFFF20]  }
0x16a: {  	[tilespmem:s14+$0xFFFFFEF0] =	vst v4;
	v4 =	vmul.f32 v61, v62  }
0x16b: {  	v9 =	vld [tilespmem:s14+$0xFFFFFF30]  }
0x16c: {  	[tilespmem:s14+$0xFFFFFF00] =	vst v4;
	v4 =	vmul.f32 v63, v62  }
0x16d: {  	v10 =	vld [tilespmem:s14+$0xFFFFFF40]  }
0x16e: {  	[tilespmem:s14+$0xFFFFFF10] =	vst v4;
	v4 =	vmul.f32 v8, v62  }
0x16f: {  	v12 =	vld [tilespmem:s14+$0xFFFFFF50]  }
0x170: {  	v11 =	vbroadcast v3, $0x5;
	[tilespmem:s14+$0xFFFFFF20] =	vst v4;
	v4 =	vmul.f32 v9, v62  }
0x171: {  	v13 =	vld [tilespmem:s14+$0xFFFFFF60]  }
0x172: {  	[tilespmem:s14+$0xFFFFFF30] =	vst v4;
	v4 =	vmul.f32 v10, v11  }
0x173: {  	v14 =	vld [tilespmem:s14+$0xFFFFFF70]  }
0x174: {  	[tilespmem:s14+$0xFFFFFF40] =	vst v4;
	v4 =	vmul.f32 v12, v11  }
0x175: {  	v15 =	vld [tilespmem:s14+$0xFFFFFF80]  }
0x176: {  	[tilespmem:s14+$0xFFFFFF50] =	vst v4;
	v4 =	vmul.f32 v13, v11  }
0x177: {  	v17 =	vld [tilespmem:s14+$0xFFFFFF90]  }
0x178: {  	v16 =	vbroadcast v3, $0x6;
	[tilespmem:s14+$0xFFFFFF60] =	vst v4;
	v4 =	vmul.f32 v14, v11  }
0x179: {  	v18 =	vld [tilespmem:s14+$0xFFFFFFA0]  }
0x17a: {  	[tilespmem:s14+$0xFFFFFF70] =	vst v4;
	v4 =	vmul.f32 v15, v16  }
0x17b: {  	v19 =	vld [tilespmem:s14+$0xFFFFFFB0]  }
0x17c: {  	[tilespmem:s14+$0xFFFFFF80] =	vst v4;
	v4 =	vmul.f32 v17, v16  }
0x17d: {  	v20 =	vld [tilespmem:s14+$0xFFFFFFC0]  }
0x17e: {  	[tilespmem:s14+$0xFFFFFF90] =	vst v4;
	v4 =	vmul.f32 v18, v16  }
0x17f: {  	v22 =	vld [tilespmem:s14+$0xFFFFFFD0]  }
0x180: {  	v21 =	vbroadcast v3, $0x7;
	[tilespmem:s14+$0xFFFFFFA0] =	vst v4;
	v4 =	vmul.f32 v19, v16  }
0x181: {  	v23 =	vld [tilespmem:s14+$0xFFFFFFE0]  }
0x182: {  	[tilespmem:s14+$0xFFFFFFB0] =	vst v4;
	v4 =	vmul.f32 v20, v21  }
0x183: {  	v24 =	vld [tilespmem:s14+$0xFFFFFFF0]  }
0x184: {  	[tilespmem:s14+$0xFFFFFFC0] =	vst v4;
	v4 =	vmul.f32 v22, v21  }
0x185: {  	v25 =	vld [tilespmem:s14+$0x0]  }
0x186: {  	[tilespmem:s14+$0xFFFFFFD0] =	vst v4;
	v4 =	vmul.f32 v23, v21  }
0x187: {  	v27 =	vld [tilespmem:s14+$0x10]  }
0x188: {  	v26 =	vbroadcast v3, $0x8;
	[tilespmem:s14+$0xFFFFFFE0] =	vst v4;
	v4 =	vmul.f32 v24, v21  }
0x189: {  	v28 =	vld [tilespmem:s14+$0x20]  }
0x18a: {  	[tilespmem:s14+$0xFFFFFFF0] =	vst v4;
	v4 =	vmul.f32 v25, v26  }
0x18b: {  	v29 =	vld [tilespmem:s14+$0x30]  }
0x18c: {  	[tilespmem:s14+$0x0] =	vst v4;
	v4 =	vmul.f32 v27, v26  }
0x18d: {  	v30 =	vld [tilespmem:s14+$0x40]  }
0x18e: {  	[tilespmem:s14+$0x10] =	vst v4;
	v4 =	vmul.f32 v28, v26  }
0x18f: {  	v32 =	vld [tilespmem:s14+$0x50]  }
0x190: {  	v31 =	vbroadcast v3, $0x9;
	[tilespmem:s14+$0x20] =	vst v4;
	v4 =	vmul.f32 v29, v26  }
0x191: {  	v33 =	vld [tilespmem:s14+$0x60]  }
0x192: {  	[tilespmem:s14+$0x30] =	vst v4;
	v4 =	vmul.f32 v30, v31  }
0x193: {  	v34 =	vld [tilespmem:s14+$0x70]  }
0x194: {  	[tilespmem:s14+$0x40] =	vst v4;
	v4 =	vmul.f32 v32, v31  }
0x195: {  	v35 =	vld [tilespmem:s14+$0x80]  }
0x196: {  	[tilespmem:s14+$0x50] =	vst v4;
	v4 =	vmul.f32 v33, v31  }
0x197: {  	v37 =	vld [tilespmem:s14+$0x90]  }
0x198: {  	v36 =	vbroadcast v3, $0xA;
	[tilespmem:s14+$0x60] =	vst v4;
	v4 =	vmul.f32 v34, v31  }
0x199: {  	v38 =	vld [tilespmem:s14+$0xA0]  }
0x19a: {  	[tilespmem:s14+$0x70] =	vst v4;
	v4 =	vmul.f32 v35, v36  }
0x19b: {  	v39 =	vld [tilespmem:s14+$0xB0]  }
0x19c: {  	[tilespmem:s14+$0x80] =	vst v4;
	v4 =	vmul.f32 v37, v36  }
0x19d: {  	v40 =	vld [tilespmem:s14+$0xC0]  }
0x19e: {  	[tilespmem:s14+$0x90] =	vst v4;
	v4 =	vmul.f32 v38, v36  }
0x19f: {  	v42 =	vld [tilespmem:s14+$0xD0]  }
0x1a0: {  	v41 =	vbroadcast v3, $0xB;
	[tilespmem:s14+$0xA0] =	vst v4;
	v4 =	vmul.f32 v39, v36  }
0x1a1: {  	v43 =	vld [tilespmem:s14+$0xE0]  }
0x1a2: {  	[tilespmem:s14+$0xB0] =	vst v4;
	v4 =	vmul.f32 v40, v41  }
0x1a3: {  	v44 =	vld [tilespmem:s14+$0xF0]  }
0x1a4: {  	[tilespmem:s14+$0xC0] =	vst v4;
	v4 =	vmul.f32 v42, v41  }
0x1a5: {  	v45 =	vld [tilespmem:s14+$0x100]  }
0x1a6: {  	[tilespmem:s14+$0xD0] =	vst v4;
	v4 =	vmul.f32 v43, v41  }
0x1a7: {  	v47 =	vld [tilespmem:s14+$0x110]  }
0x1a8: {  	v46 =	vbroadcast v3, $0xC;
	[tilespmem:s14+$0xE0] =	vst v4;
	v4 =	vmul.f32 v44, v41  }
0x1a9: {  	v48 =	vld [tilespmem:s14+$0x120]  }
0x1aa: {  	[tilespmem:s14+$0xF0] =	vst v4;
	v4 =	vmul.f32 v45, v46  }
0x1ab: {  	v49 =	vld [tilespmem:s14+$0x130]  }
0x1ac: {  	[tilespmem:s14+$0x100] =	vst v4;
	v4 =	vmul.f32 v47, v46  }
0x1ad: {  	v50 =	vld [tilespmem:s14+$0x140]  }
0x1ae: {  	[tilespmem:s14+$0x110] =	vst v4;
	v4 =	vmul.f32 v48, v46  }
0x1af: {  	v52 =	vld [tilespmem:s14+$0x150]  }
0x1b0: {  	v51 =	vbroadcast v3, $0xD;
	[tilespmem:s14+$0x120] =	vst v4;
	v4 =	vmul.f32 v49, v46  }
0x1b1: {  	v53 =	vld [tilespmem:s14+$0x160]  }
0x1b2: {  	[tilespmem:s14+$0x130] =	vst v4;
	v4 =	vmul.f32 v50, v51  }
0x1b3: {  	v54 =	vld [tilespmem:s14+$0x170]  }
0x1b4: {  	[tilespmem:s14+$0x140] =	vst v4;
	v4 =	vmul.f32 v52, v51  }
0x1b5: {  	v55 =	vld [tilespmem:s14+$0x180]  }
0x1b6: {  	[tilespmem:s14+$0x150] =	vst v4;
	v4 =	vmul.f32 v53, v51  }
0x1b7: {  	v57 =	vld [tilespmem:s14+$0x190]  }
0x1b8: {  	v56 =	vbroadcast v3, $0xE;
	[tilespmem:s14+$0x160] =	vst v4;
	v4 =	vmul.f32 v54, v51  }
0x1b9: {  	v58 =	vld [tilespmem:s14+$0x1A0]  }
0x1ba: {  	[tilespmem:s14+$0x170] =	vst v4;
	v4 =	vmul.f32 v55, v56  }
0x1bb: {  	v59 =	vld [tilespmem:s14+$0x1B0]  }
0x1bc: {  	[tilespmem:s14+$0x180] =	vst v4;
	v4 =	vmul.f32 v57, v56  }
0x1bd: {  	v60 =	vld [tilespmem:s14+$0x1C0]  }
0x1be: {  	[tilespmem:s14+$0x190] =	vst v4;
	v4 =	vmul.f32 v58, v56  }
0x1bf: {  	v61 =	vld [tilespmem:s14+$0x1D0]  }
0x1c0: {  	v3 =	vbroadcast v3, $0xF;
	[tilespmem:s14+$0x1A0] =	vst v4;
	v4 =	vmul.f32 v59, v56  }
0x1c1: {  	v62 =	vld [tilespmem:s14+$0x1E0]  }
0x1c2: {  	v63 =	vld [tilespmem:s14+$0x1F0];
	[tilespmem:s14+$0x1B0] =	vst v4;
	v4 =	vmul.f32 v60, v3;
	_ =	sdelay $0x1  }
0x1c3: {  	p0 =	sne.s32 s13, $0x1C0;
	[tilespmem:s14+$0x1C0] =	vst v4;
	v4 =	vmul.f32 v61, v3  }
.Ltmp4:
0x1c4: {  	_ = 	snop;
	(pc) =	sbr.rel @p0 .LBB2_7-.Ltmp4, $4  }
0x1c5: {  	[tilespmem:s14+$0x1D0] =	vst v4;
	v4 =	vmul.f32 v62, v3  }
0x1c6: {  	v3 =	vmul.f32 v63, v3  }
0x1c7: {  	[tilespmem:s14+$0x1E0] =	vst v4  }
0x1c8: {  	s13 =	sadd.s32 $0x40, s13;
	[tilespmem:s14+$0x1F0] =	vst v3;
	s14 =	sadd.s32 $0x400, s14  }
0x1c9: {  	p0 =	seq.s32 s8, $0x34  }
0x1ca: {  	s3 =	simm.s32 @!p0 $0x4  }
0x1cb: {  	_ =	swait.ge @!p0 [sflag:s3], $0x2000  }
0x1cc: {  	[sflag:s3] =	ssyncset.done @!p0 $0x0  }
0x1cd: {  	[sflag:s3] =	ssyncadd.s32 @!p0 $0xFFFFE000  }
0x1ce: {  	v2 =	vld @!p0 [tilespmem:s12+$0x5100];
	_ =	sdelay $0x4  }
0x1cf: {  	v2 =	vadd.s32 @!p0 v0, v2  }
0x1d0: {  	[tilespmem:$0xEE80] =	vst @!p0 v2  }
0x1d1: {  	v2 =	vld @!p0 [tilespmem:s12+$0x180];
	_ =	sdelay $0x4  }
0x1d2: {  	[tilespmem:$0xF000] =	vst @!p0 v2  }
0x1d3: {  	v2 =	vld @!p0 [tilespmem:s12+$0x5110];
	_ =	sdelay $0x4  }
0x1d4: {  	v2 =	vadd.s32 @!p0 v0, v2  }
0x1d5: {  	[tilespmem:$0xEE90] =	vst @!p0 v2  }
0x1d6: {  	v2 =	vld @!p0 [tilespmem:s12+$0x190];
	_ =	sdelay $0x4  }
0x1d7: {  	[tilespmem:$0xF010] =	vst @!p0 v2  }
0x1d8: {  	v2 =	vld @!p0 [tilespmem:s12+$0x5120];
	_ =	sdelay $0x4  }
0x1d9: {  	v2 =	vadd.s32 @!p0 v0, v2  }
0x1da: {  	[tilespmem:$0xEEA0] =	vst @!p0 v2  }
0x1db: {  	v2 =	vld @!p0 [tilespmem:s12+$0x1A0];
	_ =	sdelay $0x4  }
0x1dc: {  	[tilespmem:$0xF020] =	vst @!p0 v2  }
0x1dd: {  	v2 =	vld @!p0 [tilespmem:s12+$0x5130];
	_ =	sdelay $0x4  }
0x1de: {  	v2 =	vadd.s32 @!p0 v0, v2  }
0x1df: {  	[tilespmem:$0xEEB0] =	vst @!p0 v2  }
0x1e0: {  	v2 =	vld @!p0 [tilespmem:s12+$0x1B0];
	_ =	sdelay $0x4  }
0x1e1: {  	[tilespmem:$0xF030] =	vst @!p0 v2  }
0x1e2: {  	v2 =	vld @!p0 [tilespmem:s12+$0x5140];
	_ =	sdelay $0x4  }
0x1e3: {  	v2 =	vadd.s32 @!p0 v0, v2  }
0x1e4: {  	[tilespmem:$0xEEC0] =	vst @!p0 v2  }
0x1e5: {  	v2 =	vld @!p0 [tilespmem:s12+$0x1C0];
	_ =	sdelay $0x4  }
0x1e6: {  	[tilespmem:$0xF040] =	vst @!p0 v2  }
0x1e7: {  	v2 =	vld @!p0 [tilespmem:s12+$0x5150];
	_ =	sdelay $0x4  }
0x1e8: {  	v2 =	vadd.s32 @!p0 v0, v2  }
0x1e9: {  	[tilespmem:$0xEED0] =	vst @!p0 v2  }
0x1ea: {  	v2 =	vld @!p0 [tilespmem:s12+$0x1D0];
	_ =	sdelay $0x4  }
0x1eb: {  	[tilespmem:$0xF050] =	vst @!p0 v2  }
0x1ec: {  	v2 =	vld @!p0 [tilespmem:s12+$0x5160];
	_ =	sdelay $0x4  }
0x1ed: {  	v2 =	vadd.s32 @!p0 v0, v2  }
0x1ee: {  	[tilespmem:$0xEEE0] =	vst @!p0 v2  }
0x1ef: {  	v2 =	vld @!p0 [tilespmem:s12+$0x1E0];
	_ =	sdelay $0x4  }
0x1f0: {  	[tilespmem:$0xF060] =	vst @!p0 v2  }
0x1f1: {  	v2 =	vld @!p0 [tilespmem:s12+$0x5170];
	_ =	sdelay $0x4  }
0x1f2: {  	v2 =	vadd.s32 @!p0 v0, v2  }
0x1f3: {  	[tilespmem:$0xEEF0] =	vst @!p0 v2  }
0x1f4: {  	v2 =	vld @!p0 [tilespmem:s12+$0x1F0];
	_ =	sdelay $0x4  }
0x1f5: {  	s13 =	simm.s32 @!p0 $0xEE80;
	s14 =	simm.s32 @!p0 $0xF180;
	s3 =	simm.s32 @!p0 $0x80;
	[tilespmem:$0xF070] =	vst @!p0 v2  }
0x1f6: {  	[tilespmem:s14], [sflag:$0x1] =	stream.indirect.gather @!p0 [hbm4b:s4+s3], $0x40, s13, s3, $0xb8;
	[tilespmem:$0x1EF80] =	vst v63  }
0x1f7: {  	_ = 	snop  }
0x1f8: {  	v2 =	vmov s11;
	[spmem:s2] =	stream.indirect.scatter.add.f32 [tilespmem:s25], [sflag:$0x5], $0x40, s0, s22, $0xb8;
	[tilespmem:$0x1EF80] =	vst v63  }
0x1f9: {  	_ =	swait.ge [sflag:s15], $0x2000  }
0x1fa: {  	[sflag:s15] =	ssyncset.done $0x0  }
0x1fb: {  	s13 =	simm.s32 $0x0;
	s14 =	simm.s32 $0x13380;
	[sflag:s15] =	ssyncadd.s32 $0xFFFFE000  }
.LBB2_9:
0x1fc: {  	s3 =	sshra.s32 s13, $0x2  }
0x1fd: {  	v3 =	vld.idx.msk [tilespmem:v2+s3+$0x0 ss:$0x1], $0xffff;
	_ =	sdelay $0x1  }
0x1fe: {  	v4 =	vld [tilespmem:s14+$0xFFFFFE00];
	_ =	sdelay $0x1  }
0x1ff: {  	v43 =	vld [tilespmem:s14+$0xFFFFFE10]  }
0x200: {  	v5 =	vbroadcast v3, $0x0  }
0x201: {  	v44 =	vld [tilespmem:s14+$0xFFFFFE20]  }
0x202: {  	v4 =	vmul.f32 v5, v4  }
0x203: {  	v45 =	vld [tilespmem:s14+$0xFFFFFE30]  }
0x204: {  	[tilespmem:s14+$0xFFFFFE00] =	vst v4;
	v4 =	vmul.f32 v43, v5  }
0x205: {  	v46 =	vld [tilespmem:s14+$0xFFFFFE40]  }
0x206: {  	[tilespmem:s14+$0xFFFFFE10] =	vst v4;
	v4 =	vmul.f32 v44, v5  }
0x207: {  	v48 =	vld [tilespmem:s14+$0xFFFFFE50]  }
0x208: {  	v47 =	vbroadcast v3, $0x1;
	[tilespmem:s14+$0xFFFFFE20] =	vst v4;
	v4 =	vmul.f32 v45, v5  }
0x209: {  	v49 =	vld [tilespmem:s14+$0xFFFFFE60]  }
0x20a: {  	[tilespmem:s14+$0xFFFFFE30] =	vst v4;
	v4 =	vmul.f32 v46, v47  }
0x20b: {  	v50 =	vld [tilespmem:s14+$0xFFFFFE70]  }
0x20c: {  	[tilespmem:s14+$0xFFFFFE40] =	vst v4;
	v4 =	vmul.f32 v48, v47  }
0x20d: {  	v51 =	vld [tilespmem:s14+$0xFFFFFE80]  }
0x20e: {  	[tilespmem:s14+$0xFFFFFE50] =	vst v4;
	v4 =	vmul.f32 v49, v47  }
0x20f: {  	v53 =	vld [tilespmem:s14+$0xFFFFFE90]  }
0x210: {  	v52 =	vbroadcast v3, $0x2;
	[tilespmem:s14+$0xFFFFFE60] =	vst v4;
	v4 =	vmul.f32 v50, v47  }
0x211: {  	v54 =	vld [tilespmem:s14+$0xFFFFFEA0]  }
0x212: {  	[tilespmem:s14+$0xFFFFFE70] =	vst v4;
	v4 =	vmul.f32 v51, v52  }
0x213: {  	v55 =	vld [tilespmem:s14+$0xFFFFFEB0]  }
0x214: {  	[tilespmem:s14+$0xFFFFFE80] =	vst v4;
	v4 =	vmul.f32 v53, v52  }
0x215: {  	v56 =	vld [tilespmem:s14+$0xFFFFFEC0]  }
0x216: {  	[tilespmem:s14+$0xFFFFFE90] =	vst v4;
	v4 =	vmul.f32 v54, v52  }
0x217: {  	v58 =	vld [tilespmem:s14+$0xFFFFFED0]  }
0x218: {  	v57 =	vbroadcast v3, $0x3;
	[tilespmem:s14+$0xFFFFFEA0] =	vst v4;
	v4 =	vmul.f32 v55, v52  }
0x219: {  	v59 =	vld [tilespmem:s14+$0xFFFFFEE0]  }
0x21a: {  	[tilespmem:s14+$0xFFFFFEB0] =	vst v4;
	v4 =	vmul.f32 v56, v57  }
0x21b: {  	v60 =	vld [tilespmem:s14+$0xFFFFFEF0]  }
0x21c: {  	[tilespmem:s14+$0xFFFFFEC0] =	vst v4;
	v4 =	vmul.f32 v58, v57  }
0x21d: {  	v61 =	vld [tilespmem:s14+$0xFFFFFF00]  }
0x21e: {  	[tilespmem:s14+$0xFFFFFED0] =	vst v4;
	v4 =	vmul.f32 v59, v57  }
0x21f: {  	v63 =	vld [tilespmem:s14+$0xFFFFFF10]  }
0x220: {  	v62 =	vbroadcast v3, $0x4;
	[tilespmem:s14+$0xFFFFFEE0] =	vst v4;
	v4 =	vmul.f32 v60, v57  }
0x221: {  	v8 =	vld [tilespmem:s14+$0xFFFFFF20]  }
0x222: {  	[tilespmem:s14+$0xFFFFFEF0] =	vst v4;
	v4 =	vmul.f32 v61, v62  }
0x223: {  	v9 =	vld [tilespmem:s14+$0xFFFFFF30]  }
0x224: {  	[tilespmem:s14+$0xFFFFFF00] =	vst v4;
	v4 =	vmul.f32 v63, v62  }
0x225: {  	v10 =	vld [tilespmem:s14+$0xFFFFFF40]  }
0x226: {  	[tilespmem:s14+$0xFFFFFF10] =	vst v4;
	v4 =	vmul.f32 v8, v62  }
0x227: {  	v12 =	vld [tilespmem:s14+$0xFFFFFF50]  }
0x228: {  	v11 =	vbroadcast v3, $0x5;
	[tilespmem:s14+$0xFFFFFF20] =	vst v4;
	v4 =	vmul.f32 v9, v62  }
0x229: {  	v13 =	vld [tilespmem:s14+$0xFFFFFF60]  }
0x22a: {  	[tilespmem:s14+$0xFFFFFF30] =	vst v4;
	v4 =	vmul.f32 v10, v11  }
0x22b: {  	v14 =	vld [tilespmem:s14+$0xFFFFFF70]  }
0x22c: {  	[tilespmem:s14+$0xFFFFFF40] =	vst v4;
	v4 =	vmul.f32 v12, v11  }
0x22d: {  	v15 =	vld [tilespmem:s14+$0xFFFFFF80]  }
0x22e: {  	[tilespmem:s14+$0xFFFFFF50] =	vst v4;
	v4 =	vmul.f32 v13, v11  }
0x22f: {  	v17 =	vld [tilespmem:s14+$0xFFFFFF90]  }
0x230: {  	v16 =	vbroadcast v3, $0x6;
	[tilespmem:s14+$0xFFFFFF60] =	vst v4;
	v4 =	vmul.f32 v14, v11  }
0x231: {  	v18 =	vld [tilespmem:s14+$0xFFFFFFA0]  }
0x232: {  	[tilespmem:s14+$0xFFFFFF70] =	vst v4;
	v4 =	vmul.f32 v15, v16  }
0x233: {  	v19 =	vld [tilespmem:s14+$0xFFFFFFB0]  }
0x234: {  	[tilespmem:s14+$0xFFFFFF80] =	vst v4;
	v4 =	vmul.f32 v17, v16  }
0x235: {  	v20 =	vld [tilespmem:s14+$0xFFFFFFC0]  }
0x236: {  	[tilespmem:s14+$0xFFFFFF90] =	vst v4;
	v4 =	vmul.f32 v18, v16  }
0x237: {  	v22 =	vld [tilespmem:s14+$0xFFFFFFD0]  }
0x238: {  	v21 =	vbroadcast v3, $0x7;
	[tilespmem:s14+$0xFFFFFFA0] =	vst v4;
	v4 =	vmul.f32 v19, v16  }
0x239: {  	v23 =	vld [tilespmem:s14+$0xFFFFFFE0]  }
0x23a: {  	[tilespmem:s14+$0xFFFFFFB0] =	vst v4;
	v4 =	vmul.f32 v20, v21  }
0x23b: {  	v24 =	vld [tilespmem:s14+$0xFFFFFFF0]  }
0x23c: {  	[tilespmem:s14+$0xFFFFFFC0] =	vst v4;
	v4 =	vmul.f32 v22, v21  }
0x23d: {  	v25 =	vld [tilespmem:s14+$0x0]  }
0x23e: {  	[tilespmem:s14+$0xFFFFFFD0] =	vst v4;
	v4 =	vmul.f32 v23, v21  }
0x23f: {  	v27 =	vld [tilespmem:s14+$0x10]  }
0x240: {  	v26 =	vbroadcast v3, $0x8;
	[tilespmem:s14+$0xFFFFFFE0] =	vst v4;
	v4 =	vmul.f32 v24, v21  }
0x241: {  	v28 =	vld [tilespmem:s14+$0x20]  }
0x242: {  	[tilespmem:s14+$0xFFFFFFF0] =	vst v4;
	v4 =	vmul.f32 v25, v26  }
0x243: {  	v29 =	vld [tilespmem:s14+$0x30]  }
0x244: {  	[tilespmem:s14+$0x0] =	vst v4;
	v4 =	vmul.f32 v27, v26  }
0x245: {  	v30 =	vld [tilespmem:s14+$0x40]  }
0x246: {  	[tilespmem:s14+$0x10] =	vst v4;
	v4 =	vmul.f32 v28, v26  }
0x247: {  	v32 =	vld [tilespmem:s14+$0x50]  }
0x248: {  	v31 =	vbroadcast v3, $0x9;
	[tilespmem:s14+$0x20] =	vst v4;
	v4 =	vmul.f32 v29, v26  }
0x249: {  	v33 =	vld [tilespmem:s14+$0x60]  }
0x24a: {  	[tilespmem:s14+$0x30] =	vst v4;
	v4 =	vmul.f32 v30, v31  }
0x24b: {  	v34 =	vld [tilespmem:s14+$0x70]  }
0x24c: {  	[tilespmem:s14+$0x40] =	vst v4;
	v4 =	vmul.f32 v32, v31  }
0x24d: {  	v35 =	vld [tilespmem:s14+$0x80]  }
0x24e: {  	[tilespmem:s14+$0x50] =	vst v4;
	v4 =	vmul.f32 v33, v31  }
0x24f: {  	v37 =	vld [tilespmem:s14+$0x90]  }
0x250: {  	v36 =	vbroadcast v3, $0xA;
	[tilespmem:s14+$0x60] =	vst v4;
	v4 =	vmul.f32 v34, v31  }
0x251: {  	v38 =	vld [tilespmem:s14+$0xA0]  }
0x252: {  	[tilespmem:s14+$0x70] =	vst v4;
	v4 =	vmul.f32 v35, v36  }
0x253: {  	v39 =	vld [tilespmem:s14+$0xB0]  }
0x254: {  	[tilespmem:s14+$0x80] =	vst v4;
	v4 =	vmul.f32 v37, v36  }
0x255: {  	v40 =	vld [tilespmem:s14+$0xC0]  }
0x256: {  	[tilespmem:s14+$0x90] =	vst v4;
	v4 =	vmul.f32 v38, v36  }
0x257: {  	v42 =	vld [tilespmem:s14+$0xD0]  }
0x258: {  	v41 =	vbroadcast v3, $0xB;
	[tilespmem:s14+$0xA0] =	vst v4;
	v4 =	vmul.f32 v39, v36  }
0x259: {  	v43 =	vld [tilespmem:s14+$0xE0]  }
0x25a: {  	[tilespmem:s14+$0xB0] =	vst v4;
	v4 =	vmul.f32 v40, v41  }
0x25b: {  	v44 =	vld [tilespmem:s14+$0xF0]  }
0x25c: {  	[tilespmem:s14+$0xC0] =	vst v4;
	v4 =	vmul.f32 v42, v41  }
0x25d: {  	v45 =	vld [tilespmem:s14+$0x100]  }
0x25e: {  	[tilespmem:s14+$0xD0] =	vst v4;
	v4 =	vmul.f32 v43, v41  }
0x25f: {  	v47 =	vld [tilespmem:s14+$0x110]  }
0x260: {  	v46 =	vbroadcast v3, $0xC;
	[tilespmem:s14+$0xE0] =	vst v4;
	v4 =	vmul.f32 v44, v41  }
0x261: {  	v48 =	vld [tilespmem:s14+$0x120]  }
0x262: {  	[tilespmem:s14+$0xF0] =	vst v4;
	v4 =	vmul.f32 v45, v46  }
0x263: {  	v49 =	vld [tilespmem:s14+$0x130]  }
0x264: {  	[tilespmem:s14+$0x100] =	vst v4;
	v4 =	vmul.f32 v47, v46  }
0x265: {  	v50 =	vld [tilespmem:s14+$0x140]  }
0x266: {  	[tilespmem:s14+$0x110] =	vst v4;
	v4 =	vmul.f32 v48, v46  }
0x267: {  	v52 =	vld [tilespmem:s14+$0x150]  }
0x268: {  	v51 =	vbroadcast v3, $0xD;
	[tilespmem:s14+$0x120] =	vst v4;
	v4 =	vmul.f32 v49, v46  }
0x269: {  	v53 =	vld [tilespmem:s14+$0x160]  }
0x26a: {  	[tilespmem:s14+$0x130] =	vst v4;
	v4 =	vmul.f32 v50, v51  }
0x26b: {  	v54 =	vld [tilespmem:s14+$0x170]  }
0x26c: {  	[tilespmem:s14+$0x140] =	vst v4;
	v4 =	vmul.f32 v52, v51  }
0x26d: {  	v55 =	vld [tilespmem:s14+$0x180]  }
0x26e: {  	[tilespmem:s14+$0x150] =	vst v4;
	v4 =	vmul.f32 v53, v51  }
0x26f: {  	v57 =	vld [tilespmem:s14+$0x190]  }
0x270: {  	v56 =	vbroadcast v3, $0xE;
	[tilespmem:s14+$0x160] =	vst v4;
	v4 =	vmul.f32 v54, v51  }
0x271: {  	v58 =	vld [tilespmem:s14+$0x1A0]  }
0x272: {  	[tilespmem:s14+$0x170] =	vst v4;
	v4 =	vmul.f32 v55, v56  }
0x273: {  	v59 =	vld [tilespmem:s14+$0x1B0]  }
0x274: {  	[tilespmem:s14+$0x180] =	vst v4;
	v4 =	vmul.f32 v57, v56  }
0x275: {  	v60 =	vld [tilespmem:s14+$0x1C0]  }
0x276: {  	[tilespmem:s14+$0x190] =	vst v4;
	v4 =	vmul.f32 v58, v56  }
0x277: {  	v61 =	vld [tilespmem:s14+$0x1D0]  }
0x278: {  	v3 =	vbroadcast v3, $0xF;
	[tilespmem:s14+$0x1A0] =	vst v4;
	v4 =	vmul.f32 v59, v56  }
0x279: {  	v62 =	vld [tilespmem:s14+$0x1E0]  }
0x27a: {  	v63 =	vld [tilespmem:s14+$0x1F0];
	[tilespmem:s14+$0x1B0] =	vst v4;
	v4 =	vmul.f32 v60, v3;
	_ =	sdelay $0x1  }
0x27b: {  	p1 =	sne.s32 s13, $0x1C0;
	[tilespmem:s14+$0x1C0] =	vst v4;
	v4 =	vmul.f32 v61, v3  }
.Ltmp5:
0x27c: {  	_ = 	snop;
	(pc) =	sbr.rel @p1 .LBB2_9-.Ltmp5, $4  }
0x27d: {  	[tilespmem:s14+$0x1D0] =	vst v4;
	v4 =	vmul.f32 v62, v3  }
0x27e: {  	v3 =	vmul.f32 v63, v3  }
0x27f: {  	[tilespmem:s14+$0x1E0] =	vst v4  }
0x280: {  	s13 =	sadd.s32 $0x40, s13;
	[tilespmem:s14+$0x1F0] =	vst v3;
	s14 =	sadd.s32 $0x400, s14  }
.Ltmp6:
0x281: {  	(pc) =	sbr.rel @p0 .LBB2_12-.Ltmp6, $1  }
0x282: {  	_ =	sdelay $0x3  }
0x283: {  	_ =	swait.ge [sflag:s1], $0x2000  }
0x284: {  	[sflag:s1] =	ssyncset.done $0x0  }
0x285: {  	[sflag:s1] =	ssyncadd.s32 $0xFFFFE000  }
0x286: {  	v2 =	vld [tilespmem:s12+$0x5180];
	_ =	sdelay $0x4  }
0x287: {  	v2 =	vadd.s32 v0, v2  }
0x288: {  	[tilespmem:$0xEF00] =	vst v2  }
0x289: {  	v2 =	vld [tilespmem:s12+$0x200];
	_ =	sdelay $0x4  }
0x28a: {  	[tilespmem:$0xF080] =	vst v2  }
0x28b: {  	v2 =	vld [tilespmem:s12+$0x5190];
	_ =	sdelay $0x4  }
0x28c: {  	v2 =	vadd.s32 v0, v2  }
0x28d: {  	[tilespmem:$0xEF10] =	vst v2  }
0x28e: {  	v2 =	vld [tilespmem:s12+$0x210];
	_ =	sdelay $0x4  }
0x28f: {  	[tilespmem:$0xF090] =	vst v2  }
0x290: {  	v2 =	vld [tilespmem:s12+$0x51A0];
	_ =	sdelay $0x4  }
0x291: {  	v2 =	vadd.s32 v0, v2  }
0x292: {  	[tilespmem:$0xEF20] =	vst v2  }
0x293: {  	v2 =	vld [tilespmem:s12+$0x220];
	_ =	sdelay $0x4  }
0x294: {  	[tilespmem:$0xF0A0] =	vst v2  }
0x295: {  	v2 =	vld [tilespmem:s12+$0x51B0];
	_ =	sdelay $0x4  }
0x296: {  	v2 =	vadd.s32 v0, v2  }
0x297: {  	[tilespmem:$0xEF30] =	vst v2  }
0x298: {  	v2 =	vld [tilespmem:s12+$0x230];
	_ =	sdelay $0x4  }
0x299: {  	[tilespmem:$0xF0B0] =	vst v2  }
0x29a: {  	v2 =	vld [tilespmem:s12+$0x51C0];
	_ =	sdelay $0x4  }
0x29b: {  	v2 =	vadd.s32 v0, v2  }
0x29c: {  	[tilespmem:$0xEF40] =	vst v2  }
0x29d: {  	v2 =	vld [tilespmem:s12+$0x240];
	_ =	sdelay $0x4  }
0x29e: {  	[tilespmem:$0xF0C0] =	vst v2  }
0x29f: {  	v2 =	vld [tilespmem:s12+$0x51D0];
	_ =	sdelay $0x4  }
0x2a0: {  	v2 =	vadd.s32 v0, v2  }
0x2a1: {  	[tilespmem:$0xEF50] =	vst v2  }
0x2a2: {  	v2 =	vld [tilespmem:s12+$0x250];
	_ =	sdelay $0x4  }
0x2a3: {  	[tilespmem:$0xF0D0] =	vst v2  }
0x2a4: {  	v2 =	vld [tilespmem:s12+$0x51E0];
	_ =	sdelay $0x4  }
0x2a5: {  	v2 =	vadd.s32 v0, v2  }
0x2a6: {  	[tilespmem:$0xEF60] =	vst v2  }
0x2a7: {  	v2 =	vld [tilespmem:s12+$0x260];
	_ =	sdelay $0x4  }
0x2a8: {  	[tilespmem:$0xF0E0] =	vst v2  }
0x2a9: {  	v2 =	vld [tilespmem:s12+$0x51F0];
	_ =	sdelay $0x4  }
0x2aa: {  	v2 =	vadd.s32 v0, v2  }
0x2ab: {  	[tilespmem:$0xEF70] =	vst v2  }
0x2ac: {  	v2 =	vld [tilespmem:s12+$0x270];
	_ =	sdelay $0x3  }
.Ltmp7:
0x2ad: {  	_ = 	snop;
	(pc) =	sbr.rel .LBB2_4-.Ltmp7, $4  }
0x2ae: {  	s8 =	sadd.s32 $0x1, s8;
	[tilespmem:$0xF0F0] =	vst v2  }
0x2af: {  	[tilespmem:s25], [sflag:$0x2] =	stream.indirect.gather [hbm4b:s4+s22], $0x40, s24, s22, $0xb8;
	[tilespmem:$0x1EF80] =	vst v63  }
0x2b0: {  	s9 =	sadd.s32 $0x180, s9;
	s10 =	sadd.s32 $0x180, s10;
	s11 =	sadd.s32 $0x180, s11  }
0x2b1: {  	[spmem:s2] =	stream.indirect.scatter.add.f32 [tilespmem:s29], [sflag:$0x6], $0x40, s16, s22, $0xb8;
	[tilespmem:$0x1EF80] =	vst v63  }
.LBB2_13:
0x2b2: {  	_ =	sfence.sel $0x180000  }
0x2b3: {  	[bflag:$0x0] =	sbarrier.arrive $0xFFFF  }
0x2b4: {  	_ =	strace $0x90000047  }
0x2b5: {  	s0 =	stileid.u32;
	[bflag:$0x2] =	sbarrier.arrive $0xFFFF  }
0x2b6: {  	p0 =	sne.s32 s0, $0x0;
	s0 =	rddreg [dreg:$0x3]  }
0x2b7: {  	s0 =	sadd.s32 @!p0 $0x100000, s0  }
0x2b8: {  	[sflag:s0] =	ssyncadd.tile.s32 @!p0 $0x1;
	_ =	shalt  }
.Lfunc_end2:
_tile_overlayer_lowered:
.L_overlay_start_2:
0x2b9: {  	(tag) =	ssettag $0x2  }
0x2ba: {  	s0 =	rddreg [dreg:$0x0];
	s2 =	stileid.u32  }
0x2bb: {  	s1 =	rddreg [dreg:$0x1];
	p0 =	sne.s32 s2, $0x0  }
0x2bc: {  	s3 =	rddreg [dreg:$0x2];
	[bflag:$0x3] =	sbarrier.arrive $0xFFFF;
	s2 =	simm.s32 @!p0 $0x1C0A  }
0x2bd: {  	[timem:s3], [sflag:s2] =	dma.local @!p0 [hbm:s0], s1  }
0x2be: {  	s0 =	simm.s32 @!p0 $0xA  }
0x2bf: {  	_ =	swait.ge @!p0 [sflag:s0], s1  }
0x2c0: {  	s1 =	ssub.s32 @!p0 $0x0, s1;
	[sflag:s0] =	ssyncset.done @!p0 $0x0  }
0x2c1: {  	[sflag:s0] =	ssyncadd.s32 @!p0 s1  }
0x2c2: {  	[bflag:$0x3] =	sbarrier.arrive $0xFFFF  }
0x2c3: {  	_ =	shalt  }

</sc_bundles>
